<compile_context>
chip_gen: v7x
topology: tpu7x:2x2x1
jax: 0.10.2.dev20260603
libtpu: 0.0.44.dev20260713+nightly
codegen_flags: <defaults>
</compile_context>

<pallas_src>
import functools
import math

import jax
import jax.numpy as jnp
from jax import lax
from jax.experimental import pallas as pl
from jax.experimental.pallas import tpu as pltpu
from jax.experimental.pallas import tpu_sc as plsc

DIM = 128
SCALE = math.sqrt(DIM)

NUM_CORES = 2
NUM_SUBCORES = 16
NUM_WORKERS = NUM_CORES * NUM_SUBCORES
LANES = 16

CHUNK = 128
NBUF = 4
LOOKAHEAD = 2


def _embed_kernel(B):
    b_per_w = B // NUM_WORKERS
    n_chunks = b_per_w // CHUNK
    assert (n_chunks - LOOKAHEAD - (NBUF - LOOKAHEAD)) % NBUF == 0
    mesh = plsc.VectorSubcoreMesh(
        core_axis_name="c", subcore_axis_name="s",
        num_cores=NUM_CORES, num_subcores=NUM_SUBCORES)

    @functools.partial(
        pl.kernel,
        mesh=mesh,
        out_type=jax.ShapeDtypeStruct((B, DIM), jnp.float32),
        scratch_types=[
            pltpu.VMEM((b_per_w,), jnp.int32),
            pltpu.VMEM((NBUF, CHUNK, DIM), jnp.float32),
            pltpu.SemaphoreType.DMA,
            pltpu.SemaphoreType.DMA,
            pltpu.SemaphoreType.DMA,
            pltpu.SemaphoreType.DMA,
            pltpu.SemaphoreType.DMA,
            pltpu.SemaphoreType.DMA,
            pltpu.SemaphoreType.DMA,
            pltpu.SemaphoreType.DMA,
        ],
    )
    def k(x_hbm, table_hbm, out_hbm, idx_v, rows_v,
          g0, g1, g2, g3, s0, s1, s2, s3):
        gsems = (g0, g1, g2, g3)
        ssems = (s0, s1, s2, s3)
        wid = lax.axis_index("s") * NUM_CORES + lax.axis_index("c")
        base = wid * b_per_w

        pltpu.sync_copy(x_hbm.at[pl.ds(base, b_per_w)], idx_v)

        def start_gather(ci, b):
            off = pl.multiple_of(ci * CHUNK, CHUNK)
            pltpu.async_copy(
                table_hbm.at[idx_v.at[pl.ds(off, CHUNK)]],
                rows_v.at[b], gsems[b])

        def wait_gather(b):
            pltpu.make_async_copy(
                table_hbm.at[pl.ds(0, CHUNK)], rows_v.at[b],
                gsems[b]).wait()

        def start_scatter(ci, b):
            off = pl.multiple_of(base + ci * CHUNK, CHUNK)
            pltpu.async_copy(rows_v.at[b], out_hbm.at[pl.ds(off, CHUNK)],
                             ssems[b])

        def wait_scatter(b):
            pltpu.make_async_copy(
                rows_v.at[b], out_hbm.at[pl.ds(0, CHUNK)], ssems[b]).wait()

        def scale(b):
            @plsc.parallel_loop(0, CHUNK, 2)
            def _(r):
                for u in range(2):
                    for d in range(DIM // LANES):
                        sl = pl.ds(d * LANES, LANES)
                        rows_v[b, r + u, sl] = rows_v[b, r + u, sl] * SCALE

        for j in range(LOOKAHEAD):
            start_gather(j, j)
        for ci in range(LOOKAHEAD):
            b = ci % NBUF
            wait_gather(b)
            scale(b)
            start_scatter(ci, b)
            start_gather(ci + LOOKAHEAD, (ci + LOOKAHEAD) % NBUF)

        def ring_step(s, c):
            for r in range(NBUF):
                cb = LOOKAHEAD + r
                ci = s * NBUF + cb
                b = cb % NBUF
                nb = (cb + LOOKAHEAD) % NBUF
                wait_gather(b)
                scale(b)
                start_scatter(ci, b)
                wait_scatter(nb)
                start_gather(ci + LOOKAHEAD, nb)
            return c

        lax.fori_loop(0, (n_chunks - 2 * LOOKAHEAD) // NBUF, ring_step, 0)

        for ci in range(n_chunks - LOOKAHEAD, n_chunks):
            b = ci % NBUF
            wait_gather(b)
            scale(b)
            start_scatter(ci, b)
        for b in range(NBUF):
            wait_scatter(b)

    return k


def kernel(x, table):
    S, T = x.shape
    B = S * T
    flat = x.reshape(B).astype(jnp.int32)
    out = _embed_kernel(B)(flat, table)
    return out.reshape(S, T, DIM)

# --- scband reference (transcript-rebuilt; emitter-appended) ---
"""Pipeline reference for scband-input-embeddings-64630667870212 (READ-ONLY COPY).

The authoritative reference and input builder live on the scoring server;
editing this copy changes nothing except your own understanding.
"""

import jax, jax.numpy as jnp
import numpy as np
import math

DIM_MODEL = 128
VOCAB_SIZE = 100000

def setup_inputs(seed: int = 0) -> dict:
    key = jax.random.key(seed)
    k1, k2 = jax.random.split(key)
    x = jax.random.randint(k1, (4096, 200), 0, VOCAB_SIZE, dtype=jnp.int64 if jax.config.jax_enable_x64 else jnp.int32)
    table = jax.random.normal(k2, (VOCAB_SIZE, DIM_MODEL), dtype=jnp.float32)
    return {"x": x, "table": table}

def reference(x, table):
    # nn.Embedding lookup followed by scale by sqrt(Dim_Model)
    emb = jnp.take(table, x, axis=0)
    return emb * math.sqrt(DIM_MODEL)

if __name__ == "__main__":
    import jax
    _d = setup_inputs()
    print(jax.jit(kernel)(*tuple(_d.values())))

</pallas_src>

<mosaic_0001>
#map = affine_map<(d0, d1) -> (0)>
#map1 = affine_map<(d0, d1) -> (0, 0)>
module attributes {stable_mosaic.version = 14 : i64} {
  func.func @k(%arg0: i32, %arg1: i32, %arg2: memref<819200xi32, #tpu.memory_space<hbm>>, %arg3: memref<100000x128xf32, #tpu.memory_space<hbm>>, %arg4: memref<819200x128xf32, #tpu.memory_space<hbm>>, %arg5: memref<25600xi32, #tpu.memory_space<vmem>>, %arg6: memref<4x128x128xf32, #tpu.memory_space<vmem>>, %arg7: memref<!tpu.dma_semaphore, #tpu.memory_space<semaphore_mem>>, %arg8: memref<!tpu.dma_semaphore, #tpu.memory_space<semaphore_mem>>, %arg9: memref<!tpu.dma_semaphore, #tpu.memory_space<semaphore_mem>>, %arg10: memref<!tpu.dma_semaphore, #tpu.memory_space<semaphore_mem>>, %arg11: memref<!tpu.dma_semaphore, #tpu.memory_space<semaphore_mem>>, %arg12: memref<!tpu.dma_semaphore, #tpu.memory_space<semaphore_mem>>, %arg13: memref<!tpu.dma_semaphore, #tpu.memory_space<semaphore_mem>>, %arg14: memref<!tpu.dma_semaphore, #tpu.memory_space<semaphore_mem>>) attributes {dimension_semantics = [#tpu.dimension_semantics<core_parallel>, #tpu.dimension_semantics<subcore_parallel>], iteration_bounds = array<i64: 2, 16>, scalar_prefetch = 0 : i64, scratch_operands = 10 : i64, tpu.core_type = #tpu.core_type<sc_vector_subcore>, window_params = [{transform_indices = #map}, {transform_indices = #map1}, {transform_indices = #map1}]} {
    %mul3A = arith.constant 2 : i32
    %mul3A_0 = arith.muli %arg1, %mul3A : i32
    %add3A = arith.addi %mul3A_0, %arg0 : i32
    %mul3A_1 = arith.constant 25600 : i32
    %mul3A_2 = arith.muli %add3A, %mul3A_1 : i32
    "tpu.region"() ({
      %run_scoped3A = tpu.sem_alloc : memref<!tpu.dma_semaphore, #tpu.memory_space<semaphore_mem>>
      %dma_start3A_244 = tpu.memref_slice %arg2[%mul3A_2] : memref<819200xi32, #tpu.memory_space<hbm>> -> memref<25600xi32, #tpu.memory_space<hbm>>
      %dma_start3A_245 = tpu.memref_slice %arg2[%mul3A_2] : memref<819200xi32, #tpu.memory_space<hbm>> -> memref<25600xi32, #tpu.memory_space<hbm>>
      tpu.enqueue_dma source(%dma_start3A_245 : memref<25600xi32, #tpu.memory_space<hbm>>) target(%arg5 : memref<25600xi32, #tpu.memory_space<vmem>>) target_semaphore(%run_scoped3A : memref<!tpu.dma_semaphore, #tpu.memory_space<semaphore_mem>>)
      %dma_wait3A_246 = tpu.memref_slice %arg2[%mul3A_2] : memref<819200xi32, #tpu.memory_space<hbm>> -> memref<25600xi32, #tpu.memory_space<hbm>>
      %dma_wait3A_247 = tpu.memref_slice %arg2[%mul3A_2] : memref<819200xi32, #tpu.memory_space<hbm>> -> memref<25600xi32, #tpu.memory_space<hbm>>
      tpu.wait_dma2 semaphore(%run_scoped3A : memref<!tpu.dma_semaphore, #tpu.memory_space<semaphore_mem>>) src(%dma_wait3A_247 : memref<25600xi32, #tpu.memory_space<hbm>>) dst(%arg5 : memref<25600xi32, #tpu.memory_space<vmem>>)
      tpu.yield
    }) : () -> ()
    %multiple_of3A = arith.constant 0 : i32
    %multiple_of3A_3 = tpu.assume_multiple %multiple_of3A, 128 : i32
    %dma_start3A = arith.constant 0 : i32
    %dma_start3A_4 = arith.constant 0 : i32
    %dma_start3A_5 = arith.constant 0 : i32
    %dma_start3A_6 = tpu.memref_slice %arg6[%dma_start3A, %dma_start3A_4, %dma_start3A_5] : memref<4x128x128xf32, #tpu.memory_space<vmem>> -> memref<1x128x128xf32, #tpu.memory_space<vmem>>
    %dma_start3A_7 = tpu.memref_squeeze %dma_start3A_6 : memref<1x128x128xf32, #tpu.memory_space<vmem>> -> memref<128x128xf32, #tpu.memory_space<vmem>>
    %dma_start3A_8 = tpu.memref_slice %arg5[%multiple_of3A_3] : memref<25600xi32, #tpu.memory_space<vmem>> -> memref<128xi32, #tpu.memory_space<vmem>>
    %dma_start3A_9 = arith.constant 0 : i32
    %dma_start3A_10 = arith.constant 0 : i32
    %dma_start3A_11 = tpu.memref_slice %arg3[%dma_start3A_9, %dma_start3A_10] : memref<100000x128xf32, #tpu.memory_space<hbm>> -> memref<100000x128xf32, #tpu.memory_space<hbm>>
    tpu.enqueue_indirect_dma source(%dma_start3A_11 : memref<100000x128xf32, #tpu.memory_space<hbm>>) target(%dma_start3A_7 : memref<128x128xf32, #tpu.memory_space<vmem>>) offsets(%dma_start3A_8 : memref<128xi32, #tpu.memory_space<vmem>>) semaphore(%arg7 : memref<!tpu.dma_semaphore, #tpu.memory_space<semaphore_mem>>)
    %multiple_of3A_12 = arith.constant 128 : i32
    %multiple_of3A_13 = tpu.assume_multiple %multiple_of3A_12, 128 : i32
    %dma_start3A_14 = arith.constant 1 : i32
    %dma_start3A_15 = arith.constant 0 : i32
    %dma_start3A_16 = arith.constant 0 : i32
    %dma_start3A_17 = tpu.memref_slice %arg6[%dma_start3A_14, %dma_start3A_15, %dma_start3A_16] : memref<4x128x128xf32, #tpu.memory_space<vmem>> -> memref<1x128x128xf32, #tpu.memory_space<vmem>>
    %dma_start3A_18 = tpu.memref_squeeze %dma_start3A_17 : memref<1x128x128xf32, #tpu.memory_space<vmem>> -> memref<128x128xf32, #tpu.memory_space<vmem>>
    %dma_start3A_19 = tpu.memref_slice %arg5[%multiple_of3A_13] : memref<25600xi32, #tpu.memory_space<vmem>> -> memref<128xi32, #tpu.memory_space<vmem>>
    %dma_start3A_20 = arith.constant 0 : i32
    %dma_start3A_21 = arith.constant 0 : i32
    %dma_start3A_22 = tpu.memref_slice %arg3[%dma_start3A_20, %dma_start3A_21] : memref<100000x128xf32, #tpu.memory_space<hbm>> -> memref<100000x128xf32, #tpu.memory_space<hbm>>
    tpu.enqueue_indirect_dma source(%dma_start3A_22 : memref<100000x128xf32, #tpu.memory_space<hbm>>) target(%dma_start3A_18 : memref<128x128xf32, #tpu.memory_space<vmem>>) offsets(%dma_start3A_19 : memref<128xi32, #tpu.memory_space<vmem>>) semaphore(%arg8 : memref<!tpu.dma_semaphore, #tpu.memory_space<semaphore_mem>>)
    %dma_wait3A = arith.constant 0 : i32
    %dma_wait3A_23 = arith.constant 0 : i32
    %dma_wait3A_24 = arith.constant 0 : i32
    %dma_wait3A_25 = tpu.memref_slice %arg6[%dma_wait3A, %dma_wait3A_23, %dma_wait3A_24] : memref<4x128x128xf32, #tpu.memory_space<vmem>> -> memref<1x128x128xf32, #tpu.memory_space<vmem>>
    %dma_wait3A_26 = tpu.memref_squeeze %dma_wait3A_25 : memref<1x128x128xf32, #tpu.memory_space<vmem>> -> memref<128x128xf32, #tpu.memory_space<vmem>>
    %dma_wait3A_27 = arith.constant 0 : i32
    %dma_wait3A_28 = arith.constant 0 : i32
    %dma_wait3A_29 = tpu.memref_slice %arg3[%dma_wait3A_27, %dma_wait3A_28] : memref<100000x128xf32, #tpu.memory_space<hbm>> -> memref<128x128xf32, #tpu.memory_space<hbm>>
    %dma_wait3A_30 = arith.constant 0 : i32
    %dma_wait3A_31 = arith.constant 0 : i32
    %dma_wait3A_32 = tpu.memref_slice %arg6[%dma_wait3A, %dma_wait3A_30, %dma_wait3A_31] : memref<4x128x128xf32, #tpu.memory_space<vmem>> -> memref<1x128x128xf32, #tpu.memory_space<vmem>>
    %dma_wait3A_33 = tpu.memref_squeeze %dma_wait3A_32 : memref<1x128x128xf32, #tpu.memory_space<vmem>> -> memref<128x128xf32, #tpu.memory_space<vmem>>
    %dma_wait3A_34 = arith.constant 0 : i32
    %dma_wait3A_35 = arith.constant 0 : i32
    %dma_wait3A_36 = tpu.memref_slice %arg3[%dma_wait3A_34, %dma_wait3A_35] : memref<100000x128xf32, #tpu.memory_space<hbm>> -> memref<128x128xf32, #tpu.memory_space<hbm>>
    tpu.wait_dma2 semaphore(%arg7 : memref<!tpu.dma_semaphore, #tpu.memory_space<semaphore_mem>>) src(%dma_wait3A_36 : memref<128x128xf32, #tpu.memory_space<hbm>>) dst(%dma_wait3A_33 : memref<128x128xf32, #tpu.memory_space<vmem>>)
    %parallel_loop3A = arith.constant 0 : i32
    %parallel_loop3A_37 = arith.constant 128 : i32
    %parallel_loop3A_38 = arith.constant 2 : i32
    scf.for %parallel_loop3A_244 = %parallel_loop3A to %parallel_loop3A_37 step %parallel_loop3A_38  : i32 {
      %parallel_loop3A_245 = arith.constant 0 : i32
      %parallel_loop3A_246 = arith.addi %parallel_loop3A_244, %parallel_loop3A_245 : i32
      %parallel_loop3A_247 = arith.constant 0 : i32
      %parallel_loop3A_248 = arith.index_cast %parallel_loop3A_247 : i32 to index
      %parallel_loop3A_249 = arith.index_cast %parallel_loop3A_246 : i32 to index
      %parallel_loop3A_250 = arith.constant 0 : index
      %parallel_loop3A_251 = tpu.vector_load %arg6[%parallel_loop3A_248, %parallel_loop3A_249, %parallel_loop3A_250] {strides = array<i32>} : memref<4x128x128xf32, #tpu.memory_space<vmem>>, vector<1x1x16xf32>,
      %parallel_loop3A_252 = vector.shape_cast %parallel_loop3A_251 : vector<1x1x16xf32> to vector<16xf32>
      %parallel_loop3A_253 = arith.constant 11.3137083 : f32
      %parallel_loop3A_254 = vector.broadcast %parallel_loop3A_253 : f32 to vector<16xf32>
      %parallel_loop3A_255 = arith.mulf %parallel_loop3A_252, %parallel_loop3A_254 : vector<16xf32>
      %parallel_loop3A_256 = arith.constant 0 : i32
      %parallel_loop3A_257 = arith.addi %parallel_loop3A_244, %parallel_loop3A_256 : i32
      %parallel_loop3A_258 = arith.constant 0 : i32
      %parallel_loop3A_259 = arith.index_cast %parallel_loop3A_258 : i32 to index
      %parallel_loop3A_260 = arith.index_cast %parallel_loop3A_257 : i32 to index
      %parallel_loop3A_261 = arith.constant 0 : index
      %parallel_loop3A_262 = tpu.vector_load %arg6[%parallel_loop3A_259, %parallel_loop3A_260, %parallel_loop3A_261] {strides = array<i32>} : memref<4x128x128xf32, #tpu.memory_space<vmem>>, vector<1x1x16xf32>,
      %parallel_loop3A_263 = vector.shape_cast %parallel_loop3A_262 : vector<1x1x16xf32> to vector<16xf32>
      %parallel_loop3A_264 = vector.shape_cast %parallel_loop3A_255 : vector<16xf32> to vector<1x1x16xf32>
      tpu.vector_store %arg6[%parallel_loop3A_259, %parallel_loop3A_260, %parallel_loop3A_261], %parallel_loop3A_264 {strides = array<i32>} : memref<4x128x128xf32, #tpu.memory_space<vmem>>, vector<1x1x16xf32>,
      %parallel_loop3A_265 = arith.constant 0 : i32
      %parallel_loop3A_266 = arith.addi %parallel_loop3A_244, %parallel_loop3A_265 : i32
      %parallel_loop3A_267 = arith.constant 0 : i32
      %parallel_loop3A_268 = arith.index_cast %parallel_loop3A_267 : i32 to index
      %parallel_loop3A_269 = arith.index_cast %parallel_loop3A_266 : i32 to index
      %parallel_loop3A_270 = arith.constant 16 : index
      %parallel_loop3A_271 = tpu.vector_load %arg6[%parallel_loop3A_268, %parallel_loop3A_269, %parallel_loop3A_270] {strides = array<i32>} : memref<4x128x128xf32, #tpu.memory_space<vmem>>, vector<1x1x16xf32>,
      %parallel_loop3A_272 = vector.shape_cast %parallel_loop3A_271 : vector<1x1x16xf32> to vector<16xf32>
      %parallel_loop3A_273 = arith.constant 11.3137083 : f32
      %parallel_loop3A_274 = vector.broadcast %parallel_loop3A_273 : f32 to vector<16xf32>
      %parallel_loop3A_275 = arith.mulf %parallel_loop3A_272, %parallel_loop3A_274 : vector<16xf32>
      %parallel_loop3A_276 = arith.constant 0 : i32
      %parallel_loop3A_277 = arith.addi %parallel_loop3A_244, %parallel_loop3A_276 : i32
      %parallel_loop3A_278 = arith.constant 0 : i32
      %parallel_loop3A_279 = arith.index_cast %parallel_loop3A_278 : i32 to index
      %parallel_loop3A_280 = arith.index_cast %parallel_loop3A_277 : i32 to index
      %parallel_loop3A_281 = arith.constant 16 : index
      %parallel_loop3A_282 = tpu.vector_load %arg6[%parallel_loop3A_279, %parallel_loop3A_280, %parallel_loop3A_281] {strides = array<i32>} : memref<4x128x128xf32, #tpu.memory_space<vmem>>, vector<1x1x16xf32>,
      %parallel_loop3A_283 = vector.shape_cast %parallel_loop3A_282 : vector<1x1x16xf32> to vector<16xf32>
      %parallel_loop3A_284 = vector.shape_cast %parallel_loop3A_275 : vector<16xf32> to vector<1x1x16xf32>
      tpu.vector_store %arg6[%parallel_loop3A_279, %parallel_loop3A_280, %parallel_loop3A_281], %parallel_loop3A_284 {strides = array<i32>} : memref<4x128x128xf32, #tpu.memory_space<vmem>>, vector<1x1x16xf32>,
      %parallel_loop3A_285 = arith.constant 0 : i32
      %parallel_loop3A_286 = arith.addi %parallel_loop3A_244, %parallel_loop3A_285 : i32
      %parallel_loop3A_287 = arith.constant 0 : i32
      %parallel_loop3A_288 = arith.index_cast %parallel_loop3A_287 : i32 to index
      %parallel_loop3A_289 = arith.index_cast %parallel_loop3A_286 : i32 to index
      %parallel_loop3A_290 = arith.constant 32 : index
      %parallel_loop3A_291 = tpu.vector_load %arg6[%parallel_loop3A_288, %parallel_loop3A_289, %parallel_loop3A_290] {strides = array<i32>} : memref<4x128x128xf32, #tpu.memory_space<vmem>>, vector<1x1x16xf32>,
      %parallel_loop3A_292 = vector.shape_cast %parallel_loop3A_291 : vector<1x1x16xf32> to vector<16xf32>
      %parallel_loop3A_293 = arith.constant 11.3137083 : f32
      %parallel_loop3A_294 = vector.broadcast %parallel_loop3A_293 : f32 to vector<16xf32>
      %parallel_loop3A_295 = arith.mulf %parallel_loop3A_292, %parallel_loop3A_294 : vector<16xf32>
      %parallel_loop3A_296 = arith.constant 0 : i32
      %parallel_loop3A_297 = arith.addi %parallel_loop3A_244, %parallel_loop3A_296 : i32
      %parallel_loop3A_298 = arith.constant 0 : i32
      %parallel_loop3A_299 = arith.index_cast %parallel_loop3A_298 : i32 to index
      %parallel_loop3A_300 = arith.index_cast %parallel_loop3A_297 : i32 to index
      %parallel_loop3A_301 = arith.constant 32 : index
      %parallel_loop3A_302 = tpu.vector_load %arg6[%parallel_loop3A_299, %parallel_loop3A_300, %parallel_loop3A_301] {strides = array<i32>} : memref<4x128x128xf32, #tpu.memory_space<vmem>>, vector<1x1x16xf32>,
      %parallel_loop3A_303 = vector.shape_cast %parallel_loop3A_302 : vector<1x1x16xf32> to vector<16xf32>
      %parallel_loop3A_304 = vector.shape_cast %parallel_loop3A_295 : vector<16xf32> to vector<1x1x16xf32>
      tpu.vector_store %arg6[%parallel_loop3A_299, %parallel_loop3A_300, %parallel_loop3A_301], %parallel_loop3A_304 {strides = array<i32>} : memref<4x128x128xf32, #tpu.memory_space<vmem>>, vector<1x1x16xf32>,
      %parallel_loop3A_305 = arith.constant 0 : i32
      %parallel_loop3A_306 = arith.addi %parallel_loop3A_244, %parallel_loop3A_305 : i32
      %parallel_loop3A_307 = arith.constant 0 : i32
      %parallel_loop3A_308 = arith.index_cast %parallel_loop3A_307 : i32 to index
      %parallel_loop3A_309 = arith.index_cast %parallel_loop3A_306 : i32 to index
      %parallel_loop3A_310 = arith.constant 48 : index
      %parallel_loop3A_311 = tpu.vector_load %arg6[%parallel_loop3A_308, %parallel_loop3A_309, %parallel_loop3A_310] {strides = array<i32>} : memref<4x128x128xf32, #tpu.memory_space<vmem>>, vector<1x1x16xf32>,
      %parallel_loop3A_312 = vector.shape_cast %parallel_loop3A_311 : vector<1x1x16xf32> to vector<16xf32>
      %parallel_loop3A_313 = arith.constant 11.3137083 : f32
      %parallel_loop3A_314 = vector.broadcast %parallel_loop3A_313 : f32 to vector<16xf32>
      %parallel_loop3A_315 = arith.mulf %parallel_loop3A_312, %parallel_loop3A_314 : vector<16xf32>
      %parallel_loop3A_316 = arith.constant 0 : i32
      %parallel_loop3A_317 = arith.addi %parallel_loop3A_244, %parallel_loop3A_316 : i32
      %parallel_loop3A_318 = arith.constant 0 : i32
      %parallel_loop3A_319 = arith.index_cast %parallel_loop3A_318 : i32 to index
      %parallel_loop3A_320 = arith.index_cast %parallel_loop3A_317 : i32 to index
      %parallel_loop3A_321 = arith.constant 48 : index
      %parallel_loop3A_322 = tpu.vector_load %arg6[%parallel_loop3A_319, %parallel_loop3A_320, %parallel_loop3A_321] {strides = array<i32>} : memref<4x128x128xf32, #tpu.memory_space<vmem>>, vector<1x1x16xf32>,
      %parallel_loop3A_323 = vector.shape_cast %parallel_loop3A_322 : vector<1x1x16xf32> to vector<16xf32>
      %parallel_loop3A_324 = vector.shape_cast %parallel_loop3A_315 : vector<16xf32> to vector<1x1x16xf32>
      tpu.vector_store %arg6[%parallel_loop3A_319, %parallel_loop3A_320, %parallel_loop3A_321], %parallel_loop3A_324 {strides = array<i32>} : memref<4x128x128xf32, #tpu.memory_space<vmem>>, vector<1x1x16xf32>,
      %parallel_loop3A_325 = arith.constant 0 : i32
      %parallel_loop3A_326 = arith.addi %parallel_loop3A_244, %parallel_loop3A_325 : i32
      %parallel_loop3A_327 = arith.constant 0 : i32
      %parallel_loop3A_328 = arith.index_cast %parallel_loop3A_327 : i32 to index
      %parallel_loop3A_329 = arith.index_cast %parallel_loop3A_326 : i32 to index
      %parallel_loop3A_330 = arith.constant 64 : index
      %parallel_loop3A_331 = tpu.vector_load %arg6[%parallel_loop3A_328, %parallel_loop3A_329, %parallel_loop3A_330] {strides = array<i32>} : memref<4x128x128xf32, #tpu.memory_space<vmem>>, vector<1x1x16xf32>,
      %parallel_loop3A_332 = vector.shape_cast %parallel_loop3A_331 : vector<1x1x16xf32> to vector<16xf32>
      %parallel_loop3A_333 = arith.constant 11.3137083 : f32
      %parallel_loop3A_334 = vector.broadcast %parallel_loop3A_333 : f32 to vector<16xf32>
      %parallel_loop3A_335 = arith.mulf %parallel_loop3A_332, %parallel_loop3A_334 : vector<16xf32>
      %parallel_loop3A_336 = arith.constant 0 : i32
      %parallel_loop3A_337 = arith.addi %parallel_loop3A_244, %parallel_loop3A_336 : i32
      %parallel_loop3A_338 = arith.constant 0 : i32
      %parallel_loop3A_339 = arith.index_cast %parallel_loop3A_338 : i32 to index
      %parallel_loop3A_340 = arith.index_cast %parallel_loop3A_337 : i32 to index
      %parallel_loop3A_341 = arith.constant 64 : index
      %parallel_loop3A_342 = tpu.vector_load %arg6[%parallel_loop3A_339, %parallel_loop3A_340, %parallel_loop3A_341] {strides = array<i32>} : memref<4x128x128xf32, #tpu.memory_space<vmem>>, vector<1x1x16xf32>,
      %parallel_loop3A_343 = vector.shape_cast %parallel_loop3A_342 : vector<1x1x16xf32> to vector<16xf32>
      %parallel_loop3A_344 = vector.shape_cast %parallel_loop3A_335 : vector<16xf32> to vector<1x1x16xf32>
      tpu.vector_store %arg6[%parallel_loop3A_339, %parallel_loop3A_340, %parallel_loop3A_341], %parallel_loop3A_344 {strides = array<i32>} : memref<4x128x128xf32, #tpu.memory_space<vmem>>, vector<1x1x16xf32>,
      %parallel_loop3A_345 = arith.constant 0 : i32
      %parallel_loop3A_346 = arith.addi %parallel_loop3A_244, %parallel_loop3A_345 : i32
      %parallel_loop3A_347 = arith.constant 0 : i32
      %parallel_loop3A_348 = arith.index_cast %parallel_loop3A_347 : i32 to index
      %parallel_loop3A_349 = arith.index_cast %parallel_loop3A_346 : i32 to index
      %parallel_loop3A_350 = arith.constant 80 : index
      %parallel_loop3A_351 = tpu.vector_load %arg6[%parallel_loop3A_348, %parallel_loop3A_349, %parallel_loop3A_350] {strides = array<i32>} : memref<4x128x128xf32, #tpu.memory_space<vmem>>, vector<1x1x16xf32>,
      %parallel_loop3A_352 = vector.shape_cast %parallel_loop3A_351 : vector<1x1x16xf32> to vector<16xf32>
      %parallel_loop3A_353 = arith.constant 11.3137083 : f32
      %parallel_loop3A_354 = vector.broadcast %parallel_loop3A_353 : f32 to vector<16xf32>
      %parallel_loop3A_355 = arith.mulf %parallel_loop3A_352, %parallel_loop3A_354 : vector<16xf32>
      %parallel_loop3A_356 = arith.constant 0 : i32
      %parallel_loop3A_357 = arith.addi %parallel_loop3A_244, %parallel_loop3A_356 : i32
      %parallel_loop3A_358 = arith.constant 0 : i32
      %parallel_loop3A_359 = arith.index_cast %parallel_loop3A_358 : i32 to index
      %parallel_loop3A_360 = arith.index_cast %parallel_loop3A_357 : i32 to index
      %parallel_loop3A_361 = arith.constant 80 : index
      %parallel_loop3A_362 = tpu.vector_load %arg6[%parallel_loop3A_359, %parallel_loop3A_360, %parallel_loop3A_361] {strides = array<i32>} : memref<4x128x128xf32, #tpu.memory_space<vmem>>, vector<1x1x16xf32>,
      %parallel_loop3A_363 = vector.shape_cast %parallel_loop3A_362 : vector<1x1x16xf32> to vector<16xf32>
      %parallel_loop3A_364 = vector.shape_cast %parallel_loop3A_355 : vector<16xf32> to vector<1x1x16xf32>
      tpu.vector_store %arg6[%parallel_loop3A_359, %parallel_loop3A_360, %parallel_loop3A_361], %parallel_loop3A_364 {strides = array<i32>} : memref<4x128x128xf32, #tpu.memory_space<vmem>>, vector<1x1x16xf32>,
      %parallel_loop3A_365 = arith.constant 0 : i32
      %parallel_loop3A_366 = arith.addi %parallel_loop3A_244, %parallel_loop3A_365 : i32
      %parallel_loop3A_367 = arith.constant 0 : i32
      %parallel_loop3A_368 = arith.index_cast %parallel_loop3A_367 : i32 to index
      %parallel_loop3A_369 = arith.index_cast %parallel_loop3A_366 : i32 to index
      %parallel_loop3A_370 = arith.constant 96 : index
      %parallel_loop3A_371 = tpu.vector_load %arg6[%parallel_loop3A_368, %parallel_loop3A_369, %parallel_loop3A_370] {strides = array<i32>} : memref<4x128x128xf32, #tpu.memory_space<vmem>>, vector<1x1x16xf32>,
      %parallel_loop3A_372 = vector.shape_cast %parallel_loop3A_371 : vector<1x1x16xf32> to vector<16xf32>
      %parallel_loop3A_373 = arith.constant 11.3137083 : f32
      %parallel_loop3A_374 = vector.broadcast %parallel_loop3A_373 : f32 to vector<16xf32>
      %parallel_loop3A_375 = arith.mulf %parallel_loop3A_372, %parallel_loop3A_374 : vector<16xf32>
      %parallel_loop3A_376 = arith.constant 0 : i32
      %parallel_loop3A_377 = arith.addi %parallel_loop3A_244, %parallel_loop3A_376 : i32
      %parallel_loop3A_378 = arith.constant 0 : i32
      %parallel_loop3A_379 = arith.index_cast %parallel_loop3A_378 : i32 to index
      %parallel_loop3A_380 = arith.index_cast %parallel_loop3A_377 : i32 to index
      %parallel_loop3A_381 = arith.constant 96 : index
      %parallel_loop3A_382 = tpu.vector_load %arg6[%parallel_loop3A_379, %parallel_loop3A_380, %parallel_loop3A_381] {strides = array<i32>} : memref<4x128x128xf32, #tpu.memory_space<vmem>>, vector<1x1x16xf32>,
      %parallel_loop3A_383 = vector.shape_cast %parallel_loop3A_382 : vector<1x1x16xf32> to vector<16xf32>
      %parallel_loop3A_384 = vector.shape_cast %parallel_loop3A_375 : vector<16xf32> to vector<1x1x16xf32>
      tpu.vector_store %arg6[%parallel_loop3A_379, %parallel_loop3A_380, %parallel_loop3A_381], %parallel_loop3A_384 {strides = array<i32>} : memref<4x128x128xf32, #tpu.memory_space<vmem>>, vector<1x1x16xf32>,
      %parallel_loop3A_385 = arith.constant 0 : i32
      %parallel_loop3A_386 = arith.addi %parallel_loop3A_244, %parallel_loop3A_385 : i32
      %parallel_loop3A_387 = arith.constant 0 : i32
      %parallel_loop3A_388 = arith.index_cast %parallel_loop3A_387 : i32 to index
      %parallel_loop3A_389 = arith.index_cast %parallel_loop3A_386 : i32 to index
      %parallel_loop3A_390 = arith.constant 112 : index
      %parallel_loop3A_391 = tpu.vector_load %arg6[%parallel_loop3A_388, %parallel_loop3A_389, %parallel_loop3A_390] {strides = array<i32>} : memref<4x128x128xf32, #tpu.memory_space<vmem>>, vector<1x1x16xf32>,
      %parallel_loop3A_392 = vector.shape_cast %parallel_loop3A_391 : vector<1x1x16xf32> to vector<16xf32>
      %parallel_loop3A_393 = arith.constant 11.3137083 : f32
      %parallel_loop3A_394 = vector.broadcast %parallel_loop3A_393 : f32 to vector<16xf32>
      %parallel_loop3A_395 = arith.mulf %parallel_loop3A_392, %parallel_loop3A_394 : vector<16xf32>
      %parallel_loop3A_396 = arith.constant 0 : i32
      %parallel_loop3A_397 = arith.addi %parallel_loop3A_244, %parallel_loop3A_396 : i32
      %parallel_loop3A_398 = arith.constant 0 : i32
      %parallel_loop3A_399 = arith.index_cast %parallel_loop3A_398 : i32 to index
      %parallel_loop3A_400 = arith.index_cast %parallel_loop3A_397 : i32 to index
      %parallel_loop3A_401 = arith.constant 112 : index
      %parallel_loop3A_402 = tpu.vector_load %arg6[%parallel_loop3A_399, %parallel_loop3A_400, %parallel_loop3A_401] {strides = array<i32>} : memref<4x128x128xf32, #tpu.memory_space<vmem>>, vector<1x1x16xf32>,
      %parallel_loop3A_403 = vector.shape_cast %parallel_loop3A_402 : vector<1x1x16xf32> to vector<16xf32>
      %parallel_loop3A_404 = vector.shape_cast %parallel_loop3A_395 : vector<16xf32> to vector<1x1x16xf32>
      tpu.vector_store %arg6[%parallel_loop3A_399, %parallel_loop3A_400, %parallel_loop3A_401], %parallel_loop3A_404 {strides = array<i32>} : memref<4x128x128xf32, #tpu.memory_space<vmem>>, vector<1x1x16xf32>,
      %parallel_loop3A_405 = arith.constant 1 : i32
      %parallel_loop3A_406 = arith.addi %parallel_loop3A_244, %parallel_loop3A_405 : i32
      %parallel_loop3A_407 = arith.constant 0 : i32
      %parallel_loop3A_408 = arith.index_cast %parallel_loop3A_407 : i32 to index
      %parallel_loop3A_409 = arith.index_cast %parallel_loop3A_406 : i32 to index
      %parallel_loop3A_410 = arith.constant 0 : index
      %parallel_loop3A_411 = tpu.vector_load %arg6[%parallel_loop3A_408, %parallel_loop3A_409, %parallel_loop3A_410] {strides = array<i32>} : memref<4x128x128xf32, #tpu.memory_space<vmem>>, vector<1x1x16xf32>,
      %parallel_loop3A_412 = vector.shape_cast %parallel_loop3A_411 : vector<1x1x16xf32> to vector<16xf32>
      %parallel_loop3A_413 = arith.constant 11.3137083 : f32
      %parallel_loop3A_414 = vector.broadcast %parallel_loop3A_413 : f32 to vector<16xf32>
      %parallel_loop3A_415 = arith.mulf %parallel_loop3A_412, %parallel_loop3A_414 : vector<16xf32>
      %parallel_loop3A_416 = arith.constant 1 : i32
      %parallel_loop3A_417 = arith.addi %parallel_loop3A_244, %parallel_loop3A_416 : i32
      %parallel_loop3A_418 = arith.constant 0 : i32
      %parallel_loop3A_419 = arith.index_cast %parallel_loop3A_418 : i32 to index
      %parallel_loop3A_420 = arith.index_cast %parallel_loop3A_417 : i32 to index
      %parallel_loop3A_421 = arith.constant 0 : index
      %parallel_loop3A_422 = tpu.vector_load %arg6[%parallel_loop3A_419, %parallel_loop3A_420, %parallel_loop3A_421] {strides = array<i32>} : memref<4x128x128xf32, #tpu.memory_space<vmem>>, vector<1x1x16xf32>,
      %parallel_loop3A_423 = vector.shape_cast %parallel_loop3A_422 : vector<1x1x16xf32> to vector<16xf32>
      %parallel_loop3A_424 = vector.shape_cast %parallel_loop3A_415 : vector<16xf32> to vector<1x1x16xf32>
      tpu.vector_store %arg6[%parallel_loop3A_419, %parallel_loop3A_420, %parallel_loop3A_421], %parallel_loop3A_424 {strides = array<i32>} : memref<4x128x128xf32, #tpu.memory_space<vmem>>, vector<1x1x16xf32>,
      %parallel_loop3A_425 = arith.constant 1 : i32
      %parallel_loop3A_426 = arith.addi %parallel_loop3A_244, %parallel_loop3A_425 : i32
      %parallel_loop3A_427 = arith.constant 0 : i32
      %parallel_loop3A_428 = arith.index_cast %parallel_loop3A_427 : i32 to index
      %parallel_loop3A_429 = arith.index_cast %parallel_loop3A_426 : i32 to index
      %parallel_loop3A_430 = arith.constant 16 : index
      %parallel_loop3A_431 = tpu.vector_load %arg6[%parallel_loop3A_428, %parallel_loop3A_429, %parallel_loop3A_430] {strides = array<i32>} : memref<4x128x128xf32, #tpu.memory_space<vmem>>, vector<1x1x16xf32>,
      %parallel_loop3A_432 = vector.shape_cast %parallel_loop3A_431 : vector<1x1x16xf32> to vector<16xf32>
      %parallel_loop3A_433 = arith.constant 11.3137083 : f32
      %parallel_loop3A_434 = vector.broadcast %parallel_loop3A_433 : f32 to vector<16xf32>
      %parallel_loop3A_435 = arith.mulf %parallel_loop3A_432, %parallel_loop3A_434 : vector<16xf32>
      %parallel_loop3A_436 = arith.constant 1 : i32
      %parallel_loop3A_437 = arith.addi %parallel_loop3A_244, %parallel_loop3A_436 : i32
      %parallel_loop3A_438 = arith.constant 0 : i32
      %parallel_loop3A_439 = arith.index_cast %parallel_loop3A_438 : i32 to index
      %parallel_loop3A_440 = arith.index_cast %parallel_loop3A_437 : i32 to index
      %parallel_loop3A_441 = arith.constant 16 : index
      %parallel_loop3A_442 = tpu.vector_load %arg6[%parallel_loop3A_439, %parallel_loop3A_440, %parallel_loop3A_441] {strides = array<i32>} : memref<4x128x128xf32, #tpu.memory_space<vmem>>, vector<1x1x16xf32>,
      %parallel_loop3A_443 = vector.shape_cast %parallel_loop3A_442 : vector<1x1x16xf32> to vector<16xf32>
      %parallel_loop3A_444 = vector.shape_cast %parallel_loop3A_435 : vector<16xf32> to vector<1x1x16xf32>
      tpu.vector_store %arg6[%parallel_loop3A_439, %parallel_loop3A_440, %parallel_loop3A_441], %parallel_loop3A_444 {strides = array<i32>} : memref<4x128x128xf32, #tpu.memory_space<vmem>>, vector<1x1x16xf32>,
      %parallel_loop3A_445 = arith.constant 1 : i32
      %parallel_loop3A_446 = arith.addi %parallel_loop3A_244, %parallel_loop3A_445 : i32
      %parallel_loop3A_447 = arith.constant 0 : i32
      %parallel_loop3A_448 = arith.index_cast %parallel_loop3A_447 : i32 to index
      %parallel_loop3A_449 = arith.index_cast %parallel_loop3A_446 : i32 to index
      %parallel_loop3A_450 = arith.constant 32 : index
      %parallel_loop3A_451 = tpu.vector_load %arg6[%parallel_loop3A_448, %parallel_loop3A_449, %parallel_loop3A_450] {strides = array<i32>} : memref<4x128x128xf32, #tpu.memory_space<vmem>>, vector<1x1x16xf32>,
      %parallel_loop3A_452 = vector.shape_cast %parallel_loop3A_451 : vector<1x1x16xf32> to vector<16xf32>
      %parallel_loop3A_453 = arith.constant 11.3137083 : f32
      %parallel_loop3A_454 = vector.broadcast %parallel_loop3A_453 : f32 to vector<16xf32>
      %parallel_loop3A_455 = arith.mulf %parallel_loop3A_452, %parallel_loop3A_454 : vector<16xf32>
      %parallel_loop3A_456 = arith.constant 1 : i32
      %parallel_loop3A_457 = arith.addi %parallel_loop3A_244, %parallel_loop3A_456 : i32
      %parallel_loop3A_458 = arith.constant 0 : i32
      %parallel_loop3A_459 = arith.index_cast %parallel_loop3A_458 : i32 to index
      %parallel_loop3A_460 = arith.index_cast %parallel_loop3A_457 : i32 to index
      %parallel_loop3A_461 = arith.constant 32 : index
      %parallel_loop3A_462 = tpu.vector_load %arg6[%parallel_loop3A_459, %parallel_loop3A_460, %parallel_loop3A_461] {strides = array<i32>} : memref<4x128x128xf32, #tpu.memory_space<vmem>>, vector<1x1x16xf32>,
      %parallel_loop3A_463 = vector.shape_cast %parallel_loop3A_462 : vector<1x1x16xf32> to vector<16xf32>
      %parallel_loop3A_464 = vector.shape_cast %parallel_loop3A_455 : vector<16xf32> to vector<1x1x16xf32>
      tpu.vector_store %arg6[%parallel_loop3A_459, %parallel_loop3A_460, %parallel_loop3A_461], %parallel_loop3A_464 {strides = array<i32>} : memref<4x128x128xf32, #tpu.memory_space<vmem>>, vector<1x1x16xf32>,
      %parallel_loop3A_465 = arith.constant 1 : i32
      %parallel_loop3A_466 = arith.addi %parallel_loop3A_244, %parallel_loop3A_465 : i32
      %parallel_loop3A_467 = arith.constant 0 : i32
      %parallel_loop3A_468 = arith.index_cast %parallel_loop3A_467 : i32 to index
      %parallel_loop3A_469 = arith.index_cast %parallel_loop3A_466 : i32 to index
      %parallel_loop3A_470 = arith.constant 48 : index
      %parallel_loop3A_471 = tpu.vector_load %arg6[%parallel_loop3A_468, %parallel_loop3A_469, %parallel_loop3A_470] {strides = array<i32>} : memref<4x128x128xf32, #tpu.memory_space<vmem>>, vector<1x1x16xf32>,
      %parallel_loop3A_472 = vector.shape_cast %parallel_loop3A_471 : vector<1x1x16xf32> to vector<16xf32>
      %parallel_loop3A_473 = arith.constant 11.3137083 : f32
      %parallel_loop3A_474 = vector.broadcast %parallel_loop3A_473 : f32 to vector<16xf32>
      %parallel_loop3A_475 = arith.mulf %parallel_loop3A_472, %parallel_loop3A_474 : vector<16xf32>
      %parallel_loop3A_476 = arith.constant 1 : i32
      %parallel_loop3A_477 = arith.addi %parallel_loop3A_244, %parallel_loop3A_476 : i32
      %parallel_loop3A_478 = arith.constant 0 : i32
      %parallel_loop3A_479 = arith.index_cast %parallel_loop3A_478 : i32 to index
      %parallel_loop3A_480 = arith.index_cast %parallel_loop3A_477 : i32 to index
      %parallel_loop3A_481 = arith.constant 48 : index
      %parallel_loop3A_482 = tpu.vector_load %arg6[%parallel_loop3A_479, %parallel_loop3A_480, %parallel_loop3A_481] {strides = array<i32>} : memref<4x128x128xf32, #tpu.memory_space<vmem>>, vector<1x1x16xf32>,
      %parallel_loop3A_483 = vector.shape_cast %parallel_loop3A_482 : vector<1x1x16xf32> to vector<16xf32>
      %parallel_loop3A_484 = vector.shape_cast %parallel_loop3A_475 : vector<16xf32> to vector<1x1x16xf32>
      tpu.vector_store %arg6[%parallel_loop3A_479, %parallel_loop3A_480, %parallel_loop3A_481], %parallel_loop3A_484 {strides = array<i32>} : memref<4x128x128xf32, #tpu.memory_space<vmem>>, vector<1x1x16xf32>,
      %parallel_loop3A_485 = arith.constant 1 : i32
      %parallel_loop3A_486 = arith.addi %parallel_loop3A_244, %parallel_loop3A_485 : i32
      %parallel_loop3A_487 = arith.constant 0 : i32
      %parallel_loop3A_488 = arith.index_cast %parallel_loop3A_487 : i32 to index
      %parallel_loop3A_489 = arith.index_cast %parallel_loop3A_486 : i32 to index
      %parallel_loop3A_490 = arith.constant 64 : index
      %parallel_loop3A_491 = tpu.vector_load %arg6[%parallel_loop3A_488, %parallel_loop3A_489, %parallel_loop3A_490] {strides = array<i32>} : memref<4x128x128xf32, #tpu.memory_space<vmem>>, vector<1x1x16xf32>,
      %parallel_loop3A_492 = vector.shape_cast %parallel_loop3A_491 : vector<1x1x16xf32> to vector<16xf32>
      %parallel_loop3A_493 = arith.constant 11.3137083 : f32
      %parallel_loop3A_494 = vector.broadcast %parallel_loop3A_493 : f32 to vector<16xf32>
      %parallel_loop3A_495 = arith.mulf %parallel_loop3A_492, %parallel_loop3A_494 : vector<16xf32>
      %parallel_loop3A_496 = arith.constant 1 : i32
      %parallel_loop3A_497 = arith.addi %parallel_loop3A_244, %parallel_loop3A_496 : i32
      %parallel_loop3A_498 = arith.constant 0 : i32
      %parallel_loop3A_499 = arith.index_cast %parallel_loop3A_498 : i32 to index
      %parallel_loop3A_500 = arith.index_cast %parallel_loop3A_497 : i32 to index
      %parallel_loop3A_501 = arith.constant 64 : index
      %parallel_loop3A_502 = tpu.vector_load %arg6[%parallel_loop3A_499, %parallel_loop3A_500, %parallel_loop3A_501] {strides = array<i32>} : memref<4x128x128xf32, #tpu.memory_space<vmem>>, vector<1x1x16xf32>,
      %parallel_loop3A_503 = vector.shape_cast %parallel_loop3A_502 : vector<1x1x16xf32> to vector<16xf32>
      %parallel_loop3A_504 = vector.shape_cast %parallel_loop3A_495 : vector<16xf32> to vector<1x1x16xf32>
      tpu.vector_store %arg6[%parallel_loop3A_499, %parallel_loop3A_500, %parallel_loop3A_501], %parallel_loop3A_504 {strides = array<i32>} : memref<4x128x128xf32, #tpu.memory_space<vmem>>, vector<1x1x16xf32>,
      %parallel_loop3A_505 = arith.constant 1 : i32
      %parallel_loop3A_506 = arith.addi %parallel_loop3A_244, %parallel_loop3A_505 : i32
      %parallel_loop3A_507 = arith.constant 0 : i32
      %parallel_loop3A_508 = arith.index_cast %parallel_loop3A_507 : i32 to index
      %parallel_loop3A_509 = arith.index_cast %parallel_loop3A_506 : i32 to index
      %parallel_loop3A_510 = arith.constant 80 : index
      %parallel_loop3A_511 = tpu.vector_load %arg6[%parallel_loop3A_508, %parallel_loop3A_509, %parallel_loop3A_510] {strides = array<i32>} : memref<4x128x128xf32, #tpu.memory_space<vmem>>, vector<1x1x16xf32>,
      %parallel_loop3A_512 = vector.shape_cast %parallel_loop3A_511 : vector<1x1x16xf32> to vector<16xf32>
      %parallel_loop3A_513 = arith.constant 11.3137083 : f32
      %parallel_loop3A_514 = vector.broadcast %parallel_loop3A_513 : f32 to vector<16xf32>
      %parallel_loop3A_515 = arith.mulf %parallel_loop3A_512, %parallel_loop3A_514 : vector<16xf32>
      %parallel_loop3A_516 = arith.constant 1 : i32
      %parallel_loop3A_517 = arith.addi %parallel_loop3A_244, %parallel_loop3A_516 : i32
      %parallel_loop3A_518 = arith.constant 0 : i32
      %parallel_loop3A_519 = arith.index_cast %parallel_loop3A_518 : i32 to index
      %parallel_loop3A_520 = arith.index_cast %parallel_loop3A_517 : i32 to index
      %parallel_loop3A_521 = arith.constant 80 : index
      %parallel_loop3A_522 = tpu.vector_load %arg6[%parallel_loop3A_519, %parallel_loop3A_520, %parallel_loop3A_521] {strides = array<i32>} : memref<4x128x128xf32, #tpu.memory_space<vmem>>, vector<1x1x16xf32>,
      %parallel_loop3A_523 = vector.shape_cast %parallel_loop3A_522 : vector<1x1x16xf32> to vector<16xf32>
      %parallel_loop3A_524 = vector.shape_cast %parallel_loop3A_515 : vector<16xf32> to vector<1x1x16xf32>
      tpu.vector_store %arg6[%parallel_loop3A_519, %parallel_loop3A_520, %parallel_loop3A_521], %parallel_loop3A_524 {strides = array<i32>} : memref<4x128x128xf32, #tpu.memory_space<vmem>>, vector<1x1x16xf32>,
      %parallel_loop3A_525 = arith.constant 1 : i32
      %parallel_loop3A_526 = arith.addi %parallel_loop3A_244, %parallel_loop3A_525 : i32
      %parallel_loop3A_527 = arith.constant 0 : i32
      %parallel_loop3A_528 = arith.index_cast %parallel_loop3A_527 : i32 to index
      %parallel_loop3A_529 = arith.index_cast %parallel_loop3A_526 : i32 to index
      %parallel_loop3A_530 = arith.constant 96 : index
      %parallel_loop3A_531 = tpu.vector_load %arg6[%parallel_loop3A_528, %parallel_loop3A_529, %parallel_loop3A_530] {strides = array<i32>} : memref<4x128x128xf32, #tpu.memory_space<vmem>>, vector<1x1x16xf32>,
      %parallel_loop3A_532 = vector.shape_cast %parallel_loop3A_531 : vector<1x1x16xf32> to vector<16xf32>
      %parallel_loop3A_533 = arith.constant 11.3137083 : f32
      %parallel_loop3A_534 = vector.broadcast %parallel_loop3A_533 : f32 to vector<16xf32>
      %parallel_loop3A_535 = arith.mulf %parallel_loop3A_532, %parallel_loop3A_534 : vector<16xf32>
      %parallel_loop3A_536 = arith.constant 1 : i32
      %parallel_loop3A_537 = arith.addi %parallel_loop3A_244, %parallel_loop3A_536 : i32
      %parallel_loop3A_538 = arith.constant 0 : i32
      %parallel_loop3A_539 = arith.index_cast %parallel_loop3A_538 : i32 to index
      %parallel_loop3A_540 = arith.index_cast %parallel_loop3A_537 : i32 to index
      %parallel_loop3A_541 = arith.constant 96 : index
      %parallel_loop3A_542 = tpu.vector_load %arg6[%parallel_loop3A_539, %parallel_loop3A_540, %parallel_loop3A_541] {strides = array<i32>} : memref<4x128x128xf32, #tpu.memory_space<vmem>>, vector<1x1x16xf32>,
      %parallel_loop3A_543 = vector.shape_cast %parallel_loop3A_542 : vector<1x1x16xf32> to vector<16xf32>
      %parallel_loop3A_544 = vector.shape_cast %parallel_loop3A_535 : vector<16xf32> to vector<1x1x16xf32>
      tpu.vector_store %arg6[%parallel_loop3A_539, %parallel_loop3A_540, %parallel_loop3A_541], %parallel_loop3A_544 {strides = array<i32>} : memref<4x128x128xf32, #tpu.memory_space<vmem>>, vector<1x1x16xf32>,
      %parallel_loop3A_545 = arith.constant 1 : i32
      %parallel_loop3A_546 = arith.addi %parallel_loop3A_244, %parallel_loop3A_545 : i32
      %parallel_loop3A_547 = arith.constant 0 : i32
      %parallel_loop3A_548 = arith.index_cast %parallel_loop3A_547 : i32 to index
      %parallel_loop3A_549 = arith.index_cast %parallel_loop3A_546 : i32 to index
      %parallel_loop3A_550 = arith.constant 112 : index
      %parallel_loop3A_551 = tpu.vector_load %arg6[%parallel_loop3A_548, %parallel_loop3A_549, %parallel_loop3A_550] {strides = array<i32>} : memref<4x128x128xf32, #tpu.memory_space<vmem>>, vector<1x1x16xf32>,
      %parallel_loop3A_552 = vector.shape_cast %parallel_loop3A_551 : vector<1x1x16xf32> to vector<16xf32>
      %parallel_loop3A_553 = arith.constant 11.3137083 : f32
      %parallel_loop3A_554 = vector.broadcast %parallel_loop3A_553 : f32 to vector<16xf32>
      %parallel_loop3A_555 = arith.mulf %parallel_loop3A_552, %parallel_loop3A_554 : vector<16xf32>
      %parallel_loop3A_556 = arith.constant 1 : i32
      %parallel_loop3A_557 = arith.addi %parallel_loop3A_244, %parallel_loop3A_556 : i32
      %parallel_loop3A_558 = arith.constant 0 : i32
      %parallel_loop3A_559 = arith.index_cast %parallel_loop3A_558 : i32 to index
      %parallel_loop3A_560 = arith.index_cast %parallel_loop3A_557 : i32 to index
      %parallel_loop3A_561 = arith.constant 112 : index
      %parallel_loop3A_562 = tpu.vector_load %arg6[%parallel_loop3A_559, %parallel_loop3A_560, %parallel_loop3A_561] {strides = array<i32>} : memref<4x128x128xf32, #tpu.memory_space<vmem>>, vector<1x1x16xf32>,
      %parallel_loop3A_563 = vector.shape_cast %parallel_loop3A_562 : vector<1x1x16xf32> to vector<16xf32>
      %parallel_loop3A_564 = vector.shape_cast %parallel_loop3A_555 : vector<16xf32> to vector<1x1x16xf32>
      tpu.vector_store %arg6[%parallel_loop3A_559, %parallel_loop3A_560, %parallel_loop3A_561], %parallel_loop3A_564 {strides = array<i32>} : memref<4x128x128xf32, #tpu.memory_space<vmem>>, vector<1x1x16xf32>,
    } {sc.loop_unroll_factor = 1 : i64, sc.parallel_access}
    %add3A_39 = arith.constant 0 : i32
    %add3A_40 = arith.addi %mul3A_2, %add3A_39 : i32
    %multiple_of3A_41 = tpu.assume_multiple %add3A_40, 128 : i32
    %dma_start3A_42 = arith.constant 0 : i32
    %dma_start3A_43 = arith.constant 0 : i32
    %dma_start3A_44 = arith.constant 0 : i32
    %dma_start3A_45 = tpu.memref_slice %arg6[%dma_start3A_42, %dma_start3A_43, %dma_start3A_44] : memref<4x128x128xf32, #tpu.memory_space<vmem>> -> memref<1x128x128xf32, #tpu.memory_space<vmem>>
    %dma_start3A_46 = tpu.memref_squeeze %dma_start3A_45 : memref<1x128x128xf32, #tpu.memory_space<vmem>> -> memref<128x128xf32, #tpu.memory_space<vmem>>
    %dma_start3A_47 = arith.constant 0 : i32
    %dma_start3A_48 = tpu.memref_slice %arg4[%multiple_of3A_41, %dma_start3A_47] : memref<819200x128xf32, #tpu.memory_space<hbm>> -> memref<128x128xf32, #tpu.memory_space<hbm>>
    %dma_start3A_49 = arith.constant 0 : i32
    %dma_start3A_50 = tpu.memref_slice %arg4[%multiple_of3A_41, %dma_start3A_49] : memref<819200x128xf32, #tpu.memory_space<hbm>> -> memref<128x128xf32, #tpu.memory_space<hbm>>
    %dma_start3A_51 = arith.constant 0 : i32
    %dma_start3A_52 = arith.constant 0 : i32
    %dma_start3A_53 = tpu.memref_slice %arg6[%dma_start3A_42, %dma_start3A_51, %dma_start3A_52] : memref<4x128x128xf32, #tpu.memory_space<vmem>> -> memref<1x128x128xf32, #tpu.memory_space<vmem>>
    %dma_start3A_54 = tpu.memref_squeeze %dma_start3A_53 : memref<1x128x128xf32, #tpu.memory_space<vmem>> -> memref<128x128xf32, #tpu.memory_space<vmem>>
    tpu.enqueue_dma source(%dma_start3A_54 : memref<128x128xf32, #tpu.memory_space<vmem>>) target(%dma_start3A_50 : memref<128x128xf32, #tpu.memory_space<hbm>>) target_semaphore(%arg11 : memref<!tpu.dma_semaphore, #tpu.memory_space<semaphore_mem>>)
    %multiple_of3A_55 = arith.constant 256 : i32
    %multiple_of3A_56 = tpu.assume_multiple %multiple_of3A_55, 128 : i32
    %dma_start3A_57 = arith.constant 2 : i32
    %dma_start3A_58 = arith.constant 0 : i32
    %dma_start3A_59 = arith.constant 0 : i32
    %dma_start3A_60 = tpu.memref_slice %arg6[%dma_start3A_57, %dma_start3A_58, %dma_start3A_59] : memref<4x128x128xf32, #tpu.memory_space<vmem>> -> memref<1x128x128xf32, #tpu.memory_space<vmem>>
    %dma_start3A_61 = tpu.memref_squeeze %dma_start3A_60 : memref<1x128x128xf32, #tpu.memory_space<vmem>> -> memref<128x128xf32, #tpu.memory_space<vmem>>
    %dma_start3A_62 = tpu.memref_slice %arg5[%multiple_of3A_56] : memref<25600xi32, #tpu.memory_space<vmem>> -> memref<128xi32, #tpu.memory_space<vmem>>
    %dma_start3A_63 = arith.constant 0 : i32
    %dma_start3A_64 = arith.constant 0 : i32
    %dma_start3A_65 = tpu.memref_slice %arg3[%dma_start3A_63, %dma_start3A_64] : memref<100000x128xf32, #tpu.memory_space<hbm>> -> memref<100000x128xf32, #tpu.memory_space<hbm>>
    tpu.enqueue_indirect_dma source(%dma_start3A_65 : memref<100000x128xf32, #tpu.memory_space<hbm>>) target(%dma_start3A_61 : memref<128x128xf32, #tpu.memory_space<vmem>>) offsets(%dma_start3A_62 : memref<128xi32, #tpu.memory_space<vmem>>) semaphore(%arg9 : memref<!tpu.dma_semaphore, #tpu.memory_space<semaphore_mem>>)
    %dma_wait3A_66 = arith.constant 1 : i32
    %dma_wait3A_67 = arith.constant 0 : i32
    %dma_wait3A_68 = arith.constant 0 : i32
    %dma_wait3A_69 = tpu.memref_slice %arg6[%dma_wait3A_66, %dma_wait3A_67, %dma_wait3A_68] : memref<4x128x128xf32, #tpu.memory_space<vmem>> -> memref<1x128x128xf32, #tpu.memory_space<vmem>>
    %dma_wait3A_70 = tpu.memref_squeeze %dma_wait3A_69 : memref<1x128x128xf32, #tpu.memory_space<vmem>> -> memref<128x128xf32, #tpu.memory_space<vmem>>
    %dma_wait3A_71 = arith.constant 0 : i32
    %dma_wait3A_72 = arith.constant 0 : i32
    %dma_wait3A_73 = tpu.memref_slice %arg3[%dma_wait3A_71, %dma_wait3A_72] : memref<100000x128xf32, #tpu.memory_space<hbm>> -> memref<128x128xf32, #tpu.memory_space<hbm>>
    %dma_wait3A_74 = arith.constant 0 : i32
    %dma_wait3A_75 = arith.constant 0 : i32
    %dma_wait3A_76 = tpu.memref_slice %arg6[%dma_wait3A_66, %dma_wait3A_74, %dma_wait3A_75] : memref<4x128x128xf32, #tpu.memory_space<vmem>> -> memref<1x128x128xf32, #tpu.memory_space<vmem>>
    %dma_wait3A_77 = tpu.memref_squeeze %dma_wait3A_76 : memref<1x128x128xf32, #tpu.memory_space<vmem>> -> memref<128x128xf32, #tpu.memory_space<vmem>>
    %dma_wait3A_78 = arith.constant 0 : i32
    %dma_wait3A_79 = arith.constant 0 : i32
    %dma_wait3A_80 = tpu.memref_slice %arg3[%dma_wait3A_78, %dma_wait3A_79] : memref<100000x128xf32, #tpu.memory_space<hbm>> -> memref<128x128xf32, #tpu.memory_space<hbm>>
    tpu.wait_dma2 semaphore(%arg8 : memref<!tpu.dma_semaphore, #tpu.memory_space<semaphore_mem>>) src(%dma_wait3A_80 : memref<128x128xf32, #tpu.memory_space<hbm>>) dst(%dma_wait3A_77 : memref<128x128xf32, #tpu.memory_space<vmem>>)
    %parallel_loop3A_81 = arith.constant 0 : i32
    %parallel_loop3A_82 = arith.constant 128 : i32
    %parallel_loop3A_83 = arith.constant 2 : i32
    scf.for %parallel_loop3A_244 = %parallel_loop3A_81 to %parallel_loop3A_82 step %parallel_loop3A_83  : i32 {
      %parallel_loop3A_245 = arith.constant 0 : i32
      %parallel_loop3A_246 = arith.addi %parallel_loop3A_244, %parallel_loop3A_245 : i32
      %parallel_loop3A_247 = arith.constant 1 : i32
      %parallel_loop3A_248 = arith.index_cast %parallel_loop3A_247 : i32 to index
      %parallel_loop3A_249 = arith.index_cast %parallel_loop3A_246 : i32 to index
      %parallel_loop3A_250 = arith.constant 0 : index
      %parallel_loop3A_251 = tpu.vector_load %arg6[%parallel_loop3A_248, %parallel_loop3A_249, %parallel_loop3A_250] {strides = array<i32>} : memref<4x128x128xf32, #tpu.memory_space<vmem>>, vector<1x1x16xf32>,
      %parallel_loop3A_252 = vector.shape_cast %parallel_loop3A_251 : vector<1x1x16xf32> to vector<16xf32>
      %parallel_loop3A_253 = arith.constant 11.3137083 : f32
      %parallel_loop3A_254 = vector.broadcast %parallel_loop3A_253 : f32 to vector<16xf32>
      %parallel_loop3A_255 = arith.mulf %parallel_loop3A_252, %parallel_loop3A_254 : vector<16xf32>
      %parallel_loop3A_256 = arith.constant 0 : i32
      %parallel_loop3A_257 = arith.addi %parallel_loop3A_244, %parallel_loop3A_256 : i32
      %parallel_loop3A_258 = arith.constant 1 : i32
      %parallel_loop3A_259 = arith.index_cast %parallel_loop3A_258 : i32 to index
      %parallel_loop3A_260 = arith.index_cast %parallel_loop3A_257 : i32 to index
      %parallel_loop3A_261 = arith.constant 0 : index
      %parallel_loop3A_262 = tpu.vector_load %arg6[%parallel_loop3A_259, %parallel_loop3A_260, %parallel_loop3A_261] {strides = array<i32>} : memref<4x128x128xf32, #tpu.memory_space<vmem>>, vector<1x1x16xf32>,
      %parallel_loop3A_263 = vector.shape_cast %parallel_loop3A_262 : vector<1x1x16xf32> to vector<16xf32>
      %parallel_loop3A_264 = vector.shape_cast %parallel_loop3A_255 : vector<16xf32> to vector<1x1x16xf32>
      tpu.vector_store %arg6[%parallel_loop3A_259, %parallel_loop3A_260, %parallel_loop3A_261], %parallel_loop3A_264 {strides = array<i32>} : memref<4x128x128xf32, #tpu.memory_space<vmem>>, vector<1x1x16xf32>,
      %parallel_loop3A_265 = arith.constant 0 : i32
      %parallel_loop3A_266 = arith.addi %parallel_loop3A_244, %parallel_loop3A_265 : i32
      %parallel_loop3A_267 = arith.constant 1 : i32
      %parallel_loop3A_268 = arith.index_cast %parallel_loop3A_267 : i32 to index
      %parallel_loop3A_269 = arith.index_cast %parallel_loop3A_266 : i32 to index
      %parallel_loop3A_270 = arith.constant 16 : index
      %parallel_loop3A_271 = tpu.vector_load %arg6[%parallel_loop3A_268, %parallel_loop3A_269, %parallel_loop3A_270] {strides = array<i32>} : memref<4x128x128xf32, #tpu.memory_space<vmem>>, vector<1x1x16xf32>,
      %parallel_loop3A_272 = vector.shape_cast %parallel_loop3A_271 : vector<1x1x16xf32> to vector<16xf32>
      %parallel_loop3A_273 = arith.constant 11.3137083 : f32
      %parallel_loop3A_274 = vector.broadcast %parallel_loop3A_273 : f32 to vector<16xf32>
      %parallel_loop3A_275 = arith.mulf %parallel_loop3A_272, %parallel_loop3A_274 : vector<16xf32>
      %parallel_loop3A_276 = arith.constant 0 : i32
      %parallel_loop3A_277 = arith.addi %parallel_loop3A_244, %parallel_loop3A_276 : i32
      %parallel_loop3A_278 = arith.constant 1 : i32
      %parallel_loop3A_279 = arith.index_cast %parallel_loop3A_278 : i32 to index
      %parallel_loop3A_280 = arith.index_cast %parallel_loop3A_277 : i32 to index
      %parallel_loop3A_281 = arith.constant 16 : index
      %parallel_loop3A_282 = tpu.vector_load %arg6[%parallel_loop3A_279, %parallel_loop3A_280, %parallel_loop3A_281] {strides = array<i32>} : memref<4x128x128xf32, #tpu.memory_space<vmem>>, vector<1x1x16xf32>,
      %parallel_loop3A_283 = vector.shape_cast %parallel_loop3A_282 : vector<1x1x16xf32> to vector<16xf32>
      %parallel_loop3A_284 = vector.shape_cast %parallel_loop3A_275 : vector<16xf32> to vector<1x1x16xf32>
      tpu.vector_store %arg6[%parallel_loop3A_279, %parallel_loop3A_280, %parallel_loop3A_281], %parallel_loop3A_284 {strides = array<i32>} : memref<4x128x128xf32, #tpu.memory_space<vmem>>, vector<1x1x16xf32>,
      %parallel_loop3A_285 = arith.constant 0 : i32
      %parallel_loop3A_286 = arith.addi %parallel_loop3A_244, %parallel_loop3A_285 : i32
      %parallel_loop3A_287 = arith.constant 1 : i32
      %parallel_loop3A_288 = arith.index_cast %parallel_loop3A_287 : i32 to index
      %parallel_loop3A_289 = arith.index_cast %parallel_loop3A_286 : i32 to index
      %parallel_loop3A_290 = arith.constant 32 : index
      %parallel_loop3A_291 = tpu.vector_load %arg6[%parallel_loop3A_288, %parallel_loop3A_289, %parallel_loop3A_290] {strides = array<i32>} : memref<4x128x128xf32, #tpu.memory_space<vmem>>, vector<1x1x16xf32>,
      %parallel_loop3A_292 = vector.shape_cast %parallel_loop3A_291 : vector<1x1x16xf32> to vector<16xf32>
      %parallel_loop3A_293 = arith.constant 11.3137083 : f32
      %parallel_loop3A_294 = vector.broadcast %parallel_loop3A_293 : f32 to vector<16xf32>
      %parallel_loop3A_295 = arith.mulf %parallel_loop3A_292, %parallel_loop3A_294 : vector<16xf32>
      %parallel_loop3A_296 = arith.constant 0 : i32
      %parallel_loop3A_297 = arith.addi %parallel_loop3A_244, %parallel_loop3A_296 : i32
      %parallel_loop3A_298 = arith.constant 1 : i32
      %parallel_loop3A_299 = arith.index_cast %parallel_loop3A_298 : i32 to index
      %parallel_loop3A_300 = arith.index_cast %parallel_loop3A_297 : i32 to index
      %parallel_loop3A_301 = arith.constant 32 : index
      %parallel_loop3A_302 = tpu.vector_load %arg6[%parallel_loop3A_299, %parallel_loop3A_300, %parallel_loop3A_301] {strides = array<i32>} : memref<4x128x128xf32, #tpu.memory_space<vmem>>, vector<1x1x16xf32>,
      %parallel_loop3A_303 = vector.shape_cast %parallel_loop3A_302 : vector<1x1x16xf32> to vector<16xf32>
      %parallel_loop3A_304 = vector.shape_cast %parallel_loop3A_295 : vector<16xf32> to vector<1x1x16xf32>
      tpu.vector_store %arg6[%parallel_loop3A_299, %parallel_loop3A_300, %parallel_loop3A_301], %parallel_loop3A_304 {strides = array<i32>} : memref<4x128x128xf32, #tpu.memory_space<vmem>>, vector<1x1x16xf32>,
      %parallel_loop3A_305 = arith.constant 0 : i32
      %parallel_loop3A_306 = arith.addi %parallel_loop3A_244, %parallel_loop3A_305 : i32
      %parallel_loop3A_307 = arith.constant 1 : i32
      %parallel_loop3A_308 = arith.index_cast %parallel_loop3A_307 : i32 to index
      %parallel_loop3A_309 = arith.index_cast %parallel_loop3A_306 : i32 to index
      %parallel_loop3A_310 = arith.constant 48 : index
      %parallel_loop3A_311 = tpu.vector_load %arg6[%parallel_loop3A_308, %parallel_loop3A_309, %parallel_loop3A_310] {strides = array<i32>} : memref<4x128x128xf32, #tpu.memory_space<vmem>>, vector<1x1x16xf32>,
      %parallel_loop3A_312 = vector.shape_cast %parallel_loop3A_311 : vector<1x1x16xf32> to vector<16xf32>
      %parallel_loop3A_313 = arith.constant 11.3137083 : f32
      %parallel_loop3A_314 = vector.broadcast %parallel_loop3A_313 : f32 to vector<16xf32>
      %parallel_loop3A_315 = arith.mulf %parallel_loop3A_312, %parallel_loop3A_314 : vector<16xf32>
      %parallel_loop3A_316 = arith.constant 0 : i32
      %parallel_loop3A_317 = arith.addi %parallel_loop3A_244, %parallel_loop3A_316 : i32
      %parallel_loop3A_318 = arith.constant 1 : i32
      %parallel_loop3A_319 = arith.index_cast %parallel_loop3A_318 : i32 to index
      %parallel_loop3A_320 = arith.index_cast %parallel_loop3A_317 : i32 to index
      %parallel_loop3A_321 = arith.constant 48 : index
      %parallel_loop3A_322 = tpu.vector_load %arg6[%parallel_loop3A_319, %parallel_loop3A_320, %parallel_loop3A_321] {strides = array<i32>} : memref<4x128x128xf32, #tpu.memory_space<vmem>>, vector<1x1x16xf32>,
      %parallel_loop3A_323 = vector.shape_cast %parallel_loop3A_322 : vector<1x1x16xf32> to vector<16xf32>
      %parallel_loop3A_324 = vector.shape_cast %parallel_loop3A_315 : vector<16xf32> to vector<1x1x16xf32>
      tpu.vector_store %arg6[%parallel_loop3A_319, %parallel_loop3A_320, %parallel_loop3A_321], %parallel_loop3A_324 {strides = array<i32>} : memref<4x128x128xf32, #tpu.memory_space<vmem>>, vector<1x1x16xf32>,
      %parallel_loop3A_325 = arith.constant 0 : i32
      %parallel_loop3A_326 = arith.addi %parallel_loop3A_244, %parallel_loop3A_325 : i32
      %parallel_loop3A_327 = arith.constant 1 : i32
      %parallel_loop3A_328 = arith.index_cast %parallel_loop3A_327 : i32 to index
      %parallel_loop3A_329 = arith.index_cast %parallel_loop3A_326 : i32 to index
      %parallel_loop3A_330 = arith.constant 64 : index
      %parallel_loop3A_331 = tpu.vector_load %arg6[%parallel_loop3A_328, %parallel_loop3A_329, %parallel_loop3A_330] {strides = array<i32>} : memref<4x128x128xf32, #tpu.memory_space<vmem>>, vector<1x1x16xf32>,
      %parallel_loop3A_332 = vector.shape_cast %parallel_loop3A_331 : vector<1x1x16xf32> to vector<16xf32>
      %parallel_loop3A_333 = arith.constant 11.3137083 : f32
      %parallel_loop3A_334 = vector.broadcast %parallel_loop3A_333 : f32 to vector<16xf32>
      %parallel_loop3A_335 = arith.mulf %parallel_loop3A_332, %parallel_loop3A_334 : vector<16xf32>
      %parallel_loop3A_336 = arith.constant 0 : i32
      %parallel_loop3A_337 = arith.addi %parallel_loop3A_244, %parallel_loop3A_336 : i32
      %parallel_loop3A_338 = arith.constant 1 : i32
      %parallel_loop3A_339 = arith.index_cast %parallel_loop3A_338 : i32 to index
      %parallel_loop3A_340 = arith.index_cast %parallel_loop3A_337 : i32 to index
      %parallel_loop3A_341 = arith.constant 64 : index
      %parallel_loop3A_342 = tpu.vector_load %arg6[%parallel_loop3A_339, %parallel_loop3A_340, %parallel_loop3A_341] {strides = array<i32>} : memref<4x128x128xf32, #tpu.memory_space<vmem>>, vector<1x1x16xf32>,
      %parallel_loop3A_343 = vector.shape_cast %parallel_loop3A_342 : vector<1x1x16xf32> to vector<16xf32>
      %parallel_loop3A_344 = vector.shape_cast %parallel_loop3A_335 : vector<16xf32> to vector<1x1x16xf32>
      tpu.vector_store %arg6[%parallel_loop3A_339, %parallel_loop3A_340, %parallel_loop3A_341], %parallel_loop3A_344 {strides = array<i32>} : memref<4x128x128xf32, #tpu.memory_space<vmem>>, vector<1x1x16xf32>,
      %parallel_loop3A_345 = arith.constant 0 : i32
      %parallel_loop3A_346 = arith.addi %parallel_loop3A_244, %parallel_loop3A_345 : i32
      %parallel_loop3A_347 = arith.constant 1 : i32
      %parallel_loop3A_348 = arith.index_cast %parallel_loop3A_347 : i32 to index
      %parallel_loop3A_349 = arith.index_cast %parallel_loop3A_346 : i32 to index
      %parallel_loop3A_350 = arith.constant 80 : index
      %parallel_loop3A_351 = tpu.vector_load %arg6[%parallel_loop3A_348, %parallel_loop3A_349, %parallel_loop3A_350] {strides = array<i32>} : memref<4x128x128xf32, #tpu.memory_space<vmem>>, vector<1x1x16xf32>,
      %parallel_loop3A_352 = vector.shape_cast %parallel_loop3A_351 : vector<1x1x16xf32> to vector<16xf32>
      %parallel_loop3A_353 = arith.constant 11.3137083 : f32
      %parallel_loop3A_354 = vector.broadcast %parallel_loop3A_353 : f32 to vector<16xf32>
      %parallel_loop3A_355 = arith.mulf %parallel_loop3A_352, %parallel_loop3A_354 : vector<16xf32>
      %parallel_loop3A_356 = arith.constant 0 : i32
      %parallel_loop3A_357 = arith.addi %parallel_loop3A_244, %parallel_loop3A_356 : i32
      %parallel_loop3A_358 = arith.constant 1 : i32
      %parallel_loop3A_359 = arith.index_cast %parallel_loop3A_358 : i32 to index
      %parallel_loop3A_360 = arith.index_cast %parallel_loop3A_357 : i32 to index
      %parallel_loop3A_361 = arith.constant 80 : index
      %parallel_loop3A_362 = tpu.vector_load %arg6[%parallel_loop3A_359, %parallel_loop3A_360, %parallel_loop3A_361] {strides = array<i32>} : memref<4x128x128xf32, #tpu.memory_space<vmem>>, vector<1x1x16xf32>,
      %parallel_loop3A_363 = vector.shape_cast %parallel_loop3A_362 : vector<1x1x16xf32> to vector<16xf32>
      %parallel_loop3A_364 = vector.shape_cast %parallel_loop3A_355 : vector<16xf32> to vector<1x1x16xf32>
      tpu.vector_store %arg6[%parallel_loop3A_359, %parallel_loop3A_360, %parallel_loop3A_361], %parallel_loop3A_364 {strides = array<i32>} : memref<4x128x128xf32, #tpu.memory_space<vmem>>, vector<1x1x16xf32>,
      %parallel_loop3A_365 = arith.constant 0 : i32
      %parallel_loop3A_366 = arith.addi %parallel_loop3A_244, %parallel_loop3A_365 : i32
      %parallel_loop3A_367 = arith.constant 1 : i32
      %parallel_loop3A_368 = arith.index_cast %parallel_loop3A_367 : i32 to index
      %parallel_loop3A_369 = arith.index_cast %parallel_loop3A_366 : i32 to index
      %parallel_loop3A_370 = arith.constant 96 : index
      %parallel_loop3A_371 = tpu.vector_load %arg6[%parallel_loop3A_368, %parallel_loop3A_369, %parallel_loop3A_370] {strides = array<i32>} : memref<4x128x128xf32, #tpu.memory_space<vmem>>, vector<1x1x16xf32>,
      %parallel_loop3A_372 = vector.shape_cast %parallel_loop3A_371 : vector<1x1x16xf32> to vector<16xf32>
      %parallel_loop3A_373 = arith.constant 11.3137083 : f32
      %parallel_loop3A_374 = vector.broadcast %parallel_loop3A_373 : f32 to vector<16xf32>
      %parallel_loop3A_375 = arith.mulf %parallel_loop3A_372, %parallel_loop3A_374 : vector<16xf32>
      %parallel_loop3A_376 = arith.constant 0 : i32
      %parallel_loop3A_377 = arith.addi %parallel_loop3A_244, %parallel_loop3A_376 : i32
      %parallel_loop3A_378 = arith.constant 1 : i32
      %parallel_loop3A_379 = arith.index_cast %parallel_loop3A_378 : i32 to index
      %parallel_loop3A_380 = arith.index_cast %parallel_loop3A_377 : i32 to index
      %parallel_loop3A_381 = arith.constant 96 : index
      %parallel_loop3A_382 = tpu.vector_load %arg6[%parallel_loop3A_379, %parallel_loop3A_380, %parallel_loop3A_381] {strides = array<i32>} : memref<4x128x128xf32, #tpu.memory_space<vmem>>, vector<1x1x16xf32>,
      %parallel_loop3A_383 = vector.shape_cast %parallel_loop3A_382 : vector<1x1x16xf32> to vector<16xf32>
      %parallel_loop3A_384 = vector.shape_cast %parallel_loop3A_375 : vector<16xf32> to vector<1x1x16xf32>
      tpu.vector_store %arg6[%parallel_loop3A_379, %parallel_loop3A_380, %parallel_loop3A_381], %parallel_loop3A_384 {strides = array<i32>} : memref<4x128x128xf32, #tpu.memory_space<vmem>>, vector<1x1x16xf32>,
      %parallel_loop3A_385 = arith.constant 0 : i32
      %parallel_loop3A_386 = arith.addi %parallel_loop3A_244, %parallel_loop3A_385 : i32
      %parallel_loop3A_387 = arith.constant 1 : i32
      %parallel_loop3A_388 = arith.index_cast %parallel_loop3A_387 : i32 to index
      %parallel_loop3A_389 = arith.index_cast %parallel_loop3A_386 : i32 to index
      %parallel_loop3A_390 = arith.constant 112 : index
      %parallel_loop3A_391 = tpu.vector_load %arg6[%parallel_loop3A_388, %parallel_loop3A_389, %parallel_loop3A_390] {strides = array<i32>} : memref<4x128x128xf32, #tpu.memory_space<vmem>>, vector<1x1x16xf32>,
      %parallel_loop3A_392 = vector.shape_cast %parallel_loop3A_391 : vector<1x1x16xf32> to vector<16xf32>
      %parallel_loop3A_393 = arith.constant 11.3137083 : f32
      %parallel_loop3A_394 = vector.broadcast %parallel_loop3A_393 : f32 to vector<16xf32>
      %parallel_loop3A_395 = arith.mulf %parallel_loop3A_392, %parallel_loop3A_394 : vector<16xf32>
      %parallel_loop3A_396 = arith.constant 0 : i32
      %parallel_loop3A_397 = arith.addi %parallel_loop3A_244, %parallel_loop3A_396 : i32
      %parallel_loop3A_398 = arith.constant 1 : i32
      %parallel_loop3A_399 = arith.index_cast %parallel_loop3A_398 : i32 to index
      %parallel_loop3A_400 = arith.index_cast %parallel_loop3A_397 : i32 to index
      %parallel_loop3A_401 = arith.constant 112 : index
      %parallel_loop3A_402 = tpu.vector_load %arg6[%parallel_loop3A_399, %parallel_loop3A_400, %parallel_loop3A_401] {strides = array<i32>} : memref<4x128x128xf32, #tpu.memory_space<vmem>>, vector<1x1x16xf32>,
      %parallel_loop3A_403 = vector.shape_cast %parallel_loop3A_402 : vector<1x1x16xf32> to vector<16xf32>
      %parallel_loop3A_404 = vector.shape_cast %parallel_loop3A_395 : vector<16xf32> to vector<1x1x16xf32>
      tpu.vector_store %arg6[%parallel_loop3A_399, %parallel_loop3A_400, %parallel_loop3A_401], %parallel_loop3A_404 {strides = array<i32>} : memref<4x128x128xf32, #tpu.memory_space<vmem>>, vector<1x1x16xf32>,
      %parallel_loop3A_405 = arith.constant 1 : i32
      %parallel_loop3A_406 = arith.addi %parallel_loop3A_244, %parallel_loop3A_405 : i32
      %parallel_loop3A_407 = arith.constant 1 : i32
      %parallel_loop3A_408 = arith.index_cast %parallel_loop3A_407 : i32 to index
      %parallel_loop3A_409 = arith.index_cast %parallel_loop3A_406 : i32 to index
      %parallel_loop3A_410 = arith.constant 0 : index
      %parallel_loop3A_411 = tpu.vector_load %arg6[%parallel_loop3A_408, %parallel_loop3A_409, %parallel_loop3A_410] {strides = array<i32>} : memref<4x128x128xf32, #tpu.memory_space<vmem>>, vector<1x1x16xf32>,
      %parallel_loop3A_412 = vector.shape_cast %parallel_loop3A_411 : vector<1x1x16xf32> to vector<16xf32>
      %parallel_loop3A_413 = arith.constant 11.3137083 : f32
      %parallel_loop3A_414 = vector.broadcast %parallel_loop3A_413 : f32 to vector<16xf32>
      %parallel_loop3A_415 = arith.mulf %parallel_loop3A_412, %parallel_loop3A_414 : vector<16xf32>
      %parallel_loop3A_416 = arith.constant 1 : i32
      %parallel_loop3A_417 = arith.addi %parallel_loop3A_244, %parallel_loop3A_416 : i32
      %parallel_loop3A_418 = arith.constant 1 : i32
      %parallel_loop3A_419 = arith.index_cast %parallel_loop3A_418 : i32 to index
      %parallel_loop3A_420 = arith.index_cast %parallel_loop3A_417 : i32 to index
      %parallel_loop3A_421 = arith.constant 0 : index
      %parallel_loop3A_422 = tpu.vector_load %arg6[%parallel_loop3A_419, %parallel_loop3A_420, %parallel_loop3A_421] {strides = array<i32>} : memref<4x128x128xf32, #tpu.memory_space<vmem>>, vector<1x1x16xf32>,
      %parallel_loop3A_423 = vector.shape_cast %parallel_loop3A_422 : vector<1x1x16xf32> to vector<16xf32>
      %parallel_loop3A_424 = vector.shape_cast %parallel_loop3A_415 : vector<16xf32> to vector<1x1x16xf32>
      tpu.vector_store %arg6[%parallel_loop3A_419, %parallel_loop3A_420, %parallel_loop3A_421], %parallel_loop3A_424 {strides = array<i32>} : memref<4x128x128xf32, #tpu.memory_space<vmem>>, vector<1x1x16xf32>,
      %parallel_loop3A_425 = arith.constant 1 : i32
      %parallel_loop3A_426 = arith.addi %parallel_loop3A_244, %parallel_loop3A_425 : i32
      %parallel_loop3A_427 = arith.constant 1 : i32
      %parallel_loop3A_428 = arith.index_cast %parallel_loop3A_427 : i32 to index
      %parallel_loop3A_429 = arith.index_cast %parallel_loop3A_426 : i32 to index
      %parallel_loop3A_430 = arith.constant 16 : index
      %parallel_loop3A_431 = tpu.vector_load %arg6[%parallel_loop3A_428, %parallel_loop3A_429, %parallel_loop3A_430] {strides = array<i32>} : memref<4x128x128xf32, #tpu.memory_space<vmem>>, vector<1x1x16xf32>,
      %parallel_loop3A_432 = vector.shape_cast %parallel_loop3A_431 : vector<1x1x16xf32> to vector<16xf32>
      %parallel_loop3A_433 = arith.constant 11.3137083 : f32
      %parallel_loop3A_434 = vector.broadcast %parallel_loop3A_433 : f32 to vector<16xf32>
      %parallel_loop3A_435 = arith.mulf %parallel_loop3A_432, %parallel_loop3A_434 : vector<16xf32>
      %parallel_loop3A_436 = arith.constant 1 : i32
      %parallel_loop3A_437 = arith.addi %parallel_loop3A_244, %parallel_loop3A_436 : i32
      %parallel_loop3A_438 = arith.constant 1 : i32
      %parallel_loop3A_439 = arith.index_cast %parallel_loop3A_438 : i32 to index
      %parallel_loop3A_440 = arith.index_cast %parallel_loop3A_437 : i32 to index
      %parallel_loop3A_441 = arith.constant 16 : index
      %parallel_loop3A_442 = tpu.vector_load %arg6[%parallel_loop3A_439, %parallel_loop3A_440, %parallel_loop3A_441] {strides = array<i32>} : memref<4x128x128xf32, #tpu.memory_space<vmem>>, vector<1x1x16xf32>,
      %parallel_loop3A_443 = vector.shape_cast %parallel_loop3A_442 : vector<1x1x16xf32> to vector<16xf32>
      %parallel_loop3A_444 = vector.shape_cast %parallel_loop3A_435 : vector<16xf32> to vector<1x1x16xf32>
      tpu.vector_store %arg6[%parallel_loop3A_439, %parallel_loop3A_440, %parallel_loop3A_441], %parallel_loop3A_444 {strides = array<i32>} : memref<4x128x128xf32, #tpu.memory_space<vmem>>, vector<1x1x16xf32>,
      %parallel_loop3A_445 = arith.constant 1 : i32
      %parallel_loop3A_446 = arith.addi %parallel_loop3A_244, %parallel_loop3A_445 : i32
      %parallel_loop3A_447 = arith.constant 1 : i32
      %parallel_loop3A_448 = arith.index_cast %parallel_loop3A_447 : i32 to index
      %parallel_loop3A_449 = arith.index_cast %parallel_loop3A_446 : i32 to index
      %parallel_loop3A_450 = arith.constant 32 : index
      %parallel_loop3A_451 = tpu.vector_load %arg6[%parallel_loop3A_448, %parallel_loop3A_449, %parallel_loop3A_450] {strides = array<i32>} : memref<4x128x128xf32, #tpu.memory_space<vmem>>, vector<1x1x16xf32>,
      %parallel_loop3A_452 = vector.shape_cast %parallel_loop3A_451 : vector<1x1x16xf32> to vector<16xf32>
      %parallel_loop3A_453 = arith.constant 11.3137083 : f32
      %parallel_loop3A_454 = vector.broadcast %parallel_loop3A_453 : f32 to vector<16xf32>
      %parallel_loop3A_455 = arith.mulf %parallel_loop3A_452, %parallel_loop3A_454 : vector<16xf32>
      %parallel_loop3A_456 = arith.constant 1 : i32
      %parallel_loop3A_457 = arith.addi %parallel_loop3A_244, %parallel_loop3A_456 : i32
      %parallel_loop3A_458 = arith.constant 1 : i32
      %parallel_loop3A_459 = arith.index_cast %parallel_loop3A_458 : i32 to index
      %parallel_loop3A_460 = arith.index_cast %parallel_loop3A_457 : i32 to index
      %parallel_loop3A_461 = arith.constant 32 : index
      %parallel_loop3A_462 = tpu.vector_load %arg6[%parallel_loop3A_459, %parallel_loop3A_460, %parallel_loop3A_461] {strides = array<i32>} : memref<4x128x128xf32, #tpu.memory_space<vmem>>, vector<1x1x16xf32>,
      %parallel_loop3A_463 = vector.shape_cast %parallel_loop3A_462 : vector<1x1x16xf32> to vector<16xf32>
      %parallel_loop3A_464 = vector.shape_cast %parallel_loop3A_455 : vector<16xf32> to vector<1x1x16xf32>
      tpu.vector_store %arg6[%parallel_loop3A_459, %parallel_loop3A_460, %parallel_loop3A_461], %parallel_loop3A_464 {strides = array<i32>} : memref<4x128x128xf32, #tpu.memory_space<vmem>>, vector<1x1x16xf32>,
      %parallel_loop3A_465 = arith.constant 1 : i32
      %parallel_loop3A_466 = arith.addi %parallel_loop3A_244, %parallel_loop3A_465 : i32
      %parallel_loop3A_467 = arith.constant 1 : i32
      %parallel_loop3A_468 = arith.index_cast %parallel_loop3A_467 : i32 to index
      %parallel_loop3A_469 = arith.index_cast %parallel_loop3A_466 : i32 to index
      %parallel_loop3A_470 = arith.constant 48 : index
      %parallel_loop3A_471 = tpu.vector_load %arg6[%parallel_loop3A_468, %parallel_loop3A_469, %parallel_loop3A_470] {strides = array<i32>} : memref<4x128x128xf32, #tpu.memory_space<vmem>>, vector<1x1x16xf32>,
      %parallel_loop3A_472 = vector.shape_cast %parallel_loop3A_471 : vector<1x1x16xf32> to vector<16xf32>
      %parallel_loop3A_473 = arith.constant 11.3137083 : f32
      %parallel_loop3A_474 = vector.broadcast %parallel_loop3A_473 : f32 to vector<16xf32>
      %parallel_loop3A_475 = arith.mulf %parallel_loop3A_472, %parallel_loop3A_474 : vector<16xf32>
      %parallel_loop3A_476 = arith.constant 1 : i32
      %parallel_loop3A_477 = arith.addi %parallel_loop3A_244, %parallel_loop3A_476 : i32
      %parallel_loop3A_478 = arith.constant 1 : i32
      %parallel_loop3A_479 = arith.index_cast %parallel_loop3A_478 : i32 to index
      %parallel_loop3A_480 = arith.index_cast %parallel_loop3A_477 : i32 to index
      %parallel_loop3A_481 = arith.constant 48 : index
      %parallel_loop3A_482 = tpu.vector_load %arg6[%parallel_loop3A_479, %parallel_loop3A_480, %parallel_loop3A_481] {strides = array<i32>} : memref<4x128x128xf32, #tpu.memory_space<vmem>>, vector<1x1x16xf32>,
      %parallel_loop3A_483 = vector.shape_cast %parallel_loop3A_482 : vector<1x1x16xf32> to vector<16xf32>
      %parallel_loop3A_484 = vector.shape_cast %parallel_loop3A_475 : vector<16xf32> to vector<1x1x16xf32>
      tpu.vector_store %arg6[%parallel_loop3A_479, %parallel_loop3A_480, %parallel_loop3A_481], %parallel_loop3A_484 {strides = array<i32>} : memref<4x128x128xf32, #tpu.memory_space<vmem>>, vector<1x1x16xf32>,
      %parallel_loop3A_485 = arith.constant 1 : i32
      %parallel_loop3A_486 = arith.addi %parallel_loop3A_244, %parallel_loop3A_485 : i32
      %parallel_loop3A_487 = arith.constant 1 : i32
      %parallel_loop3A_488 = arith.index_cast %parallel_loop3A_487 : i32 to index
      %parallel_loop3A_489 = arith.index_cast %parallel_loop3A_486 : i32 to index
      %parallel_loop3A_490 = arith.constant 64 : index
      %parallel_loop3A_491 = tpu.vector_load %arg6[%parallel_loop3A_488, %parallel_loop3A_489, %parallel_loop3A_490] {strides = array<i32>} : memref<4x128x128xf32, #tpu.memory_space<vmem>>, vector<1x1x16xf32>,
      %parallel_loop3A_492 = vector.shape_cast %parallel_loop3A_491 : vector<1x1x16xf32> to vector<16xf32>
      %parallel_loop3A_493 = arith.constant 11.3137083 : f32
      %parallel_loop3A_494 = vector.broadcast %parallel_loop3A_493 : f32 to vector<16xf32>
      %parallel_loop3A_495 = arith.mulf %parallel_loop3A_492, %parallel_loop3A_494 : vector<16xf32>
      %parallel_loop3A_496 = arith.constant 1 : i32
      %parallel_loop3A_497 = arith.addi %parallel_loop3A_244, %parallel_loop3A_496 : i32
      %parallel_loop3A_498 = arith.constant 1 : i32
      %parallel_loop3A_499 = arith.index_cast %parallel_loop3A_498 : i32 to index
      %parallel_loop3A_500 = arith.index_cast %parallel_loop3A_497 : i32 to index
      %parallel_loop3A_501 = arith.constant 64 : index
      %parallel_loop3A_502 = tpu.vector_load %arg6[%parallel_loop3A_499, %parallel_loop3A_500, %parallel_loop3A_501] {strides = array<i32>} : memref<4x128x128xf32, #tpu.memory_space<vmem>>, vector<1x1x16xf32>,
      %parallel_loop3A_503 = vector.shape_cast %parallel_loop3A_502 : vector<1x1x16xf32> to vector<16xf32>
      %parallel_loop3A_504 = vector.shape_cast %parallel_loop3A_495 : vector<16xf32> to vector<1x1x16xf32>
      tpu.vector_store %arg6[%parallel_loop3A_499, %parallel_loop3A_500, %parallel_loop3A_501], %parallel_loop3A_504 {strides = array<i32>} : memref<4x128x128xf32, #tpu.memory_space<vmem>>, vector<1x1x16xf32>,
      %parallel_loop3A_505 = arith.constant 1 : i32
      %parallel_loop3A_506 = arith.addi %parallel_loop3A_244, %parallel_loop3A_505 : i32
      %parallel_loop3A_507 = arith.constant 1 : i32
      %parallel_loop3A_508 = arith.index_cast %parallel_loop3A_507 : i32 to index
      %parallel_loop3A_509 = arith.index_cast %parallel_loop3A_506 : i32 to index
      %parallel_loop3A_510 = arith.constant 80 : index
      %parallel_loop3A_511 = tpu.vector_load %arg6[%parallel_loop3A_508, %parallel_loop3A_509, %parallel_loop3A_510] {strides = array<i32>} : memref<4x128x128xf32, #tpu.memory_space<vmem>>, vector<1x1x16xf32>,
      %parallel_loop3A_512 = vector.shape_cast %parallel_loop3A_511 : vector<1x1x16xf32> to vector<16xf32>
      %parallel_loop3A_513 = arith.constant 11.3137083 : f32
      %parallel_loop3A_514 = vector.broadcast %parallel_loop3A_513 : f32 to vector<16xf32>
      %parallel_loop3A_515 = arith.mulf %parallel_loop3A_512, %parallel_loop3A_514 : vector<16xf32>
      %parallel_loop3A_516 = arith.constant 1 : i32
      %parallel_loop3A_517 = arith.addi %parallel_loop3A_244, %parallel_loop3A_516 : i32
      %parallel_loop3A_518 = arith.constant 1 : i32
      %parallel_loop3A_519 = arith.index_cast %parallel_loop3A_518 : i32 to index
      %parallel_loop3A_520 = arith.index_cast %parallel_loop3A_517 : i32 to index
      %parallel_loop3A_521 = arith.constant 80 : index
      %parallel_loop3A_522 = tpu.vector_load %arg6[%parallel_loop3A_519, %parallel_loop3A_520, %parallel_loop3A_521] {strides = array<i32>} : memref<4x128x128xf32, #tpu.memory_space<vmem>>, vector<1x1x16xf32>,
      %parallel_loop3A_523 = vector.shape_cast %parallel_loop3A_522 : vector<1x1x16xf32> to vector<16xf32>
      %parallel_loop3A_524 = vector.shape_cast %parallel_loop3A_515 : vector<16xf32> to vector<1x1x16xf32>
      tpu.vector_store %arg6[%parallel_loop3A_519, %parallel_loop3A_520, %parallel_loop3A_521], %parallel_loop3A_524 {strides = array<i32>} : memref<4x128x128xf32, #tpu.memory_space<vmem>>, vector<1x1x16xf32>,
      %parallel_loop3A_525 = arith.constant 1 : i32
      %parallel_loop3A_526 = arith.addi %parallel_loop3A_244, %parallel_loop3A_525 : i32
      %parallel_loop3A_527 = arith.constant 1 : i32
      %parallel_loop3A_528 = arith.index_cast %parallel_loop3A_527 : i32 to index
      %parallel_loop3A_529 = arith.index_cast %parallel_loop3A_526 : i32 to index
      %parallel_loop3A_530 = arith.constant 96 : index
      %parallel_loop3A_531 = tpu.vector_load %arg6[%parallel_loop3A_528, %parallel_loop3A_529, %parallel_loop3A_530] {strides = array<i32>} : memref<4x128x128xf32, #tpu.memory_space<vmem>>, vector<1x1x16xf32>,
      %parallel_loop3A_532 = vector.shape_cast %parallel_loop3A_531 : vector<1x1x16xf32> to vector<16xf32>
      %parallel_loop3A_533 = arith.constant 11.3137083 : f32
      %parallel_loop3A_534 = vector.broadcast %parallel_loop3A_533 : f32 to vector<16xf32>
      %parallel_loop3A_535 = arith.mulf %parallel_loop3A_532, %parallel_loop3A_534 : vector<16xf32>
      %parallel_loop3A_536 = arith.constant 1 : i32
      %parallel_loop3A_537 = arith.addi %parallel_loop3A_244, %parallel_loop3A_536 : i32
      %parallel_loop3A_538 = arith.constant 1 : i32
      %parallel_loop3A_539 = arith.index_cast %parallel_loop3A_538 : i32 to index
      %parallel_loop3A_540 = arith.index_cast %parallel_loop3A_537 : i32 to index
      %parallel_loop3A_541 = arith.constant 96 : index
      %parallel_loop3A_542 = tpu.vector_load %arg6[%parallel_loop3A_539, %parallel_loop3A_540, %parallel_loop3A_541] {strides = array<i32>} : memref<4x128x128xf32, #tpu.memory_space<vmem>>, vector<1x1x16xf32>,
      %parallel_loop3A_543 = vector.shape_cast %parallel_loop3A_542 : vector<1x1x16xf32> to vector<16xf32>
      %parallel_loop3A_544 = vector.shape_cast %parallel_loop3A_535 : vector<16xf32> to vector<1x1x16xf32>
      tpu.vector_store %arg6[%parallel_loop3A_539, %parallel_loop3A_540, %parallel_loop3A_541], %parallel_loop3A_544 {strides = array<i32>} : memref<4x128x128xf32, #tpu.memory_space<vmem>>, vector<1x1x16xf32>,
      %parallel_loop3A_545 = arith.constant 1 : i32
      %parallel_loop3A_546 = arith.addi %parallel_loop3A_244, %parallel_loop3A_545 : i32
      %parallel_loop3A_547 = arith.constant 1 : i32
      %parallel_loop3A_548 = arith.index_cast %parallel_loop3A_547 : i32 to index
      %parallel_loop3A_549 = arith.index_cast %parallel_loop3A_546 : i32 to index
      %parallel_loop3A_550 = arith.constant 112 : index
      %parallel_loop3A_551 = tpu.vector_load %arg6[%parallel_loop3A_548, %parallel_loop3A_549, %parallel_loop3A_550] {strides = array<i32>} : memref<4x128x128xf32, #tpu.memory_space<vmem>>, vector<1x1x16xf32>,
      %parallel_loop3A_552 = vector.shape_cast %parallel_loop3A_551 : vector<1x1x16xf32> to vector<16xf32>
      %parallel_loop3A_553 = arith.constant 11.3137083 : f32
      %parallel_loop3A_554 = vector.broadcast %parallel_loop3A_553 : f32 to vector<16xf32>
      %parallel_loop3A_555 = arith.mulf %parallel_loop3A_552, %parallel_loop3A_554 : vector<16xf32>
      %parallel_loop3A_556 = arith.constant 1 : i32
      %parallel_loop3A_557 = arith.addi %parallel_loop3A_244, %parallel_loop3A_556 : i32
      %parallel_loop3A_558 = arith.constant 1 : i32
      %parallel_loop3A_559 = arith.index_cast %parallel_loop3A_558 : i32 to index
      %parallel_loop3A_560 = arith.index_cast %parallel_loop3A_557 : i32 to index
      %parallel_loop3A_561 = arith.constant 112 : index
      %parallel_loop3A_562 = tpu.vector_load %arg6[%parallel_loop3A_559, %parallel_loop3A_560, %parallel_loop3A_561] {strides = array<i32>} : memref<4x128x128xf32, #tpu.memory_space<vmem>>, vector<1x1x16xf32>,
      %parallel_loop3A_563 = vector.shape_cast %parallel_loop3A_562 : vector<1x1x16xf32> to vector<16xf32>
      %parallel_loop3A_564 = vector.shape_cast %parallel_loop3A_555 : vector<16xf32> to vector<1x1x16xf32>
      tpu.vector_store %arg6[%parallel_loop3A_559, %parallel_loop3A_560, %parallel_loop3A_561], %parallel_loop3A_564 {strides = array<i32>} : memref<4x128x128xf32, #tpu.memory_space<vmem>>, vector<1x1x16xf32>,
    } {sc.loop_unroll_factor = 1 : i64, sc.parallel_access}
    %add3A_84 = arith.constant 128 : i32
    %add3A_85 = arith.addi %mul3A_2, %add3A_84 : i32
    %multiple_of3A_86 = tpu.assume_multiple %add3A_85, 128 : i32
    %dma_start3A_87 = arith.constant 1 : i32
    %dma_start3A_88 = arith.constant 0 : i32
    %dma_start3A_89 = arith.constant 0 : i32
    %dma_start3A_90 = tpu.memref_slice %arg6[%dma_start3A_87, %dma_start3A_88, %dma_start3A_89] : memref<4x128x128xf32, #tpu.memory_space<vmem>> -> memref<1x128x128xf32, #tpu.memory_space<vmem>>
    %dma_start3A_91 = tpu.memref_squeeze %dma_start3A_90 : memref<1x128x128xf32, #tpu.memory_space<vmem>> -> memref<128x128xf32, #tpu.memory_space<vmem>>
    %dma_start3A_92 = arith.constant 0 : i32
    %dma_start3A_93 = tpu.memref_slice %arg4[%multiple_of3A_86, %dma_start3A_92] : memref<819200x128xf32, #tpu.memory_space<hbm>> -> memref<128x128xf32, #tpu.memory_space<hbm>>
    %dma_start3A_94 = arith.constant 0 : i32
    %dma_start3A_95 = tpu.memref_slice %arg4[%multiple_of3A_86, %dma_start3A_94] : memref<819200x128xf32, #tpu.memory_space<hbm>> -> memref<128x128xf32, #tpu.memory_space<hbm>>
    %dma_start3A_96 = arith.constant 0 : i32
    %dma_start3A_97 = arith.constant 0 : i32
    %dma_start3A_98 = tpu.memref_slice %arg6[%dma_start3A_87, %dma_start3A_96, %dma_start3A_97] : memref<4x128x128xf32, #tpu.memory_space<vmem>> -> memref<1x128x128xf32, #tpu.memory_space<vmem>>
    %dma_start3A_99 = tpu.memref_squeeze %dma_start3A_98 : memref<1x128x128xf32, #tpu.memory_space<vmem>> -> memref<128x128xf32, #tpu.memory_space<vmem>>
    tpu.enqueue_dma source(%dma_start3A_99 : memref<128x128xf32, #tpu.memory_space<vmem>>) target(%dma_start3A_95 : memref<128x128xf32, #tpu.memory_space<hbm>>) target_semaphore(%arg12 : memref<!tpu.dma_semaphore, #tpu.memory_space<semaphore_mem>>)
    %multiple_of3A_100 = arith.constant 384 : i32
    %multiple_of3A_101 = tpu.assume_multiple %multiple_of3A_100, 128 : i32
    %dma_start3A_102 = arith.constant 3 : i32
    %dma_start3A_103 = arith.constant 0 : i32
    %dma_start3A_104 = arith.constant 0 : i32
    %dma_start3A_105 = tpu.memref_slice %arg6[%dma_start3A_102, %dma_start3A_103, %dma_start3A_104] : memref<4x128x128xf32, #tpu.memory_space<vmem>> -> memref<1x128x128xf32, #tpu.memory_space<vmem>>
    %dma_start3A_106 = tpu.memref_squeeze %dma_start3A_105 : memref<1x128x128xf32, #tpu.memory_space<vmem>> -> memref<128x128xf32, #tpu.memory_space<vmem>>
    %dma_start3A_107 = tpu.memref_slice %arg5[%multiple_of3A_101] : memref<25600xi32, #tpu.memory_space<vmem>> -> memref<128xi32, #tpu.memory_space<vmem>>
    %dma_start3A_108 = arith.constant 0 : i32
    %dma_start3A_109 = arith.constant 0 : i32
    %dma_start3A_110 = tpu.memref_slice %arg3[%dma_start3A_108, %dma_start3A_109] : memref<100000x128xf32, #tpu.memory_space<hbm>> -> memref<100000x128xf32, #tpu.memory_space<hbm>>
    tpu.enqueue_indirect_dma source(%dma_start3A_110 : memref<100000x128xf32, #tpu.memory_space<hbm>>) target(%dma_start3A_106 : memref<128x128xf32, #tpu.memory_space<vmem>>) offsets(%dma_start3A_107 : memref<128xi32, #tpu.memory_space<vmem>>) semaphore(%arg10 : memref<!tpu.dma_semaphore, #tpu.memory_space<semaphore_mem>>)
    %scan3A = arith.constant 0 : i32
    %scan3A_111 = arith.constant 0 : i32
    %scan3A_112 = arith.constant 49 : i32
    %scan3A_113 = arith.addi %scan3A_111, %scan3A_112 : i32
    %scan3A_114 = arith.constant 1 : i32
    scf.for %scan3A_244 = %scan3A_111 to %scan3A_113 step %scan3A_114  : i32 {
      %mul3A_245 = arith.constant 4 : i32
      %mul3A_246 = arith.muli %scan3A_244, %mul3A_245 : i32
      %add3A_247 = arith.constant 2 : i32
      %add3A_248 = arith.addi %mul3A_246, %add3A_247 : i32
      %dma_wait3A_249 = arith.constant 2 : i32
      %dma_wait3A_250 = arith.constant 0 : i32
      %dma_wait3A_251 = arith.constant 0 : i32
      %dma_wait3A_252 = tpu.memref_slice %arg6[%dma_wait3A_249, %dma_wait3A_250, %dma_wait3A_251] : memref<4x128x128xf32, #tpu.memory_space<vmem>> -> memref<1x128x128xf32, #tpu.memory_space<vmem>>
      %dma_wait3A_253 = tpu.memref_squeeze %dma_wait3A_252 : memref<1x128x128xf32, #tpu.memory_space<vmem>> -> memref<128x128xf32, #tpu.memory_space<vmem>>
      %dma_wait3A_254 = arith.constant 0 : i32
      %dma_wait3A_255 = arith.constant 0 : i32
      %dma_wait3A_256 = tpu.memref_slice %arg3[%dma_wait3A_254, %dma_wait3A_255] : memref<100000x128xf32, #tpu.memory_space<hbm>> -> memref<128x128xf32, #tpu.memory_space<hbm>>
      %dma_wait3A_257 = arith.constant 0 : i32
      %dma_wait3A_258 = arith.constant 0 : i32
      %dma_wait3A_259 = tpu.memref_slice %arg6[%dma_wait3A_249, %dma_wait3A_257, %dma_wait3A_258] : memref<4x128x128xf32, #tpu.memory_space<vmem>> -> memref<1x128x128xf32, #tpu.memory_space<vmem>>
      %dma_wait3A_260 = tpu.memref_squeeze %dma_wait3A_259 : memref<1x128x128xf32, #tpu.memory_space<vmem>> -> memref<128x128xf32, #tpu.memory_space<vmem>>
      %dma_wait3A_261 = arith.constant 0 : i32
      %dma_wait3A_262 = arith.constant 0 : i32
      %dma_wait3A_263 = tpu.memref_slice %arg3[%dma_wait3A_261, %dma_wait3A_262] : memref<100000x128xf32, #tpu.memory_space<hbm>> -> memref<128x128xf32, #tpu.memory_space<hbm>>
      tpu.wait_dma2 semaphore(%arg9 : memref<!tpu.dma_semaphore, #tpu.memory_space<semaphore_mem>>) src(%dma_wait3A_263 : memref<128x128xf32, #tpu.memory_space<hbm>>) dst(%dma_wait3A_260 : memref<128x128xf32, #tpu.memory_space<vmem>>)
      %parallel_loop3A_264 = arith.constant 0 : i32
      %parallel_loop3A_265 = arith.constant 128 : i32
      %parallel_loop3A_266 = arith.constant 2 : i32
      scf.for %parallel_loop3A_517 = %parallel_loop3A_264 to %parallel_loop3A_265 step %parallel_loop3A_266  : i32 {
        %parallel_loop3A_518 = arith.constant 0 : i32
        %parallel_loop3A_519 = arith.addi %parallel_loop3A_517, %parallel_loop3A_518 : i32
        %parallel_loop3A_520 = arith.constant 2 : i32
        %parallel_loop3A_521 = arith.index_cast %parallel_loop3A_520 : i32 to index
        %parallel_loop3A_522 = arith.index_cast %parallel_loop3A_519 : i32 to index
        %parallel_loop3A_523 = arith.constant 0 : index
        %parallel_loop3A_524 = tpu.vector_load %arg6[%parallel_loop3A_521, %parallel_loop3A_522, %parallel_loop3A_523] {strides = array<i32>} : memref<4x128x128xf32, #tpu.memory_space<vmem>>, vector<1x1x16xf32>,
        %parallel_loop3A_525 = vector.shape_cast %parallel_loop3A_524 : vector<1x1x16xf32> to vector<16xf32>
        %parallel_loop3A_526 = arith.constant 11.3137083 : f32
        %parallel_loop3A_527 = vector.broadcast %parallel_loop3A_526 : f32 to vector<16xf32>
        %parallel_loop3A_528 = arith.mulf %parallel_loop3A_525, %parallel_loop3A_527 : vector<16xf32>
        %parallel_loop3A_529 = arith.constant 0 : i32
        %parallel_loop3A_530 = arith.addi %parallel_loop3A_517, %parallel_loop3A_529 : i32
        %parallel_loop3A_531 = arith.constant 2 : i32
        %parallel_loop3A_532 = arith.index_cast %parallel_loop3A_531 : i32 to index
        %parallel_loop3A_533 = arith.index_cast %parallel_loop3A_530 : i32 to index
        %parallel_loop3A_534 = arith.constant 0 : index
        %parallel_loop3A_535 = tpu.vector_load %arg6[%parallel_loop3A_532, %parallel_loop3A_533, %parallel_loop3A_534] {strides = array<i32>} : memref<4x128x128xf32, #tpu.memory_space<vmem>>, vector<1x1x16xf32>,
        %parallel_loop3A_536 = vector.shape_cast %parallel_loop3A_535 : vector<1x1x16xf32> to vector<16xf32>
        %parallel_loop3A_537 = vector.shape_cast %parallel_loop3A_528 : vector<16xf32> to vector<1x1x16xf32>
        tpu.vector_store %arg6[%parallel_loop3A_532, %parallel_loop3A_533, %parallel_loop3A_534], %parallel_loop3A_537 {strides = array<i32>} : memref<4x128x128xf32, #tpu.memory_space<vmem>>, vector<1x1x16xf32>,
        %parallel_loop3A_538 = arith.constant 0 : i32
        %parallel_loop3A_539 = arith.addi %parallel_loop3A_517, %parallel_loop3A_538 : i32
        %parallel_loop3A_540 = arith.constant 2 : i32
        %parallel_loop3A_541 = arith.index_cast %parallel_loop3A_540 : i32 to index
        %parallel_loop3A_542 = arith.index_cast %parallel_loop3A_539 : i32 to index
        %parallel_loop3A_543 = arith.constant 16 : index
        %parallel_loop3A_544 = tpu.vector_load %arg6[%parallel_loop3A_541, %parallel_loop3A_542, %parallel_loop3A_543] {strides = array<i32>} : memref<4x128x128xf32, #tpu.memory_space<vmem>>, vector<1x1x16xf32>,
        %parallel_loop3A_545 = vector.shape_cast %parallel_loop3A_544 : vector<1x1x16xf32> to vector<16xf32>
        %parallel_loop3A_546 = arith.constant 11.3137083 : f32
        %parallel_loop3A_547 = vector.broadcast %parallel_loop3A_546 : f32 to vector<16xf32>
        %parallel_loop3A_548 = arith.mulf %parallel_loop3A_545, %parallel_loop3A_547 : vector<16xf32>
        %parallel_loop3A_549 = arith.constant 0 : i32
        %parallel_loop3A_550 = arith.addi %parallel_loop3A_517, %parallel_loop3A_549 : i32
        %parallel_loop3A_551 = arith.constant 2 : i32
        %parallel_loop3A_552 = arith.index_cast %parallel_loop3A_551 : i32 to index
        %parallel_loop3A_553 = arith.index_cast %parallel_loop3A_550 : i32 to index
        %parallel_loop3A_554 = arith.constant 16 : index
        %parallel_loop3A_555 = tpu.vector_load %arg6[%parallel_loop3A_552, %parallel_loop3A_553, %parallel_loop3A_554] {strides = array<i32>} : memref<4x128x128xf32, #tpu.memory_space<vmem>>, vector<1x1x16xf32>,
        %parallel_loop3A_556 = vector.shape_cast %parallel_loop3A_555 : vector<1x1x16xf32> to vector<16xf32>
        %parallel_loop3A_557 = vector.shape_cast %parallel_loop3A_548 : vector<16xf32> to vector<1x1x16xf32>
        tpu.vector_store %arg6[%parallel_loop3A_552, %parallel_loop3A_553, %parallel_loop3A_554], %parallel_loop3A_557 {strides = array<i32>} : memref<4x128x128xf32, #tpu.memory_space<vmem>>, vector<1x1x16xf32>,
        %parallel_loop3A_558 = arith.constant 0 : i32
        %parallel_loop3A_559 = arith.addi %parallel_loop3A_517, %parallel_loop3A_558 : i32
        %parallel_loop3A_560 = arith.constant 2 : i32
        %parallel_loop3A_561 = arith.index_cast %parallel_loop3A_560 : i32 to index
        %parallel_loop3A_562 = arith.index_cast %parallel_loop3A_559 : i32 to index
        %parallel_loop3A_563 = arith.constant 32 : index
        %parallel_loop3A_564 = tpu.vector_load %arg6[%parallel_loop3A_561, %parallel_loop3A_562, %parallel_loop3A_563] {strides = array<i32>} : memref<4x128x128xf32, #tpu.memory_space<vmem>>, vector<1x1x16xf32>,
        %parallel_loop3A_565 = vector.shape_cast %parallel_loop3A_564 : vector<1x1x16xf32> to vector<16xf32>
        %parallel_loop3A_566 = arith.constant 11.3137083 : f32
        %parallel_loop3A_567 = vector.broadcast %parallel_loop3A_566 : f32 to vector<16xf32>
        %parallel_loop3A_568 = arith.mulf %parallel_loop3A_565, %parallel_loop3A_567 : vector<16xf32>
        %parallel_loop3A_569 = arith.constant 0 : i32
        %parallel_loop3A_570 = arith.addi %parallel_loop3A_517, %parallel_loop3A_569 : i32
        %parallel_loop3A_571 = arith.constant 2 : i32
        %parallel_loop3A_572 = arith.index_cast %parallel_loop3A_571 : i32 to index
        %parallel_loop3A_573 = arith.index_cast %parallel_loop3A_570 : i32 to index
        %parallel_loop3A_574 = arith.constant 32 : index
        %parallel_loop3A_575 = tpu.vector_load %arg6[%parallel_loop3A_572, %parallel_loop3A_573, %parallel_loop3A_574] {strides = array<i32>} : memref<4x128x128xf32, #tpu.memory_space<vmem>>, vector<1x1x16xf32>,
        %parallel_loop3A_576 = vector.shape_cast %parallel_loop3A_575 : vector<1x1x16xf32> to vector<16xf32>
        %parallel_loop3A_577 = vector.shape_cast %parallel_loop3A_568 : vector<16xf32> to vector<1x1x16xf32>
        tpu.vector_store %arg6[%parallel_loop3A_572, %parallel_loop3A_573, %parallel_loop3A_574], %parallel_loop3A_577 {strides = array<i32>} : memref<4x128x128xf32, #tpu.memory_space<vmem>>, vector<1x1x16xf32>,
        %parallel_loop3A_578 = arith.constant 0 : i32
        %parallel_loop3A_579 = arith.addi %parallel_loop3A_517, %parallel_loop3A_578 : i32
        %parallel_loop3A_580 = arith.constant 2 : i32
        %parallel_loop3A_581 = arith.index_cast %parallel_loop3A_580 : i32 to index
        %parallel_loop3A_582 = arith.index_cast %parallel_loop3A_579 : i32 to index
        %parallel_loop3A_583 = arith.constant 48 : index
        %parallel_loop3A_584 = tpu.vector_load %arg6[%parallel_loop3A_581, %parallel_loop3A_582, %parallel_loop3A_583] {strides = array<i32>} : memref<4x128x128xf32, #tpu.memory_space<vmem>>, vector<1x1x16xf32>,
        %parallel_loop3A_585 = vector.shape_cast %parallel_loop3A_584 : vector<1x1x16xf32> to vector<16xf32>
        %parallel_loop3A_586 = arith.constant 11.3137083 : f32
        %parallel_loop3A_587 = vector.broadcast %parallel_loop3A_586 : f32 to vector<16xf32>
        %parallel_loop3A_588 = arith.mulf %parallel_loop3A_585, %parallel_loop3A_587 : vector<16xf32>
        %parallel_loop3A_589 = arith.constant 0 : i32
        %parallel_loop3A_590 = arith.addi %parallel_loop3A_517, %parallel_loop3A_589 : i32
        %parallel_loop3A_591 = arith.constant 2 : i32
        %parallel_loop3A_592 = arith.index_cast %parallel_loop3A_591 : i32 to index
        %parallel_loop3A_593 = arith.index_cast %parallel_loop3A_590 : i32 to index
        %parallel_loop3A_594 = arith.constant 48 : index
        %parallel_loop3A_595 = tpu.vector_load %arg6[%parallel_loop3A_592, %parallel_loop3A_593, %parallel_loop3A_594] {strides = array<i32>} : memref<4x128x128xf32, #tpu.memory_space<vmem>>, vector<1x1x16xf32>,
        %parallel_loop3A_596 = vector.shape_cast %parallel_loop3A_595 : vector<1x1x16xf32> to vector<16xf32>
        %parallel_loop3A_597 = vector.shape_cast %parallel_loop3A_588 : vector<16xf32> to vector<1x1x16xf32>
        tpu.vector_store %arg6[%parallel_loop3A_592, %parallel_loop3A_593, %parallel_loop3A_594], %parallel_loop3A_597 {strides = array<i32>} : memref<4x128x128xf32, #tpu.memory_space<vmem>>, vector<1x1x16xf32>,
        %parallel_loop3A_598 = arith.constant 0 : i32
        %parallel_loop3A_599 = arith.addi %parallel_loop3A_517, %parallel_loop3A_598 : i32
        %parallel_loop3A_600 = arith.constant 2 : i32
        %parallel_loop3A_601 = arith.index_cast %parallel_loop3A_600 : i32 to index
        %parallel_loop3A_602 = arith.index_cast %parallel_loop3A_599 : i32 to index
        %parallel_loop3A_603 = arith.constant 64 : index
        %parallel_loop3A_604 = tpu.vector_load %arg6[%parallel_loop3A_601, %parallel_loop3A_602, %parallel_loop3A_603] {strides = array<i32>} : memref<4x128x128xf32, #tpu.memory_space<vmem>>, vector<1x1x16xf32>,
        %parallel_loop3A_605 = vector.shape_cast %parallel_loop3A_604 : vector<1x1x16xf32> to vector<16xf32>
        %parallel_loop3A_606 = arith.constant 11.3137083 : f32
        %parallel_loop3A_607 = vector.broadcast %parallel_loop3A_606 : f32 to vector<16xf32>
        %parallel_loop3A_608 = arith.mulf %parallel_loop3A_605, %parallel_loop3A_607 : vector<16xf32>
        %parallel_loop3A_609 = arith.constant 0 : i32
        %parallel_loop3A_610 = arith.addi %parallel_loop3A_517, %parallel_loop3A_609 : i32
        %parallel_loop3A_611 = arith.constant 2 : i32
        %parallel_loop3A_612 = arith.index_cast %parallel_loop3A_611 : i32 to index
        %parallel_loop3A_613 = arith.index_cast %parallel_loop3A_610 : i32 to index
        %parallel_loop3A_614 = arith.constant 64 : index
        %parallel_loop3A_615 = tpu.vector_load %arg6[%parallel_loop3A_612, %parallel_loop3A_613, %parallel_loop3A_614] {strides = array<i32>} : memref<4x128x128xf32, #tpu.memory_space<vmem>>, vector<1x1x16xf32>,
        %parallel_loop3A_616 = vector.shape_cast %parallel_loop3A_615 : vector<1x1x16xf32> to vector<16xf32>
        %parallel_loop3A_617 = vector.shape_cast %parallel_loop3A_608 : vector<16xf32> to vector<1x1x16xf32>
        tpu.vector_store %arg6[%parallel_loop3A_612, %parallel_loop3A_613, %parallel_loop3A_614], %parallel_loop3A_617 {strides = array<i32>} : memref<4x128x128xf32, #tpu.memory_space<vmem>>, vector<1x1x16xf32>,
        %parallel_loop3A_618 = arith.constant 0 : i32
        %parallel_loop3A_619 = arith.addi %parallel_loop3A_517, %parallel_loop3A_618 : i32
        %parallel_loop3A_620 = arith.constant 2 : i32
        %parallel_loop3A_621 = arith.index_cast %parallel_loop3A_620 : i32 to index
        %parallel_loop3A_622 = arith.index_cast %parallel_loop3A_619 : i32 to index
        %parallel_loop3A_623 = arith.constant 80 : index
        %parallel_loop3A_624 = tpu.vector_load %arg6[%parallel_loop3A_621, %parallel_loop3A_622, %parallel_loop3A_623] {strides = array<i32>} : memref<4x128x128xf32, #tpu.memory_space<vmem>>, vector<1x1x16xf32>,
        %parallel_loop3A_625 = vector.shape_cast %parallel_loop3A_624 : vector<1x1x16xf32> to vector<16xf32>
        %parallel_loop3A_626 = arith.constant 11.3137083 : f32
        %parallel_loop3A_627 = vector.broadcast %parallel_loop3A_626 : f32 to vector<16xf32>
        %parallel_loop3A_628 = arith.mulf %parallel_loop3A_625, %parallel_loop3A_627 : vector<16xf32>
        %parallel_loop3A_629 = arith.constant 0 : i32
        %parallel_loop3A_630 = arith.addi %parallel_loop3A_517, %parallel_loop3A_629 : i32
        %parallel_loop3A_631 = arith.constant 2 : i32
        %parallel_loop3A_632 = arith.index_cast %parallel_loop3A_631 : i32 to index
        %parallel_loop3A_633 = arith.index_cast %parallel_loop3A_630 : i32 to index
        %parallel_loop3A_634 = arith.constant 80 : index
        %parallel_loop3A_635 = tpu.vector_load %arg6[%parallel_loop3A_632, %parallel_loop3A_633, %parallel_loop3A_634] {strides = array<i32>} : memref<4x128x128xf32, #tpu.memory_space<vmem>>, vector<1x1x16xf32>,
        %parallel_loop3A_636 = vector.shape_cast %parallel_loop3A_635 : vector<1x1x16xf32> to vector<16xf32>
        %parallel_loop3A_637 = vector.shape_cast %parallel_loop3A_628 : vector<16xf32> to vector<1x1x16xf32>
        tpu.vector_store %arg6[%parallel_loop3A_632, %parallel_loop3A_633, %parallel_loop3A_634], %parallel_loop3A_637 {strides = array<i32>} : memref<4x128x128xf32, #tpu.memory_space<vmem>>, vector<1x1x16xf32>,
        %parallel_loop3A_638 = arith.constant 0 : i32
        %parallel_loop3A_639 = arith.addi %parallel_loop3A_517, %parallel_loop3A_638 : i32
        %parallel_loop3A_640 = arith.constant 2 : i32
        %parallel_loop3A_641 = arith.index_cast %parallel_loop3A_640 : i32 to index
        %parallel_loop3A_642 = arith.index_cast %parallel_loop3A_639 : i32 to index
        %parallel_loop3A_643 = arith.constant 96 : index
        %parallel_loop3A_644 = tpu.vector_load %arg6[%parallel_loop3A_641, %parallel_loop3A_642, %parallel_loop3A_643] {strides = array<i32>} : memref<4x128x128xf32, #tpu.memory_space<vmem>>, vector<1x1x16xf32>,
        %parallel_loop3A_645 = vector.shape_cast %parallel_loop3A_644 : vector<1x1x16xf32> to vector<16xf32>
        %parallel_loop3A_646 = arith.constant 11.3137083 : f32
        %parallel_loop3A_647 = vector.broadcast %parallel_loop3A_646 : f32 to vector<16xf32>
        %parallel_loop3A_648 = arith.mulf %parallel_loop3A_645, %parallel_loop3A_647 : vector<16xf32>
        %parallel_loop3A_649 = arith.constant 0 : i32
        %parallel_loop3A_650 = arith.addi %parallel_loop3A_517, %parallel_loop3A_649 : i32
        %parallel_loop3A_651 = arith.constant 2 : i32
        %parallel_loop3A_652 = arith.index_cast %parallel_loop3A_651 : i32 to index
        %parallel_loop3A_653 = arith.index_cast %parallel_loop3A_650 : i32 to index
        %parallel_loop3A_654 = arith.constant 96 : index
        %parallel_loop3A_655 = tpu.vector_load %arg6[%parallel_loop3A_652, %parallel_loop3A_653, %parallel_loop3A_654] {strides = array<i32>} : memref<4x128x128xf32, #tpu.memory_space<vmem>>, vector<1x1x16xf32>,
        %parallel_loop3A_656 = vector.shape_cast %parallel_loop3A_655 : vector<1x1x16xf32> to vector<16xf32>
        %parallel_loop3A_657 = vector.shape_cast %parallel_loop3A_648 : vector<16xf32> to vector<1x1x16xf32>
        tpu.vector_store %arg6[%parallel_loop3A_652, %parallel_loop3A_653, %parallel_loop3A_654], %parallel_loop3A_657 {strides = array<i32>} : memref<4x128x128xf32, #tpu.memory_space<vmem>>, vector<1x1x16xf32>,
        %parallel_loop3A_658 = arith.constant 0 : i32
        %parallel_loop3A_659 = arith.addi %parallel_loop3A_517, %parallel_loop3A_658 : i32
        %parallel_loop3A_660 = arith.constant 2 : i32
        %parallel_loop3A_661 = arith.index_cast %parallel_loop3A_660 : i32 to index
        %parallel_loop3A_662 = arith.index_cast %parallel_loop3A_659 : i32 to index
        %parallel_loop3A_663 = arith.constant 112 : index
        %parallel_loop3A_664 = tpu.vector_load %arg6[%parallel_loop3A_661, %parallel_loop3A_662, %parallel_loop3A_663] {strides = array<i32>} : memref<4x128x128xf32, #tpu.memory_space<vmem>>, vector<1x1x16xf32>,
        %parallel_loop3A_665 = vector.shape_cast %parallel_loop3A_664 : vector<1x1x16xf32> to vector<16xf32>
        %parallel_loop3A_666 = arith.constant 11.3137083 : f32
        %parallel_loop3A_667 = vector.broadcast %parallel_loop3A_666 : f32 to vector<16xf32>
        %parallel_loop3A_668 = arith.mulf %parallel_loop3A_665, %parallel_loop3A_667 : vector<16xf32>
        %parallel_loop3A_669 = arith.constant 0 : i32
        %parallel_loop3A_670 = arith.addi %parallel_loop3A_517, %parallel_loop3A_669 : i32
        %parallel_loop3A_671 = arith.constant 2 : i32
        %parallel_loop3A_672 = arith.index_cast %parallel_loop3A_671 : i32 to index
        %parallel_loop3A_673 = arith.index_cast %parallel_loop3A_670 : i32 to index
        %parallel_loop3A_674 = arith.constant 112 : index
        %parallel_loop3A_675 = tpu.vector_load %arg6[%parallel_loop3A_672, %parallel_loop3A_673, %parallel_loop3A_674] {strides = array<i32>} : memref<4x128x128xf32, #tpu.memory_space<vmem>>, vector<1x1x16xf32>,
        %parallel_loop3A_676 = vector.shape_cast %parallel_loop3A_675 : vector<1x1x16xf32> to vector<16xf32>
        %parallel_loop3A_677 = vector.shape_cast %parallel_loop3A_668 : vector<16xf32> to vector<1x1x16xf32>
        tpu.vector_store %arg6[%parallel_loop3A_672, %parallel_loop3A_673, %parallel_loop3A_674], %parallel_loop3A_677 {strides = array<i32>} : memref<4x128x128xf32, #tpu.memory_space<vmem>>, vector<1x1x16xf32>,
        %parallel_loop3A_678 = arith.constant 1 : i32
        %parallel_loop3A_679 = arith.addi %parallel_loop3A_517, %parallel_loop3A_678 : i32
        %parallel_loop3A_680 = arith.constant 2 : i32
        %parallel_loop3A_681 = arith.index_cast %parallel_loop3A_680 : i32 to index
        %parallel_loop3A_682 = arith.index_cast %parallel_loop3A_679 : i32 to index
        %parallel_loop3A_683 = arith.constant 0 : index
        %parallel_loop3A_684 = tpu.vector_load %arg6[%parallel_loop3A_681, %parallel_loop3A_682, %parallel_loop3A_683] {strides = array<i32>} : memref<4x128x128xf32, #tpu.memory_space<vmem>>, vector<1x1x16xf32>,
        %parallel_loop3A_685 = vector.shape_cast %parallel_loop3A_684 : vector<1x1x16xf32> to vector<16xf32>
        %parallel_loop3A_686 = arith.constant 11.3137083 : f32
        %parallel_loop3A_687 = vector.broadcast %parallel_loop3A_686 : f32 to vector<16xf32>
        %parallel_loop3A_688 = arith.mulf %parallel_loop3A_685, %parallel_loop3A_687 : vector<16xf32>
        %parallel_loop3A_689 = arith.constant 1 : i32
        %parallel_loop3A_690 = arith.addi %parallel_loop3A_517, %parallel_loop3A_689 : i32
        %parallel_loop3A_691 = arith.constant 2 : i32
        %parallel_loop3A_692 = arith.index_cast %parallel_loop3A_691 : i32 to index
        %parallel_loop3A_693 = arith.index_cast %parallel_loop3A_690 : i32 to index
        %parallel_loop3A_694 = arith.constant 0 : index
        %parallel_loop3A_695 = tpu.vector_load %arg6[%parallel_loop3A_692, %parallel_loop3A_693, %parallel_loop3A_694] {strides = array<i32>} : memref<4x128x128xf32, #tpu.memory_space<vmem>>, vector<1x1x16xf32>,
        %parallel_loop3A_696 = vector.shape_cast %parallel_loop3A_695 : vector<1x1x16xf32> to vector<16xf32>
        %parallel_loop3A_697 = vector.shape_cast %parallel_loop3A_688 : vector<16xf32> to vector<1x1x16xf32>
        tpu.vector_store %arg6[%parallel_loop3A_692, %parallel_loop3A_693, %parallel_loop3A_694], %parallel_loop3A_697 {strides = array<i32>} : memref<4x128x128xf32, #tpu.memory_space<vmem>>, vector<1x1x16xf32>,
        %parallel_loop3A_698 = arith.constant 1 : i32
        %parallel_loop3A_699 = arith.addi %parallel_loop3A_517, %parallel_loop3A_698 : i32
        %parallel_loop3A_700 = arith.constant 2 : i32
        %parallel_loop3A_701 = arith.index_cast %parallel_loop3A_700 : i32 to index
        %parallel_loop3A_702 = arith.index_cast %parallel_loop3A_699 : i32 to index
        %parallel_loop3A_703 = arith.constant 16 : index
        %parallel_loop3A_704 = tpu.vector_load %arg6[%parallel_loop3A_701, %parallel_loop3A_702, %parallel_loop3A_703] {strides = array<i32>} : memref<4x128x128xf32, #tpu.memory_space<vmem>>, vector<1x1x16xf32>,
        %parallel_loop3A_705 = vector.shape_cast %parallel_loop3A_704 : vector<1x1x16xf32> to vector<16xf32>
        %parallel_loop3A_706 = arith.constant 11.3137083 : f32
        %parallel_loop3A_707 = vector.broadcast %parallel_loop3A_706 : f32 to vector<16xf32>
        %parallel_loop3A_708 = arith.mulf %parallel_loop3A_705, %parallel_loop3A_707 : vector<16xf32>
        %parallel_loop3A_709 = arith.constant 1 : i32
        %parallel_loop3A_710 = arith.addi %parallel_loop3A_517, %parallel_loop3A_709 : i32
        %parallel_loop3A_711 = arith.constant 2 : i32
        %parallel_loop3A_712 = arith.index_cast %parallel_loop3A_711 : i32 to index
        %parallel_loop3A_713 = arith.index_cast %parallel_loop3A_710 : i32 to index
        %parallel_loop3A_714 = arith.constant 16 : index
        %parallel_loop3A_715 = tpu.vector_load %arg6[%parallel_loop3A_712, %parallel_loop3A_713, %parallel_loop3A_714] {strides = array<i32>} : memref<4x128x128xf32, #tpu.memory_space<vmem>>, vector<1x1x16xf32>,
        %parallel_loop3A_716 = vector.shape_cast %parallel_loop3A_715 : vector<1x1x16xf32> to vector<16xf32>
        %parallel_loop3A_717 = vector.shape_cast %parallel_loop3A_708 : vector<16xf32> to vector<1x1x16xf32>
        tpu.vector_store %arg6[%parallel_loop3A_712, %parallel_loop3A_713, %parallel_loop3A_714], %parallel_loop3A_717 {strides = array<i32>} : memref<4x128x128xf32, #tpu.memory_space<vmem>>, vector<1x1x16xf32>,
        %parallel_loop3A_718 = arith.constant 1 : i32
        %parallel_loop3A_719 = arith.addi %parallel_loop3A_517, %parallel_loop3A_718 : i32
        %parallel_loop3A_720 = arith.constant 2 : i32
        %parallel_loop3A_721 = arith.index_cast %parallel_loop3A_720 : i32 to index
        %parallel_loop3A_722 = arith.index_cast %parallel_loop3A_719 : i32 to index
        %parallel_loop3A_723 = arith.constant 32 : index
        %parallel_loop3A_724 = tpu.vector_load %arg6[%parallel_loop3A_721, %parallel_loop3A_722, %parallel_loop3A_723] {strides = array<i32>} : memref<4x128x128xf32, #tpu.memory_space<vmem>>, vector<1x1x16xf32>,
        %parallel_loop3A_725 = vector.shape_cast %parallel_loop3A_724 : vector<1x1x16xf32> to vector<16xf32>
        %parallel_loop3A_726 = arith.constant 11.3137083 : f32
        %parallel_loop3A_727 = vector.broadcast %parallel_loop3A_726 : f32 to vector<16xf32>
        %parallel_loop3A_728 = arith.mulf %parallel_loop3A_725, %parallel_loop3A_727 : vector<16xf32>
        %parallel_loop3A_729 = arith.constant 1 : i32
        %parallel_loop3A_730 = arith.addi %parallel_loop3A_517, %parallel_loop3A_729 : i32
        %parallel_loop3A_731 = arith.constant 2 : i32
        %parallel_loop3A_732 = arith.index_cast %parallel_loop3A_731 : i32 to index
        %parallel_loop3A_733 = arith.index_cast %parallel_loop3A_730 : i32 to index
        %parallel_loop3A_734 = arith.constant 32 : index
        %parallel_loop3A_735 = tpu.vector_load %arg6[%parallel_loop3A_732, %parallel_loop3A_733, %parallel_loop3A_734] {strides = array<i32>} : memref<4x128x128xf32, #tpu.memory_space<vmem>>, vector<1x1x16xf32>,
        %parallel_loop3A_736 = vector.shape_cast %parallel_loop3A_735 : vector<1x1x16xf32> to vector<16xf32>
        %parallel_loop3A_737 = vector.shape_cast %parallel_loop3A_728 : vector<16xf32> to vector<1x1x16xf32>
        tpu.vector_store %arg6[%parallel_loop3A_732, %parallel_loop3A_733, %parallel_loop3A_734], %parallel_loop3A_737 {strides = array<i32>} : memref<4x128x128xf32, #tpu.memory_space<vmem>>, vector<1x1x16xf32>,
        %parallel_loop3A_738 = arith.constant 1 : i32
        %parallel_loop3A_739 = arith.addi %parallel_loop3A_517, %parallel_loop3A_738 : i32
        %parallel_loop3A_740 = arith.constant 2 : i32
        %parallel_loop3A_741 = arith.index_cast %parallel_loop3A_740 : i32 to index
        %parallel_loop3A_742 = arith.index_cast %parallel_loop3A_739 : i32 to index
        %parallel_loop3A_743 = arith.constant 48 : index
        %parallel_loop3A_744 = tpu.vector_load %arg6[%parallel_loop3A_741, %parallel_loop3A_742, %parallel_loop3A_743] {strides = array<i32>} : memref<4x128x128xf32, #tpu.memory_space<vmem>>, vector<1x1x16xf32>,
        %parallel_loop3A_745 = vector.shape_cast %parallel_loop3A_744 : vector<1x1x16xf32> to vector<16xf32>
        %parallel_loop3A_746 = arith.constant 11.3137083 : f32
        %parallel_loop3A_747 = vector.broadcast %parallel_loop3A_746 : f32 to vector<16xf32>
        %parallel_loop3A_748 = arith.mulf %parallel_loop3A_745, %parallel_loop3A_747 : vector<16xf32>
        %parallel_loop3A_749 = arith.constant 1 : i32
        %parallel_loop3A_750 = arith.addi %parallel_loop3A_517, %parallel_loop3A_749 : i32
        %parallel_loop3A_751 = arith.constant 2 : i32
        %parallel_loop3A_752 = arith.index_cast %parallel_loop3A_751 : i32 to index
        %parallel_loop3A_753 = arith.index_cast %parallel_loop3A_750 : i32 to index
        %parallel_loop3A_754 = arith.constant 48 : index
        %parallel_loop3A_755 = tpu.vector_load %arg6[%parallel_loop3A_752, %parallel_loop3A_753, %parallel_loop3A_754] {strides = array<i32>} : memref<4x128x128xf32, #tpu.memory_space<vmem>>, vector<1x1x16xf32>,
        %parallel_loop3A_756 = vector.shape_cast %parallel_loop3A_755 : vector<1x1x16xf32> to vector<16xf32>
        %parallel_loop3A_757 = vector.shape_cast %parallel_loop3A_748 : vector<16xf32> to vector<1x1x16xf32>
        tpu.vector_store %arg6[%parallel_loop3A_752, %parallel_loop3A_753, %parallel_loop3A_754], %parallel_loop3A_757 {strides = array<i32>} : memref<4x128x128xf32, #tpu.memory_space<vmem>>, vector<1x1x16xf32>,
        %parallel_loop3A_758 = arith.constant 1 : i32
        %parallel_loop3A_759 = arith.addi %parallel_loop3A_517, %parallel_loop3A_758 : i32
        %parallel_loop3A_760 = arith.constant 2 : i32
        %parallel_loop3A_761 = arith.index_cast %parallel_loop3A_760 : i32 to index
        %parallel_loop3A_762 = arith.index_cast %parallel_loop3A_759 : i32 to index
        %parallel_loop3A_763 = arith.constant 64 : index
        %parallel_loop3A_764 = tpu.vector_load %arg6[%parallel_loop3A_761, %parallel_loop3A_762, %parallel_loop3A_763] {strides = array<i32>} : memref<4x128x128xf32, #tpu.memory_space<vmem>>, vector<1x1x16xf32>,
        %parallel_loop3A_765 = vector.shape_cast %parallel_loop3A_764 : vector<1x1x16xf32> to vector<16xf32>
        %parallel_loop3A_766 = arith.constant 11.3137083 : f32
        %parallel_loop3A_767 = vector.broadcast %parallel_loop3A_766 : f32 to vector<16xf32>
        %parallel_loop3A_768 = arith.mulf %parallel_loop3A_765, %parallel_loop3A_767 : vector<16xf32>
        %parallel_loop3A_769 = arith.constant 1 : i32
        %parallel_loop3A_770 = arith.addi %parallel_loop3A_517, %parallel_loop3A_769 : i32
        %parallel_loop3A_771 = arith.constant 2 : i32
        %parallel_loop3A_772 = arith.index_cast %parallel_loop3A_771 : i32 to index
        %parallel_loop3A_773 = arith.index_cast %parallel_loop3A_770 : i32 to index
        %parallel_loop3A_774 = arith.constant 64 : index
        %parallel_loop3A_775 = tpu.vector_load %arg6[%parallel_loop3A_772, %parallel_loop3A_773, %parallel_loop3A_774] {strides = array<i32>} : memref<4x128x128xf32, #tpu.memory_space<vmem>>, vector<1x1x16xf32>,
        %parallel_loop3A_776 = vector.shape_cast %parallel_loop3A_775 : vector<1x1x16xf32> to vector<16xf32>
        %parallel_loop3A_777 = vector.shape_cast %parallel_loop3A_768 : vector<16xf32> to vector<1x1x16xf32>
        tpu.vector_store %arg6[%parallel_loop3A_772, %parallel_loop3A_773, %parallel_loop3A_774], %parallel_loop3A_777 {strides = array<i32>} : memref<4x128x128xf32, #tpu.memory_space<vmem>>, vector<1x1x16xf32>,
        %parallel_loop3A_778 = arith.constant 1 : i32
        %parallel_loop3A_779 = arith.addi %parallel_loop3A_517, %parallel_loop3A_778 : i32
        %parallel_loop3A_780 = arith.constant 2 : i32
        %parallel_loop3A_781 = arith.index_cast %parallel_loop3A_780 : i32 to index
        %parallel_loop3A_782 = arith.index_cast %parallel_loop3A_779 : i32 to index
        %parallel_loop3A_783 = arith.constant 80 : index
        %parallel_loop3A_784 = tpu.vector_load %arg6[%parallel_loop3A_781, %parallel_loop3A_782, %parallel_loop3A_783] {strides = array<i32>} : memref<4x128x128xf32, #tpu.memory_space<vmem>>, vector<1x1x16xf32>,
        %parallel_loop3A_785 = vector.shape_cast %parallel_loop3A_784 : vector<1x1x16xf32> to vector<16xf32>
        %parallel_loop3A_786 = arith.constant 11.3137083 : f32
        %parallel_loop3A_787 = vector.broadcast %parallel_loop3A_786 : f32 to vector<16xf32>
        %parallel_loop3A_788 = arith.mulf %parallel_loop3A_785, %parallel_loop3A_787 : vector<16xf32>
        %parallel_loop3A_789 = arith.constant 1 : i32
        %parallel_loop3A_790 = arith.addi %parallel_loop3A_517, %parallel_loop3A_789 : i32
        %parallel_loop3A_791 = arith.constant 2 : i32
        %parallel_loop3A_792 = arith.index_cast %parallel_loop3A_791 : i32 to index
        %parallel_loop3A_793 = arith.index_cast %parallel_loop3A_790 : i32 to index
        %parallel_loop3A_794 = arith.constant 80 : index
        %parallel_loop3A_795 = tpu.vector_load %arg6[%parallel_loop3A_792, %parallel_loop3A_793, %parallel_loop3A_794] {strides = array<i32>} : memref<4x128x128xf32, #tpu.memory_space<vmem>>, vector<1x1x16xf32>,
        %parallel_loop3A_796 = vector.shape_cast %parallel_loop3A_795 : vector<1x1x16xf32> to vector<16xf32>
        %parallel_loop3A_797 = vector.shape_cast %parallel_loop3A_788 : vector<16xf32> to vector<1x1x16xf32>
        tpu.vector_store %arg6[%parallel_loop3A_792, %parallel_loop3A_793, %parallel_loop3A_794], %parallel_loop3A_797 {strides = array<i32>} : memref<4x128x128xf32, #tpu.memory_space<vmem>>, vector<1x1x16xf32>,
        %parallel_loop3A_798 = arith.constant 1 : i32
        %parallel_loop3A_799 = arith.addi %parallel_loop3A_517, %parallel_loop3A_798 : i32
        %parallel_loop3A_800 = arith.constant 2 : i32
        %parallel_loop3A_801 = arith.index_cast %parallel_loop3A_800 : i32 to index
        %parallel_loop3A_802 = arith.index_cast %parallel_loop3A_799 : i32 to index
        %parallel_loop3A_803 = arith.constant 96 : index
        %parallel_loop3A_804 = tpu.vector_load %arg6[%parallel_loop3A_801, %parallel_loop3A_802, %parallel_loop3A_803] {strides = array<i32>} : memref<4x128x128xf32, #tpu.memory_space<vmem>>, vector<1x1x16xf32>,
        %parallel_loop3A_805 = vector.shape_cast %parallel_loop3A_804 : vector<1x1x16xf32> to vector<16xf32>
        %parallel_loop3A_806 = arith.constant 11.3137083 : f32
        %parallel_loop3A_807 = vector.broadcast %parallel_loop3A_806 : f32 to vector<16xf32>
        %parallel_loop3A_808 = arith.mulf %parallel_loop3A_805, %parallel_loop3A_807 : vector<16xf32>
        %parallel_loop3A_809 = arith.constant 1 : i32
        %parallel_loop3A_810 = arith.addi %parallel_loop3A_517, %parallel_loop3A_809 : i32
        %parallel_loop3A_811 = arith.constant 2 : i32
        %parallel_loop3A_812 = arith.index_cast %parallel_loop3A_811 : i32 to index
        %parallel_loop3A_813 = arith.index_cast %parallel_loop3A_810 : i32 to index
        %parallel_loop3A_814 = arith.constant 96 : index
        %parallel_loop3A_815 = tpu.vector_load %arg6[%parallel_loop3A_812, %parallel_loop3A_813, %parallel_loop3A_814] {strides = array<i32>} : memref<4x128x128xf32, #tpu.memory_space<vmem>>, vector<1x1x16xf32>,
        %parallel_loop3A_816 = vector.shape_cast %parallel_loop3A_815 : vector<1x1x16xf32> to vector<16xf32>
        %parallel_loop3A_817 = vector.shape_cast %parallel_loop3A_808 : vector<16xf32> to vector<1x1x16xf32>
        tpu.vector_store %arg6[%parallel_loop3A_812, %parallel_loop3A_813, %parallel_loop3A_814], %parallel_loop3A_817 {strides = array<i32>} : memref<4x128x128xf32, #tpu.memory_space<vmem>>, vector<1x1x16xf32>,
        %parallel_loop3A_818 = arith.constant 1 : i32
        %parallel_loop3A_819 = arith.addi %parallel_loop3A_517, %parallel_loop3A_818 : i32
        %parallel_loop3A_820 = arith.constant 2 : i32
        %parallel_loop3A_821 = arith.index_cast %parallel_loop3A_820 : i32 to index
        %parallel_loop3A_822 = arith.index_cast %parallel_loop3A_819 : i32 to index
        %parallel_loop3A_823 = arith.constant 112 : index
        %parallel_loop3A_824 = tpu.vector_load %arg6[%parallel_loop3A_821, %parallel_loop3A_822, %parallel_loop3A_823] {strides = array<i32>} : memref<4x128x128xf32, #tpu.memory_space<vmem>>, vector<1x1x16xf32>,
        %parallel_loop3A_825 = vector.shape_cast %parallel_loop3A_824 : vector<1x1x16xf32> to vector<16xf32>
        %parallel_loop3A_826 = arith.constant 11.3137083 : f32
        %parallel_loop3A_827 = vector.broadcast %parallel_loop3A_826 : f32 to vector<16xf32>
        %parallel_loop3A_828 = arith.mulf %parallel_loop3A_825, %parallel_loop3A_827 : vector<16xf32>
        %parallel_loop3A_829 = arith.constant 1 : i32
        %parallel_loop3A_830 = arith.addi %parallel_loop3A_517, %parallel_loop3A_829 : i32
        %parallel_loop3A_831 = arith.constant 2 : i32
        %parallel_loop3A_832 = arith.index_cast %parallel_loop3A_831 : i32 to index
        %parallel_loop3A_833 = arith.index_cast %parallel_loop3A_830 : i32 to index
        %parallel_loop3A_834 = arith.constant 112 : index
        %parallel_loop3A_835 = tpu.vector_load %arg6[%parallel_loop3A_832, %parallel_loop3A_833, %parallel_loop3A_834] {strides = array<i32>} : memref<4x128x128xf32, #tpu.memory_space<vmem>>, vector<1x1x16xf32>,
        %parallel_loop3A_836 = vector.shape_cast %parallel_loop3A_835 : vector<1x1x16xf32> to vector<16xf32>
        %parallel_loop3A_837 = vector.shape_cast %parallel_loop3A_828 : vector<16xf32> to vector<1x1x16xf32>
        tpu.vector_store %arg6[%parallel_loop3A_832, %parallel_loop3A_833, %parallel_loop3A_834], %parallel_loop3A_837 {strides = array<i32>} : memref<4x128x128xf32, #tpu.memory_space<vmem>>, vector<1x1x16xf32>,
      } {sc.loop_unroll_factor = 1 : i64, sc.parallel_access}
      %mul3A_267 = arith.constant 128 : i32
      %mul3A_268 = arith.muli %add3A_248, %mul3A_267 : i32
      %add3A_269 = arith.addi %mul3A_2, %mul3A_268 : i32
      %multiple_of3A_270 = tpu.assume_multiple %add3A_269, 128 : i32
      %dma_start3A_271 = arith.constant 2 : i32
      %dma_start3A_272 = arith.constant 0 : i32
      %dma_start3A_273 = arith.constant 0 : i32
      %dma_start3A_274 = tpu.memref_slice %arg6[%dma_start3A_271, %dma_start3A_272, %dma_start3A_273] : memref<4x128x128xf32, #tpu.memory_space<vmem>> -> memref<1x128x128xf32, #tpu.memory_space<vmem>>
      %dma_start3A_275 = tpu.memref_squeeze %dma_start3A_274 : memref<1x128x128xf32, #tpu.memory_space<vmem>> -> memref<128x128xf32, #tpu.memory_space<vmem>>
      %dma_start3A_276 = arith.constant 0 : i32
      %dma_start3A_277 = tpu.memref_slice %arg4[%multiple_of3A_270, %dma_start3A_276] : memref<819200x128xf32, #tpu.memory_space<hbm>> -> memref<128x128xf32, #tpu.memory_space<hbm>>
      %dma_start3A_278 = arith.constant 0 : i32
      %dma_start3A_279 = tpu.memref_slice %arg4[%multiple_of3A_270, %dma_start3A_278] : memref<819200x128xf32, #tpu.memory_space<hbm>> -> memref<128x128xf32, #tpu.memory_space<hbm>>
      %dma_start3A_280 = arith.constant 0 : i32
      %dma_start3A_281 = arith.constant 0 : i32
      %dma_start3A_282 = tpu.memref_slice %arg6[%dma_start3A_271, %dma_start3A_280, %dma_start3A_281] : memref<4x128x128xf32, #tpu.memory_space<vmem>> -> memref<1x128x128xf32, #tpu.memory_space<vmem>>
      %dma_start3A_283 = tpu.memref_squeeze %dma_start3A_282 : memref<1x128x128xf32, #tpu.memory_space<vmem>> -> memref<128x128xf32, #tpu.memory_space<vmem>>
      tpu.enqueue_dma source(%dma_start3A_283 : memref<128x128xf32, #tpu.memory_space<vmem>>) target(%dma_start3A_279 : memref<128x128xf32, #tpu.memory_space<hbm>>) target_semaphore(%arg13 : memref<!tpu.dma_semaphore, #tpu.memory_space<semaphore_mem>>)
      %dma_wait3A_284 = arith.constant 0 : i32
      %dma_wait3A_285 = arith.constant 0 : i32
      %dma_wait3A_286 = arith.constant 0 : i32
      %dma_wait3A_287 = tpu.memref_slice %arg6[%dma_wait3A_284, %dma_wait3A_285, %dma_wait3A_286] : memref<4x128x128xf32, #tpu.memory_space<vmem>> -> memref<1x128x128xf32, #tpu.memory_space<vmem>>
      %dma_wait3A_288 = tpu.memref_squeeze %dma_wait3A_287 : memref<1x128x128xf32, #tpu.memory_space<vmem>> -> memref<128x128xf32, #tpu.memory_space<vmem>>
      %dma_wait3A_289 = arith.constant 0 : i32
      %dma_wait3A_290 = arith.constant 0 : i32
      %dma_wait3A_291 = tpu.memref_slice %arg4[%dma_wait3A_289, %dma_wait3A_290] : memref<819200x128xf32, #tpu.memory_space<hbm>> -> memref<128x128xf32, #tpu.memory_space<hbm>>
      %dma_wait3A_292 = arith.constant 0 : i32
      %dma_wait3A_293 = arith.constant 0 : i32
      %dma_wait3A_294 = tpu.memref_slice %arg4[%dma_wait3A_292, %dma_wait3A_293] : memref<819200x128xf32, #tpu.memory_space<hbm>> -> memref<128x128xf32, #tpu.memory_space<hbm>>
      %dma_wait3A_295 = arith.constant 0 : i32
      %dma_wait3A_296 = arith.constant 0 : i32
      %dma_wait3A_297 = tpu.memref_slice %arg6[%dma_wait3A_284, %dma_wait3A_295, %dma_wait3A_296] : memref<4x128x128xf32, #tpu.memory_space<vmem>> -> memref<1x128x128xf32, #tpu.memory_space<vmem>>
      %dma_wait3A_298 = tpu.memref_squeeze %dma_wait3A_297 : memref<1x128x128xf32, #tpu.memory_space<vmem>> -> memref<128x128xf32, #tpu.memory_space<vmem>>
      tpu.wait_dma2 semaphore(%arg11 : memref<!tpu.dma_semaphore, #tpu.memory_space<semaphore_mem>>) src(%dma_wait3A_298 : memref<128x128xf32, #tpu.memory_space<vmem>>) dst(%dma_wait3A_294 : memref<128x128xf32, #tpu.memory_space<hbm>>)
      %add3A_299 = arith.constant 2 : i32
      %add3A_300 = arith.addi %add3A_248, %add3A_299 : i32
      %mul3A_301 = arith.constant 128 : i32
      %mul3A_302 = arith.muli %add3A_300, %mul3A_301 : i32
      %multiple_of3A_303 = tpu.assume_multiple %mul3A_302, 128 : i32
      %dma_start3A_304 = arith.constant 0 : i32
      %dma_start3A_305 = arith.constant 0 : i32
      %dma_start3A_306 = arith.constant 0 : i32
      %dma_start3A_307 = tpu.memref_slice %arg6[%dma_start3A_304, %dma_start3A_305, %dma_start3A_306] : memref<4x128x128xf32, #tpu.memory_space<vmem>> -> memref<1x128x128xf32, #tpu.memory_space<vmem>>
      %dma_start3A_308 = tpu.memref_squeeze %dma_start3A_307 : memref<1x128x128xf32, #tpu.memory_space<vmem>> -> memref<128x128xf32, #tpu.memory_space<vmem>>
      %dma_start3A_309 = tpu.memref_slice %arg5[%multiple_of3A_303] : memref<25600xi32, #tpu.memory_space<vmem>> -> memref<128xi32, #tpu.memory_space<vmem>>
      %dma_start3A_310 = arith.constant 0 : i32
      %dma_start3A_311 = arith.constant 0 : i32
      %dma_start3A_312 = tpu.memref_slice %arg3[%dma_start3A_310, %dma_start3A_311] : memref<100000x128xf32, #tpu.memory_space<hbm>> -> memref<100000x128xf32, #tpu.memory_space<hbm>>
      tpu.enqueue_indirect_dma source(%dma_start3A_312 : memref<100000x128xf32, #tpu.memory_space<hbm>>) target(%dma_start3A_308 : memref<128x128xf32, #tpu.memory_space<vmem>>) offsets(%dma_start3A_309 : memref<128xi32, #tpu.memory_space<vmem>>) semaphore(%arg7 : memref<!tpu.dma_semaphore, #tpu.memory_space<semaphore_mem>>)
      %mul3A_313 = arith.constant 4 : i32
      %mul3A_314 = arith.muli %scan3A_244, %mul3A_313 : i32
      %add3A_315 = arith.constant 3 : i32
      %add3A_316 = arith.addi %mul3A_314, %add3A_315 : i32
      %dma_wait3A_317 = arith.constant 3 : i32
      %dma_wait3A_318 = arith.constant 0 : i32
      %dma_wait3A_319 = arith.constant 0 : i32
      %dma_wait3A_320 = tpu.memref_slice %arg6[%dma_wait3A_317, %dma_wait3A_318, %dma_wait3A_319] : memref<4x128x128xf32, #tpu.memory_space<vmem>> -> memref<1x128x128xf32, #tpu.memory_space<vmem>>
      %dma_wait3A_321 = tpu.memref_squeeze %dma_wait3A_320 : memref<1x128x128xf32, #tpu.memory_space<vmem>> -> memref<128x128xf32, #tpu.memory_space<vmem>>
      %dma_wait3A_322 = arith.constant 0 : i32
      %dma_wait3A_323 = arith.constant 0 : i32
      %dma_wait3A_324 = tpu.memref_slice %arg3[%dma_wait3A_322, %dma_wait3A_323] : memref<100000x128xf32, #tpu.memory_space<hbm>> -> memref<128x128xf32, #tpu.memory_space<hbm>>
      %dma_wait3A_325 = arith.constant 0 : i32
      %dma_wait3A_326 = arith.constant 0 : i32
      %dma_wait3A_327 = tpu.memref_slice %arg6[%dma_wait3A_317, %dma_wait3A_325, %dma_wait3A_326] : memref<4x128x128xf32, #tpu.memory_space<vmem>> -> memref<1x128x128xf32, #tpu.memory_space<vmem>>
      %dma_wait3A_328 = tpu.memref_squeeze %dma_wait3A_327 : memref<1x128x128xf32, #tpu.memory_space<vmem>> -> memref<128x128xf32, #tpu.memory_space<vmem>>
      %dma_wait3A_329 = arith.constant 0 : i32
      %dma_wait3A_330 = arith.constant 0 : i32
      %dma_wait3A_331 = tpu.memref_slice %arg3[%dma_wait3A_329, %dma_wait3A_330] : memref<100000x128xf32, #tpu.memory_space<hbm>> -> memref<128x128xf32, #tpu.memory_space<hbm>>
      tpu.wait_dma2 semaphore(%arg10 : memref<!tpu.dma_semaphore, #tpu.memory_space<semaphore_mem>>) src(%dma_wait3A_331 : memref<128x128xf32, #tpu.memory_space<hbm>>) dst(%dma_wait3A_328 : memref<128x128xf32, #tpu.memory_space<vmem>>)
      %parallel_loop3A_332 = arith.constant 0 : i32
      %parallel_loop3A_333 = arith.constant 128 : i32
      %parallel_loop3A_334 = arith.constant 2 : i32
      scf.for %parallel_loop3A_517 = %parallel_loop3A_332 to %parallel_loop3A_333 step %parallel_loop3A_334  : i32 {
        %parallel_loop3A_518 = arith.constant 0 : i32
        %parallel_loop3A_519 = arith.addi %parallel_loop3A_517, %parallel_loop3A_518 : i32
        %parallel_loop3A_520 = arith.constant 3 : i32
        %parallel_loop3A_521 = arith.index_cast %parallel_loop3A_520 : i32 to index
        %parallel_loop3A_522 = arith.index_cast %parallel_loop3A_519 : i32 to index
        %parallel_loop3A_523 = arith.constant 0 : index
        %parallel_loop3A_524 = tpu.vector_load %arg6[%parallel_loop3A_521, %parallel_loop3A_522, %parallel_loop3A_523] {strides = array<i32>} : memref<4x128x128xf32, #tpu.memory_space<vmem>>, vector<1x1x16xf32>,
        %parallel_loop3A_525 = vector.shape_cast %parallel_loop3A_524 : vector<1x1x16xf32> to vector<16xf32>
        %parallel_loop3A_526 = arith.constant 11.3137083 : f32
        %parallel_loop3A_527 = vector.broadcast %parallel_loop3A_526 : f32 to vector<16xf32>
        %parallel_loop3A_528 = arith.mulf %parallel_loop3A_525, %parallel_loop3A_527 : vector<16xf32>
        %parallel_loop3A_529 = arith.constant 0 : i32
        %parallel_loop3A_530 = arith.addi %parallel_loop3A_517, %parallel_loop3A_529 : i32
        %parallel_loop3A_531 = arith.constant 3 : i32
        %parallel_loop3A_532 = arith.index_cast %parallel_loop3A_531 : i32 to index
        %parallel_loop3A_533 = arith.index_cast %parallel_loop3A_530 : i32 to index
        %parallel_loop3A_534 = arith.constant 0 : index
        %parallel_loop3A_535 = tpu.vector_load %arg6[%parallel_loop3A_532, %parallel_loop3A_533, %parallel_loop3A_534] {strides = array<i32>} : memref<4x128x128xf32, #tpu.memory_space<vmem>>, vector<1x1x16xf32>,
        %parallel_loop3A_536 = vector.shape_cast %parallel_loop3A_535 : vector<1x1x16xf32> to vector<16xf32>
        %parallel_loop3A_537 = vector.shape_cast %parallel_loop3A_528 : vector<16xf32> to vector<1x1x16xf32>
        tpu.vector_store %arg6[%parallel_loop3A_532, %parallel_loop3A_533, %parallel_loop3A_534], %parallel_loop3A_537 {strides = array<i32>} : memref<4x128x128xf32, #tpu.memory_space<vmem>>, vector<1x1x16xf32>,
        %parallel_loop3A_538 = arith.constant 0 : i32
        %parallel_loop3A_539 = arith.addi %parallel_loop3A_517, %parallel_loop3A_538 : i32
        %parallel_loop3A_540 = arith.constant 3 : i32
        %parallel_loop3A_541 = arith.index_cast %parallel_loop3A_540 : i32 to index
        %parallel_loop3A_542 = arith.index_cast %parallel_loop3A_539 : i32 to index
        %parallel_loop3A_543 = arith.constant 16 : index
        %parallel_loop3A_544 = tpu.vector_load %arg6[%parallel_loop3A_541, %parallel_loop3A_542, %parallel_loop3A_543] {strides = array<i32>} : memref<4x128x128xf32, #tpu.memory_space<vmem>>, vector<1x1x16xf32>,
        %parallel_loop3A_545 = vector.shape_cast %parallel_loop3A_544 : vector<1x1x16xf32> to vector<16xf32>
        %parallel_loop3A_546 = arith.constant 11.3137083 : f32
        %parallel_loop3A_547 = vector.broadcast %parallel_loop3A_546 : f32 to vector<16xf32>
        %parallel_loop3A_548 = arith.mulf %parallel_loop3A_545, %parallel_loop3A_547 : vector<16xf32>
        %parallel_loop3A_549 = arith.constant 0 : i32
        %parallel_loop3A_550 = arith.addi %parallel_loop3A_517, %parallel_loop3A_549 : i32
        %parallel_loop3A_551 = arith.constant 3 : i32
        %parallel_loop3A_552 = arith.index_cast %parallel_loop3A_551 : i32 to index
        %parallel_loop3A_553 = arith.index_cast %parallel_loop3A_550 : i32 to index
        %parallel_loop3A_554 = arith.constant 16 : index
        %parallel_loop3A_555 = tpu.vector_load %arg6[%parallel_loop3A_552, %parallel_loop3A_553, %parallel_loop3A_554] {strides = array<i32>} : memref<4x128x128xf32, #tpu.memory_space<vmem>>, vector<1x1x16xf32>,
        %parallel_loop3A_556 = vector.shape_cast %parallel_loop3A_555 : vector<1x1x16xf32> to vector<16xf32>
        %parallel_loop3A_557 = vector.shape_cast %parallel_loop3A_548 : vector<16xf32> to vector<1x1x16xf32>
        tpu.vector_store %arg6[%parallel_loop3A_552, %parallel_loop3A_553, %parallel_loop3A_554], %parallel_loop3A_557 {strides = array<i32>} : memref<4x128x128xf32, #tpu.memory_space<vmem>>, vector<1x1x16xf32>,
        %parallel_loop3A_558 = arith.constant 0 : i32
        %parallel_loop3A_559 = arith.addi %parallel_loop3A_517, %parallel_loop3A_558 : i32
        %parallel_loop3A_560 = arith.constant 3 : i32
        %parallel_loop3A_561 = arith.index_cast %parallel_loop3A_560 : i32 to index
        %parallel_loop3A_562 = arith.index_cast %parallel_loop3A_559 : i32 to index
        %parallel_loop3A_563 = arith.constant 32 : index
        %parallel_loop3A_564 = tpu.vector_load %arg6[%parallel_loop3A_561, %parallel_loop3A_562, %parallel_loop3A_563] {strides = array<i32>} : memref<4x128x128xf32, #tpu.memory_space<vmem>>, vector<1x1x16xf32>,
        %parallel_loop3A_565 = vector.shape_cast %parallel_loop3A_564 : vector<1x1x16xf32> to vector<16xf32>
        %parallel_loop3A_566 = arith.constant 11.3137083 : f32
        %parallel_loop3A_567 = vector.broadcast %parallel_loop3A_566 : f32 to vector<16xf32>
        %parallel_loop3A_568 = arith.mulf %parallel_loop3A_565, %parallel_loop3A_567 : vector<16xf32>
        %parallel_loop3A_569 = arith.constant 0 : i32
        %parallel_loop3A_570 = arith.addi %parallel_loop3A_517, %parallel_loop3A_569 : i32
        %parallel_loop3A_571 = arith.constant 3 : i32
        %parallel_loop3A_572 = arith.index_cast %parallel_loop3A_571 : i32 to index
        %parallel_loop3A_573 = arith.index_cast %parallel_loop3A_570 : i32 to index
        %parallel_loop3A_574 = arith.constant 32 : index
        %parallel_loop3A_575 = tpu.vector_load %arg6[%parallel_loop3A_572, %parallel_loop3A_573, %parallel_loop3A_574] {strides = array<i32>} : memref<4x128x128xf32, #tpu.memory_space<vmem>>, vector<1x1x16xf32>,
        %parallel_loop3A_576 = vector.shape_cast %parallel_loop3A_575 : vector<1x1x16xf32> to vector<16xf32>
        %parallel_loop3A_577 = vector.shape_cast %parallel_loop3A_568 : vector<16xf32> to vector<1x1x16xf32>
        tpu.vector_store %arg6[%parallel_loop3A_572, %parallel_loop3A_573, %parallel_loop3A_574], %parallel_loop3A_577 {strides = array<i32>} : memref<4x128x128xf32, #tpu.memory_space<vmem>>, vector<1x1x16xf32>,
        %parallel_loop3A_578 = arith.constant 0 : i32
        %parallel_loop3A_579 = arith.addi %parallel_loop3A_517, %parallel_loop3A_578 : i32
        %parallel_loop3A_580 = arith.constant 3 : i32
        %parallel_loop3A_581 = arith.index_cast %parallel_loop3A_580 : i32 to index
        %parallel_loop3A_582 = arith.index_cast %parallel_loop3A_579 : i32 to index
        %parallel_loop3A_583 = arith.constant 48 : index
        %parallel_loop3A_584 = tpu.vector_load %arg6[%parallel_loop3A_581, %parallel_loop3A_582, %parallel_loop3A_583] {strides = array<i32>} : memref<4x128x128xf32, #tpu.memory_space<vmem>>, vector<1x1x16xf32>,
        %parallel_loop3A_585 = vector.shape_cast %parallel_loop3A_584 : vector<1x1x16xf32> to vector<16xf32>
        %parallel_loop3A_586 = arith.constant 11.3137083 : f32
        %parallel_loop3A_587 = vector.broadcast %parallel_loop3A_586 : f32 to vector<16xf32>
        %parallel_loop3A_588 = arith.mulf %parallel_loop3A_585, %parallel_loop3A_587 : vector<16xf32>
        %parallel_loop3A_589 = arith.constant 0 : i32
        %parallel_loop3A_590 = arith.addi %parallel_loop3A_517, %parallel_loop3A_589 : i32
        %parallel_loop3A_591 = arith.constant 3 : i32
        %parallel_loop3A_592 = arith.index_cast %parallel_loop3A_591 : i32 to index
        %parallel_loop3A_593 = arith.index_cast %parallel_loop3A_590 : i32 to index
        %parallel_loop3A_594 = arith.constant 48 : index
        %parallel_loop3A_595 = tpu.vector_load %arg6[%parallel_loop3A_592, %parallel_loop3A_593, %parallel_loop3A_594] {strides = array<i32>} : memref<4x128x128xf32, #tpu.memory_space<vmem>>, vector<1x1x16xf32>,
        %parallel_loop3A_596 = vector.shape_cast %parallel_loop3A_595 : vector<1x1x16xf32> to vector<16xf32>
        %parallel_loop3A_597 = vector.shape_cast %parallel_loop3A_588 : vector<16xf32> to vector<1x1x16xf32>
        tpu.vector_store %arg6[%parallel_loop3A_592, %parallel_loop3A_593, %parallel_loop3A_594], %parallel_loop3A_597 {strides = array<i32>} : memref<4x128x128xf32, #tpu.memory_space<vmem>>, vector<1x1x16xf32>,
        %parallel_loop3A_598 = arith.constant 0 : i32
        %parallel_loop3A_599 = arith.addi %parallel_loop3A_517, %parallel_loop3A_598 : i32
        %parallel_loop3A_600 = arith.constant 3 : i32
        %parallel_loop3A_601 = arith.index_cast %parallel_loop3A_600 : i32 to index
        %parallel_loop3A_602 = arith.index_cast %parallel_loop3A_599 : i32 to index
        %parallel_loop3A_603 = arith.constant 64 : index
        %parallel_loop3A_604 = tpu.vector_load %arg6[%parallel_loop3A_601, %parallel_loop3A_602, %parallel_loop3A_603] {strides = array<i32>} : memref<4x128x128xf32, #tpu.memory_space<vmem>>, vector<1x1x16xf32>,
        %parallel_loop3A_605 = vector.shape_cast %parallel_loop3A_604 : vector<1x1x16xf32> to vector<16xf32>
        %parallel_loop3A_606 = arith.constant 11.3137083 : f32
        %parallel_loop3A_607 = vector.broadcast %parallel_loop3A_606 : f32 to vector<16xf32>
        %parallel_loop3A_608 = arith.mulf %parallel_loop3A_605, %parallel_loop3A_607 : vector<16xf32>
        %parallel_loop3A_609 = arith.constant 0 : i32
        %parallel_loop3A_610 = arith.addi %parallel_loop3A_517, %parallel_loop3A_609 : i32
        %parallel_loop3A_611 = arith.constant 3 : i32
        %parallel_loop3A_612 = arith.index_cast %parallel_loop3A_611 : i32 to index
        %parallel_loop3A_613 = arith.index_cast %parallel_loop3A_610 : i32 to index
        %parallel_loop3A_614 = arith.constant 64 : index
        %parallel_loop3A_615 = tpu.vector_load %arg6[%parallel_loop3A_612, %parallel_loop3A_613, %parallel_loop3A_614] {strides = array<i32>} : memref<4x128x128xf32, #tpu.memory_space<vmem>>, vector<1x1x16xf32>,
        %parallel_loop3A_616 = vector.shape_cast %parallel_loop3A_615 : vector<1x1x16xf32> to vector<16xf32>
        %parallel_loop3A_617 = vector.shape_cast %parallel_loop3A_608 : vector<16xf32> to vector<1x1x16xf32>
        tpu.vector_store %arg6[%parallel_loop3A_612, %parallel_loop3A_613, %parallel_loop3A_614], %parallel_loop3A_617 {strides = array<i32>} : memref<4x128x128xf32, #tpu.memory_space<vmem>>, vector<1x1x16xf32>,
        %parallel_loop3A_618 = arith.constant 0 : i32
        %parallel_loop3A_619 = arith.addi %parallel_loop3A_517, %parallel_loop3A_618 : i32
        %parallel_loop3A_620 = arith.constant 3 : i32
        %parallel_loop3A_621 = arith.index_cast %parallel_loop3A_620 : i32 to index
        %parallel_loop3A_622 = arith.index_cast %parallel_loop3A_619 : i32 to index
        %parallel_loop3A_623 = arith.constant 80 : index
        %parallel_loop3A_624 = tpu.vector_load %arg6[%parallel_loop3A_621, %parallel_loop3A_622, %parallel_loop3A_623] {strides = array<i32>} : memref<4x128x128xf32, #tpu.memory_space<vmem>>, vector<1x1x16xf32>,
        %parallel_loop3A_625 = vector.shape_cast %parallel_loop3A_624 : vector<1x1x16xf32> to vector<16xf32>
        %parallel_loop3A_626 = arith.constant 11.3137083 : f32
        %parallel_loop3A_627 = vector.broadcast %parallel_loop3A_626 : f32 to vector<16xf32>
        %parallel_loop3A_628 = arith.mulf %parallel_loop3A_625, %parallel_loop3A_627 : vector<16xf32>
        %parallel_loop3A_629 = arith.constant 0 : i32
        %parallel_loop3A_630 = arith.addi %parallel_loop3A_517, %parallel_loop3A_629 : i32
        %parallel_loop3A_631 = arith.constant 3 : i32
        %parallel_loop3A_632 = arith.index_cast %parallel_loop3A_631 : i32 to index
        %parallel_loop3A_633 = arith.index_cast %parallel_loop3A_630 : i32 to index
        %parallel_loop3A_634 = arith.constant 80 : index
        %parallel_loop3A_635 = tpu.vector_load %arg6[%parallel_loop3A_632, %parallel_loop3A_633, %parallel_loop3A_634] {strides = array<i32>} : memref<4x128x128xf32, #tpu.memory_space<vmem>>, vector<1x1x16xf32>,
        %parallel_loop3A_636 = vector.shape_cast %parallel_loop3A_635 : vector<1x1x16xf32> to vector<16xf32>
        %parallel_loop3A_637 = vector.shape_cast %parallel_loop3A_628 : vector<16xf32> to vector<1x1x16xf32>
        tpu.vector_store %arg6[%parallel_loop3A_632, %parallel_loop3A_633, %parallel_loop3A_634], %parallel_loop3A_637 {strides = array<i32>} : memref<4x128x128xf32, #tpu.memory_space<vmem>>, vector<1x1x16xf32>,
        %parallel_loop3A_638 = arith.constant 0 : i32
        %parallel_loop3A_639 = arith.addi %parallel_loop3A_517, %parallel_loop3A_638 : i32
        %parallel_loop3A_640 = arith.constant 3 : i32
        %parallel_loop3A_641 = arith.index_cast %parallel_loop3A_640 : i32 to index
        %parallel_loop3A_642 = arith.index_cast %parallel_loop3A_639 : i32 to index
        %parallel_loop3A_643 = arith.constant 96 : index
        %parallel_loop3A_644 = tpu.vector_load %arg6[%parallel_loop3A_641, %parallel_loop3A_642, %parallel_loop3A_643] {strides = array<i32>} : memref<4x128x128xf32, #tpu.memory_space<vmem>>, vector<1x1x16xf32>,
        %parallel_loop3A_645 = vector.shape_cast %parallel_loop3A_644 : vector<1x1x16xf32> to vector<16xf32>
        %parallel_loop3A_646 = arith.constant 11.3137083 : f32
        %parallel_loop3A_647 = vector.broadcast %parallel_loop3A_646 : f32 to vector<16xf32>
        %parallel_loop3A_648 = arith.mulf %parallel_loop3A_645, %parallel_loop3A_647 : vector<16xf32>
        %parallel_loop3A_649 = arith.constant 0 : i32
        %parallel_loop3A_650 = arith.addi %parallel_loop3A_517, %parallel_loop3A_649 : i32
        %parallel_loop3A_651 = arith.constant 3 : i32
        %parallel_loop3A_652 = arith.index_cast %parallel_loop3A_651 : i32 to index
        %parallel_loop3A_653 = arith.index_cast %parallel_loop3A_650 : i32 to index
        %parallel_loop3A_654 = arith.constant 96 : index
        %parallel_loop3A_655 = tpu.vector_load %arg6[%parallel_loop3A_652, %parallel_loop3A_653, %parallel_loop3A_654] {strides = array<i32>} : memref<4x128x128xf32, #tpu.memory_space<vmem>>, vector<1x1x16xf32>,
        %parallel_loop3A_656 = vector.shape_cast %parallel_loop3A_655 : vector<1x1x16xf32> to vector<16xf32>
        %parallel_loop3A_657 = vector.shape_cast %parallel_loop3A_648 : vector<16xf32> to vector<1x1x16xf32>
        tpu.vector_store %arg6[%parallel_loop3A_652, %parallel_loop3A_653, %parallel_loop3A_654], %parallel_loop3A_657 {strides = array<i32>} : memref<4x128x128xf32, #tpu.memory_space<vmem>>, vector<1x1x16xf32>,
        %parallel_loop3A_658 = arith.constant 0 : i32
        %parallel_loop3A_659 = arith.addi %parallel_loop3A_517, %parallel_loop3A_658 : i32
        %parallel_loop3A_660 = arith.constant 3 : i32
        %parallel_loop3A_661 = arith.index_cast %parallel_loop3A_660 : i32 to index
        %parallel_loop3A_662 = arith.index_cast %parallel_loop3A_659 : i32 to index
        %parallel_loop3A_663 = arith.constant 112 : index
        %parallel_loop3A_664 = tpu.vector_load %arg6[%parallel_loop3A_661, %parallel_loop3A_662, %parallel_loop3A_663] {strides = array<i32>} : memref<4x128x128xf32, #tpu.memory_space<vmem>>, vector<1x1x16xf32>,
        %parallel_loop3A_665 = vector.shape_cast %parallel_loop3A_664 : vector<1x1x16xf32> to vector<16xf32>
        %parallel_loop3A_666 = arith.constant 11.3137083 : f32
        %parallel_loop3A_667 = vector.broadcast %parallel_loop3A_666 : f32 to vector<16xf32>
        %parallel_loop3A_668 = arith.mulf %parallel_loop3A_665, %parallel_loop3A_667 : vector<16xf32>
        %parallel_loop3A_669 = arith.constant 0 : i32
        %parallel_loop3A_670 = arith.addi %parallel_loop3A_517, %parallel_loop3A_669 : i32
        %parallel_loop3A_671 = arith.constant 3 : i32
        %parallel_loop3A_672 = arith.index_cast %parallel_loop3A_671 : i32 to index
        %parallel_loop3A_673 = arith.index_cast %parallel_loop3A_670 : i32 to index
        %parallel_loop3A_674 = arith.constant 112 : index
        %parallel_loop3A_675 = tpu.vector_load %arg6[%parallel_loop3A_672, %parallel_loop3A_673, %parallel_loop3A_674] {strides = array<i32>} : memref<4x128x128xf32, #tpu.memory_space<vmem>>, vector<1x1x16xf32>,
        %parallel_loop3A_676 = vector.shape_cast %parallel_loop3A_675 : vector<1x1x16xf32> to vector<16xf32>
        %parallel_loop3A_677 = vector.shape_cast %parallel_loop3A_668 : vector<16xf32> to vector<1x1x16xf32>
        tpu.vector_store %arg6[%parallel_loop3A_672, %parallel_loop3A_673, %parallel_loop3A_674], %parallel_loop3A_677 {strides = array<i32>} : memref<4x128x128xf32, #tpu.memory_space<vmem>>, vector<1x1x16xf32>,
        %parallel_loop3A_678 = arith.constant 1 : i32
        %parallel_loop3A_679 = arith.addi %parallel_loop3A_517, %parallel_loop3A_678 : i32
        %parallel_loop3A_680 = arith.constant 3 : i32
        %parallel_loop3A_681 = arith.index_cast %parallel_loop3A_680 : i32 to index
        %parallel_loop3A_682 = arith.index_cast %parallel_loop3A_679 : i32 to index
        %parallel_loop3A_683 = arith.constant 0 : index
        %parallel_loop3A_684 = tpu.vector_load %arg6[%parallel_loop3A_681, %parallel_loop3A_682, %parallel_loop3A_683] {strides = array<i32>} : memref<4x128x128xf32, #tpu.memory_space<vmem>>, vector<1x1x16xf32>,
        %parallel_loop3A_685 = vector.shape_cast %parallel_loop3A_684 : vector<1x1x16xf32> to vector<16xf32>
        %parallel_loop3A_686 = arith.constant 11.3137083 : f32
        %parallel_loop3A_687 = vector.broadcast %parallel_loop3A_686 : f32 to vector<16xf32>
        %parallel_loop3A_688 = arith.mulf %parallel_loop3A_685, %parallel_loop3A_687 : vector<16xf32>
        %parallel_loop3A_689 = arith.constant 1 : i32
        %parallel_loop3A_690 = arith.addi %parallel_loop3A_517, %parallel_loop3A_689 : i32
        %parallel_loop3A_691 = arith.constant 3 : i32
        %parallel_loop3A_692 = arith.index_cast %parallel_loop3A_691 : i32 to index
        %parallel_loop3A_693 = arith.index_cast %parallel_loop3A_690 : i32 to index
        %parallel_loop3A_694 = arith.constant 0 : index
        %parallel_loop3A_695 = tpu.vector_load %arg6[%parallel_loop3A_692, %parallel_loop3A_693, %parallel_loop3A_694] {strides = array<i32>} : memref<4x128x128xf32, #tpu.memory_space<vmem>>, vector<1x1x16xf32>,
        %parallel_loop3A_696 = vector.shape_cast %parallel_loop3A_695 : vector<1x1x16xf32> to vector<16xf32>
        %parallel_loop3A_697 = vector.shape_cast %parallel_loop3A_688 : vector<16xf32> to vector<1x1x16xf32>
        tpu.vector_store %arg6[%parallel_loop3A_692, %parallel_loop3A_693, %parallel_loop3A_694], %parallel_loop3A_697 {strides = array<i32>} : memref<4x128x128xf32, #tpu.memory_space<vmem>>, vector<1x1x16xf32>,
        %parallel_loop3A_698 = arith.constant 1 : i32
        %parallel_loop3A_699 = arith.addi %parallel_loop3A_517, %parallel_loop3A_698 : i32
        %parallel_loop3A_700 = arith.constant 3 : i32
        %parallel_loop3A_701 = arith.index_cast %parallel_loop3A_700 : i32 to index
        %parallel_loop3A_702 = arith.index_cast %parallel_loop3A_699 : i32 to index
        %parallel_loop3A_703 = arith.constant 16 : index
        %parallel_loop3A_704 = tpu.vector_load %arg6[%parallel_loop3A_701, %parallel_loop3A_702, %parallel_loop3A_703] {strides = array<i32>} : memref<4x128x128xf32, #tpu.memory_space<vmem>>, vector<1x1x16xf32>,
        %parallel_loop3A_705 = vector.shape_cast %parallel_loop3A_704 : vector<1x1x16xf32> to vector<16xf32>
        %parallel_loop3A_706 = arith.constant 11.3137083 : f32
        %parallel_loop3A_707 = vector.broadcast %parallel_loop3A_706 : f32 to vector<16xf32>
        %parallel_loop3A_708 = arith.mulf %parallel_loop3A_705, %parallel_loop3A_707 : vector<16xf32>
        %parallel_loop3A_709 = arith.constant 1 : i32
        %parallel_loop3A_710 = arith.addi %parallel_loop3A_517, %parallel_loop3A_709 : i32
        %parallel_loop3A_711 = arith.constant 3 : i32
        %parallel_loop3A_712 = arith.index_cast %parallel_loop3A_711 : i32 to index
        %parallel_loop3A_713 = arith.index_cast %parallel_loop3A_710 : i32 to index
        %parallel_loop3A_714 = arith.constant 16 : index
        %parallel_loop3A_715 = tpu.vector_load %arg6[%parallel_loop3A_712, %parallel_loop3A_713, %parallel_loop3A_714] {strides = array<i32>} : memref<4x128x128xf32, #tpu.memory_space<vmem>>, vector<1x1x16xf32>,
        %parallel_loop3A_716 = vector.shape_cast %parallel_loop3A_715 : vector<1x1x16xf32> to vector<16xf32>
        %parallel_loop3A_717 = vector.shape_cast %parallel_loop3A_708 : vector<16xf32> to vector<1x1x16xf32>
        tpu.vector_store %arg6[%parallel_loop3A_712, %parallel_loop3A_713, %parallel_loop3A_714], %parallel_loop3A_717 {strides = array<i32>} : memref<4x128x128xf32, #tpu.memory_space<vmem>>, vector<1x1x16xf32>,
        %parallel_loop3A_718 = arith.constant 1 : i32
        %parallel_loop3A_719 = arith.addi %parallel_loop3A_517, %parallel_loop3A_718 : i32
        %parallel_loop3A_720 = arith.constant 3 : i32
        %parallel_loop3A_721 = arith.index_cast %parallel_loop3A_720 : i32 to index
        %parallel_loop3A_722 = arith.index_cast %parallel_loop3A_719 : i32 to index
        %parallel_loop3A_723 = arith.constant 32 : index
        %parallel_loop3A_724 = tpu.vector_load %arg6[%parallel_loop3A_721, %parallel_loop3A_722, %parallel_loop3A_723] {strides = array<i32>} : memref<4x128x128xf32, #tpu.memory_space<vmem>>, vector<1x1x16xf32>,
        %parallel_loop3A_725 = vector.shape_cast %parallel_loop3A_724 : vector<1x1x16xf32> to vector<16xf32>
        %parallel_loop3A_726 = arith.constant 11.3137083 : f32
        %parallel_loop3A_727 = vector.broadcast %parallel_loop3A_726 : f32 to vector<16xf32>
        %parallel_loop3A_728 = arith.mulf %parallel_loop3A_725, %parallel_loop3A_727 : vector<16xf32>
        %parallel_loop3A_729 = arith.constant 1 : i32
        %parallel_loop3A_730 = arith.addi %parallel_loop3A_517, %parallel_loop3A_729 : i32
        %parallel_loop3A_731 = arith.constant 3 : i32
        %parallel_loop3A_732 = arith.index_cast %parallel_loop3A_731 : i32 to index
        %parallel_loop3A_733 = arith.index_cast %parallel_loop3A_730 : i32 to index
        %parallel_loop3A_734 = arith.constant 32 : index
        %parallel_loop3A_735 = tpu.vector_load %arg6[%parallel_loop3A_732, %parallel_loop3A_733, %parallel_loop3A_734] {strides = array<i32>} : memref<4x128x128xf32, #tpu.memory_space<vmem>>, vector<1x1x16xf32>,
        %parallel_loop3A_736 = vector.shape_cast %parallel_loop3A_735 : vector<1x1x16xf32> to vector<16xf32>
        %parallel_loop3A_737 = vector.shape_cast %parallel_loop3A_728 : vector<16xf32> to vector<1x1x16xf32>
        tpu.vector_store %arg6[%parallel_loop3A_732, %parallel_loop3A_733, %parallel_loop3A_734], %parallel_loop3A_737 {strides = array<i32>} : memref<4x128x128xf32, #tpu.memory_space<vmem>>, vector<1x1x16xf32>,
        %parallel_loop3A_738 = arith.constant 1 : i32
        %parallel_loop3A_739 = arith.addi %parallel_loop3A_517, %parallel_loop3A_738 : i32
        %parallel_loop3A_740 = arith.constant 3 : i32
        %parallel_loop3A_741 = arith.index_cast %parallel_loop3A_740 : i32 to index
        %parallel_loop3A_742 = arith.index_cast %parallel_loop3A_739 : i32 to index
        %parallel_loop3A_743 = arith.constant 48 : index
        %parallel_loop3A_744 = tpu.vector_load %arg6[%parallel_loop3A_741, %parallel_loop3A_742, %parallel_loop3A_743] {strides = array<i32>} : memref<4x128x128xf32, #tpu.memory_space<vmem>>, vector<1x1x16xf32>,
        %parallel_loop3A_745 = vector.shape_cast %parallel_loop3A_744 : vector<1x1x16xf32> to vector<16xf32>
        %parallel_loop3A_746 = arith.constant 11.3137083 : f32
        %parallel_loop3A_747 = vector.broadcast %parallel_loop3A_746 : f32 to vector<16xf32>
        %parallel_loop3A_748 = arith.mulf %parallel_loop3A_745, %parallel_loop3A_747 : vector<16xf32>
        %parallel_loop3A_749 = arith.constant 1 : i32
        %parallel_loop3A_750 = arith.addi %parallel_loop3A_517, %parallel_loop3A_749 : i32
        %parallel_loop3A_751 = arith.constant 3 : i32
        %parallel_loop3A_752 = arith.index_cast %parallel_loop3A_751 : i32 to index
        %parallel_loop3A_753 = arith.index_cast %parallel_loop3A_750 : i32 to index
        %parallel_loop3A_754 = arith.constant 48 : index
        %parallel_loop3A_755 = tpu.vector_load %arg6[%parallel_loop3A_752, %parallel_loop3A_753, %parallel_loop3A_754] {strides = array<i32>} : memref<4x128x128xf32, #tpu.memory_space<vmem>>, vector<1x1x16xf32>,
        %parallel_loop3A_756 = vector.shape_cast %parallel_loop3A_755 : vector<1x1x16xf32> to vector<16xf32>
        %parallel_loop3A_757 = vector.shape_cast %parallel_loop3A_748 : vector<16xf32> to vector<1x1x16xf32>
        tpu.vector_store %arg6[%parallel_loop3A_752, %parallel_loop3A_753, %parallel_loop3A_754], %parallel_loop3A_757 {strides = array<i32>} : memref<4x128x128xf32, #tpu.memory_space<vmem>>, vector<1x1x16xf32>,
        %parallel_loop3A_758 = arith.constant 1 : i32
        %parallel_loop3A_759 = arith.addi %parallel_loop3A_517, %parallel_loop3A_758 : i32
        %parallel_loop3A_760 = arith.constant 3 : i32
        %parallel_loop3A_761 = arith.index_cast %parallel_loop3A_760 : i32 to index
        %parallel_loop3A_762 = arith.index_cast %parallel_loop3A_759 : i32 to index
        %parallel_loop3A_763 = arith.constant 64 : index
        %parallel_loop3A_764 = tpu.vector_load %arg6[%parallel_loop3A_761, %parallel_loop3A_762, %parallel_loop3A_763] {strides = array<i32>} : memref<4x128x128xf32, #tpu.memory_space<vmem>>, vector<1x1x16xf32>,
        %parallel_loop3A_765 = vector.shape_cast %parallel_loop3A_764 : vector<1x1x16xf32> to vector<16xf32>
        %parallel_loop3A_766 = arith.constant 11.3137083 : f32
        %parallel_loop3A_767 = vector.broadcast %parallel_loop3A_766 : f32 to vector<16xf32>
        %parallel_loop3A_768 = arith.mulf %parallel_loop3A_765, %parallel_loop3A_767 : vector<16xf32>
        %parallel_loop3A_769 = arith.constant 1 : i32
        %parallel_loop3A_770 = arith.addi %parallel_loop3A_517, %parallel_loop3A_769 : i32
        %parallel_loop3A_771 = arith.constant 3 : i32
        %parallel_loop3A_772 = arith.index_cast %parallel_loop3A_771 : i32 to index
        %parallel_loop3A_773 = arith.index_cast %parallel_loop3A_770 : i32 to index
        %parallel_loop3A_774 = arith.constant 64 : index
        %parallel_loop3A_775 = tpu.vector_load %arg6[%parallel_loop3A_772, %parallel_loop3A_773, %parallel_loop3A_774] {strides = array<i32>} : memref<4x128x128xf32, #tpu.memory_space<vmem>>, vector<1x1x16xf32>,
        %parallel_loop3A_776 = vector.shape_cast %parallel_loop3A_775 : vector<1x1x16xf32> to vector<16xf32>
        %parallel_loop3A_777 = vector.shape_cast %parallel_loop3A_768 : vector<16xf32> to vector<1x1x16xf32>
        tpu.vector_store %arg6[%parallel_loop3A_772, %parallel_loop3A_773, %parallel_loop3A_774], %parallel_loop3A_777 {strides = array<i32>} : memref<4x128x128xf32, #tpu.memory_space<vmem>>, vector<1x1x16xf32>,
        %parallel_loop3A_778 = arith.constant 1 : i32
        %parallel_loop3A_779 = arith.addi %parallel_loop3A_517, %parallel_loop3A_778 : i32
        %parallel_loop3A_780 = arith.constant 3 : i32
        %parallel_loop3A_781 = arith.index_cast %parallel_loop3A_780 : i32 to index
        %parallel_loop3A_782 = arith.index_cast %parallel_loop3A_779 : i32 to index
        %parallel_loop3A_783 = arith.constant 80 : index
        %parallel_loop3A_784 = tpu.vector_load %arg6[%parallel_loop3A_781, %parallel_loop3A_782, %parallel_loop3A_783] {strides = array<i32>} : memref<4x128x128xf32, #tpu.memory_space<vmem>>, vector<1x1x16xf32>,
        %parallel_loop3A_785 = vector.shape_cast %parallel_loop3A_784 : vector<1x1x16xf32> to vector<16xf32>
        %parallel_loop3A_786 = arith.constant 11.3137083 : f32
        %parallel_loop3A_787 = vector.broadcast %parallel_loop3A_786 : f32 to vector<16xf32>
        %parallel_loop3A_788 = arith.mulf %parallel_loop3A_785, %parallel_loop3A_787 : vector<16xf32>
        %parallel_loop3A_789 = arith.constant 1 : i32
        %parallel_loop3A_790 = arith.addi %parallel_loop3A_517, %parallel_loop3A_789 : i32
        %parallel_loop3A_791 = arith.constant 3 : i32
        %parallel_loop3A_792 = arith.index_cast %parallel_loop3A_791 : i32 to index
        %parallel_loop3A_793 = arith.index_cast %parallel_loop3A_790 : i32 to index
        %parallel_loop3A_794 = arith.constant 80 : index
        %parallel_loop3A_795 = tpu.vector_load %arg6[%parallel_loop3A_792, %parallel_loop3A_793, %parallel_loop3A_794] {strides = array<i32>} : memref<4x128x128xf32, #tpu.memory_space<vmem>>, vector<1x1x16xf32>,
        %parallel_loop3A_796 = vector.shape_cast %parallel_loop3A_795 : vector<1x1x16xf32> to vector<16xf32>
        %parallel_loop3A_797 = vector.shape_cast %parallel_loop3A_788 : vector<16xf32> to vector<1x1x16xf32>
        tpu.vector_store %arg6[%parallel_loop3A_792, %parallel_loop3A_793, %parallel_loop3A_794], %parallel_loop3A_797 {strides = array<i32>} : memref<4x128x128xf32, #tpu.memory_space<vmem>>, vector<1x1x16xf32>,
        %parallel_loop3A_798 = arith.constant 1 : i32
        %parallel_loop3A_799 = arith.addi %parallel_loop3A_517, %parallel_loop3A_798 : i32
        %parallel_loop3A_800 = arith.constant 3 : i32
        %parallel_loop3A_801 = arith.index_cast %parallel_loop3A_800 : i32 to index
        %parallel_loop3A_802 = arith.index_cast %parallel_loop3A_799 : i32 to index
        %parallel_loop3A_803 = arith.constant 96 : index
        %parallel_loop3A_804 = tpu.vector_load %arg6[%parallel_loop3A_801, %parallel_loop3A_802, %parallel_loop3A_803] {strides = array<i32>} : memref<4x128x128xf32, #tpu.memory_space<vmem>>, vector<1x1x16xf32>,
        %parallel_loop3A_805 = vector.shape_cast %parallel_loop3A_804 : vector<1x1x16xf32> to vector<16xf32>
        %parallel_loop3A_806 = arith.constant 11.3137083 : f32
        %parallel_loop3A_807 = vector.broadcast %parallel_loop3A_806 : f32 to vector<16xf32>
        %parallel_loop3A_808 = arith.mulf %parallel_loop3A_805, %parallel_loop3A_807 : vector<16xf32>
        %parallel_loop3A_809 = arith.constant 1 : i32
        %parallel_loop3A_810 = arith.addi %parallel_loop3A_517, %parallel_loop3A_809 : i32
        %parallel_loop3A_811 = arith.constant 3 : i32
        %parallel_loop3A_812 = arith.index_cast %parallel_loop3A_811 : i32 to index
        %parallel_loop3A_813 = arith.index_cast %parallel_loop3A_810 : i32 to index
        %parallel_loop3A_814 = arith.constant 96 : index
        %parallel_loop3A_815 = tpu.vector_load %arg6[%parallel_loop3A_812, %parallel_loop3A_813, %parallel_loop3A_814] {strides = array<i32>} : memref<4x128x128xf32, #tpu.memory_space<vmem>>, vector<1x1x16xf32>,
        %parallel_loop3A_816 = vector.shape_cast %parallel_loop3A_815 : vector<1x1x16xf32> to vector<16xf32>
        %parallel_loop3A_817 = vector.shape_cast %parallel_loop3A_808 : vector<16xf32> to vector<1x1x16xf32>
        tpu.vector_store %arg6[%parallel_loop3A_812, %parallel_loop3A_813, %parallel_loop3A_814], %parallel_loop3A_817 {strides = array<i32>} : memref<4x128x128xf32, #tpu.memory_space<vmem>>, vector<1x1x16xf32>,
        %parallel_loop3A_818 = arith.constant 1 : i32
        %parallel_loop3A_819 = arith.addi %parallel_loop3A_517, %parallel_loop3A_818 : i32
        %parallel_loop3A_820 = arith.constant 3 : i32
        %parallel_loop3A_821 = arith.index_cast %parallel_loop3A_820 : i32 to index
        %parallel_loop3A_822 = arith.index_cast %parallel_loop3A_819 : i32 to index
        %parallel_loop3A_823 = arith.constant 112 : index
        %parallel_loop3A_824 = tpu.vector_load %arg6[%parallel_loop3A_821, %parallel_loop3A_822, %parallel_loop3A_823] {strides = array<i32>} : memref<4x128x128xf32, #tpu.memory_space<vmem>>, vector<1x1x16xf32>,
        %parallel_loop3A_825 = vector.shape_cast %parallel_loop3A_824 : vector<1x1x16xf32> to vector<16xf32>
        %parallel_loop3A_826 = arith.constant 11.3137083 : f32
        %parallel_loop3A_827 = vector.broadcast %parallel_loop3A_826 : f32 to vector<16xf32>
        %parallel_loop3A_828 = arith.mulf %parallel_loop3A_825, %parallel_loop3A_827 : vector<16xf32>
        %parallel_loop3A_829 = arith.constant 1 : i32
        %parallel_loop3A_830 = arith.addi %parallel_loop3A_517, %parallel_loop3A_829 : i32
        %parallel_loop3A_831 = arith.constant 3 : i32
        %parallel_loop3A_832 = arith.index_cast %parallel_loop3A_831 : i32 to index
        %parallel_loop3A_833 = arith.index_cast %parallel_loop3A_830 : i32 to index
        %parallel_loop3A_834 = arith.constant 112 : index
        %parallel_loop3A_835 = tpu.vector_load %arg6[%parallel_loop3A_832, %parallel_loop3A_833, %parallel_loop3A_834] {strides = array<i32>} : memref<4x128x128xf32, #tpu.memory_space<vmem>>, vector<1x1x16xf32>,
        %parallel_loop3A_836 = vector.shape_cast %parallel_loop3A_835 : vector<1x1x16xf32> to vector<16xf32>
        %parallel_loop3A_837 = vector.shape_cast %parallel_loop3A_828 : vector<16xf32> to vector<1x1x16xf32>
        tpu.vector_store %arg6[%parallel_loop3A_832, %parallel_loop3A_833, %parallel_loop3A_834], %parallel_loop3A_837 {strides = array<i32>} : memref<4x128x128xf32, #tpu.memory_space<vmem>>, vector<1x1x16xf32>,
      } {sc.loop_unroll_factor = 1 : i64, sc.parallel_access}
      %mul3A_335 = arith.constant 128 : i32
      %mul3A_336 = arith.muli %add3A_316, %mul3A_335 : i32
      %add3A_337 = arith.addi %mul3A_2, %mul3A_336 : i32
      %multiple_of3A_338 = tpu.assume_multiple %add3A_337, 128 : i32
      %dma_start3A_339 = arith.constant 3 : i32
      %dma_start3A_340 = arith.constant 0 : i32
      %dma_start3A_341 = arith.constant 0 : i32
      %dma_start3A_342 = tpu.memref_slice %arg6[%dma_start3A_339, %dma_start3A_340, %dma_start3A_341] : memref<4x128x128xf32, #tpu.memory_space<vmem>> -> memref<1x128x128xf32, #tpu.memory_space<vmem>>
      %dma_start3A_343 = tpu.memref_squeeze %dma_start3A_342 : memref<1x128x128xf32, #tpu.memory_space<vmem>> -> memref<128x128xf32, #tpu.memory_space<vmem>>
      %dma_start3A_344 = arith.constant 0 : i32
      %dma_start3A_345 = tpu.memref_slice %arg4[%multiple_of3A_338, %dma_start3A_344] : memref<819200x128xf32, #tpu.memory_space<hbm>> -> memref<128x128xf32, #tpu.memory_space<hbm>>
      %dma_start3A_346 = arith.constant 0 : i32
      %dma_start3A_347 = tpu.memref_slice %arg4[%multiple_of3A_338, %dma_start3A_346] : memref<819200x128xf32, #tpu.memory_space<hbm>> -> memref<128x128xf32, #tpu.memory_space<hbm>>
      %dma_start3A_348 = arith.constant 0 : i32
      %dma_start3A_349 = arith.constant 0 : i32
      %dma_start3A_350 = tpu.memref_slice %arg6[%dma_start3A_339, %dma_start3A_348, %dma_start3A_349] : memref<4x128x128xf32, #tpu.memory_space<vmem>> -> memref<1x128x128xf32, #tpu.memory_space<vmem>>
      %dma_start3A_351 = tpu.memref_squeeze %dma_start3A_350 : memref<1x128x128xf32, #tpu.memory_space<vmem>> -> memref<128x128xf32, #tpu.memory_space<vmem>>
      tpu.enqueue_dma source(%dma_start3A_351 : memref<128x128xf32, #tpu.memory_space<vmem>>) target(%dma_start3A_347 : memref<128x128xf32, #tpu.memory_space<hbm>>) target_semaphore(%arg14 : memref<!tpu.dma_semaphore, #tpu.memory_space<semaphore_mem>>)
      %dma_wait3A_352 = arith.constant 1 : i32
      %dma_wait3A_353 = arith.constant 0 : i32
      %dma_wait3A_354 = arith.constant 0 : i32
      %dma_wait3A_355 = tpu.memref_slice %arg6[%dma_wait3A_352, %dma_wait3A_353, %dma_wait3A_354] : memref<4x128x128xf32, #tpu.memory_space<vmem>> -> memref<1x128x128xf32, #tpu.memory_space<vmem>>
      %dma_wait3A_356 = tpu.memref_squeeze %dma_wait3A_355 : memref<1x128x128xf32, #tpu.memory_space<vmem>> -> memref<128x128xf32, #tpu.memory_space<vmem>>
      %dma_wait3A_357 = arith.constant 0 : i32
      %dma_wait3A_358 = arith.constant 0 : i32
      %dma_wait3A_359 = tpu.memref_slice %arg4[%dma_wait3A_357, %dma_wait3A_358] : memref<819200x128xf32, #tpu.memory_space<hbm>> -> memref<128x128xf32, #tpu.memory_space<hbm>>
      %dma_wait3A_360 = arith.constant 0 : i32
      %dma_wait3A_361 = arith.constant 0 : i32
      %dma_wait3A_362 = tpu.memref_slice %arg4[%dma_wait3A_360, %dma_wait3A_361] : memref<819200x128xf32, #tpu.memory_space<hbm>> -> memref<128x128xf32, #tpu.memory_space<hbm>>
      %dma_wait3A_363 = arith.constant 0 : i32
      %dma_wait3A_364 = arith.constant 0 : i32
      %dma_wait3A_365 = tpu.memref_slice %arg6[%dma_wait3A_352, %dma_wait3A_363, %dma_wait3A_364] : memref<4x128x128xf32, #tpu.memory_space<vmem>> -> memref<1x128x128xf32, #tpu.memory_space<vmem>>
      %dma_wait3A_366 = tpu.memref_squeeze %dma_wait3A_365 : memref<1x128x128xf32, #tpu.memory_space<vmem>> -> memref<128x128xf32, #tpu.memory_space<vmem>>
      tpu.wait_dma2 semaphore(%arg12 : memref<!tpu.dma_semaphore, #tpu.memory_space<semaphore_mem>>) src(%dma_wait3A_366 : memref<128x128xf32, #tpu.memory_space<vmem>>) dst(%dma_wait3A_362 : memref<128x128xf32, #tpu.memory_space<hbm>>)
      %add3A_367 = arith.constant 2 : i32
      %add3A_368 = arith.addi %add3A_316, %add3A_367 : i32
      %mul3A_369 = arith.constant 128 : i32
      %mul3A_370 = arith.muli %add3A_368, %mul3A_369 : i32
      %multiple_of3A_371 = tpu.assume_multiple %mul3A_370, 128 : i32
      %dma_start3A_372 = arith.constant 1 : i32
      %dma_start3A_373 = arith.constant 0 : i32
      %dma_start3A_374 = arith.constant 0 : i32
      %dma_start3A_375 = tpu.memref_slice %arg6[%dma_start3A_372, %dma_start3A_373, %dma_start3A_374] : memref<4x128x128xf32, #tpu.memory_space<vmem>> -> memref<1x128x128xf32, #tpu.memory_space<vmem>>
      %dma_start3A_376 = tpu.memref_squeeze %dma_start3A_375 : memref<1x128x128xf32, #tpu.memory_space<vmem>> -> memref<128x128xf32, #tpu.memory_space<vmem>>
      %dma_start3A_377 = tpu.memref_slice %arg5[%multiple_of3A_371] : memref<25600xi32, #tpu.memory_space<vmem>> -> memref<128xi32, #tpu.memory_space<vmem>>
      %dma_start3A_378 = arith.constant 0 : i32
      %dma_start3A_379 = arith.constant 0 : i32
      %dma_start3A_380 = tpu.memref_slice %arg3[%dma_start3A_378, %dma_start3A_379] : memref<100000x128xf32, #tpu.memory_space<hbm>> -> memref<100000x128xf32, #tpu.memory_space<hbm>>
      tpu.enqueue_indirect_dma source(%dma_start3A_380 : memref<100000x128xf32, #tpu.memory_space<hbm>>) target(%dma_start3A_376 : memref<128x128xf32, #tpu.memory_space<vmem>>) offsets(%dma_start3A_377 : memref<128xi32, #tpu.memory_space<vmem>>) semaphore(%arg8 : memref<!tpu.dma_semaphore, #tpu.memory_space<semaphore_mem>>)
      %mul3A_381 = arith.constant 4 : i32
      %mul3A_382 = arith.muli %scan3A_244, %mul3A_381 : i32
      %add3A_383 = arith.constant 4 : i32
      %add3A_384 = arith.addi %mul3A_382, %add3A_383 : i32
      %dma_wait3A_385 = arith.constant 0 : i32
      %dma_wait3A_386 = arith.constant 0 : i32
      %dma_wait3A_387 = arith.constant 0 : i32
      %dma_wait3A_388 = tpu.memref_slice %arg6[%dma_wait3A_385, %dma_wait3A_386, %dma_wait3A_387] : memref<4x128x128xf32, #tpu.memory_space<vmem>> -> memref<1x128x128xf32, #tpu.memory_space<vmem>>
      %dma_wait3A_389 = tpu.memref_squeeze %dma_wait3A_388 : memref<1x128x128xf32, #tpu.memory_space<vmem>> -> memref<128x128xf32, #tpu.memory_space<vmem>>
      %dma_wait3A_390 = arith.constant 0 : i32
      %dma_wait3A_391 = arith.constant 0 : i32
      %dma_wait3A_392 = tpu.memref_slice %arg3[%dma_wait3A_390, %dma_wait3A_391] : memref<100000x128xf32, #tpu.memory_space<hbm>> -> memref<128x128xf32, #tpu.memory_space<hbm>>
      %dma_wait3A_393 = arith.constant 0 : i32
      %dma_wait3A_394 = arith.constant 0 : i32
      %dma_wait3A_395 = tpu.memref_slice %arg6[%dma_wait3A_385, %dma_wait3A_393, %dma_wait3A_394] : memref<4x128x128xf32, #tpu.memory_space<vmem>> -> memref<1x128x128xf32, #tpu.memory_space<vmem>>
      %dma_wait3A_396 = tpu.memref_squeeze %dma_wait3A_395 : memref<1x128x128xf32, #tpu.memory_space<vmem>> -> memref<128x128xf32, #tpu.memory_space<vmem>>
      %dma_wait3A_397 = arith.constant 0 : i32
      %dma_wait3A_398 = arith.constant 0 : i32
      %dma_wait3A_399 = tpu.memref_slice %arg3[%dma_wait3A_397, %dma_wait3A_398] : memref<100000x128xf32, #tpu.memory_space<hbm>> -> memref<128x128xf32, #tpu.memory_space<hbm>>
      tpu.wait_dma2 semaphore(%arg7 : memref<!tpu.dma_semaphore, #tpu.memory_space<semaphore_mem>>) src(%dma_wait3A_399 : memref<128x128xf32, #tpu.memory_space<hbm>>) dst(%dma_wait3A_396 : memref<128x128xf32, #tpu.memory_space<vmem>>)
      %parallel_loop3A_400 = arith.constant 0 : i32
      %parallel_loop3A_401 = arith.constant 128 : i32
      %parallel_loop3A_402 = arith.constant 2 : i32
      scf.for %parallel_loop3A_517 = %parallel_loop3A_400 to %parallel_loop3A_401 step %parallel_loop3A_402  : i32 {
        %parallel_loop3A_518 = arith.constant 0 : i32
        %parallel_loop3A_519 = arith.addi %parallel_loop3A_517, %parallel_loop3A_518 : i32
        %parallel_loop3A_520 = arith.constant 0 : i32
        %parallel_loop3A_521 = arith.index_cast %parallel_loop3A_520 : i32 to index
        %parallel_loop3A_522 = arith.index_cast %parallel_loop3A_519 : i32 to index
        %parallel_loop3A_523 = arith.constant 0 : index
        %parallel_loop3A_524 = tpu.vector_load %arg6[%parallel_loop3A_521, %parallel_loop3A_522, %parallel_loop3A_523] {strides = array<i32>} : memref<4x128x128xf32, #tpu.memory_space<vmem>>, vector<1x1x16xf32>,
        %parallel_loop3A_525 = vector.shape_cast %parallel_loop3A_524 : vector<1x1x16xf32> to vector<16xf32>
        %parallel_loop3A_526 = arith.constant 11.3137083 : f32
        %parallel_loop3A_527 = vector.broadcast %parallel_loop3A_526 : f32 to vector<16xf32>
        %parallel_loop3A_528 = arith.mulf %parallel_loop3A_525, %parallel_loop3A_527 : vector<16xf32>
        %parallel_loop3A_529 = arith.constant 0 : i32
        %parallel_loop3A_530 = arith.addi %parallel_loop3A_517, %parallel_loop3A_529 : i32
        %parallel_loop3A_531 = arith.constant 0 : i32
        %parallel_loop3A_532 = arith.index_cast %parallel_loop3A_531 : i32 to index
        %parallel_loop3A_533 = arith.index_cast %parallel_loop3A_530 : i32 to index
        %parallel_loop3A_534 = arith.constant 0 : index
        %parallel_loop3A_535 = tpu.vector_load %arg6[%parallel_loop3A_532, %parallel_loop3A_533, %parallel_loop3A_534] {strides = array<i32>} : memref<4x128x128xf32, #tpu.memory_space<vmem>>, vector<1x1x16xf32>,
        %parallel_loop3A_536 = vector.shape_cast %parallel_loop3A_535 : vector<1x1x16xf32> to vector<16xf32>
        %parallel_loop3A_537 = vector.shape_cast %parallel_loop3A_528 : vector<16xf32> to vector<1x1x16xf32>
        tpu.vector_store %arg6[%parallel_loop3A_532, %parallel_loop3A_533, %parallel_loop3A_534], %parallel_loop3A_537 {strides = array<i32>} : memref<4x128x128xf32, #tpu.memory_space<vmem>>, vector<1x1x16xf32>,
        %parallel_loop3A_538 = arith.constant 0 : i32
        %parallel_loop3A_539 = arith.addi %parallel_loop3A_517, %parallel_loop3A_538 : i32
        %parallel_loop3A_540 = arith.constant 0 : i32
        %parallel_loop3A_541 = arith.index_cast %parallel_loop3A_540 : i32 to index
        %parallel_loop3A_542 = arith.index_cast %parallel_loop3A_539 : i32 to index
        %parallel_loop3A_543 = arith.constant 16 : index
        %parallel_loop3A_544 = tpu.vector_load %arg6[%parallel_loop3A_541, %parallel_loop3A_542, %parallel_loop3A_543] {strides = array<i32>} : memref<4x128x128xf32, #tpu.memory_space<vmem>>, vector<1x1x16xf32>,
        %parallel_loop3A_545 = vector.shape_cast %parallel_loop3A_544 : vector<1x1x16xf32> to vector<16xf32>
        %parallel_loop3A_546 = arith.constant 11.3137083 : f32
        %parallel_loop3A_547 = vector.broadcast %parallel_loop3A_546 : f32 to vector<16xf32>
        %parallel_loop3A_548 = arith.mulf %parallel_loop3A_545, %parallel_loop3A_547 : vector<16xf32>
        %parallel_loop3A_549 = arith.constant 0 : i32
        %parallel_loop3A_550 = arith.addi %parallel_loop3A_517, %parallel_loop3A_549 : i32
        %parallel_loop3A_551 = arith.constant 0 : i32
        %parallel_loop3A_552 = arith.index_cast %parallel_loop3A_551 : i32 to index
        %parallel_loop3A_553 = arith.index_cast %parallel_loop3A_550 : i32 to index
        %parallel_loop3A_554 = arith.constant 16 : index
        %parallel_loop3A_555 = tpu.vector_load %arg6[%parallel_loop3A_552, %parallel_loop3A_553, %parallel_loop3A_554] {strides = array<i32>} : memref<4x128x128xf32, #tpu.memory_space<vmem>>, vector<1x1x16xf32>,
        %parallel_loop3A_556 = vector.shape_cast %parallel_loop3A_555 : vector<1x1x16xf32> to vector<16xf32>
        %parallel_loop3A_557 = vector.shape_cast %parallel_loop3A_548 : vector<16xf32> to vector<1x1x16xf32>
        tpu.vector_store %arg6[%parallel_loop3A_552, %parallel_loop3A_553, %parallel_loop3A_554], %parallel_loop3A_557 {strides = array<i32>} : memref<4x128x128xf32, #tpu.memory_space<vmem>>, vector<1x1x16xf32>,
        %parallel_loop3A_558 = arith.constant 0 : i32
        %parallel_loop3A_559 = arith.addi %parallel_loop3A_517, %parallel_loop3A_558 : i32
        %parallel_loop3A_560 = arith.constant 0 : i32
        %parallel_loop3A_561 = arith.index_cast %parallel_loop3A_560 : i32 to index
        %parallel_loop3A_562 = arith.index_cast %parallel_loop3A_559 : i32 to index
        %parallel_loop3A_563 = arith.constant 32 : index
        %parallel_loop3A_564 = tpu.vector_load %arg6[%parallel_loop3A_561, %parallel_loop3A_562, %parallel_loop3A_563] {strides = array<i32>} : memref<4x128x128xf32, #tpu.memory_space<vmem>>, vector<1x1x16xf32>,
        %parallel_loop3A_565 = vector.shape_cast %parallel_loop3A_564 : vector<1x1x16xf32> to vector<16xf32>
        %parallel_loop3A_566 = arith.constant 11.3137083 : f32
        %parallel_loop3A_567 = vector.broadcast %parallel_loop3A_566 : f32 to vector<16xf32>
        %parallel_loop3A_568 = arith.mulf %parallel_loop3A_565, %parallel_loop3A_567 : vector<16xf32>
        %parallel_loop3A_569 = arith.constant 0 : i32
        %parallel_loop3A_570 = arith.addi %parallel_loop3A_517, %parallel_loop3A_569 : i32
        %parallel_loop3A_571 = arith.constant 0 : i32
        %parallel_loop3A_572 = arith.index_cast %parallel_loop3A_571 : i32 to index
        %parallel_loop3A_573 = arith.index_cast %parallel_loop3A_570 : i32 to index
        %parallel_loop3A_574 = arith.constant 32 : index
        %parallel_loop3A_575 = tpu.vector_load %arg6[%parallel_loop3A_572, %parallel_loop3A_573, %parallel_loop3A_574] {strides = array<i32>} : memref<4x128x128xf32, #tpu.memory_space<vmem>>, vector<1x1x16xf32>,
        %parallel_loop3A_576 = vector.shape_cast %parallel_loop3A_575 : vector<1x1x16xf32> to vector<16xf32>
        %parallel_loop3A_577 = vector.shape_cast %parallel_loop3A_568 : vector<16xf32> to vector<1x1x16xf32>
        tpu.vector_store %arg6[%parallel_loop3A_572, %parallel_loop3A_573, %parallel_loop3A_574], %parallel_loop3A_577 {strides = array<i32>} : memref<4x128x128xf32, #tpu.memory_space<vmem>>, vector<1x1x16xf32>,
        %parallel_loop3A_578 = arith.constant 0 : i32
        %parallel_loop3A_579 = arith.addi %parallel_loop3A_517, %parallel_loop3A_578 : i32
        %parallel_loop3A_580 = arith.constant 0 : i32
        %parallel_loop3A_581 = arith.index_cast %parallel_loop3A_580 : i32 to index
        %parallel_loop3A_582 = arith.index_cast %parallel_loop3A_579 : i32 to index
        %parallel_loop3A_583 = arith.constant 48 : index
        %parallel_loop3A_584 = tpu.vector_load %arg6[%parallel_loop3A_581, %parallel_loop3A_582, %parallel_loop3A_583] {strides = array<i32>} : memref<4x128x128xf32, #tpu.memory_space<vmem>>, vector<1x1x16xf32>,
        %parallel_loop3A_585 = vector.shape_cast %parallel_loop3A_584 : vector<1x1x16xf32> to vector<16xf32>
        %parallel_loop3A_586 = arith.constant 11.3137083 : f32
        %parallel_loop3A_587 = vector.broadcast %parallel_loop3A_586 : f32 to vector<16xf32>
        %parallel_loop3A_588 = arith.mulf %parallel_loop3A_585, %parallel_loop3A_587 : vector<16xf32>
        %parallel_loop3A_589 = arith.constant 0 : i32
        %parallel_loop3A_590 = arith.addi %parallel_loop3A_517, %parallel_loop3A_589 : i32
        %parallel_loop3A_591 = arith.constant 0 : i32
        %parallel_loop3A_592 = arith.index_cast %parallel_loop3A_591 : i32 to index
        %parallel_loop3A_593 = arith.index_cast %parallel_loop3A_590 : i32 to index
        %parallel_loop3A_594 = arith.constant 48 : index
        %parallel_loop3A_595 = tpu.vector_load %arg6[%parallel_loop3A_592, %parallel_loop3A_593, %parallel_loop3A_594] {strides = array<i32>} : memref<4x128x128xf32, #tpu.memory_space<vmem>>, vector<1x1x16xf32>,
        %parallel_loop3A_596 = vector.shape_cast %parallel_loop3A_595 : vector<1x1x16xf32> to vector<16xf32>
        %parallel_loop3A_597 = vector.shape_cast %parallel_loop3A_588 : vector<16xf32> to vector<1x1x16xf32>
        tpu.vector_store %arg6[%parallel_loop3A_592, %parallel_loop3A_593, %parallel_loop3A_594], %parallel_loop3A_597 {strides = array<i32>} : memref<4x128x128xf32, #tpu.memory_space<vmem>>, vector<1x1x16xf32>,
        %parallel_loop3A_598 = arith.constant 0 : i32
        %parallel_loop3A_599 = arith.addi %parallel_loop3A_517, %parallel_loop3A_598 : i32
        %parallel_loop3A_600 = arith.constant 0 : i32
        %parallel_loop3A_601 = arith.index_cast %parallel_loop3A_600 : i32 to index
        %parallel_loop3A_602 = arith.index_cast %parallel_loop3A_599 : i32 to index
        %parallel_loop3A_603 = arith.constant 64 : index
        %parallel_loop3A_604 = tpu.vector_load %arg6[%parallel_loop3A_601, %parallel_loop3A_602, %parallel_loop3A_603] {strides = array<i32>} : memref<4x128x128xf32, #tpu.memory_space<vmem>>, vector<1x1x16xf32>,
        %parallel_loop3A_605 = vector.shape_cast %parallel_loop3A_604 : vector<1x1x16xf32> to vector<16xf32>
        %parallel_loop3A_606 = arith.constant 11.3137083 : f32
        %parallel_loop3A_607 = vector.broadcast %parallel_loop3A_606 : f32 to vector<16xf32>
        %parallel_loop3A_608 = arith.mulf %parallel_loop3A_605, %parallel_loop3A_607 : vector<16xf32>
        %parallel_loop3A_609 = arith.constant 0 : i32
        %parallel_loop3A_610 = arith.addi %parallel_loop3A_517, %parallel_loop3A_609 : i32
        %parallel_loop3A_611 = arith.constant 0 : i32
        %parallel_loop3A_612 = arith.index_cast %parallel_loop3A_611 : i32 to index
        %parallel_loop3A_613 = arith.index_cast %parallel_loop3A_610 : i32 to index
        %parallel_loop3A_614 = arith.constant 64 : index
        %parallel_loop3A_615 = tpu.vector_load %arg6[%parallel_loop3A_612, %parallel_loop3A_613, %parallel_loop3A_614] {strides = array<i32>} : memref<4x128x128xf32, #tpu.memory_space<vmem>>, vector<1x1x16xf32>,
        %parallel_loop3A_616 = vector.shape_cast %parallel_loop3A_615 : vector<1x1x16xf32> to vector<16xf32>
        %parallel_loop3A_617 = vector.shape_cast %parallel_loop3A_608 : vector<16xf32> to vector<1x1x16xf32>
        tpu.vector_store %arg6[%parallel_loop3A_612, %parallel_loop3A_613, %parallel_loop3A_614], %parallel_loop3A_617 {strides = array<i32>} : memref<4x128x128xf32, #tpu.memory_space<vmem>>, vector<1x1x16xf32>,
        %parallel_loop3A_618 = arith.constant 0 : i32
        %parallel_loop3A_619 = arith.addi %parallel_loop3A_517, %parallel_loop3A_618 : i32
        %parallel_loop3A_620 = arith.constant 0 : i32
        %parallel_loop3A_621 = arith.index_cast %parallel_loop3A_620 : i32 to index
        %parallel_loop3A_622 = arith.index_cast %parallel_loop3A_619 : i32 to index
        %parallel_loop3A_623 = arith.constant 80 : index
        %parallel_loop3A_624 = tpu.vector_load %arg6[%parallel_loop3A_621, %parallel_loop3A_622, %parallel_loop3A_623] {strides = array<i32>} : memref<4x128x128xf32, #tpu.memory_space<vmem>>, vector<1x1x16xf32>,
        %parallel_loop3A_625 = vector.shape_cast %parallel_loop3A_624 : vector<1x1x16xf32> to vector<16xf32>
        %parallel_loop3A_626 = arith.constant 11.3137083 : f32
        %parallel_loop3A_627 = vector.broadcast %parallel_loop3A_626 : f32 to vector<16xf32>
        %parallel_loop3A_628 = arith.mulf %parallel_loop3A_625, %parallel_loop3A_627 : vector<16xf32>
        %parallel_loop3A_629 = arith.constant 0 : i32
        %parallel_loop3A_630 = arith.addi %parallel_loop3A_517, %parallel_loop3A_629 : i32
        %parallel_loop3A_631 = arith.constant 0 : i32
        %parallel_loop3A_632 = arith.index_cast %parallel_loop3A_631 : i32 to index
        %parallel_loop3A_633 = arith.index_cast %parallel_loop3A_630 : i32 to index
        %parallel_loop3A_634 = arith.constant 80 : index
        %parallel_loop3A_635 = tpu.vector_load %arg6[%parallel_loop3A_632, %parallel_loop3A_633, %parallel_loop3A_634] {strides = array<i32>} : memref<4x128x128xf32, #tpu.memory_space<vmem>>, vector<1x1x16xf32>,
        %parallel_loop3A_636 = vector.shape_cast %parallel_loop3A_635 : vector<1x1x16xf32> to vector<16xf32>
        %parallel_loop3A_637 = vector.shape_cast %parallel_loop3A_628 : vector<16xf32> to vector<1x1x16xf32>
        tpu.vector_store %arg6[%parallel_loop3A_632, %parallel_loop3A_633, %parallel_loop3A_634], %parallel_loop3A_637 {strides = array<i32>} : memref<4x128x128xf32, #tpu.memory_space<vmem>>, vector<1x1x16xf32>,
        %parallel_loop3A_638 = arith.constant 0 : i32
        %parallel_loop3A_639 = arith.addi %parallel_loop3A_517, %parallel_loop3A_638 : i32
        %parallel_loop3A_640 = arith.constant 0 : i32
        %parallel_loop3A_641 = arith.index_cast %parallel_loop3A_640 : i32 to index
        %parallel_loop3A_642 = arith.index_cast %parallel_loop3A_639 : i32 to index
        %parallel_loop3A_643 = arith.constant 96 : index
        %parallel_loop3A_644 = tpu.vector_load %arg6[%parallel_loop3A_641, %parallel_loop3A_642, %parallel_loop3A_643] {strides = array<i32>} : memref<4x128x128xf32, #tpu.memory_space<vmem>>, vector<1x1x16xf32>,
        %parallel_loop3A_645 = vector.shape_cast %parallel_loop3A_644 : vector<1x1x16xf32> to vector<16xf32>
        %parallel_loop3A_646 = arith.constant 11.3137083 : f32
        %parallel_loop3A_647 = vector.broadcast %parallel_loop3A_646 : f32 to vector<16xf32>
        %parallel_loop3A_648 = arith.mulf %parallel_loop3A_645, %parallel_loop3A_647 : vector<16xf32>
        %parallel_loop3A_649 = arith.constant 0 : i32
        %parallel_loop3A_650 = arith.addi %parallel_loop3A_517, %parallel_loop3A_649 : i32
        %parallel_loop3A_651 = arith.constant 0 : i32
        %parallel_loop3A_652 = arith.index_cast %parallel_loop3A_651 : i32 to index
        %parallel_loop3A_653 = arith.index_cast %parallel_loop3A_650 : i32 to index
        %parallel_loop3A_654 = arith.constant 96 : index
        %parallel_loop3A_655 = tpu.vector_load %arg6[%parallel_loop3A_652, %parallel_loop3A_653, %parallel_loop3A_654] {strides = array<i32>} : memref<4x128x128xf32, #tpu.memory_space<vmem>>, vector<1x1x16xf32>,
        %parallel_loop3A_656 = vector.shape_cast %parallel_loop3A_655 : vector<1x1x16xf32> to vector<16xf32>
        %parallel_loop3A_657 = vector.shape_cast %parallel_loop3A_648 : vector<16xf32> to vector<1x1x16xf32>
        tpu.vector_store %arg6[%parallel_loop3A_652, %parallel_loop3A_653, %parallel_loop3A_654], %parallel_loop3A_657 {strides = array<i32>} : memref<4x128x128xf32, #tpu.memory_space<vmem>>, vector<1x1x16xf32>,
        %parallel_loop3A_658 = arith.constant 0 : i32
        %parallel_loop3A_659 = arith.addi %parallel_loop3A_517, %parallel_loop3A_658 : i32
        %parallel_loop3A_660 = arith.constant 0 : i32
        %parallel_loop3A_661 = arith.index_cast %parallel_loop3A_660 : i32 to index
        %parallel_loop3A_662 = arith.index_cast %parallel_loop3A_659 : i32 to index
        %parallel_loop3A_663 = arith.constant 112 : index
        %parallel_loop3A_664 = tpu.vector_load %arg6[%parallel_loop3A_661, %parallel_loop3A_662, %parallel_loop3A_663] {strides = array<i32>} : memref<4x128x128xf32, #tpu.memory_space<vmem>>, vector<1x1x16xf32>,
        %parallel_loop3A_665 = vector.shape_cast %parallel_loop3A_664 : vector<1x1x16xf32> to vector<16xf32>
        %parallel_loop3A_666 = arith.constant 11.3137083 : f32
        %parallel_loop3A_667 = vector.broadcast %parallel_loop3A_666 : f32 to vector<16xf32>
        %parallel_loop3A_668 = arith.mulf %parallel_loop3A_665, %parallel_loop3A_667 : vector<16xf32>
        %parallel_loop3A_669 = arith.constant 0 : i32
        %parallel_loop3A_670 = arith.addi %parallel_loop3A_517, %parallel_loop3A_669 : i32
        %parallel_loop3A_671 = arith.constant 0 : i32
        %parallel_loop3A_672 = arith.index_cast %parallel_loop3A_671 : i32 to index
        %parallel_loop3A_673 = arith.index_cast %parallel_loop3A_670 : i32 to index
        %parallel_loop3A_674 = arith.constant 112 : index
        %parallel_loop3A_675 = tpu.vector_load %arg6[%parallel_loop3A_672, %parallel_loop3A_673, %parallel_loop3A_674] {strides = array<i32>} : memref<4x128x128xf32, #tpu.memory_space<vmem>>, vector<1x1x16xf32>,
        %parallel_loop3A_676 = vector.shape_cast %parallel_loop3A_675 : vector<1x1x16xf32> to vector<16xf32>
        %parallel_loop3A_677 = vector.shape_cast %parallel_loop3A_668 : vector<16xf32> to vector<1x1x16xf32>
        tpu.vector_store %arg6[%parallel_loop3A_672, %parallel_loop3A_673, %parallel_loop3A_674], %parallel_loop3A_677 {strides = array<i32>} : memref<4x128x128xf32, #tpu.memory_space<vmem>>, vector<1x1x16xf32>,
        %parallel_loop3A_678 = arith.constant 1 : i32
        %parallel_loop3A_679 = arith.addi %parallel_loop3A_517, %parallel_loop3A_678 : i32
        %parallel_loop3A_680 = arith.constant 0 : i32
        %parallel_loop3A_681 = arith.index_cast %parallel_loop3A_680 : i32 to index
        %parallel_loop3A_682 = arith.index_cast %parallel_loop3A_679 : i32 to index
        %parallel_loop3A_683 = arith.constant 0 : index
        %parallel_loop3A_684 = tpu.vector_load %arg6[%parallel_loop3A_681, %parallel_loop3A_682, %parallel_loop3A_683] {strides = array<i32>} : memref<4x128x128xf32, #tpu.memory_space<vmem>>, vector<1x1x16xf32>,
        %parallel_loop3A_685 = vector.shape_cast %parallel_loop3A_684 : vector<1x1x16xf32> to vector<16xf32>
        %parallel_loop3A_686 = arith.constant 11.3137083 : f32
        %parallel_loop3A_687 = vector.broadcast %parallel_loop3A_686 : f32 to vector<16xf32>
        %parallel_loop3A_688 = arith.mulf %parallel_loop3A_685, %parallel_loop3A_687 : vector<16xf32>
        %parallel_loop3A_689 = arith.constant 1 : i32
        %parallel_loop3A_690 = arith.addi %parallel_loop3A_517, %parallel_loop3A_689 : i32
        %parallel_loop3A_691 = arith.constant 0 : i32
        %parallel_loop3A_692 = arith.index_cast %parallel_loop3A_691 : i32 to index
        %parallel_loop3A_693 = arith.index_cast %parallel_loop3A_690 : i32 to index
        %parallel_loop3A_694 = arith.constant 0 : index
        %parallel_loop3A_695 = tpu.vector_load %arg6[%parallel_loop3A_692, %parallel_loop3A_693, %parallel_loop3A_694] {strides = array<i32>} : memref<4x128x128xf32, #tpu.memory_space<vmem>>, vector<1x1x16xf32>,
        %parallel_loop3A_696 = vector.shape_cast %parallel_loop3A_695 : vector<1x1x16xf32> to vector<16xf32>
        %parallel_loop3A_697 = vector.shape_cast %parallel_loop3A_688 : vector<16xf32> to vector<1x1x16xf32>
        tpu.vector_store %arg6[%parallel_loop3A_692, %parallel_loop3A_693, %parallel_loop3A_694], %parallel_loop3A_697 {strides = array<i32>} : memref<4x128x128xf32, #tpu.memory_space<vmem>>, vector<1x1x16xf32>,
        %parallel_loop3A_698 = arith.constant 1 : i32
        %parallel_loop3A_699 = arith.addi %parallel_loop3A_517, %parallel_loop3A_698 : i32
        %parallel_loop3A_700 = arith.constant 0 : i32
        %parallel_loop3A_701 = arith.index_cast %parallel_loop3A_700 : i32 to index
        %parallel_loop3A_702 = arith.index_cast %parallel_loop3A_699 : i32 to index
        %parallel_loop3A_703 = arith.constant 16 : index
        %parallel_loop3A_704 = tpu.vector_load %arg6[%parallel_loop3A_701, %parallel_loop3A_702, %parallel_loop3A_703] {strides = array<i32>} : memref<4x128x128xf32, #tpu.memory_space<vmem>>, vector<1x1x16xf32>,
        %parallel_loop3A_705 = vector.shape_cast %parallel_loop3A_704 : vector<1x1x16xf32> to vector<16xf32>
        %parallel_loop3A_706 = arith.constant 11.3137083 : f32
        %parallel_loop3A_707 = vector.broadcast %parallel_loop3A_706 : f32 to vector<16xf32>
        %parallel_loop3A_708 = arith.mulf %parallel_loop3A_705, %parallel_loop3A_707 : vector<16xf32>
        %parallel_loop3A_709 = arith.constant 1 : i32
        %parallel_loop3A_710 = arith.addi %parallel_loop3A_517, %parallel_loop3A_709 : i32
        %parallel_loop3A_711 = arith.constant 0 : i32
        %parallel_loop3A_712 = arith.index_cast %parallel_loop3A_711 : i32 to index
        %parallel_loop3A_713 = arith.index_cast %parallel_loop3A_710 : i32 to index
        %parallel_loop3A_714 = arith.constant 16 : index
        %parallel_loop3A_715 = tpu.vector_load %arg6[%parallel_loop3A_712, %parallel_loop3A_713, %parallel_loop3A_714] {strides = array<i32>} : memref<4x128x128xf32, #tpu.memory_space<vmem>>, vector<1x1x16xf32>,
        %parallel_loop3A_716 = vector.shape_cast %parallel_loop3A_715 : vector<1x1x16xf32> to vector<16xf32>
        %parallel_loop3A_717 = vector.shape_cast %parallel_loop3A_708 : vector<16xf32> to vector<1x1x16xf32>
        tpu.vector_store %arg6[%parallel_loop3A_712, %parallel_loop3A_713, %parallel_loop3A_714], %parallel_loop3A_717 {strides = array<i32>} : memref<4x128x128xf32, #tpu.memory_space<vmem>>, vector<1x1x16xf32>,
        %parallel_loop3A_718 = arith.constant 1 : i32
        %parallel_loop3A_719 = arith.addi %parallel_loop3A_517, %parallel_loop3A_718 : i32
        %parallel_loop3A_720 = arith.constant 0 : i32
        %parallel_loop3A_721 = arith.index_cast %parallel_loop3A_720 : i32 to index
        %parallel_loop3A_722 = arith.index_cast %parallel_loop3A_719 : i32 to index
        %parallel_loop3A_723 = arith.constant 32 : index
        %parallel_loop3A_724 = tpu.vector_load %arg6[%parallel_loop3A_721, %parallel_loop3A_722, %parallel_loop3A_723] {strides = array<i32>} : memref<4x128x128xf32, #tpu.memory_space<vmem>>, vector<1x1x16xf32>,
        %parallel_loop3A_725 = vector.shape_cast %parallel_loop3A_724 : vector<1x1x16xf32> to vector<16xf32>
        %parallel_loop3A_726 = arith.constant 11.3137083 : f32
        %parallel_loop3A_727 = vector.broadcast %parallel_loop3A_726 : f32 to vector<16xf32>
        %parallel_loop3A_728 = arith.mulf %parallel_loop3A_725, %parallel_loop3A_727 : vector<16xf32>
        %parallel_loop3A_729 = arith.constant 1 : i32
        %parallel_loop3A_730 = arith.addi %parallel_loop3A_517, %parallel_loop3A_729 : i32
        %parallel_loop3A_731 = arith.constant 0 : i32
        %parallel_loop3A_732 = arith.index_cast %parallel_loop3A_731 : i32 to index
        %parallel_loop3A_733 = arith.index_cast %parallel_loop3A_730 : i32 to index
        %parallel_loop3A_734 = arith.constant 32 : index
        %parallel_loop3A_735 = tpu.vector_load %arg6[%parallel_loop3A_732, %parallel_loop3A_733, %parallel_loop3A_734] {strides = array<i32>} : memref<4x128x128xf32, #tpu.memory_space<vmem>>, vector<1x1x16xf32>,
        %parallel_loop3A_736 = vector.shape_cast %parallel_loop3A_735 : vector<1x1x16xf32> to vector<16xf32>
        %parallel_loop3A_737 = vector.shape_cast %parallel_loop3A_728 : vector<16xf32> to vector<1x1x16xf32>
        tpu.vector_store %arg6[%parallel_loop3A_732, %parallel_loop3A_733, %parallel_loop3A_734], %parallel_loop3A_737 {strides = array<i32>} : memref<4x128x128xf32, #tpu.memory_space<vmem>>, vector<1x1x16xf32>,
        %parallel_loop3A_738 = arith.constant 1 : i32
        %parallel_loop3A_739 = arith.addi %parallel_loop3A_517, %parallel_loop3A_738 : i32
        %parallel_loop3A_740 = arith.constant 0 : i32
        %parallel_loop3A_741 = arith.index_cast %parallel_loop3A_740 : i32 to index
        %parallel_loop3A_742 = arith.index_cast %parallel_loop3A_739 : i32 to index
        %parallel_loop3A_743 = arith.constant 48 : index
        %parallel_loop3A_744 = tpu.vector_load %arg6[%parallel_loop3A_741, %parallel_loop3A_742, %parallel_loop3A_743] {strides = array<i32>} : memref<4x128x128xf32, #tpu.memory_space<vmem>>, vector<1x1x16xf32>,
        %parallel_loop3A_745 = vector.shape_cast %parallel_loop3A_744 : vector<1x1x16xf32> to vector<16xf32>
        %parallel_loop3A_746 = arith.constant 11.3137083 : f32
        %parallel_loop3A_747 = vector.broadcast %parallel_loop3A_746 : f32 to vector<16xf32>
        %parallel_loop3A_748 = arith.mulf %parallel_loop3A_745, %parallel_loop3A_747 : vector<16xf32>
        %parallel_loop3A_749 = arith.constant 1 : i32
        %parallel_loop3A_750 = arith.addi %parallel_loop3A_517, %parallel_loop3A_749 : i32
        %parallel_loop3A_751 = arith.constant 0 : i32
        %parallel_loop3A_752 = arith.index_cast %parallel_loop3A_751 : i32 to index
        %parallel_loop3A_753 = arith.index_cast %parallel_loop3A_750 : i32 to index
        %parallel_loop3A_754 = arith.constant 48 : index
        %parallel_loop3A_755 = tpu.vector_load %arg6[%parallel_loop3A_752, %parallel_loop3A_753, %parallel_loop3A_754] {strides = array<i32>} : memref<4x128x128xf32, #tpu.memory_space<vmem>>, vector<1x1x16xf32>,
        %parallel_loop3A_756 = vector.shape_cast %parallel_loop3A_755 : vector<1x1x16xf32> to vector<16xf32>
        %parallel_loop3A_757 = vector.shape_cast %parallel_loop3A_748 : vector<16xf32> to vector<1x1x16xf32>
        tpu.vector_store %arg6[%parallel_loop3A_752, %parallel_loop3A_753, %parallel_loop3A_754], %parallel_loop3A_757 {strides = array<i32>} : memref<4x128x128xf32, #tpu.memory_space<vmem>>, vector<1x1x16xf32>,
        %parallel_loop3A_758 = arith.constant 1 : i32
        %parallel_loop3A_759 = arith.addi %parallel_loop3A_517, %parallel_loop3A_758 : i32
        %parallel_loop3A_760 = arith.constant 0 : i32
        %parallel_loop3A_761 = arith.index_cast %parallel_loop3A_760 : i32 to index
        %parallel_loop3A_762 = arith.index_cast %parallel_loop3A_759 : i32 to index
        %parallel_loop3A_763 = arith.constant 64 : index
        %parallel_loop3A_764 = tpu.vector_load %arg6[%parallel_loop3A_761, %parallel_loop3A_762, %parallel_loop3A_763] {strides = array<i32>} : memref<4x128x128xf32, #tpu.memory_space<vmem>>, vector<1x1x16xf32>,
        %parallel_loop3A_765 = vector.shape_cast %parallel_loop3A_764 : vector<1x1x16xf32> to vector<16xf32>
        %parallel_loop3A_766 = arith.constant 11.3137083 : f32
        %parallel_loop3A_767 = vector.broadcast %parallel_loop3A_766 : f32 to vector<16xf32>
        %parallel_loop3A_768 = arith.mulf %parallel_loop3A_765, %parallel_loop3A_767 : vector<16xf32>
        %parallel_loop3A_769 = arith.constant 1 : i32
        %parallel_loop3A_770 = arith.addi %parallel_loop3A_517, %parallel_loop3A_769 : i32
        %parallel_loop3A_771 = arith.constant 0 : i32
        %parallel_loop3A_772 = arith.index_cast %parallel_loop3A_771 : i32 to index
        %parallel_loop3A_773 = arith.index_cast %parallel_loop3A_770 : i32 to index
        %parallel_loop3A_774 = arith.constant 64 : index
        %parallel_loop3A_775 = tpu.vector_load %arg6[%parallel_loop3A_772, %parallel_loop3A_773, %parallel_loop3A_774] {strides = array<i32>} : memref<4x128x128xf32, #tpu.memory_space<vmem>>, vector<1x1x16xf32>,
        %parallel_loop3A_776 = vector.shape_cast %parallel_loop3A_775 : vector<1x1x16xf32> to vector<16xf32>
        %parallel_loop3A_777 = vector.shape_cast %parallel_loop3A_768 : vector<16xf32> to vector<1x1x16xf32>
        tpu.vector_store %arg6[%parallel_loop3A_772, %parallel_loop3A_773, %parallel_loop3A_774], %parallel_loop3A_777 {strides = array<i32>} : memref<4x128x128xf32, #tpu.memory_space<vmem>>, vector<1x1x16xf32>,
        %parallel_loop3A_778 = arith.constant 1 : i32
        %parallel_loop3A_779 = arith.addi %parallel_loop3A_517, %parallel_loop3A_778 : i32
        %parallel_loop3A_780 = arith.constant 0 : i32
        %parallel_loop3A_781 = arith.index_cast %parallel_loop3A_780 : i32 to index
        %parallel_loop3A_782 = arith.index_cast %parallel_loop3A_779 : i32 to index
        %parallel_loop3A_783 = arith.constant 80 : index
        %parallel_loop3A_784 = tpu.vector_load %arg6[%parallel_loop3A_781, %parallel_loop3A_782, %parallel_loop3A_783] {strides = array<i32>} : memref<4x128x128xf32, #tpu.memory_space<vmem>>, vector<1x1x16xf32>,
        %parallel_loop3A_785 = vector.shape_cast %parallel_loop3A_784 : vector<1x1x16xf32> to vector<16xf32>
        %parallel_loop3A_786 = arith.constant 11.3137083 : f32
        %parallel_loop3A_787 = vector.broadcast %parallel_loop3A_786 : f32 to vector<16xf32>
        %parallel_loop3A_788 = arith.mulf %parallel_loop3A_785, %parallel_loop3A_787 : vector<16xf32>
        %parallel_loop3A_789 = arith.constant 1 : i32
        %parallel_loop3A_790 = arith.addi %parallel_loop3A_517, %parallel_loop3A_789 : i32
        %parallel_loop3A_791 = arith.constant 0 : i32
        %parallel_loop3A_792 = arith.index_cast %parallel_loop3A_791 : i32 to index
        %parallel_loop3A_793 = arith.index_cast %parallel_loop3A_790 : i32 to index
        %parallel_loop3A_794 = arith.constant 80 : index
        %parallel_loop3A_795 = tpu.vector_load %arg6[%parallel_loop3A_792, %parallel_loop3A_793, %parallel_loop3A_794] {strides = array<i32>} : memref<4x128x128xf32, #tpu.memory_space<vmem>>, vector<1x1x16xf32>,
        %parallel_loop3A_796 = vector.shape_cast %parallel_loop3A_795 : vector<1x1x16xf32> to vector<16xf32>
        %parallel_loop3A_797 = vector.shape_cast %parallel_loop3A_788 : vector<16xf32> to vector<1x1x16xf32>
        tpu.vector_store %arg6[%parallel_loop3A_792, %parallel_loop3A_793, %parallel_loop3A_794], %parallel_loop3A_797 {strides = array<i32>} : memref<4x128x128xf32, #tpu.memory_space<vmem>>, vector<1x1x16xf32>,
        %parallel_loop3A_798 = arith.constant 1 : i32
        %parallel_loop3A_799 = arith.addi %parallel_loop3A_517, %parallel_loop3A_798 : i32
        %parallel_loop3A_800 = arith.constant 0 : i32
        %parallel_loop3A_801 = arith.index_cast %parallel_loop3A_800 : i32 to index
        %parallel_loop3A_802 = arith.index_cast %parallel_loop3A_799 : i32 to index
        %parallel_loop3A_803 = arith.constant 96 : index
        %parallel_loop3A_804 = tpu.vector_load %arg6[%parallel_loop3A_801, %parallel_loop3A_802, %parallel_loop3A_803] {strides = array<i32>} : memref<4x128x128xf32, #tpu.memory_space<vmem>>, vector<1x1x16xf32>,
        %parallel_loop3A_805 = vector.shape_cast %parallel_loop3A_804 : vector<1x1x16xf32> to vector<16xf32>
        %parallel_loop3A_806 = arith.constant 11.3137083 : f32
        %parallel_loop3A_807 = vector.broadcast %parallel_loop3A_806 : f32 to vector<16xf32>
        %parallel_loop3A_808 = arith.mulf %parallel_loop3A_805, %parallel_loop3A_807 : vector<16xf32>
        %parallel_loop3A_809 = arith.constant 1 : i32
        %parallel_loop3A_810 = arith.addi %parallel_loop3A_517, %parallel_loop3A_809 : i32
        %parallel_loop3A_811 = arith.constant 0 : i32
        %parallel_loop3A_812 = arith.index_cast %parallel_loop3A_811 : i32 to index
        %parallel_loop3A_813 = arith.index_cast %parallel_loop3A_810 : i32 to index
        %parallel_loop3A_814 = arith.constant 96 : index
        %parallel_loop3A_815 = tpu.vector_load %arg6[%parallel_loop3A_812, %parallel_loop3A_813, %parallel_loop3A_814] {strides = array<i32>} : memref<4x128x128xf32, #tpu.memory_space<vmem>>, vector<1x1x16xf32>,
        %parallel_loop3A_816 = vector.shape_cast %parallel_loop3A_815 : vector<1x1x16xf32> to vector<16xf32>
        %parallel_loop3A_817 = vector.shape_cast %parallel_loop3A_808 : vector<16xf32> to vector<1x1x16xf32>
        tpu.vector_store %arg6[%parallel_loop3A_812, %parallel_loop3A_813, %parallel_loop3A_814], %parallel_loop3A_817 {strides = array<i32>} : memref<4x128x128xf32, #tpu.memory_space<vmem>>, vector<1x1x16xf32>,
        %parallel_loop3A_818 = arith.constant 1 : i32
        %parallel_loop3A_819 = arith.addi %parallel_loop3A_517, %parallel_loop3A_818 : i32
        %parallel_loop3A_820 = arith.constant 0 : i32
        %parallel_loop3A_821 = arith.index_cast %parallel_loop3A_820 : i32 to index
        %parallel_loop3A_822 = arith.index_cast %parallel_loop3A_819 : i32 to index
        %parallel_loop3A_823 = arith.constant 112 : index
        %parallel_loop3A_824 = tpu.vector_load %arg6[%parallel_loop3A_821, %parallel_loop3A_822, %parallel_loop3A_823] {strides = array<i32>} : memref<4x128x128xf32, #tpu.memory_space<vmem>>, vector<1x1x16xf32>,
        %parallel_loop3A_825 = vector.shape_cast %parallel_loop3A_824 : vector<1x1x16xf32> to vector<16xf32>
        %parallel_loop3A_826 = arith.constant 11.3137083 : f32
        %parallel_loop3A_827 = vector.broadcast %parallel_loop3A_826 : f32 to vector<16xf32>
        %parallel_loop3A_828 = arith.mulf %parallel_loop3A_825, %parallel_loop3A_827 : vector<16xf32>
        %parallel_loop3A_829 = arith.constant 1 : i32
        %parallel_loop3A_830 = arith.addi %parallel_loop3A_517, %parallel_loop3A_829 : i32
        %parallel_loop3A_831 = arith.constant 0 : i32
        %parallel_loop3A_832 = arith.index_cast %parallel_loop3A_831 : i32 to index
        %parallel_loop3A_833 = arith.index_cast %parallel_loop3A_830 : i32 to index
        %parallel_loop3A_834 = arith.constant 112 : index
        %parallel_loop3A_835 = tpu.vector_load %arg6[%parallel_loop3A_832, %parallel_loop3A_833, %parallel_loop3A_834] {strides = array<i32>} : memref<4x128x128xf32, #tpu.memory_space<vmem>>, vector<1x1x16xf32>,
        %parallel_loop3A_836 = vector.shape_cast %parallel_loop3A_835 : vector<1x1x16xf32> to vector<16xf32>
        %parallel_loop3A_837 = vector.shape_cast %parallel_loop3A_828 : vector<16xf32> to vector<1x1x16xf32>
        tpu.vector_store %arg6[%parallel_loop3A_832, %parallel_loop3A_833, %parallel_loop3A_834], %parallel_loop3A_837 {strides = array<i32>} : memref<4x128x128xf32, #tpu.memory_space<vmem>>, vector<1x1x16xf32>,
      } {sc.loop_unroll_factor = 1 : i64, sc.parallel_access}
      %mul3A_403 = arith.constant 128 : i32
      %mul3A_404 = arith.muli %add3A_384, %mul3A_403 : i32
      %add3A_405 = arith.addi %mul3A_2, %mul3A_404 : i32
      %multiple_of3A_406 = tpu.assume_multiple %add3A_405, 128 : i32
      %dma_start3A_407 = arith.constant 0 : i32
      %dma_start3A_408 = arith.constant 0 : i32
      %dma_start3A_409 = arith.constant 0 : i32
      %dma_start3A_410 = tpu.memref_slice %arg6[%dma_start3A_407, %dma_start3A_408, %dma_start3A_409] : memref<4x128x128xf32, #tpu.memory_space<vmem>> -> memref<1x128x128xf32, #tpu.memory_space<vmem>>
      %dma_start3A_411 = tpu.memref_squeeze %dma_start3A_410 : memref<1x128x128xf32, #tpu.memory_space<vmem>> -> memref<128x128xf32, #tpu.memory_space<vmem>>
      %dma_start3A_412 = arith.constant 0 : i32
      %dma_start3A_413 = tpu.memref_slice %arg4[%multiple_of3A_406, %dma_start3A_412] : memref<819200x128xf32, #tpu.memory_space<hbm>> -> memref<128x128xf32, #tpu.memory_space<hbm>>
      %dma_start3A_414 = arith.constant 0 : i32
      %dma_start3A_415 = tpu.memref_slice %arg4[%multiple_of3A_406, %dma_start3A_414] : memref<819200x128xf32, #tpu.memory_space<hbm>> -> memref<128x128xf32, #tpu.memory_space<hbm>>
      %dma_start3A_416 = arith.constant 0 : i32
      %dma_start3A_417 = arith.constant 0 : i32
      %dma_start3A_418 = tpu.memref_slice %arg6[%dma_start3A_407, %dma_start3A_416, %dma_start3A_417] : memref<4x128x128xf32, #tpu.memory_space<vmem>> -> memref<1x128x128xf32, #tpu.memory_space<vmem>>
      %dma_start3A_419 = tpu.memref_squeeze %dma_start3A_418 : memref<1x128x128xf32, #tpu.memory_space<vmem>> -> memref<128x128xf32, #tpu.memory_space<vmem>>
      tpu.enqueue_dma source(%dma_start3A_419 : memref<128x128xf32, #tpu.memory_space<vmem>>) target(%dma_start3A_415 : memref<128x128xf32, #tpu.memory_space<hbm>>) target_semaphore(%arg11 : memref<!tpu.dma_semaphore, #tpu.memory_space<semaphore_mem>>)
      %dma_wait3A_420 = arith.constant 2 : i32
      %dma_wait3A_421 = arith.constant 0 : i32
      %dma_wait3A_422 = arith.constant 0 : i32
      %dma_wait3A_423 = tpu.memref_slice %arg6[%dma_wait3A_420, %dma_wait3A_421, %dma_wait3A_422] : memref<4x128x128xf32, #tpu.memory_space<vmem>> -> memref<1x128x128xf32, #tpu.memory_space<vmem>>
      %dma_wait3A_424 = tpu.memref_squeeze %dma_wait3A_423 : memref<1x128x128xf32, #tpu.memory_space<vmem>> -> memref<128x128xf32, #tpu.memory_space<vmem>>
      %dma_wait3A_425 = arith.constant 0 : i32
      %dma_wait3A_426 = arith.constant 0 : i32
      %dma_wait3A_427 = tpu.memref_slice %arg4[%dma_wait3A_425, %dma_wait3A_426] : memref<819200x128xf32, #tpu.memory_space<hbm>> -> memref<128x128xf32, #tpu.memory_space<hbm>>
      %dma_wait3A_428 = arith.constant 0 : i32
      %dma_wait3A_429 = arith.constant 0 : i32
      %dma_wait3A_430 = tpu.memref_slice %arg4[%dma_wait3A_428, %dma_wait3A_429] : memref<819200x128xf32, #tpu.memory_space<hbm>> -> memref<128x128xf32, #tpu.memory_space<hbm>>
      %dma_wait3A_431 = arith.constant 0 : i32
      %dma_wait3A_432 = arith.constant 0 : i32
      %dma_wait3A_433 = tpu.memref_slice %arg6[%dma_wait3A_420, %dma_wait3A_431, %dma_wait3A_432] : memref<4x128x128xf32, #tpu.memory_space<vmem>> -> memref<1x128x128xf32, #tpu.memory_space<vmem>>
      %dma_wait3A_434 = tpu.memref_squeeze %dma_wait3A_433 : memref<1x128x128xf32, #tpu.memory_space<vmem>> -> memref<128x128xf32, #tpu.memory_space<vmem>>
      tpu.wait_dma2 semaphore(%arg13 : memref<!tpu.dma_semaphore, #tpu.memory_space<semaphore_mem>>) src(%dma_wait3A_434 : memref<128x128xf32, #tpu.memory_space<vmem>>) dst(%dma_wait3A_430 : memref<128x128xf32, #tpu.memory_space<hbm>>)
      %add3A_435 = arith.constant 2 : i32
      %add3A_436 = arith.addi %add3A_384, %add3A_435 : i32
      %mul3A_437 = arith.constant 128 : i32
      %mul3A_438 = arith.muli %add3A_436, %mul3A_437 : i32
      %multiple_of3A_439 = tpu.assume_multiple %mul3A_438, 128 : i32
      %dma_start3A_440 = arith.constant 2 : i32
      %dma_start3A_441 = arith.constant 0 : i32
      %dma_start3A_442 = arith.constant 0 : i32
      %dma_start3A_443 = tpu.memref_slice %arg6[%dma_start3A_440, %dma_start3A_441, %dma_start3A_442] : memref<4x128x128xf32, #tpu.memory_space<vmem>> -> memref<1x128x128xf32, #tpu.memory_space<vmem>>
      %dma_start3A_444 = tpu.memref_squeeze %dma_start3A_443 : memref<1x128x128xf32, #tpu.memory_space<vmem>> -> memref<128x128xf32, #tpu.memory_space<vmem>>
      %dma_start3A_445 = tpu.memref_slice %arg5[%multiple_of3A_439] : memref<25600xi32, #tpu.memory_space<vmem>> -> memref<128xi32, #tpu.memory_space<vmem>>
      %dma_start3A_446 = arith.constant 0 : i32
      %dma_start3A_447 = arith.constant 0 : i32
      %dma_start3A_448 = tpu.memref_slice %arg3[%dma_start3A_446, %dma_start3A_447] : memref<100000x128xf32, #tpu.memory_space<hbm>> -> memref<100000x128xf32, #tpu.memory_space<hbm>>
      tpu.enqueue_indirect_dma source(%dma_start3A_448 : memref<100000x128xf32, #tpu.memory_space<hbm>>) target(%dma_start3A_444 : memref<128x128xf32, #tpu.memory_space<vmem>>) offsets(%dma_start3A_445 : memref<128xi32, #tpu.memory_space<vmem>>) semaphore(%arg9 : memref<!tpu.dma_semaphore, #tpu.memory_space<semaphore_mem>>)
      %mul3A_449 = arith.constant 4 : i32
      %mul3A_450 = arith.muli %scan3A_244, %mul3A_449 : i32
      %add3A_451 = arith.constant 5 : i32
      %add3A_452 = arith.addi %mul3A_450, %add3A_451 : i32
      %dma_wait3A_453 = arith.constant 1 : i32
      %dma_wait3A_454 = arith.constant 0 : i32
      %dma_wait3A_455 = arith.constant 0 : i32
      %dma_wait3A_456 = tpu.memref_slice %arg6[%dma_wait3A_453, %dma_wait3A_454, %dma_wait3A_455] : memref<4x128x128xf32, #tpu.memory_space<vmem>> -> memref<1x128x128xf32, #tpu.memory_space<vmem>>
      %dma_wait3A_457 = tpu.memref_squeeze %dma_wait3A_456 : memref<1x128x128xf32, #tpu.memory_space<vmem>> -> memref<128x128xf32, #tpu.memory_space<vmem>>
      %dma_wait3A_458 = arith.constant 0 : i32
      %dma_wait3A_459 = arith.constant 0 : i32
      %dma_wait3A_460 = tpu.memref_slice %arg3[%dma_wait3A_458, %dma_wait3A_459] : memref<100000x128xf32, #tpu.memory_space<hbm>> -> memref<128x128xf32, #tpu.memory_space<hbm>>
      %dma_wait3A_461 = arith.constant 0 : i32
      %dma_wait3A_462 = arith.constant 0 : i32
      %dma_wait3A_463 = tpu.memref_slice %arg6[%dma_wait3A_453, %dma_wait3A_461, %dma_wait3A_462] : memref<4x128x128xf32, #tpu.memory_space<vmem>> -> memref<1x128x128xf32, #tpu.memory_space<vmem>>
      %dma_wait3A_464 = tpu.memref_squeeze %dma_wait3A_463 : memref<1x128x128xf32, #tpu.memory_space<vmem>> -> memref<128x128xf32, #tpu.memory_space<vmem>>
      %dma_wait3A_465 = arith.constant 0 : i32
      %dma_wait3A_466 = arith.constant 0 : i32
      %dma_wait3A_467 = tpu.memref_slice %arg3[%dma_wait3A_465, %dma_wait3A_466] : memref<100000x128xf32, #tpu.memory_space<hbm>> -> memref<128x128xf32, #tpu.memory_space<hbm>>
      tpu.wait_dma2 semaphore(%arg8 : memref<!tpu.dma_semaphore, #tpu.memory_space<semaphore_mem>>) src(%dma_wait3A_467 : memref<128x128xf32, #tpu.memory_space<hbm>>) dst(%dma_wait3A_464 : memref<128x128xf32, #tpu.memory_space<vmem>>)
      %parallel_loop3A_468 = arith.constant 0 : i32
      %parallel_loop3A_469 = arith.constant 128 : i32
      %parallel_loop3A_470 = arith.constant 2 : i32
      scf.for %parallel_loop3A_517 = %parallel_loop3A_468 to %parallel_loop3A_469 step %parallel_loop3A_470  : i32 {
        %parallel_loop3A_518 = arith.constant 0 : i32
        %parallel_loop3A_519 = arith.addi %parallel_loop3A_517, %parallel_loop3A_518 : i32
        %parallel_loop3A_520 = arith.constant 1 : i32
        %parallel_loop3A_521 = arith.index_cast %parallel_loop3A_520 : i32 to index
        %parallel_loop3A_522 = arith.index_cast %parallel_loop3A_519 : i32 to index
        %parallel_loop3A_523 = arith.constant 0 : index
        %parallel_loop3A_524 = tpu.vector_load %arg6[%parallel_loop3A_521, %parallel_loop3A_522, %parallel_loop3A_523] {strides = array<i32>} : memref<4x128x128xf32, #tpu.memory_space<vmem>>, vector<1x1x16xf32>,
        %parallel_loop3A_525 = vector.shape_cast %parallel_loop3A_524 : vector<1x1x16xf32> to vector<16xf32>
        %parallel_loop3A_526 = arith.constant 11.3137083 : f32
        %parallel_loop3A_527 = vector.broadcast %parallel_loop3A_526 : f32 to vector<16xf32>
        %parallel_loop3A_528 = arith.mulf %parallel_loop3A_525, %parallel_loop3A_527 : vector<16xf32>
        %parallel_loop3A_529 = arith.constant 0 : i32
        %parallel_loop3A_530 = arith.addi %parallel_loop3A_517, %parallel_loop3A_529 : i32
        %parallel_loop3A_531 = arith.constant 1 : i32
        %parallel_loop3A_532 = arith.index_cast %parallel_loop3A_531 : i32 to index
        %parallel_loop3A_533 = arith.index_cast %parallel_loop3A_530 : i32 to index
        %parallel_loop3A_534 = arith.constant 0 : index
        %parallel_loop3A_535 = tpu.vector_load %arg6[%parallel_loop3A_532, %parallel_loop3A_533, %parallel_loop3A_534] {strides = array<i32>} : memref<4x128x128xf32, #tpu.memory_space<vmem>>, vector<1x1x16xf32>,
        %parallel_loop3A_536 = vector.shape_cast %parallel_loop3A_535 : vector<1x1x16xf32> to vector<16xf32>
        %parallel_loop3A_537 = vector.shape_cast %parallel_loop3A_528 : vector<16xf32> to vector<1x1x16xf32>
        tpu.vector_store %arg6[%parallel_loop3A_532, %parallel_loop3A_533, %parallel_loop3A_534], %parallel_loop3A_537 {strides = array<i32>} : memref<4x128x128xf32, #tpu.memory_space<vmem>>, vector<1x1x16xf32>,
        %parallel_loop3A_538 = arith.constant 0 : i32
        %parallel_loop3A_539 = arith.addi %parallel_loop3A_517, %parallel_loop3A_538 : i32
        %parallel_loop3A_540 = arith.constant 1 : i32
        %parallel_loop3A_541 = arith.index_cast %parallel_loop3A_540 : i32 to index
        %parallel_loop3A_542 = arith.index_cast %parallel_loop3A_539 : i32 to index
        %parallel_loop3A_543 = arith.constant 16 : index
        %parallel_loop3A_544 = tpu.vector_load %arg6[%parallel_loop3A_541, %parallel_loop3A_542, %parallel_loop3A_543] {strides = array<i32>} : memref<4x128x128xf32, #tpu.memory_space<vmem>>, vector<1x1x16xf32>,
        %parallel_loop3A_545 = vector.shape_cast %parallel_loop3A_544 : vector<1x1x16xf32> to vector<16xf32>
        %parallel_loop3A_546 = arith.constant 11.3137083 : f32
        %parallel_loop3A_547 = vector.broadcast %parallel_loop3A_546 : f32 to vector<16xf32>
        %parallel_loop3A_548 = arith.mulf %parallel_loop3A_545, %parallel_loop3A_547 : vector<16xf32>
        %parallel_loop3A_549 = arith.constant 0 : i32
        %parallel_loop3A_550 = arith.addi %parallel_loop3A_517, %parallel_loop3A_549 : i32
        %parallel_loop3A_551 = arith.constant 1 : i32
        %parallel_loop3A_552 = arith.index_cast %parallel_loop3A_551 : i32 to index
        %parallel_loop3A_553 = arith.index_cast %parallel_loop3A_550 : i32 to index
        %parallel_loop3A_554 = arith.constant 16 : index
        %parallel_loop3A_555 = tpu.vector_load %arg6[%parallel_loop3A_552, %parallel_loop3A_553, %parallel_loop3A_554] {strides = array<i32>} : memref<4x128x128xf32, #tpu.memory_space<vmem>>, vector<1x1x16xf32>,
        %parallel_loop3A_556 = vector.shape_cast %parallel_loop3A_555 : vector<1x1x16xf32> to vector<16xf32>
        %parallel_loop3A_557 = vector.shape_cast %parallel_loop3A_548 : vector<16xf32> to vector<1x1x16xf32>
        tpu.vector_store %arg6[%parallel_loop3A_552, %parallel_loop3A_553, %parallel_loop3A_554], %parallel_loop3A_557 {strides = array<i32>} : memref<4x128x128xf32, #tpu.memory_space<vmem>>, vector<1x1x16xf32>,
        %parallel_loop3A_558 = arith.constant 0 : i32
        %parallel_loop3A_559 = arith.addi %parallel_loop3A_517, %parallel_loop3A_558 : i32
        %parallel_loop3A_560 = arith.constant 1 : i32
        %parallel_loop3A_561 = arith.index_cast %parallel_loop3A_560 : i32 to index
        %parallel_loop3A_562 = arith.index_cast %parallel_loop3A_559 : i32 to index
        %parallel_loop3A_563 = arith.constant 32 : index
        %parallel_loop3A_564 = tpu.vector_load %arg6[%parallel_loop3A_561, %parallel_loop3A_562, %parallel_loop3A_563] {strides = array<i32>} : memref<4x128x128xf32, #tpu.memory_space<vmem>>, vector<1x1x16xf32>,
        %parallel_loop3A_565 = vector.shape_cast %parallel_loop3A_564 : vector<1x1x16xf32> to vector<16xf32>
        %parallel_loop3A_566 = arith.constant 11.3137083 : f32
        %parallel_loop3A_567 = vector.broadcast %parallel_loop3A_566 : f32 to vector<16xf32>
        %parallel_loop3A_568 = arith.mulf %parallel_loop3A_565, %parallel_loop3A_567 : vector<16xf32>
        %parallel_loop3A_569 = arith.constant 0 : i32
        %parallel_loop3A_570 = arith.addi %parallel_loop3A_517, %parallel_loop3A_569 : i32
        %parallel_loop3A_571 = arith.constant 1 : i32
        %parallel_loop3A_572 = arith.index_cast %parallel_loop3A_571 : i32 to index
        %parallel_loop3A_573 = arith.index_cast %parallel_loop3A_570 : i32 to index
        %parallel_loop3A_574 = arith.constant 32 : index
        %parallel_loop3A_575 = tpu.vector_load %arg6[%parallel_loop3A_572, %parallel_loop3A_573, %parallel_loop3A_574] {strides = array<i32>} : memref<4x128x128xf32, #tpu.memory_space<vmem>>, vector<1x1x16xf32>,
        %parallel_loop3A_576 = vector.shape_cast %parallel_loop3A_575 : vector<1x1x16xf32> to vector<16xf32>
        %parallel_loop3A_577 = vector.shape_cast %parallel_loop3A_568 : vector<16xf32> to vector<1x1x16xf32>
        tpu.vector_store %arg6[%parallel_loop3A_572, %parallel_loop3A_573, %parallel_loop3A_574], %parallel_loop3A_577 {strides = array<i32>} : memref<4x128x128xf32, #tpu.memory_space<vmem>>, vector<1x1x16xf32>,
        %parallel_loop3A_578 = arith.constant 0 : i32
        %parallel_loop3A_579 = arith.addi %parallel_loop3A_517, %parallel_loop3A_578 : i32
        %parallel_loop3A_580 = arith.constant 1 : i32
        %parallel_loop3A_581 = arith.index_cast %parallel_loop3A_580 : i32 to index
        %parallel_loop3A_582 = arith.index_cast %parallel_loop3A_579 : i32 to index
        %parallel_loop3A_583 = arith.constant 48 : index
        %parallel_loop3A_584 = tpu.vector_load %arg6[%parallel_loop3A_581, %parallel_loop3A_582, %parallel_loop3A_583] {strides = array<i32>} : memref<4x128x128xf32, #tpu.memory_space<vmem>>, vector<1x1x16xf32>,
        %parallel_loop3A_585 = vector.shape_cast %parallel_loop3A_584 : vector<1x1x16xf32> to vector<16xf32>
        %parallel_loop3A_586 = arith.constant 11.3137083 : f32
        %parallel_loop3A_587 = vector.broadcast %parallel_loop3A_586 : f32 to vector<16xf32>
        %parallel_loop3A_588 = arith.mulf %parallel_loop3A_585, %parallel_loop3A_587 : vector<16xf32>
        %parallel_loop3A_589 = arith.constant 0 : i32
        %parallel_loop3A_590 = arith.addi %parallel_loop3A_517, %parallel_loop3A_589 : i32
        %parallel_loop3A_591 = arith.constant 1 : i32
        %parallel_loop3A_592 = arith.index_cast %parallel_loop3A_591 : i32 to index
        %parallel_loop3A_593 = arith.index_cast %parallel_loop3A_590 : i32 to index
        %parallel_loop3A_594 = arith.constant 48 : index
        %parallel_loop3A_595 = tpu.vector_load %arg6[%parallel_loop3A_592, %parallel_loop3A_593, %parallel_loop3A_594] {strides = array<i32>} : memref<4x128x128xf32, #tpu.memory_space<vmem>>, vector<1x1x16xf32>,
        %parallel_loop3A_596 = vector.shape_cast %parallel_loop3A_595 : vector<1x1x16xf32> to vector<16xf32>
        %parallel_loop3A_597 = vector.shape_cast %parallel_loop3A_588 : vector<16xf32> to vector<1x1x16xf32>
        tpu.vector_store %arg6[%parallel_loop3A_592, %parallel_loop3A_593, %parallel_loop3A_594], %parallel_loop3A_597 {strides = array<i32>} : memref<4x128x128xf32, #tpu.memory_space<vmem>>, vector<1x1x16xf32>,
        %parallel_loop3A_598 = arith.constant 0 : i32
        %parallel_loop3A_599 = arith.addi %parallel_loop3A_517, %parallel_loop3A_598 : i32
        %parallel_loop3A_600 = arith.constant 1 : i32
        %parallel_loop3A_601 = arith.index_cast %parallel_loop3A_600 : i32 to index
        %parallel_loop3A_602 = arith.index_cast %parallel_loop3A_599 : i32 to index
        %parallel_loop3A_603 = arith.constant 64 : index
        %parallel_loop3A_604 = tpu.vector_load %arg6[%parallel_loop3A_601, %parallel_loop3A_602, %parallel_loop3A_603] {strides = array<i32>} : memref<4x128x128xf32, #tpu.memory_space<vmem>>, vector<1x1x16xf32>,
        %parallel_loop3A_605 = vector.shape_cast %parallel_loop3A_604 : vector<1x1x16xf32> to vector<16xf32>
        %parallel_loop3A_606 = arith.constant 11.3137083 : f32
        %parallel_loop3A_607 = vector.broadcast %parallel_loop3A_606 : f32 to vector<16xf32>
        %parallel_loop3A_608 = arith.mulf %parallel_loop3A_605, %parallel_loop3A_607 : vector<16xf32>
        %parallel_loop3A_609 = arith.constant 0 : i32
        %parallel_loop3A_610 = arith.addi %parallel_loop3A_517, %parallel_loop3A_609 : i32
        %parallel_loop3A_611 = arith.constant 1 : i32
        %parallel_loop3A_612 = arith.index_cast %parallel_loop3A_611 : i32 to index
        %parallel_loop3A_613 = arith.index_cast %parallel_loop3A_610 : i32 to index
        %parallel_loop3A_614 = arith.constant 64 : index
        %parallel_loop3A_615 = tpu.vector_load %arg6[%parallel_loop3A_612, %parallel_loop3A_613, %parallel_loop3A_614] {strides = array<i32>} : memref<4x128x128xf32, #tpu.memory_space<vmem>>, vector<1x1x16xf32>,
        %parallel_loop3A_616 = vector.shape_cast %parallel_loop3A_615 : vector<1x1x16xf32> to vector<16xf32>
        %parallel_loop3A_617 = vector.shape_cast %parallel_loop3A_608 : vector<16xf32> to vector<1x1x16xf32>
        tpu.vector_store %arg6[%parallel_loop3A_612, %parallel_loop3A_613, %parallel_loop3A_614], %parallel_loop3A_617 {strides = array<i32>} : memref<4x128x128xf32, #tpu.memory_space<vmem>>, vector<1x1x16xf32>,
        %parallel_loop3A_618 = arith.constant 0 : i32
        %parallel_loop3A_619 = arith.addi %parallel_loop3A_517, %parallel_loop3A_618 : i32
        %parallel_loop3A_620 = arith.constant 1 : i32
        %parallel_loop3A_621 = arith.index_cast %parallel_loop3A_620 : i32 to index
        %parallel_loop3A_622 = arith.index_cast %parallel_loop3A_619 : i32 to index
        %parallel_loop3A_623 = arith.constant 80 : index
        %parallel_loop3A_624 = tpu.vector_load %arg6[%parallel_loop3A_621, %parallel_loop3A_622, %parallel_loop3A_623] {strides = array<i32>} : memref<4x128x128xf32, #tpu.memory_space<vmem>>, vector<1x1x16xf32>,
        %parallel_loop3A_625 = vector.shape_cast %parallel_loop3A_624 : vector<1x1x16xf32> to vector<16xf32>
        %parallel_loop3A_626 = arith.constant 11.3137083 : f32
        %parallel_loop3A_627 = vector.broadcast %parallel_loop3A_626 : f32 to vector<16xf32>
        %parallel_loop3A_628 = arith.mulf %parallel_loop3A_625, %parallel_loop3A_627 : vector<16xf32>
        %parallel_loop3A_629 = arith.constant 0 : i32
        %parallel_loop3A_630 = arith.addi %parallel_loop3A_517, %parallel_loop3A_629 : i32
        %parallel_loop3A_631 = arith.constant 1 : i32
        %parallel_loop3A_632 = arith.index_cast %parallel_loop3A_631 : i32 to index
        %parallel_loop3A_633 = arith.index_cast %parallel_loop3A_630 : i32 to index
        %parallel_loop3A_634 = arith.constant 80 : index
        %parallel_loop3A_635 = tpu.vector_load %arg6[%parallel_loop3A_632, %parallel_loop3A_633, %parallel_loop3A_634] {strides = array<i32>} : memref<4x128x128xf32, #tpu.memory_space<vmem>>, vector<1x1x16xf32>,
        %parallel_loop3A_636 = vector.shape_cast %parallel_loop3A_635 : vector<1x1x16xf32> to vector<16xf32>
        %parallel_loop3A_637 = vector.shape_cast %parallel_loop3A_628 : vector<16xf32> to vector<1x1x16xf32>
        tpu.vector_store %arg6[%parallel_loop3A_632, %parallel_loop3A_633, %parallel_loop3A_634], %parallel_loop3A_637 {strides = array<i32>} : memref<4x128x128xf32, #tpu.memory_space<vmem>>, vector<1x1x16xf32>,
        %parallel_loop3A_638 = arith.constant 0 : i32
        %parallel_loop3A_639 = arith.addi %parallel_loop3A_517, %parallel_loop3A_638 : i32
        %parallel_loop3A_640 = arith.constant 1 : i32
        %parallel_loop3A_641 = arith.index_cast %parallel_loop3A_640 : i32 to index
        %parallel_loop3A_642 = arith.index_cast %parallel_loop3A_639 : i32 to index
        %parallel_loop3A_643 = arith.constant 96 : index
        %parallel_loop3A_644 = tpu.vector_load %arg6[%parallel_loop3A_641, %parallel_loop3A_642, %parallel_loop3A_643] {strides = array<i32>} : memref<4x128x128xf32, #tpu.memory_space<vmem>>, vector<1x1x16xf32>,
        %parallel_loop3A_645 = vector.shape_cast %parallel_loop3A_644 : vector<1x1x16xf32> to vector<16xf32>
        %parallel_loop3A_646 = arith.constant 11.3137083 : f32
        %parallel_loop3A_647 = vector.broadcast %parallel_loop3A_646 : f32 to vector<16xf32>
        %parallel_loop3A_648 = arith.mulf %parallel_loop3A_645, %parallel_loop3A_647 : vector<16xf32>
        %parallel_loop3A_649 = arith.constant 0 : i32
        %parallel_loop3A_650 = arith.addi %parallel_loop3A_517, %parallel_loop3A_649 : i32
        %parallel_loop3A_651 = arith.constant 1 : i32
        %parallel_loop3A_652 = arith.index_cast %parallel_loop3A_651 : i32 to index
        %parallel_loop3A_653 = arith.index_cast %parallel_loop3A_650 : i32 to index
        %parallel_loop3A_654 = arith.constant 96 : index
        %parallel_loop3A_655 = tpu.vector_load %arg6[%parallel_loop3A_652, %parallel_loop3A_653, %parallel_loop3A_654] {strides = array<i32>} : memref<4x128x128xf32, #tpu.memory_space<vmem>>, vector<1x1x16xf32>,
        %parallel_loop3A_656 = vector.shape_cast %parallel_loop3A_655 : vector<1x1x16xf32> to vector<16xf32>
        %parallel_loop3A_657 = vector.shape_cast %parallel_loop3A_648 : vector<16xf32> to vector<1x1x16xf32>
        tpu.vector_store %arg6[%parallel_loop3A_652, %parallel_loop3A_653, %parallel_loop3A_654], %parallel_loop3A_657 {strides = array<i32>} : memref<4x128x128xf32, #tpu.memory_space<vmem>>, vector<1x1x16xf32>,
        %parallel_loop3A_658 = arith.constant 0 : i32
        %parallel_loop3A_659 = arith.addi %parallel_loop3A_517, %parallel_loop3A_658 : i32
        %parallel_loop3A_660 = arith.constant 1 : i32
        %parallel_loop3A_661 = arith.index_cast %parallel_loop3A_660 : i32 to index
        %parallel_loop3A_662 = arith.index_cast %parallel_loop3A_659 : i32 to index
        %parallel_loop3A_663 = arith.constant 112 : index
        %parallel_loop3A_664 = tpu.vector_load %arg6[%parallel_loop3A_661, %parallel_loop3A_662, %parallel_loop3A_663] {strides = array<i32>} : memref<4x128x128xf32, #tpu.memory_space<vmem>>, vector<1x1x16xf32>,
        %parallel_loop3A_665 = vector.shape_cast %parallel_loop3A_664 : vector<1x1x16xf32> to vector<16xf32>
        %parallel_loop3A_666 = arith.constant 11.3137083 : f32
        %parallel_loop3A_667 = vector.broadcast %parallel_loop3A_666 : f32 to vector<16xf32>
        %parallel_loop3A_668 = arith.mulf %parallel_loop3A_665, %parallel_loop3A_667 : vector<16xf32>
        %parallel_loop3A_669 = arith.constant 0 : i32
        %parallel_loop3A_670 = arith.addi %parallel_loop3A_517, %parallel_loop3A_669 : i32
        %parallel_loop3A_671 = arith.constant 1 : i32
        %parallel_loop3A_672 = arith.index_cast %parallel_loop3A_671 : i32 to index
        %parallel_loop3A_673 = arith.index_cast %parallel_loop3A_670 : i32 to index
        %parallel_loop3A_674 = arith.constant 112 : index
        %parallel_loop3A_675 = tpu.vector_load %arg6[%parallel_loop3A_672, %parallel_loop3A_673, %parallel_loop3A_674] {strides = array<i32>} : memref<4x128x128xf32, #tpu.memory_space<vmem>>, vector<1x1x16xf32>,
        %parallel_loop3A_676 = vector.shape_cast %parallel_loop3A_675 : vector<1x1x16xf32> to vector<16xf32>
        %parallel_loop3A_677 = vector.shape_cast %parallel_loop3A_668 : vector<16xf32> to vector<1x1x16xf32>
        tpu.vector_store %arg6[%parallel_loop3A_672, %parallel_loop3A_673, %parallel_loop3A_674], %parallel_loop3A_677 {strides = array<i32>} : memref<4x128x128xf32, #tpu.memory_space<vmem>>, vector<1x1x16xf32>,
        %parallel_loop3A_678 = arith.constant 1 : i32
        %parallel_loop3A_679 = arith.addi %parallel_loop3A_517, %parallel_loop3A_678 : i32
        %parallel_loop3A_680 = arith.constant 1 : i32
        %parallel_loop3A_681 = arith.index_cast %parallel_loop3A_680 : i32 to index
        %parallel_loop3A_682 = arith.index_cast %parallel_loop3A_679 : i32 to index
        %parallel_loop3A_683 = arith.constant 0 : index
        %parallel_loop3A_684 = tpu.vector_load %arg6[%parallel_loop3A_681, %parallel_loop3A_682, %parallel_loop3A_683] {strides = array<i32>} : memref<4x128x128xf32, #tpu.memory_space<vmem>>, vector<1x1x16xf32>,
        %parallel_loop3A_685 = vector.shape_cast %parallel_loop3A_684 : vector<1x1x16xf32> to vector<16xf32>
        %parallel_loop3A_686 = arith.constant 11.3137083 : f32
        %parallel_loop3A_687 = vector.broadcast %parallel_loop3A_686 : f32 to vector<16xf32>
        %parallel_loop3A_688 = arith.mulf %parallel_loop3A_685, %parallel_loop3A_687 : vector<16xf32>
        %parallel_loop3A_689 = arith.constant 1 : i32
        %parallel_loop3A_690 = arith.addi %parallel_loop3A_517, %parallel_loop3A_689 : i32
        %parallel_loop3A_691 = arith.constant 1 : i32
        %parallel_loop3A_692 = arith.index_cast %parallel_loop3A_691 : i32 to index
        %parallel_loop3A_693 = arith.index_cast %parallel_loop3A_690 : i32 to index
        %parallel_loop3A_694 = arith.constant 0 : index
        %parallel_loop3A_695 = tpu.vector_load %arg6[%parallel_loop3A_692, %parallel_loop3A_693, %parallel_loop3A_694] {strides = array<i32>} : memref<4x128x128xf32, #tpu.memory_space<vmem>>, vector<1x1x16xf32>,
        %parallel_loop3A_696 = vector.shape_cast %parallel_loop3A_695 : vector<1x1x16xf32> to vector<16xf32>
        %parallel_loop3A_697 = vector.shape_cast %parallel_loop3A_688 : vector<16xf32> to vector<1x1x16xf32>
        tpu.vector_store %arg6[%parallel_loop3A_692, %parallel_loop3A_693, %parallel_loop3A_694], %parallel_loop3A_697 {strides = array<i32>} : memref<4x128x128xf32, #tpu.memory_space<vmem>>, vector<1x1x16xf32>,
        %parallel_loop3A_698 = arith.constant 1 : i32
        %parallel_loop3A_699 = arith.addi %parallel_loop3A_517, %parallel_loop3A_698 : i32
        %parallel_loop3A_700 = arith.constant 1 : i32
        %parallel_loop3A_701 = arith.index_cast %parallel_loop3A_700 : i32 to index
        %parallel_loop3A_702 = arith.index_cast %parallel_loop3A_699 : i32 to index
        %parallel_loop3A_703 = arith.constant 16 : index
        %parallel_loop3A_704 = tpu.vector_load %arg6[%parallel_loop3A_701, %parallel_loop3A_702, %parallel_loop3A_703] {strides = array<i32>} : memref<4x128x128xf32, #tpu.memory_space<vmem>>, vector<1x1x16xf32>,
        %parallel_loop3A_705 = vector.shape_cast %parallel_loop3A_704 : vector<1x1x16xf32> to vector<16xf32>
        %parallel_loop3A_706 = arith.constant 11.3137083 : f32
        %parallel_loop3A_707 = vector.broadcast %parallel_loop3A_706 : f32 to vector<16xf32>
        %parallel_loop3A_708 = arith.mulf %parallel_loop3A_705, %parallel_loop3A_707 : vector<16xf32>
        %parallel_loop3A_709 = arith.constant 1 : i32
        %parallel_loop3A_710 = arith.addi %parallel_loop3A_517, %parallel_loop3A_709 : i32
        %parallel_loop3A_711 = arith.constant 1 : i32
        %parallel_loop3A_712 = arith.index_cast %parallel_loop3A_711 : i32 to index
        %parallel_loop3A_713 = arith.index_cast %parallel_loop3A_710 : i32 to index
        %parallel_loop3A_714 = arith.constant 16 : index
        %parallel_loop3A_715 = tpu.vector_load %arg6[%parallel_loop3A_712, %parallel_loop3A_713, %parallel_loop3A_714] {strides = array<i32>} : memref<4x128x128xf32, #tpu.memory_space<vmem>>, vector<1x1x16xf32>,
        %parallel_loop3A_716 = vector.shape_cast %parallel_loop3A_715 : vector<1x1x16xf32> to vector<16xf32>
        %parallel_loop3A_717 = vector.shape_cast %parallel_loop3A_708 : vector<16xf32> to vector<1x1x16xf32>
        tpu.vector_store %arg6[%parallel_loop3A_712, %parallel_loop3A_713, %parallel_loop3A_714], %parallel_loop3A_717 {strides = array<i32>} : memref<4x128x128xf32, #tpu.memory_space<vmem>>, vector<1x1x16xf32>,
        %parallel_loop3A_718 = arith.constant 1 : i32
        %parallel_loop3A_719 = arith.addi %parallel_loop3A_517, %parallel_loop3A_718 : i32
        %parallel_loop3A_720 = arith.constant 1 : i32
        %parallel_loop3A_721 = arith.index_cast %parallel_loop3A_720 : i32 to index
        %parallel_loop3A_722 = arith.index_cast %parallel_loop3A_719 : i32 to index
        %parallel_loop3A_723 = arith.constant 32 : index
        %parallel_loop3A_724 = tpu.vector_load %arg6[%parallel_loop3A_721, %parallel_loop3A_722, %parallel_loop3A_723] {strides = array<i32>} : memref<4x128x128xf32, #tpu.memory_space<vmem>>, vector<1x1x16xf32>,
        %parallel_loop3A_725 = vector.shape_cast %parallel_loop3A_724 : vector<1x1x16xf32> to vector<16xf32>
        %parallel_loop3A_726 = arith.constant 11.3137083 : f32
        %parallel_loop3A_727 = vector.broadcast %parallel_loop3A_726 : f32 to vector<16xf32>
        %parallel_loop3A_728 = arith.mulf %parallel_loop3A_725, %parallel_loop3A_727 : vector<16xf32>
        %parallel_loop3A_729 = arith.constant 1 : i32
        %parallel_loop3A_730 = arith.addi %parallel_loop3A_517, %parallel_loop3A_729 : i32
        %parallel_loop3A_731 = arith.constant 1 : i32
        %parallel_loop3A_732 = arith.index_cast %parallel_loop3A_731 : i32 to index
        %parallel_loop3A_733 = arith.index_cast %parallel_loop3A_730 : i32 to index
        %parallel_loop3A_734 = arith.constant 32 : index
        %parallel_loop3A_735 = tpu.vector_load %arg6[%parallel_loop3A_732, %parallel_loop3A_733, %parallel_loop3A_734] {strides = array<i32>} : memref<4x128x128xf32, #tpu.memory_space<vmem>>, vector<1x1x16xf32>,
        %parallel_loop3A_736 = vector.shape_cast %parallel_loop3A_735 : vector<1x1x16xf32> to vector<16xf32>
        %parallel_loop3A_737 = vector.shape_cast %parallel_loop3A_728 : vector<16xf32> to vector<1x1x16xf32>
        tpu.vector_store %arg6[%parallel_loop3A_732, %parallel_loop3A_733, %parallel_loop3A_734], %parallel_loop3A_737 {strides = array<i32>} : memref<4x128x128xf32, #tpu.memory_space<vmem>>, vector<1x1x16xf32>,
        %parallel_loop3A_738 = arith.constant 1 : i32
        %parallel_loop3A_739 = arith.addi %parallel_loop3A_517, %parallel_loop3A_738 : i32
        %parallel_loop3A_740 = arith.constant 1 : i32
        %parallel_loop3A_741 = arith.index_cast %parallel_loop3A_740 : i32 to index
        %parallel_loop3A_742 = arith.index_cast %parallel_loop3A_739 : i32 to index
        %parallel_loop3A_743 = arith.constant 48 : index
        %parallel_loop3A_744 = tpu.vector_load %arg6[%parallel_loop3A_741, %parallel_loop3A_742, %parallel_loop3A_743] {strides = array<i32>} : memref<4x128x128xf32, #tpu.memory_space<vmem>>, vector<1x1x16xf32>,
        %parallel_loop3A_745 = vector.shape_cast %parallel_loop3A_744 : vector<1x1x16xf32> to vector<16xf32>
        %parallel_loop3A_746 = arith.constant 11.3137083 : f32
        %parallel_loop3A_747 = vector.broadcast %parallel_loop3A_746 : f32 to vector<16xf32>
        %parallel_loop3A_748 = arith.mulf %parallel_loop3A_745, %parallel_loop3A_747 : vector<16xf32>
        %parallel_loop3A_749 = arith.constant 1 : i32
        %parallel_loop3A_750 = arith.addi %parallel_loop3A_517, %parallel_loop3A_749 : i32
        %parallel_loop3A_751 = arith.constant 1 : i32
        %parallel_loop3A_752 = arith.index_cast %parallel_loop3A_751 : i32 to index
        %parallel_loop3A_753 = arith.index_cast %parallel_loop3A_750 : i32 to index
        %parallel_loop3A_754 = arith.constant 48 : index
        %parallel_loop3A_755 = tpu.vector_load %arg6[%parallel_loop3A_752, %parallel_loop3A_753, %parallel_loop3A_754] {strides = array<i32>} : memref<4x128x128xf32, #tpu.memory_space<vmem>>, vector<1x1x16xf32>,
        %parallel_loop3A_756 = vector.shape_cast %parallel_loop3A_755 : vector<1x1x16xf32> to vector<16xf32>
        %parallel_loop3A_757 = vector.shape_cast %parallel_loop3A_748 : vector<16xf32> to vector<1x1x16xf32>
        tpu.vector_store %arg6[%parallel_loop3A_752, %parallel_loop3A_753, %parallel_loop3A_754], %parallel_loop3A_757 {strides = array<i32>} : memref<4x128x128xf32, #tpu.memory_space<vmem>>, vector<1x1x16xf32>,
        %parallel_loop3A_758 = arith.constant 1 : i32
        %parallel_loop3A_759 = arith.addi %parallel_loop3A_517, %parallel_loop3A_758 : i32
        %parallel_loop3A_760 = arith.constant 1 : i32
        %parallel_loop3A_761 = arith.index_cast %parallel_loop3A_760 : i32 to index
        %parallel_loop3A_762 = arith.index_cast %parallel_loop3A_759 : i32 to index
        %parallel_loop3A_763 = arith.constant 64 : index
        %parallel_loop3A_764 = tpu.vector_load %arg6[%parallel_loop3A_761, %parallel_loop3A_762, %parallel_loop3A_763] {strides = array<i32>} : memref<4x128x128xf32, #tpu.memory_space<vmem>>, vector<1x1x16xf32>,
        %parallel_loop3A_765 = vector.shape_cast %parallel_loop3A_764 : vector<1x1x16xf32> to vector<16xf32>
        %parallel_loop3A_766 = arith.constant 11.3137083 : f32
        %parallel_loop3A_767 = vector.broadcast %parallel_loop3A_766 : f32 to vector<16xf32>
        %parallel_loop3A_768 = arith.mulf %parallel_loop3A_765, %parallel_loop3A_767 : vector<16xf32>
        %parallel_loop3A_769 = arith.constant 1 : i32
        %parallel_loop3A_770 = arith.addi %parallel_loop3A_517, %parallel_loop3A_769 : i32
        %parallel_loop3A_771 = arith.constant 1 : i32
        %parallel_loop3A_772 = arith.index_cast %parallel_loop3A_771 : i32 to index
        %parallel_loop3A_773 = arith.index_cast %parallel_loop3A_770 : i32 to index
        %parallel_loop3A_774 = arith.constant 64 : index
        %parallel_loop3A_775 = tpu.vector_load %arg6[%parallel_loop3A_772, %parallel_loop3A_773, %parallel_loop3A_774] {strides = array<i32>} : memref<4x128x128xf32, #tpu.memory_space<vmem>>, vector<1x1x16xf32>,
        %parallel_loop3A_776 = vector.shape_cast %parallel_loop3A_775 : vector<1x1x16xf32> to vector<16xf32>
        %parallel_loop3A_777 = vector.shape_cast %parallel_loop3A_768 : vector<16xf32> to vector<1x1x16xf32>
        tpu.vector_store %arg6[%parallel_loop3A_772, %parallel_loop3A_773, %parallel_loop3A_774], %parallel_loop3A_777 {strides = array<i32>} : memref<4x128x128xf32, #tpu.memory_space<vmem>>, vector<1x1x16xf32>,
        %parallel_loop3A_778 = arith.constant 1 : i32
        %parallel_loop3A_779 = arith.addi %parallel_loop3A_517, %parallel_loop3A_778 : i32
        %parallel_loop3A_780 = arith.constant 1 : i32
        %parallel_loop3A_781 = arith.index_cast %parallel_loop3A_780 : i32 to index
        %parallel_loop3A_782 = arith.index_cast %parallel_loop3A_779 : i32 to index
        %parallel_loop3A_783 = arith.constant 80 : index
        %parallel_loop3A_784 = tpu.vector_load %arg6[%parallel_loop3A_781, %parallel_loop3A_782, %parallel_loop3A_783] {strides = array<i32>} : memref<4x128x128xf32, #tpu.memory_space<vmem>>, vector<1x1x16xf32>,
        %parallel_loop3A_785 = vector.shape_cast %parallel_loop3A_784 : vector<1x1x16xf32> to vector<16xf32>
        %parallel_loop3A_786 = arith.constant 11.3137083 : f32
        %parallel_loop3A_787 = vector.broadcast %parallel_loop3A_786 : f32 to vector<16xf32>
        %parallel_loop3A_788 = arith.mulf %parallel_loop3A_785, %parallel_loop3A_787 : vector<16xf32>
        %parallel_loop3A_789 = arith.constant 1 : i32
        %parallel_loop3A_790 = arith.addi %parallel_loop3A_517, %parallel_loop3A_789 : i32
        %parallel_loop3A_791 = arith.constant 1 : i32
        %parallel_loop3A_792 = arith.index_cast %parallel_loop3A_791 : i32 to index
        %parallel_loop3A_793 = arith.index_cast %parallel_loop3A_790 : i32 to index
        %parallel_loop3A_794 = arith.constant 80 : index
        %parallel_loop3A_795 = tpu.vector_load %arg6[%parallel_loop3A_792, %parallel_loop3A_793, %parallel_loop3A_794] {strides = array<i32>} : memref<4x128x128xf32, #tpu.memory_space<vmem>>, vector<1x1x16xf32>,
        %parallel_loop3A_796 = vector.shape_cast %parallel_loop3A_795 : vector<1x1x16xf32> to vector<16xf32>
        %parallel_loop3A_797 = vector.shape_cast %parallel_loop3A_788 : vector<16xf32> to vector<1x1x16xf32>
        tpu.vector_store %arg6[%parallel_loop3A_792, %parallel_loop3A_793, %parallel_loop3A_794], %parallel_loop3A_797 {strides = array<i32>} : memref<4x128x128xf32, #tpu.memory_space<vmem>>, vector<1x1x16xf32>,
        %parallel_loop3A_798 = arith.constant 1 : i32
        %parallel_loop3A_799 = arith.addi %parallel_loop3A_517, %parallel_loop3A_798 : i32
        %parallel_loop3A_800 = arith.constant 1 : i32
        %parallel_loop3A_801 = arith.index_cast %parallel_loop3A_800 : i32 to index
        %parallel_loop3A_802 = arith.index_cast %parallel_loop3A_799 : i32 to index
        %parallel_loop3A_803 = arith.constant 96 : index
        %parallel_loop3A_804 = tpu.vector_load %arg6[%parallel_loop3A_801, %parallel_loop3A_802, %parallel_loop3A_803] {strides = array<i32>} : memref<4x128x128xf32, #tpu.memory_space<vmem>>, vector<1x1x16xf32>,
        %parallel_loop3A_805 = vector.shape_cast %parallel_loop3A_804 : vector<1x1x16xf32> to vector<16xf32>
        %parallel_loop3A_806 = arith.constant 11.3137083 : f32
        %parallel_loop3A_807 = vector.broadcast %parallel_loop3A_806 : f32 to vector<16xf32>
        %parallel_loop3A_808 = arith.mulf %parallel_loop3A_805, %parallel_loop3A_807 : vector<16xf32>
        %parallel_loop3A_809 = arith.constant 1 : i32
        %parallel_loop3A_810 = arith.addi %parallel_loop3A_517, %parallel_loop3A_809 : i32
        %parallel_loop3A_811 = arith.constant 1 : i32
        %parallel_loop3A_812 = arith.index_cast %parallel_loop3A_811 : i32 to index
        %parallel_loop3A_813 = arith.index_cast %parallel_loop3A_810 : i32 to index
        %parallel_loop3A_814 = arith.constant 96 : index
        %parallel_loop3A_815 = tpu.vector_load %arg6[%parallel_loop3A_812, %parallel_loop3A_813, %parallel_loop3A_814] {strides = array<i32>} : memref<4x128x128xf32, #tpu.memory_space<vmem>>, vector<1x1x16xf32>,
        %parallel_loop3A_816 = vector.shape_cast %parallel_loop3A_815 : vector<1x1x16xf32> to vector<16xf32>
        %parallel_loop3A_817 = vector.shape_cast %parallel_loop3A_808 : vector<16xf32> to vector<1x1x16xf32>
        tpu.vector_store %arg6[%parallel_loop3A_812, %parallel_loop3A_813, %parallel_loop3A_814], %parallel_loop3A_817 {strides = array<i32>} : memref<4x128x128xf32, #tpu.memory_space<vmem>>, vector<1x1x16xf32>,
        %parallel_loop3A_818 = arith.constant 1 : i32
        %parallel_loop3A_819 = arith.addi %parallel_loop3A_517, %parallel_loop3A_818 : i32
        %parallel_loop3A_820 = arith.constant 1 : i32
        %parallel_loop3A_821 = arith.index_cast %parallel_loop3A_820 : i32 to index
        %parallel_loop3A_822 = arith.index_cast %parallel_loop3A_819 : i32 to index
        %parallel_loop3A_823 = arith.constant 112 : index
        %parallel_loop3A_824 = tpu.vector_load %arg6[%parallel_loop3A_821, %parallel_loop3A_822, %parallel_loop3A_823] {strides = array<i32>} : memref<4x128x128xf32, #tpu.memory_space<vmem>>, vector<1x1x16xf32>,
        %parallel_loop3A_825 = vector.shape_cast %parallel_loop3A_824 : vector<1x1x16xf32> to vector<16xf32>
        %parallel_loop3A_826 = arith.constant 11.3137083 : f32
        %parallel_loop3A_827 = vector.broadcast %parallel_loop3A_826 : f32 to vector<16xf32>
        %parallel_loop3A_828 = arith.mulf %parallel_loop3A_825, %parallel_loop3A_827 : vector<16xf32>
        %parallel_loop3A_829 = arith.constant 1 : i32
        %parallel_loop3A_830 = arith.addi %parallel_loop3A_517, %parallel_loop3A_829 : i32
        %parallel_loop3A_831 = arith.constant 1 : i32
        %parallel_loop3A_832 = arith.index_cast %parallel_loop3A_831 : i32 to index
        %parallel_loop3A_833 = arith.index_cast %parallel_loop3A_830 : i32 to index
        %parallel_loop3A_834 = arith.constant 112 : index
        %parallel_loop3A_835 = tpu.vector_load %arg6[%parallel_loop3A_832, %parallel_loop3A_833, %parallel_loop3A_834] {strides = array<i32>} : memref<4x128x128xf32, #tpu.memory_space<vmem>>, vector<1x1x16xf32>,
        %parallel_loop3A_836 = vector.shape_cast %parallel_loop3A_835 : vector<1x1x16xf32> to vector<16xf32>
        %parallel_loop3A_837 = vector.shape_cast %parallel_loop3A_828 : vector<16xf32> to vector<1x1x16xf32>
        tpu.vector_store %arg6[%parallel_loop3A_832, %parallel_loop3A_833, %parallel_loop3A_834], %parallel_loop3A_837 {strides = array<i32>} : memref<4x128x128xf32, #tpu.memory_space<vmem>>, vector<1x1x16xf32>,
      } {sc.loop_unroll_factor = 1 : i64, sc.parallel_access}
      %mul3A_471 = arith.constant 128 : i32
      %mul3A_472 = arith.muli %add3A_452, %mul3A_471 : i32
      %add3A_473 = arith.addi %mul3A_2, %mul3A_472 : i32
      %multiple_of3A_474 = tpu.assume_multiple %add3A_473, 128 : i32
      %dma_start3A_475 = arith.constant 1 : i32
      %dma_start3A_476 = arith.constant 0 : i32
      %dma_start3A_477 = arith.constant 0 : i32
      %dma_start3A_478 = tpu.memref_slice %arg6[%dma_start3A_475, %dma_start3A_476, %dma_start3A_477] : memref<4x128x128xf32, #tpu.memory_space<vmem>> -> memref<1x128x128xf32, #tpu.memory_space<vmem>>
      %dma_start3A_479 = tpu.memref_squeeze %dma_start3A_478 : memref<1x128x128xf32, #tpu.memory_space<vmem>> -> memref<128x128xf32, #tpu.memory_space<vmem>>
      %dma_start3A_480 = arith.constant 0 : i32
      %dma_start3A_481 = tpu.memref_slice %arg4[%multiple_of3A_474, %dma_start3A_480] : memref<819200x128xf32, #tpu.memory_space<hbm>> -> memref<128x128xf32, #tpu.memory_space<hbm>>
      %dma_start3A_482 = arith.constant 0 : i32
      %dma_start3A_483 = tpu.memref_slice %arg4[%multiple_of3A_474, %dma_start3A_482] : memref<819200x128xf32, #tpu.memory_space<hbm>> -> memref<128x128xf32, #tpu.memory_space<hbm>>
      %dma_start3A_484 = arith.constant 0 : i32
      %dma_start3A_485 = arith.constant 0 : i32
      %dma_start3A_486 = tpu.memref_slice %arg6[%dma_start3A_475, %dma_start3A_484, %dma_start3A_485] : memref<4x128x128xf32, #tpu.memory_space<vmem>> -> memref<1x128x128xf32, #tpu.memory_space<vmem>>
      %dma_start3A_487 = tpu.memref_squeeze %dma_start3A_486 : memref<1x128x128xf32, #tpu.memory_space<vmem>> -> memref<128x128xf32, #tpu.memory_space<vmem>>
      tpu.enqueue_dma source(%dma_start3A_487 : memref<128x128xf32, #tpu.memory_space<vmem>>) target(%dma_start3A_483 : memref<128x128xf32, #tpu.memory_space<hbm>>) target_semaphore(%arg12 : memref<!tpu.dma_semaphore, #tpu.memory_space<semaphore_mem>>)
      %dma_wait3A_488 = arith.constant 3 : i32
      %dma_wait3A_489 = arith.constant 0 : i32
      %dma_wait3A_490 = arith.constant 0 : i32
      %dma_wait3A_491 = tpu.memref_slice %arg6[%dma_wait3A_488, %dma_wait3A_489, %dma_wait3A_490] : memref<4x128x128xf32, #tpu.memory_space<vmem>> -> memref<1x128x128xf32, #tpu.memory_space<vmem>>
      %dma_wait3A_492 = tpu.memref_squeeze %dma_wait3A_491 : memref<1x128x128xf32, #tpu.memory_space<vmem>> -> memref<128x128xf32, #tpu.memory_space<vmem>>
      %dma_wait3A_493 = arith.constant 0 : i32
      %dma_wait3A_494 = arith.constant 0 : i32
      %dma_wait3A_495 = tpu.memref_slice %arg4[%dma_wait3A_493, %dma_wait3A_494] : memref<819200x128xf32, #tpu.memory_space<hbm>> -> memref<128x128xf32, #tpu.memory_space<hbm>>
      %dma_wait3A_496 = arith.constant 0 : i32
      %dma_wait3A_497 = arith.constant 0 : i32
      %dma_wait3A_498 = tpu.memref_slice %arg4[%dma_wait3A_496, %dma_wait3A_497] : memref<819200x128xf32, #tpu.memory_space<hbm>> -> memref<128x128xf32, #tpu.memory_space<hbm>>
      %dma_wait3A_499 = arith.constant 0 : i32
      %dma_wait3A_500 = arith.constant 0 : i32
      %dma_wait3A_501 = tpu.memref_slice %arg6[%dma_wait3A_488, %dma_wait3A_499, %dma_wait3A_500] : memref<4x128x128xf32, #tpu.memory_space<vmem>> -> memref<1x128x128xf32, #tpu.memory_space<vmem>>
      %dma_wait3A_502 = tpu.memref_squeeze %dma_wait3A_501 : memref<1x128x128xf32, #tpu.memory_space<vmem>> -> memref<128x128xf32, #tpu.memory_space<vmem>>
      tpu.wait_dma2 semaphore(%arg14 : memref<!tpu.dma_semaphore, #tpu.memory_space<semaphore_mem>>) src(%dma_wait3A_502 : memref<128x128xf32, #tpu.memory_space<vmem>>) dst(%dma_wait3A_498 : memref<128x128xf32, #tpu.memory_space<hbm>>)
      %add3A_503 = arith.constant 2 : i32
      %add3A_504 = arith.addi %add3A_452, %add3A_503 : i32
      %mul3A_505 = arith.constant 128 : i32
      %mul3A_506 = arith.muli %add3A_504, %mul3A_505 : i32
      %multiple_of3A_507 = tpu.assume_multiple %mul3A_506, 128 : i32
      %dma_start3A_508 = arith.constant 3 : i32
      %dma_start3A_509 = arith.constant 0 : i32
      %dma_start3A_510 = arith.constant 0 : i32
      %dma_start3A_511 = tpu.memref_slice %arg6[%dma_start3A_508, %dma_start3A_509, %dma_start3A_510] : memref<4x128x128xf32, #tpu.memory_space<vmem>> -> memref<1x128x128xf32, #tpu.memory_space<vmem>>
      %dma_start3A_512 = tpu.memref_squeeze %dma_start3A_511 : memref<1x128x128xf32, #tpu.memory_space<vmem>> -> memref<128x128xf32, #tpu.memory_space<vmem>>
      %dma_start3A_513 = tpu.memref_slice %arg5[%multiple_of3A_507] : memref<25600xi32, #tpu.memory_space<vmem>> -> memref<128xi32, #tpu.memory_space<vmem>>
      %dma_start3A_514 = arith.constant 0 : i32
      %dma_start3A_515 = arith.constant 0 : i32
      %dma_start3A_516 = tpu.memref_slice %arg3[%dma_start3A_514, %dma_start3A_515] : memref<100000x128xf32, #tpu.memory_space<hbm>> -> memref<100000x128xf32, #tpu.memory_space<hbm>>
      tpu.enqueue_indirect_dma source(%dma_start3A_516 : memref<100000x128xf32, #tpu.memory_space<hbm>>) target(%dma_start3A_512 : memref<128x128xf32, #tpu.memory_space<vmem>>) offsets(%dma_start3A_513 : memref<128xi32, #tpu.memory_space<vmem>>) semaphore(%arg10 : memref<!tpu.dma_semaphore, #tpu.memory_space<semaphore_mem>>)
    }
    %scan3A_115 = arith.constant 49 : i32
    %dma_wait3A_116 = arith.constant 2 : i32
    %dma_wait3A_117 = arith.constant 0 : i32
    %dma_wait3A_118 = arith.constant 0 : i32
    %dma_wait3A_119 = tpu.memref_slice %arg6[%dma_wait3A_116, %dma_wait3A_117, %dma_wait3A_118] : memref<4x128x128xf32, #tpu.memory_space<vmem>> -> memref<1x128x128xf32, #tpu.memory_space<vmem>>
    %dma_wait3A_120 = tpu.memref_squeeze %dma_wait3A_119 : memref<1x128x128xf32, #tpu.memory_space<vmem>> -> memref<128x128xf32, #tpu.memory_space<vmem>>
    %dma_wait3A_121 = arith.constant 0 : i32
    %dma_wait3A_122 = arith.constant 0 : i32
    %dma_wait3A_123 = tpu.memref_slice %arg3[%dma_wait3A_121, %dma_wait3A_122] : memref<100000x128xf32, #tpu.memory_space<hbm>> -> memref<128x128xf32, #tpu.memory_space<hbm>>
    %dma_wait3A_124 = arith.constant 0 : i32
    %dma_wait3A_125 = arith.constant 0 : i32
    %dma_wait3A_126 = tpu.memref_slice %arg6[%dma_wait3A_116, %dma_wait3A_124, %dma_wait3A_125] : memref<4x128x128xf32, #tpu.memory_space<vmem>> -> memref<1x128x128xf32, #tpu.memory_space<vmem>>
    %dma_wait3A_127 = tpu.memref_squeeze %dma_wait3A_126 : memref<1x128x128xf32, #tpu.memory_space<vmem>> -> memref<128x128xf32, #tpu.memory_space<vmem>>
    %dma_wait3A_128 = arith.constant 0 : i32
    %dma_wait3A_129 = arith.constant 0 : i32
    %dma_wait3A_130 = tpu.memref_slice %arg3[%dma_wait3A_128, %dma_wait3A_129] : memref<100000x128xf32, #tpu.memory_space<hbm>> -> memref<128x128xf32, #tpu.memory_space<hbm>>
    tpu.wait_dma2 semaphore(%arg9 : memref<!tpu.dma_semaphore, #tpu.memory_space<semaphore_mem>>) src(%dma_wait3A_130 : memref<128x128xf32, #tpu.memory_space<hbm>>) dst(%dma_wait3A_127 : memref<128x128xf32, #tpu.memory_space<vmem>>)
    %parallel_loop3A_131 = arith.constant 0 : i32
    %parallel_loop3A_132 = arith.constant 128 : i32
    %parallel_loop3A_133 = arith.constant 2 : i32
    scf.for %parallel_loop3A_244 = %parallel_loop3A_131 to %parallel_loop3A_132 step %parallel_loop3A_133  : i32 {
      %parallel_loop3A_245 = arith.constant 0 : i32
      %parallel_loop3A_246 = arith.addi %parallel_loop3A_244, %parallel_loop3A_245 : i32
      %parallel_loop3A_247 = arith.constant 2 : i32
      %parallel_loop3A_248 = arith.index_cast %parallel_loop3A_247 : i32 to index
      %parallel_loop3A_249 = arith.index_cast %parallel_loop3A_246 : i32 to index
      %parallel_loop3A_250 = arith.constant 0 : index
      %parallel_loop3A_251 = tpu.vector_load %arg6[%parallel_loop3A_248, %parallel_loop3A_249, %parallel_loop3A_250] {strides = array<i32>} : memref<4x128x128xf32, #tpu.memory_space<vmem>>, vector<1x1x16xf32>,
      %parallel_loop3A_252 = vector.shape_cast %parallel_loop3A_251 : vector<1x1x16xf32> to vector<16xf32>
      %parallel_loop3A_253 = arith.constant 11.3137083 : f32
      %parallel_loop3A_254 = vector.broadcast %parallel_loop3A_253 : f32 to vector<16xf32>
      %parallel_loop3A_255 = arith.mulf %parallel_loop3A_252, %parallel_loop3A_254 : vector<16xf32>
      %parallel_loop3A_256 = arith.constant 0 : i32
      %parallel_loop3A_257 = arith.addi %parallel_loop3A_244, %parallel_loop3A_256 : i32
      %parallel_loop3A_258 = arith.constant 2 : i32
      %parallel_loop3A_259 = arith.index_cast %parallel_loop3A_258 : i32 to index
      %parallel_loop3A_260 = arith.index_cast %parallel_loop3A_257 : i32 to index
      %parallel_loop3A_261 = arith.constant 0 : index
      %parallel_loop3A_262 = tpu.vector_load %arg6[%parallel_loop3A_259, %parallel_loop3A_260, %parallel_loop3A_261] {strides = array<i32>} : memref<4x128x128xf32, #tpu.memory_space<vmem>>, vector<1x1x16xf32>,
      %parallel_loop3A_263 = vector.shape_cast %parallel_loop3A_262 : vector<1x1x16xf32> to vector<16xf32>
      %parallel_loop3A_264 = vector.shape_cast %parallel_loop3A_255 : vector<16xf32> to vector<1x1x16xf32>
      tpu.vector_store %arg6[%parallel_loop3A_259, %parallel_loop3A_260, %parallel_loop3A_261], %parallel_loop3A_264 {strides = array<i32>} : memref<4x128x128xf32, #tpu.memory_space<vmem>>, vector<1x1x16xf32>,
      %parallel_loop3A_265 = arith.constant 0 : i32
      %parallel_loop3A_266 = arith.addi %parallel_loop3A_244, %parallel_loop3A_265 : i32
      %parallel_loop3A_267 = arith.constant 2 : i32
      %parallel_loop3A_268 = arith.index_cast %parallel_loop3A_267 : i32 to index
      %parallel_loop3A_269 = arith.index_cast %parallel_loop3A_266 : i32 to index
      %parallel_loop3A_270 = arith.constant 16 : index
      %parallel_loop3A_271 = tpu.vector_load %arg6[%parallel_loop3A_268, %parallel_loop3A_269, %parallel_loop3A_270] {strides = array<i32>} : memref<4x128x128xf32, #tpu.memory_space<vmem>>, vector<1x1x16xf32>,
      %parallel_loop3A_272 = vector.shape_cast %parallel_loop3A_271 : vector<1x1x16xf32> to vector<16xf32>
      %parallel_loop3A_273 = arith.constant 11.3137083 : f32
      %parallel_loop3A_274 = vector.broadcast %parallel_loop3A_273 : f32 to vector<16xf32>
      %parallel_loop3A_275 = arith.mulf %parallel_loop3A_272, %parallel_loop3A_274 : vector<16xf32>
      %parallel_loop3A_276 = arith.constant 0 : i32
      %parallel_loop3A_277 = arith.addi %parallel_loop3A_244, %parallel_loop3A_276 : i32
      %parallel_loop3A_278 = arith.constant 2 : i32
      %parallel_loop3A_279 = arith.index_cast %parallel_loop3A_278 : i32 to index
      %parallel_loop3A_280 = arith.index_cast %parallel_loop3A_277 : i32 to index
      %parallel_loop3A_281 = arith.constant 16 : index
      %parallel_loop3A_282 = tpu.vector_load %arg6[%parallel_loop3A_279, %parallel_loop3A_280, %parallel_loop3A_281] {strides = array<i32>} : memref<4x128x128xf32, #tpu.memory_space<vmem>>, vector<1x1x16xf32>,
      %parallel_loop3A_283 = vector.shape_cast %parallel_loop3A_282 : vector<1x1x16xf32> to vector<16xf32>
      %parallel_loop3A_284 = vector.shape_cast %parallel_loop3A_275 : vector<16xf32> to vector<1x1x16xf32>
      tpu.vector_store %arg6[%parallel_loop3A_279, %parallel_loop3A_280, %parallel_loop3A_281], %parallel_loop3A_284 {strides = array<i32>} : memref<4x128x128xf32, #tpu.memory_space<vmem>>, vector<1x1x16xf32>,
      %parallel_loop3A_285 = arith.constant 0 : i32
      %parallel_loop3A_286 = arith.addi %parallel_loop3A_244, %parallel_loop3A_285 : i32
      %parallel_loop3A_287 = arith.constant 2 : i32
      %parallel_loop3A_288 = arith.index_cast %parallel_loop3A_287 : i32 to index
      %parallel_loop3A_289 = arith.index_cast %parallel_loop3A_286 : i32 to index
      %parallel_loop3A_290 = arith.constant 32 : index
      %parallel_loop3A_291 = tpu.vector_load %arg6[%parallel_loop3A_288, %parallel_loop3A_289, %parallel_loop3A_290] {strides = array<i32>} : memref<4x128x128xf32, #tpu.memory_space<vmem>>, vector<1x1x16xf32>,
      %parallel_loop3A_292 = vector.shape_cast %parallel_loop3A_291 : vector<1x1x16xf32> to vector<16xf32>
      %parallel_loop3A_293 = arith.constant 11.3137083 : f32
      %parallel_loop3A_294 = vector.broadcast %parallel_loop3A_293 : f32 to vector<16xf32>
      %parallel_loop3A_295 = arith.mulf %parallel_loop3A_292, %parallel_loop3A_294 : vector<16xf32>
      %parallel_loop3A_296 = arith.constant 0 : i32
      %parallel_loop3A_297 = arith.addi %parallel_loop3A_244, %parallel_loop3A_296 : i32
      %parallel_loop3A_298 = arith.constant 2 : i32
      %parallel_loop3A_299 = arith.index_cast %parallel_loop3A_298 : i32 to index
      %parallel_loop3A_300 = arith.index_cast %parallel_loop3A_297 : i32 to index
      %parallel_loop3A_301 = arith.constant 32 : index
      %parallel_loop3A_302 = tpu.vector_load %arg6[%parallel_loop3A_299, %parallel_loop3A_300, %parallel_loop3A_301] {strides = array<i32>} : memref<4x128x128xf32, #tpu.memory_space<vmem>>, vector<1x1x16xf32>,
      %parallel_loop3A_303 = vector.shape_cast %parallel_loop3A_302 : vector<1x1x16xf32> to vector<16xf32>
      %parallel_loop3A_304 = vector.shape_cast %parallel_loop3A_295 : vector<16xf32> to vector<1x1x16xf32>
      tpu.vector_store %arg6[%parallel_loop3A_299, %parallel_loop3A_300, %parallel_loop3A_301], %parallel_loop3A_304 {strides = array<i32>} : memref<4x128x128xf32, #tpu.memory_space<vmem>>, vector<1x1x16xf32>,
      %parallel_loop3A_305 = arith.constant 0 : i32
      %parallel_loop3A_306 = arith.addi %parallel_loop3A_244, %parallel_loop3A_305 : i32
      %parallel_loop3A_307 = arith.constant 2 : i32
      %parallel_loop3A_308 = arith.index_cast %parallel_loop3A_307 : i32 to index
      %parallel_loop3A_309 = arith.index_cast %parallel_loop3A_306 : i32 to index
      %parallel_loop3A_310 = arith.constant 48 : index
      %parallel_loop3A_311 = tpu.vector_load %arg6[%parallel_loop3A_308, %parallel_loop3A_309, %parallel_loop3A_310] {strides = array<i32>} : memref<4x128x128xf32, #tpu.memory_space<vmem>>, vector<1x1x16xf32>,
      %parallel_loop3A_312 = vector.shape_cast %parallel_loop3A_311 : vector<1x1x16xf32> to vector<16xf32>
      %parallel_loop3A_313 = arith.constant 11.3137083 : f32
      %parallel_loop3A_314 = vector.broadcast %parallel_loop3A_313 : f32 to vector<16xf32>
      %parallel_loop3A_315 = arith.mulf %parallel_loop3A_312, %parallel_loop3A_314 : vector<16xf32>
      %parallel_loop3A_316 = arith.constant 0 : i32
      %parallel_loop3A_317 = arith.addi %parallel_loop3A_244, %parallel_loop3A_316 : i32
      %parallel_loop3A_318 = arith.constant 2 : i32
      %parallel_loop3A_319 = arith.index_cast %parallel_loop3A_318 : i32 to index
      %parallel_loop3A_320 = arith.index_cast %parallel_loop3A_317 : i32 to index
      %parallel_loop3A_321 = arith.constant 48 : index
      %parallel_loop3A_322 = tpu.vector_load %arg6[%parallel_loop3A_319, %parallel_loop3A_320, %parallel_loop3A_321] {strides = array<i32>} : memref<4x128x128xf32, #tpu.memory_space<vmem>>, vector<1x1x16xf32>,
      %parallel_loop3A_323 = vector.shape_cast %parallel_loop3A_322 : vector<1x1x16xf32> to vector<16xf32>
      %parallel_loop3A_324 = vector.shape_cast %parallel_loop3A_315 : vector<16xf32> to vector<1x1x16xf32>
      tpu.vector_store %arg6[%parallel_loop3A_319, %parallel_loop3A_320, %parallel_loop3A_321], %parallel_loop3A_324 {strides = array<i32>} : memref<4x128x128xf32, #tpu.memory_space<vmem>>, vector<1x1x16xf32>,
      %parallel_loop3A_325 = arith.constant 0 : i32
      %parallel_loop3A_326 = arith.addi %parallel_loop3A_244, %parallel_loop3A_325 : i32
      %parallel_loop3A_327 = arith.constant 2 : i32
      %parallel_loop3A_328 = arith.index_cast %parallel_loop3A_327 : i32 to index
      %parallel_loop3A_329 = arith.index_cast %parallel_loop3A_326 : i32 to index
      %parallel_loop3A_330 = arith.constant 64 : index
      %parallel_loop3A_331 = tpu.vector_load %arg6[%parallel_loop3A_328, %parallel_loop3A_329, %parallel_loop3A_330] {strides = array<i32>} : memref<4x128x128xf32, #tpu.memory_space<vmem>>, vector<1x1x16xf32>,
      %parallel_loop3A_332 = vector.shape_cast %parallel_loop3A_331 : vector<1x1x16xf32> to vector<16xf32>
      %parallel_loop3A_333 = arith.constant 11.3137083 : f32
      %parallel_loop3A_334 = vector.broadcast %parallel_loop3A_333 : f32 to vector<16xf32>
      %parallel_loop3A_335 = arith.mulf %parallel_loop3A_332, %parallel_loop3A_334 : vector<16xf32>
      %parallel_loop3A_336 = arith.constant 0 : i32
      %parallel_loop3A_337 = arith.addi %parallel_loop3A_244, %parallel_loop3A_336 : i32
      %parallel_loop3A_338 = arith.constant 2 : i32
      %parallel_loop3A_339 = arith.index_cast %parallel_loop3A_338 : i32 to index
      %parallel_loop3A_340 = arith.index_cast %parallel_loop3A_337 : i32 to index
      %parallel_loop3A_341 = arith.constant 64 : index
      %parallel_loop3A_342 = tpu.vector_load %arg6[%parallel_loop3A_339, %parallel_loop3A_340, %parallel_loop3A_341] {strides = array<i32>} : memref<4x128x128xf32, #tpu.memory_space<vmem>>, vector<1x1x16xf32>,
      %parallel_loop3A_343 = vector.shape_cast %parallel_loop3A_342 : vector<1x1x16xf32> to vector<16xf32>
      %parallel_loop3A_344 = vector.shape_cast %parallel_loop3A_335 : vector<16xf32> to vector<1x1x16xf32>
      tpu.vector_store %arg6[%parallel_loop3A_339, %parallel_loop3A_340, %parallel_loop3A_341], %parallel_loop3A_344 {strides = array<i32>} : memref<4x128x128xf32, #tpu.memory_space<vmem>>, vector<1x1x16xf32>,
      %parallel_loop3A_345 = arith.constant 0 : i32
      %parallel_loop3A_346 = arith.addi %parallel_loop3A_244, %parallel_loop3A_345 : i32
      %parallel_loop3A_347 = arith.constant 2 : i32
      %parallel_loop3A_348 = arith.index_cast %parallel_loop3A_347 : i32 to index
      %parallel_loop3A_349 = arith.index_cast %parallel_loop3A_346 : i32 to index
      %parallel_loop3A_350 = arith.constant 80 : index
      %parallel_loop3A_351 = tpu.vector_load %arg6[%parallel_loop3A_348, %parallel_loop3A_349, %parallel_loop3A_350] {strides = array<i32>} : memref<4x128x128xf32, #tpu.memory_space<vmem>>, vector<1x1x16xf32>,
      %parallel_loop3A_352 = vector.shape_cast %parallel_loop3A_351 : vector<1x1x16xf32> to vector<16xf32>
      %parallel_loop3A_353 = arith.constant 11.3137083 : f32
      %parallel_loop3A_354 = vector.broadcast %parallel_loop3A_353 : f32 to vector<16xf32>
      %parallel_loop3A_355 = arith.mulf %parallel_loop3A_352, %parallel_loop3A_354 : vector<16xf32>
      %parallel_loop3A_356 = arith.constant 0 : i32
      %parallel_loop3A_357 = arith.addi %parallel_loop3A_244, %parallel_loop3A_356 : i32
      %parallel_loop3A_358 = arith.constant 2 : i32
      %parallel_loop3A_359 = arith.index_cast %parallel_loop3A_358 : i32 to index
      %parallel_loop3A_360 = arith.index_cast %parallel_loop3A_357 : i32 to index
      %parallel_loop3A_361 = arith.constant 80 : index
      %parallel_loop3A_362 = tpu.vector_load %arg6[%parallel_loop3A_359, %parallel_loop3A_360, %parallel_loop3A_361] {strides = array<i32>} : memref<4x128x128xf32, #tpu.memory_space<vmem>>, vector<1x1x16xf32>,
      %parallel_loop3A_363 = vector.shape_cast %parallel_loop3A_362 : vector<1x1x16xf32> to vector<16xf32>
      %parallel_loop3A_364 = vector.shape_cast %parallel_loop3A_355 : vector<16xf32> to vector<1x1x16xf32>
      tpu.vector_store %arg6[%parallel_loop3A_359, %parallel_loop3A_360, %parallel_loop3A_361], %parallel_loop3A_364 {strides = array<i32>} : memref<4x128x128xf32, #tpu.memory_space<vmem>>, vector<1x1x16xf32>,
      %parallel_loop3A_365 = arith.constant 0 : i32
      %parallel_loop3A_366 = arith.addi %parallel_loop3A_244, %parallel_loop3A_365 : i32
      %parallel_loop3A_367 = arith.constant 2 : i32
      %parallel_loop3A_368 = arith.index_cast %parallel_loop3A_367 : i32 to index
      %parallel_loop3A_369 = arith.index_cast %parallel_loop3A_366 : i32 to index
      %parallel_loop3A_370 = arith.constant 96 : index
      %parallel_loop3A_371 = tpu.vector_load %arg6[%parallel_loop3A_368, %parallel_loop3A_369, %parallel_loop3A_370] {strides = array<i32>} : memref<4x128x128xf32, #tpu.memory_space<vmem>>, vector<1x1x16xf32>,
      %parallel_loop3A_372 = vector.shape_cast %parallel_loop3A_371 : vector<1x1x16xf32> to vector<16xf32>
      %parallel_loop3A_373 = arith.constant 11.3137083 : f32
      %parallel_loop3A_374 = vector.broadcast %parallel_loop3A_373 : f32 to vector<16xf32>
      %parallel_loop3A_375 = arith.mulf %parallel_loop3A_372, %parallel_loop3A_374 : vector<16xf32>
      %parallel_loop3A_376 = arith.constant 0 : i32
      %parallel_loop3A_377 = arith.addi %parallel_loop3A_244, %parallel_loop3A_376 : i32
      %parallel_loop3A_378 = arith.constant 2 : i32
      %parallel_loop3A_379 = arith.index_cast %parallel_loop3A_378 : i32 to index
      %parallel_loop3A_380 = arith.index_cast %parallel_loop3A_377 : i32 to index
      %parallel_loop3A_381 = arith.constant 96 : index
      %parallel_loop3A_382 = tpu.vector_load %arg6[%parallel_loop3A_379, %parallel_loop3A_380, %parallel_loop3A_381] {strides = array<i32>} : memref<4x128x128xf32, #tpu.memory_space<vmem>>, vector<1x1x16xf32>,
      %parallel_loop3A_383 = vector.shape_cast %parallel_loop3A_382 : vector<1x1x16xf32> to vector<16xf32>
      %parallel_loop3A_384 = vector.shape_cast %parallel_loop3A_375 : vector<16xf32> to vector<1x1x16xf32>
      tpu.vector_store %arg6[%parallel_loop3A_379, %parallel_loop3A_380, %parallel_loop3A_381], %parallel_loop3A_384 {strides = array<i32>} : memref<4x128x128xf32, #tpu.memory_space<vmem>>, vector<1x1x16xf32>,
      %parallel_loop3A_385 = arith.constant 0 : i32
      %parallel_loop3A_386 = arith.addi %parallel_loop3A_244, %parallel_loop3A_385 : i32
      %parallel_loop3A_387 = arith.constant 2 : i32
      %parallel_loop3A_388 = arith.index_cast %parallel_loop3A_387 : i32 to index
      %parallel_loop3A_389 = arith.index_cast %parallel_loop3A_386 : i32 to index
      %parallel_loop3A_390 = arith.constant 112 : index
      %parallel_loop3A_391 = tpu.vector_load %arg6[%parallel_loop3A_388, %parallel_loop3A_389, %parallel_loop3A_390] {strides = array<i32>} : memref<4x128x128xf32, #tpu.memory_space<vmem>>, vector<1x1x16xf32>,
      %parallel_loop3A_392 = vector.shape_cast %parallel_loop3A_391 : vector<1x1x16xf32> to vector<16xf32>
      %parallel_loop3A_393 = arith.constant 11.3137083 : f32
      %parallel_loop3A_394 = vector.broadcast %parallel_loop3A_393 : f32 to vector<16xf32>
      %parallel_loop3A_395 = arith.mulf %parallel_loop3A_392, %parallel_loop3A_394 : vector<16xf32>
      %parallel_loop3A_396 = arith.constant 0 : i32
      %parallel_loop3A_397 = arith.addi %parallel_loop3A_244, %parallel_loop3A_396 : i32
      %parallel_loop3A_398 = arith.constant 2 : i32
      %parallel_loop3A_399 = arith.index_cast %parallel_loop3A_398 : i32 to index
      %parallel_loop3A_400 = arith.index_cast %parallel_loop3A_397 : i32 to index
      %parallel_loop3A_401 = arith.constant 112 : index
      %parallel_loop3A_402 = tpu.vector_load %arg6[%parallel_loop3A_399, %parallel_loop3A_400, %parallel_loop3A_401] {strides = array<i32>} : memref<4x128x128xf32, #tpu.memory_space<vmem>>, vector<1x1x16xf32>,
      %parallel_loop3A_403 = vector.shape_cast %parallel_loop3A_402 : vector<1x1x16xf32> to vector<16xf32>
      %parallel_loop3A_404 = vector.shape_cast %parallel_loop3A_395 : vector<16xf32> to vector<1x1x16xf32>
      tpu.vector_store %arg6[%parallel_loop3A_399, %parallel_loop3A_400, %parallel_loop3A_401], %parallel_loop3A_404 {strides = array<i32>} : memref<4x128x128xf32, #tpu.memory_space<vmem>>, vector<1x1x16xf32>,
      %parallel_loop3A_405 = arith.constant 1 : i32
      %parallel_loop3A_406 = arith.addi %parallel_loop3A_244, %parallel_loop3A_405 : i32
      %parallel_loop3A_407 = arith.constant 2 : i32
      %parallel_loop3A_408 = arith.index_cast %parallel_loop3A_407 : i32 to index
      %parallel_loop3A_409 = arith.index_cast %parallel_loop3A_406 : i32 to index
      %parallel_loop3A_410 = arith.constant 0 : index
      %parallel_loop3A_411 = tpu.vector_load %arg6[%parallel_loop3A_408, %parallel_loop3A_409, %parallel_loop3A_410] {strides = array<i32>} : memref<4x128x128xf32, #tpu.memory_space<vmem>>, vector<1x1x16xf32>,
      %parallel_loop3A_412 = vector.shape_cast %parallel_loop3A_411 : vector<1x1x16xf32> to vector<16xf32>
      %parallel_loop3A_413 = arith.constant 11.3137083 : f32
      %parallel_loop3A_414 = vector.broadcast %parallel_loop3A_413 : f32 to vector<16xf32>
      %parallel_loop3A_415 = arith.mulf %parallel_loop3A_412, %parallel_loop3A_414 : vector<16xf32>
      %parallel_loop3A_416 = arith.constant 1 : i32
      %parallel_loop3A_417 = arith.addi %parallel_loop3A_244, %parallel_loop3A_416 : i32
      %parallel_loop3A_418 = arith.constant 2 : i32
      %parallel_loop3A_419 = arith.index_cast %parallel_loop3A_418 : i32 to index
      %parallel_loop3A_420 = arith.index_cast %parallel_loop3A_417 : i32 to index
      %parallel_loop3A_421 = arith.constant 0 : index
      %parallel_loop3A_422 = tpu.vector_load %arg6[%parallel_loop3A_419, %parallel_loop3A_420, %parallel_loop3A_421] {strides = array<i32>} : memref<4x128x128xf32, #tpu.memory_space<vmem>>, vector<1x1x16xf32>,
      %parallel_loop3A_423 = vector.shape_cast %parallel_loop3A_422 : vector<1x1x16xf32> to vector<16xf32>
      %parallel_loop3A_424 = vector.shape_cast %parallel_loop3A_415 : vector<16xf32> to vector<1x1x16xf32>
      tpu.vector_store %arg6[%parallel_loop3A_419, %parallel_loop3A_420, %parallel_loop3A_421], %parallel_loop3A_424 {strides = array<i32>} : memref<4x128x128xf32, #tpu.memory_space<vmem>>, vector<1x1x16xf32>,
      %parallel_loop3A_425 = arith.constant 1 : i32
      %parallel_loop3A_426 = arith.addi %parallel_loop3A_244, %parallel_loop3A_425 : i32
      %parallel_loop3A_427 = arith.constant 2 : i32
      %parallel_loop3A_428 = arith.index_cast %parallel_loop3A_427 : i32 to index
      %parallel_loop3A_429 = arith.index_cast %parallel_loop3A_426 : i32 to index
      %parallel_loop3A_430 = arith.constant 16 : index
      %parallel_loop3A_431 = tpu.vector_load %arg6[%parallel_loop3A_428, %parallel_loop3A_429, %parallel_loop3A_430] {strides = array<i32>} : memref<4x128x128xf32, #tpu.memory_space<vmem>>, vector<1x1x16xf32>,
      %parallel_loop3A_432 = vector.shape_cast %parallel_loop3A_431 : vector<1x1x16xf32> to vector<16xf32>
      %parallel_loop3A_433 = arith.constant 11.3137083 : f32
      %parallel_loop3A_434 = vector.broadcast %parallel_loop3A_433 : f32 to vector<16xf32>
      %parallel_loop3A_435 = arith.mulf %parallel_loop3A_432, %parallel_loop3A_434 : vector<16xf32>
      %parallel_loop3A_436 = arith.constant 1 : i32
      %parallel_loop3A_437 = arith.addi %parallel_loop3A_244, %parallel_loop3A_436 : i32
      %parallel_loop3A_438 = arith.constant 2 : i32
      %parallel_loop3A_439 = arith.index_cast %parallel_loop3A_438 : i32 to index
      %parallel_loop3A_440 = arith.index_cast %parallel_loop3A_437 : i32 to index
      %parallel_loop3A_441 = arith.constant 16 : index
      %parallel_loop3A_442 = tpu.vector_load %arg6[%parallel_loop3A_439, %parallel_loop3A_440, %parallel_loop3A_441] {strides = array<i32>} : memref<4x128x128xf32, #tpu.memory_space<vmem>>, vector<1x1x16xf32>,
      %parallel_loop3A_443 = vector.shape_cast %parallel_loop3A_442 : vector<1x1x16xf32> to vector<16xf32>
      %parallel_loop3A_444 = vector.shape_cast %parallel_loop3A_435 : vector<16xf32> to vector<1x1x16xf32>
      tpu.vector_store %arg6[%parallel_loop3A_439, %parallel_loop3A_440, %parallel_loop3A_441], %parallel_loop3A_444 {strides = array<i32>} : memref<4x128x128xf32, #tpu.memory_space<vmem>>, vector<1x1x16xf32>,
      %parallel_loop3A_445 = arith.constant 1 : i32
      %parallel_loop3A_446 = arith.addi %parallel_loop3A_244, %parallel_loop3A_445 : i32
      %parallel_loop3A_447 = arith.constant 2 : i32
      %parallel_loop3A_448 = arith.index_cast %parallel_loop3A_447 : i32 to index
      %parallel_loop3A_449 = arith.index_cast %parallel_loop3A_446 : i32 to index
      %parallel_loop3A_450 = arith.constant 32 : index
      %parallel_loop3A_451 = tpu.vector_load %arg6[%parallel_loop3A_448, %parallel_loop3A_449, %parallel_loop3A_450] {strides = array<i32>} : memref<4x128x128xf32, #tpu.memory_space<vmem>>, vector<1x1x16xf32>,
      %parallel_loop3A_452 = vector.shape_cast %parallel_loop3A_451 : vector<1x1x16xf32> to vector<16xf32>
      %parallel_loop3A_453 = arith.constant 11.3137083 : f32
      %parallel_loop3A_454 = vector.broadcast %parallel_loop3A_453 : f32 to vector<16xf32>
      %parallel_loop3A_455 = arith.mulf %parallel_loop3A_452, %parallel_loop3A_454 : vector<16xf32>
      %parallel_loop3A_456 = arith.constant 1 : i32
      %parallel_loop3A_457 = arith.addi %parallel_loop3A_244, %parallel_loop3A_456 : i32
      %parallel_loop3A_458 = arith.constant 2 : i32
      %parallel_loop3A_459 = arith.index_cast %parallel_loop3A_458 : i32 to index
      %parallel_loop3A_460 = arith.index_cast %parallel_loop3A_457 : i32 to index
      %parallel_loop3A_461 = arith.constant 32 : index
      %parallel_loop3A_462 = tpu.vector_load %arg6[%parallel_loop3A_459, %parallel_loop3A_460, %parallel_loop3A_461] {strides = array<i32>} : memref<4x128x128xf32, #tpu.memory_space<vmem>>, vector<1x1x16xf32>,
      %parallel_loop3A_463 = vector.shape_cast %parallel_loop3A_462 : vector<1x1x16xf32> to vector<16xf32>
      %parallel_loop3A_464 = vector.shape_cast %parallel_loop3A_455 : vector<16xf32> to vector<1x1x16xf32>
      tpu.vector_store %arg6[%parallel_loop3A_459, %parallel_loop3A_460, %parallel_loop3A_461], %parallel_loop3A_464 {strides = array<i32>} : memref<4x128x128xf32, #tpu.memory_space<vmem>>, vector<1x1x16xf32>,
      %parallel_loop3A_465 = arith.constant 1 : i32
      %parallel_loop3A_466 = arith.addi %parallel_loop3A_244, %parallel_loop3A_465 : i32
      %parallel_loop3A_467 = arith.constant 2 : i32
      %parallel_loop3A_468 = arith.index_cast %parallel_loop3A_467 : i32 to index
      %parallel_loop3A_469 = arith.index_cast %parallel_loop3A_466 : i32 to index
      %parallel_loop3A_470 = arith.constant 48 : index
      %parallel_loop3A_471 = tpu.vector_load %arg6[%parallel_loop3A_468, %parallel_loop3A_469, %parallel_loop3A_470] {strides = array<i32>} : memref<4x128x128xf32, #tpu.memory_space<vmem>>, vector<1x1x16xf32>,
      %parallel_loop3A_472 = vector.shape_cast %parallel_loop3A_471 : vector<1x1x16xf32> to vector<16xf32>
      %parallel_loop3A_473 = arith.constant 11.3137083 : f32
      %parallel_loop3A_474 = vector.broadcast %parallel_loop3A_473 : f32 to vector<16xf32>
      %parallel_loop3A_475 = arith.mulf %parallel_loop3A_472, %parallel_loop3A_474 : vector<16xf32>
      %parallel_loop3A_476 = arith.constant 1 : i32
      %parallel_loop3A_477 = arith.addi %parallel_loop3A_244, %parallel_loop3A_476 : i32
      %parallel_loop3A_478 = arith.constant 2 : i32
      %parallel_loop3A_479 = arith.index_cast %parallel_loop3A_478 : i32 to index
      %parallel_loop3A_480 = arith.index_cast %parallel_loop3A_477 : i32 to index
      %parallel_loop3A_481 = arith.constant 48 : index
      %parallel_loop3A_482 = tpu.vector_load %arg6[%parallel_loop3A_479, %parallel_loop3A_480, %parallel_loop3A_481] {strides = array<i32>} : memref<4x128x128xf32, #tpu.memory_space<vmem>>, vector<1x1x16xf32>,
      %parallel_loop3A_483 = vector.shape_cast %parallel_loop3A_482 : vector<1x1x16xf32> to vector<16xf32>
      %parallel_loop3A_484 = vector.shape_cast %parallel_loop3A_475 : vector<16xf32> to vector<1x1x16xf32>
      tpu.vector_store %arg6[%parallel_loop3A_479, %parallel_loop3A_480, %parallel_loop3A_481], %parallel_loop3A_484 {strides = array<i32>} : memref<4x128x128xf32, #tpu.memory_space<vmem>>, vector<1x1x16xf32>,
      %parallel_loop3A_485 = arith.constant 1 : i32
      %parallel_loop3A_486 = arith.addi %parallel_loop3A_244, %parallel_loop3A_485 : i32
      %parallel_loop3A_487 = arith.constant 2 : i32
      %parallel_loop3A_488 = arith.index_cast %parallel_loop3A_487 : i32 to index
      %parallel_loop3A_489 = arith.index_cast %parallel_loop3A_486 : i32 to index
      %parallel_loop3A_490 = arith.constant 64 : index
      %parallel_loop3A_491 = tpu.vector_load %arg6[%parallel_loop3A_488, %parallel_loop3A_489, %parallel_loop3A_490] {strides = array<i32>} : memref<4x128x128xf32, #tpu.memory_space<vmem>>, vector<1x1x16xf32>,
      %parallel_loop3A_492 = vector.shape_cast %parallel_loop3A_491 : vector<1x1x16xf32> to vector<16xf32>
      %parallel_loop3A_493 = arith.constant 11.3137083 : f32
      %parallel_loop3A_494 = vector.broadcast %parallel_loop3A_493 : f32 to vector<16xf32>
      %parallel_loop3A_495 = arith.mulf %parallel_loop3A_492, %parallel_loop3A_494 : vector<16xf32>
      %parallel_loop3A_496 = arith.constant 1 : i32
      %parallel_loop3A_497 = arith.addi %parallel_loop3A_244, %parallel_loop3A_496 : i32
      %parallel_loop3A_498 = arith.constant 2 : i32
      %parallel_loop3A_499 = arith.index_cast %parallel_loop3A_498 : i32 to index
      %parallel_loop3A_500 = arith.index_cast %parallel_loop3A_497 : i32 to index
      %parallel_loop3A_501 = arith.constant 64 : index
      %parallel_loop3A_502 = tpu.vector_load %arg6[%parallel_loop3A_499, %parallel_loop3A_500, %parallel_loop3A_501] {strides = array<i32>} : memref<4x128x128xf32, #tpu.memory_space<vmem>>, vector<1x1x16xf32>,
      %parallel_loop3A_503 = vector.shape_cast %parallel_loop3A_502 : vector<1x1x16xf32> to vector<16xf32>
      %parallel_loop3A_504 = vector.shape_cast %parallel_loop3A_495 : vector<16xf32> to vector<1x1x16xf32>
      tpu.vector_store %arg6[%parallel_loop3A_499, %parallel_loop3A_500, %parallel_loop3A_501], %parallel_loop3A_504 {strides = array<i32>} : memref<4x128x128xf32, #tpu.memory_space<vmem>>, vector<1x1x16xf32>,
      %parallel_loop3A_505 = arith.constant 1 : i32
      %parallel_loop3A_506 = arith.addi %parallel_loop3A_244, %parallel_loop3A_505 : i32
      %parallel_loop3A_507 = arith.constant 2 : i32
      %parallel_loop3A_508 = arith.index_cast %parallel_loop3A_507 : i32 to index
      %parallel_loop3A_509 = arith.index_cast %parallel_loop3A_506 : i32 to index
      %parallel_loop3A_510 = arith.constant 80 : index
      %parallel_loop3A_511 = tpu.vector_load %arg6[%parallel_loop3A_508, %parallel_loop3A_509, %parallel_loop3A_510] {strides = array<i32>} : memref<4x128x128xf32, #tpu.memory_space<vmem>>, vector<1x1x16xf32>,
      %parallel_loop3A_512 = vector.shape_cast %parallel_loop3A_511 : vector<1x1x16xf32> to vector<16xf32>
      %parallel_loop3A_513 = arith.constant 11.3137083 : f32
      %parallel_loop3A_514 = vector.broadcast %parallel_loop3A_513 : f32 to vector<16xf32>
      %parallel_loop3A_515 = arith.mulf %parallel_loop3A_512, %parallel_loop3A_514 : vector<16xf32>
      %parallel_loop3A_516 = arith.constant 1 : i32
      %parallel_loop3A_517 = arith.addi %parallel_loop3A_244, %parallel_loop3A_516 : i32
      %parallel_loop3A_518 = arith.constant 2 : i32
      %parallel_loop3A_519 = arith.index_cast %parallel_loop3A_518 : i32 to index
      %parallel_loop3A_520 = arith.index_cast %parallel_loop3A_517 : i32 to index
      %parallel_loop3A_521 = arith.constant 80 : index
      %parallel_loop3A_522 = tpu.vector_load %arg6[%parallel_loop3A_519, %parallel_loop3A_520, %parallel_loop3A_521] {strides = array<i32>} : memref<4x128x128xf32, #tpu.memory_space<vmem>>, vector<1x1x16xf32>,
      %parallel_loop3A_523 = vector.shape_cast %parallel_loop3A_522 : vector<1x1x16xf32> to vector<16xf32>
      %parallel_loop3A_524 = vector.shape_cast %parallel_loop3A_515 : vector<16xf32> to vector<1x1x16xf32>
      tpu.vector_store %arg6[%parallel_loop3A_519, %parallel_loop3A_520, %parallel_loop3A_521], %parallel_loop3A_524 {strides = array<i32>} : memref<4x128x128xf32, #tpu.memory_space<vmem>>, vector<1x1x16xf32>,
      %parallel_loop3A_525 = arith.constant 1 : i32
      %parallel_loop3A_526 = arith.addi %parallel_loop3A_244, %parallel_loop3A_525 : i32
      %parallel_loop3A_527 = arith.constant 2 : i32
      %parallel_loop3A_528 = arith.index_cast %parallel_loop3A_527 : i32 to index
      %parallel_loop3A_529 = arith.index_cast %parallel_loop3A_526 : i32 to index
      %parallel_loop3A_530 = arith.constant 96 : index
      %parallel_loop3A_531 = tpu.vector_load %arg6[%parallel_loop3A_528, %parallel_loop3A_529, %parallel_loop3A_530] {strides = array<i32>} : memref<4x128x128xf32, #tpu.memory_space<vmem>>, vector<1x1x16xf32>,
      %parallel_loop3A_532 = vector.shape_cast %parallel_loop3A_531 : vector<1x1x16xf32> to vector<16xf32>
      %parallel_loop3A_533 = arith.constant 11.3137083 : f32
      %parallel_loop3A_534 = vector.broadcast %parallel_loop3A_533 : f32 to vector<16xf32>
      %parallel_loop3A_535 = arith.mulf %parallel_loop3A_532, %parallel_loop3A_534 : vector<16xf32>
      %parallel_loop3A_536 = arith.constant 1 : i32
      %parallel_loop3A_537 = arith.addi %parallel_loop3A_244, %parallel_loop3A_536 : i32
      %parallel_loop3A_538 = arith.constant 2 : i32
      %parallel_loop3A_539 = arith.index_cast %parallel_loop3A_538 : i32 to index
      %parallel_loop3A_540 = arith.index_cast %parallel_loop3A_537 : i32 to index
      %parallel_loop3A_541 = arith.constant 96 : index
      %parallel_loop3A_542 = tpu.vector_load %arg6[%parallel_loop3A_539, %parallel_loop3A_540, %parallel_loop3A_541] {strides = array<i32>} : memref<4x128x128xf32, #tpu.memory_space<vmem>>, vector<1x1x16xf32>,
      %parallel_loop3A_543 = vector.shape_cast %parallel_loop3A_542 : vector<1x1x16xf32> to vector<16xf32>
      %parallel_loop3A_544 = vector.shape_cast %parallel_loop3A_535 : vector<16xf32> to vector<1x1x16xf32>
      tpu.vector_store %arg6[%parallel_loop3A_539, %parallel_loop3A_540, %parallel_loop3A_541], %parallel_loop3A_544 {strides = array<i32>} : memref<4x128x128xf32, #tpu.memory_space<vmem>>, vector<1x1x16xf32>,
      %parallel_loop3A_545 = arith.constant 1 : i32
      %parallel_loop3A_546 = arith.addi %parallel_loop3A_244, %parallel_loop3A_545 : i32
      %parallel_loop3A_547 = arith.constant 2 : i32
      %parallel_loop3A_548 = arith.index_cast %parallel_loop3A_547 : i32 to index
      %parallel_loop3A_549 = arith.index_cast %parallel_loop3A_546 : i32 to index
      %parallel_loop3A_550 = arith.constant 112 : index
      %parallel_loop3A_551 = tpu.vector_load %arg6[%parallel_loop3A_548, %parallel_loop3A_549, %parallel_loop3A_550] {strides = array<i32>} : memref<4x128x128xf32, #tpu.memory_space<vmem>>, vector<1x1x16xf32>,
      %parallel_loop3A_552 = vector.shape_cast %parallel_loop3A_551 : vector<1x1x16xf32> to vector<16xf32>
      %parallel_loop3A_553 = arith.constant 11.3137083 : f32
      %parallel_loop3A_554 = vector.broadcast %parallel_loop3A_553 : f32 to vector<16xf32>
      %parallel_loop3A_555 = arith.mulf %parallel_loop3A_552, %parallel_loop3A_554 : vector<16xf32>
      %parallel_loop3A_556 = arith.constant 1 : i32
      %parallel_loop3A_557 = arith.addi %parallel_loop3A_244, %parallel_loop3A_556 : i32
      %parallel_loop3A_558 = arith.constant 2 : i32
      %parallel_loop3A_559 = arith.index_cast %parallel_loop3A_558 : i32 to index
      %parallel_loop3A_560 = arith.index_cast %parallel_loop3A_557 : i32 to index
      %parallel_loop3A_561 = arith.constant 112 : index
      %parallel_loop3A_562 = tpu.vector_load %arg6[%parallel_loop3A_559, %parallel_loop3A_560, %parallel_loop3A_561] {strides = array<i32>} : memref<4x128x128xf32, #tpu.memory_space<vmem>>, vector<1x1x16xf32>,
      %parallel_loop3A_563 = vector.shape_cast %parallel_loop3A_562 : vector<1x1x16xf32> to vector<16xf32>
      %parallel_loop3A_564 = vector.shape_cast %parallel_loop3A_555 : vector<16xf32> to vector<1x1x16xf32>
      tpu.vector_store %arg6[%parallel_loop3A_559, %parallel_loop3A_560, %parallel_loop3A_561], %parallel_loop3A_564 {strides = array<i32>} : memref<4x128x128xf32, #tpu.memory_space<vmem>>, vector<1x1x16xf32>,
    } {sc.loop_unroll_factor = 1 : i64, sc.parallel_access}
    %add3A_134 = arith.constant 25344 : i32
    %add3A_135 = arith.addi %mul3A_2, %add3A_134 : i32
    %multiple_of3A_136 = tpu.assume_multiple %add3A_135, 128 : i32
    %dma_start3A_137 = arith.constant 2 : i32
    %dma_start3A_138 = arith.constant 0 : i32
    %dma_start3A_139 = arith.constant 0 : i32
    %dma_start3A_140 = tpu.memref_slice %arg6[%dma_start3A_137, %dma_start3A_138, %dma_start3A_139] : memref<4x128x128xf32, #tpu.memory_space<vmem>> -> memref<1x128x128xf32, #tpu.memory_space<vmem>>
    %dma_start3A_141 = tpu.memref_squeeze %dma_start3A_140 : memref<1x128x128xf32, #tpu.memory_space<vmem>> -> memref<128x128xf32, #tpu.memory_space<vmem>>
    %dma_start3A_142 = arith.constant 0 : i32
    %dma_start3A_143 = tpu.memref_slice %arg4[%multiple_of3A_136, %dma_start3A_142] : memref<819200x128xf32, #tpu.memory_space<hbm>> -> memref<128x128xf32, #tpu.memory_space<hbm>>
    %dma_start3A_144 = arith.constant 0 : i32
    %dma_start3A_145 = tpu.memref_slice %arg4[%multiple_of3A_136, %dma_start3A_144] : memref<819200x128xf32, #tpu.memory_space<hbm>> -> memref<128x128xf32, #tpu.memory_space<hbm>>
    %dma_start3A_146 = arith.constant 0 : i32
    %dma_start3A_147 = arith.constant 0 : i32
    %dma_start3A_148 = tpu.memref_slice %arg6[%dma_start3A_137, %dma_start3A_146, %dma_start3A_147] : memref<4x128x128xf32, #tpu.memory_space<vmem>> -> memref<1x128x128xf32, #tpu.memory_space<vmem>>
    %dma_start3A_149 = tpu.memref_squeeze %dma_start3A_148 : memref<1x128x128xf32, #tpu.memory_space<vmem>> -> memref<128x128xf32, #tpu.memory_space<vmem>>
    tpu.enqueue_dma source(%dma_start3A_149 : memref<128x128xf32, #tpu.memory_space<vmem>>) target(%dma_start3A_145 : memref<128x128xf32, #tpu.memory_space<hbm>>) target_semaphore(%arg13 : memref<!tpu.dma_semaphore, #tpu.memory_space<semaphore_mem>>)
    %dma_wait3A_150 = arith.constant 3 : i32
    %dma_wait3A_151 = arith.constant 0 : i32
    %dma_wait3A_152 = arith.constant 0 : i32
    %dma_wait3A_153 = tpu.memref_slice %arg6[%dma_wait3A_150, %dma_wait3A_151, %dma_wait3A_152] : memref<4x128x128xf32, #tpu.memory_space<vmem>> -> memref<1x128x128xf32, #tpu.memory_space<vmem>>
    %dma_wait3A_154 = tpu.memref_squeeze %dma_wait3A_153 : memref<1x128x128xf32, #tpu.memory_space<vmem>> -> memref<128x128xf32, #tpu.memory_space<vmem>>
    %dma_wait3A_155 = arith.constant 0 : i32
    %dma_wait3A_156 = arith.constant 0 : i32
    %dma_wait3A_157 = tpu.memref_slice %arg3[%dma_wait3A_155, %dma_wait3A_156] : memref<100000x128xf32, #tpu.memory_space<hbm>> -> memref<128x128xf32, #tpu.memory_space<hbm>>
    %dma_wait3A_158 = arith.constant 0 : i32
    %dma_wait3A_159 = arith.constant 0 : i32
    %dma_wait3A_160 = tpu.memref_slice %arg6[%dma_wait3A_150, %dma_wait3A_158, %dma_wait3A_159] : memref<4x128x128xf32, #tpu.memory_space<vmem>> -> memref<1x128x128xf32, #tpu.memory_space<vmem>>
    %dma_wait3A_161 = tpu.memref_squeeze %dma_wait3A_160 : memref<1x128x128xf32, #tpu.memory_space<vmem>> -> memref<128x128xf32, #tpu.memory_space<vmem>>
    %dma_wait3A_162 = arith.constant 0 : i32
    %dma_wait3A_163 = arith.constant 0 : i32
    %dma_wait3A_164 = tpu.memref_slice %arg3[%dma_wait3A_162, %dma_wait3A_163] : memref<100000x128xf32, #tpu.memory_space<hbm>> -> memref<128x128xf32, #tpu.memory_space<hbm>>
    tpu.wait_dma2 semaphore(%arg10 : memref<!tpu.dma_semaphore, #tpu.memory_space<semaphore_mem>>) src(%dma_wait3A_164 : memref<128x128xf32, #tpu.memory_space<hbm>>) dst(%dma_wait3A_161 : memref<128x128xf32, #tpu.memory_space<vmem>>)
    %parallel_loop3A_165 = arith.constant 0 : i32
    %parallel_loop3A_166 = arith.constant 128 : i32
    %parallel_loop3A_167 = arith.constant 2 : i32
    scf.for %parallel_loop3A_244 = %parallel_loop3A_165 to %parallel_loop3A_166 step %parallel_loop3A_167  : i32 {
      %parallel_loop3A_245 = arith.constant 0 : i32
      %parallel_loop3A_246 = arith.addi %parallel_loop3A_244, %parallel_loop3A_245 : i32
      %parallel_loop3A_247 = arith.constant 3 : i32
      %parallel_loop3A_248 = arith.index_cast %parallel_loop3A_247 : i32 to index
      %parallel_loop3A_249 = arith.index_cast %parallel_loop3A_246 : i32 to index
      %parallel_loop3A_250 = arith.constant 0 : index
      %parallel_loop3A_251 = tpu.vector_load %arg6[%parallel_loop3A_248, %parallel_loop3A_249, %parallel_loop3A_250] {strides = array<i32>} : memref<4x128x128xf32, #tpu.memory_space<vmem>>, vector<1x1x16xf32>,
      %parallel_loop3A_252 = vector.shape_cast %parallel_loop3A_251 : vector<1x1x16xf32> to vector<16xf32>
      %parallel_loop3A_253 = arith.constant 11.3137083 : f32
      %parallel_loop3A_254 = vector.broadcast %parallel_loop3A_253 : f32 to vector<16xf32>
      %parallel_loop3A_255 = arith.mulf %parallel_loop3A_252, %parallel_loop3A_254 : vector<16xf32>
      %parallel_loop3A_256 = arith.constant 0 : i32
      %parallel_loop3A_257 = arith.addi %parallel_loop3A_244, %parallel_loop3A_256 : i32
      %parallel_loop3A_258 = arith.constant 3 : i32
      %parallel_loop3A_259 = arith.index_cast %parallel_loop3A_258 : i32 to index
      %parallel_loop3A_260 = arith.index_cast %parallel_loop3A_257 : i32 to index
      %parallel_loop3A_261 = arith.constant 0 : index
      %parallel_loop3A_262 = tpu.vector_load %arg6[%parallel_loop3A_259, %parallel_loop3A_260, %parallel_loop3A_261] {strides = array<i32>} : memref<4x128x128xf32, #tpu.memory_space<vmem>>, vector<1x1x16xf32>,
      %parallel_loop3A_263 = vector.shape_cast %parallel_loop3A_262 : vector<1x1x16xf32> to vector<16xf32>
      %parallel_loop3A_264 = vector.shape_cast %parallel_loop3A_255 : vector<16xf32> to vector<1x1x16xf32>
      tpu.vector_store %arg6[%parallel_loop3A_259, %parallel_loop3A_260, %parallel_loop3A_261], %parallel_loop3A_264 {strides = array<i32>} : memref<4x128x128xf32, #tpu.memory_space<vmem>>, vector<1x1x16xf32>,
      %parallel_loop3A_265 = arith.constant 0 : i32
      %parallel_loop3A_266 = arith.addi %parallel_loop3A_244, %parallel_loop3A_265 : i32
      %parallel_loop3A_267 = arith.constant 3 : i32
      %parallel_loop3A_268 = arith.index_cast %parallel_loop3A_267 : i32 to index
      %parallel_loop3A_269 = arith.index_cast %parallel_loop3A_266 : i32 to index
      %parallel_loop3A_270 = arith.constant 16 : index
      %parallel_loop3A_271 = tpu.vector_load %arg6[%parallel_loop3A_268, %parallel_loop3A_269, %parallel_loop3A_270] {strides = array<i32>} : memref<4x128x128xf32, #tpu.memory_space<vmem>>, vector<1x1x16xf32>,
      %parallel_loop3A_272 = vector.shape_cast %parallel_loop3A_271 : vector<1x1x16xf32> to vector<16xf32>
      %parallel_loop3A_273 = arith.constant 11.3137083 : f32
      %parallel_loop3A_274 = vector.broadcast %parallel_loop3A_273 : f32 to vector<16xf32>
      %parallel_loop3A_275 = arith.mulf %parallel_loop3A_272, %parallel_loop3A_274 : vector<16xf32>
      %parallel_loop3A_276 = arith.constant 0 : i32
      %parallel_loop3A_277 = arith.addi %parallel_loop3A_244, %parallel_loop3A_276 : i32
      %parallel_loop3A_278 = arith.constant 3 : i32
      %parallel_loop3A_279 = arith.index_cast %parallel_loop3A_278 : i32 to index
      %parallel_loop3A_280 = arith.index_cast %parallel_loop3A_277 : i32 to index
      %parallel_loop3A_281 = arith.constant 16 : index
      %parallel_loop3A_282 = tpu.vector_load %arg6[%parallel_loop3A_279, %parallel_loop3A_280, %parallel_loop3A_281] {strides = array<i32>} : memref<4x128x128xf32, #tpu.memory_space<vmem>>, vector<1x1x16xf32>,
      %parallel_loop3A_283 = vector.shape_cast %parallel_loop3A_282 : vector<1x1x16xf32> to vector<16xf32>
      %parallel_loop3A_284 = vector.shape_cast %parallel_loop3A_275 : vector<16xf32> to vector<1x1x16xf32>
      tpu.vector_store %arg6[%parallel_loop3A_279, %parallel_loop3A_280, %parallel_loop3A_281], %parallel_loop3A_284 {strides = array<i32>} : memref<4x128x128xf32, #tpu.memory_space<vmem>>, vector<1x1x16xf32>,
      %parallel_loop3A_285 = arith.constant 0 : i32
      %parallel_loop3A_286 = arith.addi %parallel_loop3A_244, %parallel_loop3A_285 : i32
      %parallel_loop3A_287 = arith.constant 3 : i32
      %parallel_loop3A_288 = arith.index_cast %parallel_loop3A_287 : i32 to index
      %parallel_loop3A_289 = arith.index_cast %parallel_loop3A_286 : i32 to index
      %parallel_loop3A_290 = arith.constant 32 : index
      %parallel_loop3A_291 = tpu.vector_load %arg6[%parallel_loop3A_288, %parallel_loop3A_289, %parallel_loop3A_290] {strides = array<i32>} : memref<4x128x128xf32, #tpu.memory_space<vmem>>, vector<1x1x16xf32>,
      %parallel_loop3A_292 = vector.shape_cast %parallel_loop3A_291 : vector<1x1x16xf32> to vector<16xf32>
      %parallel_loop3A_293 = arith.constant 11.3137083 : f32
      %parallel_loop3A_294 = vector.broadcast %parallel_loop3A_293 : f32 to vector<16xf32>
      %parallel_loop3A_295 = arith.mulf %parallel_loop3A_292, %parallel_loop3A_294 : vector<16xf32>
      %parallel_loop3A_296 = arith.constant 0 : i32
      %parallel_loop3A_297 = arith.addi %parallel_loop3A_244, %parallel_loop3A_296 : i32
      %parallel_loop3A_298 = arith.constant 3 : i32
      %parallel_loop3A_299 = arith.index_cast %parallel_loop3A_298 : i32 to index
      %parallel_loop3A_300 = arith.index_cast %parallel_loop3A_297 : i32 to index
      %parallel_loop3A_301 = arith.constant 32 : index
      %parallel_loop3A_302 = tpu.vector_load %arg6[%parallel_loop3A_299, %parallel_loop3A_300, %parallel_loop3A_301] {strides = array<i32>} : memref<4x128x128xf32, #tpu.memory_space<vmem>>, vector<1x1x16xf32>,
      %parallel_loop3A_303 = vector.shape_cast %parallel_loop3A_302 : vector<1x1x16xf32> to vector<16xf32>
      %parallel_loop3A_304 = vector.shape_cast %parallel_loop3A_295 : vector<16xf32> to vector<1x1x16xf32>
      tpu.vector_store %arg6[%parallel_loop3A_299, %parallel_loop3A_300, %parallel_loop3A_301], %parallel_loop3A_304 {strides = array<i32>} : memref<4x128x128xf32, #tpu.memory_space<vmem>>, vector<1x1x16xf32>,
      %parallel_loop3A_305 = arith.constant 0 : i32
      %parallel_loop3A_306 = arith.addi %parallel_loop3A_244, %parallel_loop3A_305 : i32
      %parallel_loop3A_307 = arith.constant 3 : i32
      %parallel_loop3A_308 = arith.index_cast %parallel_loop3A_307 : i32 to index
      %parallel_loop3A_309 = arith.index_cast %parallel_loop3A_306 : i32 to index
      %parallel_loop3A_310 = arith.constant 48 : index
      %parallel_loop3A_311 = tpu.vector_load %arg6[%parallel_loop3A_308, %parallel_loop3A_309, %parallel_loop3A_310] {strides = array<i32>} : memref<4x128x128xf32, #tpu.memory_space<vmem>>, vector<1x1x16xf32>,
      %parallel_loop3A_312 = vector.shape_cast %parallel_loop3A_311 : vector<1x1x16xf32> to vector<16xf32>
      %parallel_loop3A_313 = arith.constant 11.3137083 : f32
      %parallel_loop3A_314 = vector.broadcast %parallel_loop3A_313 : f32 to vector<16xf32>
      %parallel_loop3A_315 = arith.mulf %parallel_loop3A_312, %parallel_loop3A_314 : vector<16xf32>
      %parallel_loop3A_316 = arith.constant 0 : i32
      %parallel_loop3A_317 = arith.addi %parallel_loop3A_244, %parallel_loop3A_316 : i32
      %parallel_loop3A_318 = arith.constant 3 : i32
      %parallel_loop3A_319 = arith.index_cast %parallel_loop3A_318 : i32 to index
      %parallel_loop3A_320 = arith.index_cast %parallel_loop3A_317 : i32 to index
      %parallel_loop3A_321 = arith.constant 48 : index
      %parallel_loop3A_322 = tpu.vector_load %arg6[%parallel_loop3A_319, %parallel_loop3A_320, %parallel_loop3A_321] {strides = array<i32>} : memref<4x128x128xf32, #tpu.memory_space<vmem>>, vector<1x1x16xf32>,
      %parallel_loop3A_323 = vector.shape_cast %parallel_loop3A_322 : vector<1x1x16xf32> to vector<16xf32>
      %parallel_loop3A_324 = vector.shape_cast %parallel_loop3A_315 : vector<16xf32> to vector<1x1x16xf32>
      tpu.vector_store %arg6[%parallel_loop3A_319, %parallel_loop3A_320, %parallel_loop3A_321], %parallel_loop3A_324 {strides = array<i32>} : memref<4x128x128xf32, #tpu.memory_space<vmem>>, vector<1x1x16xf32>,
      %parallel_loop3A_325 = arith.constant 0 : i32
      %parallel_loop3A_326 = arith.addi %parallel_loop3A_244, %parallel_loop3A_325 : i32
      %parallel_loop3A_327 = arith.constant 3 : i32
      %parallel_loop3A_328 = arith.index_cast %parallel_loop3A_327 : i32 to index
      %parallel_loop3A_329 = arith.index_cast %parallel_loop3A_326 : i32 to index
      %parallel_loop3A_330 = arith.constant 64 : index
      %parallel_loop3A_331 = tpu.vector_load %arg6[%parallel_loop3A_328, %parallel_loop3A_329, %parallel_loop3A_330] {strides = array<i32>} : memref<4x128x128xf32, #tpu.memory_space<vmem>>, vector<1x1x16xf32>,
      %parallel_loop3A_332 = vector.shape_cast %parallel_loop3A_331 : vector<1x1x16xf32> to vector<16xf32>
      %parallel_loop3A_333 = arith.constant 11.3137083 : f32
      %parallel_loop3A_334 = vector.broadcast %parallel_loop3A_333 : f32 to vector<16xf32>
      %parallel_loop3A_335 = arith.mulf %parallel_loop3A_332, %parallel_loop3A_334 : vector<16xf32>
      %parallel_loop3A_336 = arith.constant 0 : i32
      %parallel_loop3A_337 = arith.addi %parallel_loop3A_244, %parallel_loop3A_336 : i32
      %parallel_loop3A_338 = arith.constant 3 : i32
      %parallel_loop3A_339 = arith.index_cast %parallel_loop3A_338 : i32 to index
      %parallel_loop3A_340 = arith.index_cast %parallel_loop3A_337 : i32 to index
      %parallel_loop3A_341 = arith.constant 64 : index
      %parallel_loop3A_342 = tpu.vector_load %arg6[%parallel_loop3A_339, %parallel_loop3A_340, %parallel_loop3A_341] {strides = array<i32>} : memref<4x128x128xf32, #tpu.memory_space<vmem>>, vector<1x1x16xf32>,
      %parallel_loop3A_343 = vector.shape_cast %parallel_loop3A_342 : vector<1x1x16xf32> to vector<16xf32>
      %parallel_loop3A_344 = vector.shape_cast %parallel_loop3A_335 : vector<16xf32> to vector<1x1x16xf32>
      tpu.vector_store %arg6[%parallel_loop3A_339, %parallel_loop3A_340, %parallel_loop3A_341], %parallel_loop3A_344 {strides = array<i32>} : memref<4x128x128xf32, #tpu.memory_space<vmem>>, vector<1x1x16xf32>,
      %parallel_loop3A_345 = arith.constant 0 : i32
      %parallel_loop3A_346 = arith.addi %parallel_loop3A_244, %parallel_loop3A_345 : i32
      %parallel_loop3A_347 = arith.constant 3 : i32
      %parallel_loop3A_348 = arith.index_cast %parallel_loop3A_347 : i32 to index
      %parallel_loop3A_349 = arith.index_cast %parallel_loop3A_346 : i32 to index
      %parallel_loop3A_350 = arith.constant 80 : index
      %parallel_loop3A_351 = tpu.vector_load %arg6[%parallel_loop3A_348, %parallel_loop3A_349, %parallel_loop3A_350] {strides = array<i32>} : memref<4x128x128xf32, #tpu.memory_space<vmem>>, vector<1x1x16xf32>,
      %parallel_loop3A_352 = vector.shape_cast %parallel_loop3A_351 : vector<1x1x16xf32> to vector<16xf32>
      %parallel_loop3A_353 = arith.constant 11.3137083 : f32
      %parallel_loop3A_354 = vector.broadcast %parallel_loop3A_353 : f32 to vector<16xf32>
      %parallel_loop3A_355 = arith.mulf %parallel_loop3A_352, %parallel_loop3A_354 : vector<16xf32>
      %parallel_loop3A_356 = arith.constant 0 : i32
      %parallel_loop3A_357 = arith.addi %parallel_loop3A_244, %parallel_loop3A_356 : i32
      %parallel_loop3A_358 = arith.constant 3 : i32
      %parallel_loop3A_359 = arith.index_cast %parallel_loop3A_358 : i32 to index
      %parallel_loop3A_360 = arith.index_cast %parallel_loop3A_357 : i32 to index
      %parallel_loop3A_361 = arith.constant 80 : index
      %parallel_loop3A_362 = tpu.vector_load %arg6[%parallel_loop3A_359, %parallel_loop3A_360, %parallel_loop3A_361] {strides = array<i32>} : memref<4x128x128xf32, #tpu.memory_space<vmem>>, vector<1x1x16xf32>,
      %parallel_loop3A_363 = vector.shape_cast %parallel_loop3A_362 : vector<1x1x16xf32> to vector<16xf32>
      %parallel_loop3A_364 = vector.shape_cast %parallel_loop3A_355 : vector<16xf32> to vector<1x1x16xf32>
      tpu.vector_store %arg6[%parallel_loop3A_359, %parallel_loop3A_360, %parallel_loop3A_361], %parallel_loop3A_364 {strides = array<i32>} : memref<4x128x128xf32, #tpu.memory_space<vmem>>, vector<1x1x16xf32>,
      %parallel_loop3A_365 = arith.constant 0 : i32
      %parallel_loop3A_366 = arith.addi %parallel_loop3A_244, %parallel_loop3A_365 : i32
      %parallel_loop3A_367 = arith.constant 3 : i32
      %parallel_loop3A_368 = arith.index_cast %parallel_loop3A_367 : i32 to index
      %parallel_loop3A_369 = arith.index_cast %parallel_loop3A_366 : i32 to index
      %parallel_loop3A_370 = arith.constant 96 : index
      %parallel_loop3A_371 = tpu.vector_load %arg6[%parallel_loop3A_368, %parallel_loop3A_369, %parallel_loop3A_370] {strides = array<i32>} : memref<4x128x128xf32, #tpu.memory_space<vmem>>, vector<1x1x16xf32>,
      %parallel_loop3A_372 = vector.shape_cast %parallel_loop3A_371 : vector<1x1x16xf32> to vector<16xf32>
      %parallel_loop3A_373 = arith.constant 11.3137083 : f32
      %parallel_loop3A_374 = vector.broadcast %parallel_loop3A_373 : f32 to vector<16xf32>
      %parallel_loop3A_375 = arith.mulf %parallel_loop3A_372, %parallel_loop3A_374 : vector<16xf32>
      %parallel_loop3A_376 = arith.constant 0 : i32
      %parallel_loop3A_377 = arith.addi %parallel_loop3A_244, %parallel_loop3A_376 : i32
      %parallel_loop3A_378 = arith.constant 3 : i32
      %parallel_loop3A_379 = arith.index_cast %parallel_loop3A_378 : i32 to index
      %parallel_loop3A_380 = arith.index_cast %parallel_loop3A_377 : i32 to index
      %parallel_loop3A_381 = arith.constant 96 : index
      %parallel_loop3A_382 = tpu.vector_load %arg6[%parallel_loop3A_379, %parallel_loop3A_380, %parallel_loop3A_381] {strides = array<i32>} : memref<4x128x128xf32, #tpu.memory_space<vmem>>, vector<1x1x16xf32>,
      %parallel_loop3A_383 = vector.shape_cast %parallel_loop3A_382 : vector<1x1x16xf32> to vector<16xf32>
      %parallel_loop3A_384 = vector.shape_cast %parallel_loop3A_375 : vector<16xf32> to vector<1x1x16xf32>
      tpu.vector_store %arg6[%parallel_loop3A_379, %parallel_loop3A_380, %parallel_loop3A_381], %parallel_loop3A_384 {strides = array<i32>} : memref<4x128x128xf32, #tpu.memory_space<vmem>>, vector<1x1x16xf32>,
      %parallel_loop3A_385 = arith.constant 0 : i32
      %parallel_loop3A_386 = arith.addi %parallel_loop3A_244, %parallel_loop3A_385 : i32
      %parallel_loop3A_387 = arith.constant 3 : i32
      %parallel_loop3A_388 = arith.index_cast %parallel_loop3A_387 : i32 to index
      %parallel_loop3A_389 = arith.index_cast %parallel_loop3A_386 : i32 to index
      %parallel_loop3A_390 = arith.constant 112 : index
      %parallel_loop3A_391 = tpu.vector_load %arg6[%parallel_loop3A_388, %parallel_loop3A_389, %parallel_loop3A_390] {strides = array<i32>} : memref<4x128x128xf32, #tpu.memory_space<vmem>>, vector<1x1x16xf32>,
      %parallel_loop3A_392 = vector.shape_cast %parallel_loop3A_391 : vector<1x1x16xf32> to vector<16xf32>
      %parallel_loop3A_393 = arith.constant 11.3137083 : f32
      %parallel_loop3A_394 = vector.broadcast %parallel_loop3A_393 : f32 to vector<16xf32>
      %parallel_loop3A_395 = arith.mulf %parallel_loop3A_392, %parallel_loop3A_394 : vector<16xf32>
      %parallel_loop3A_396 = arith.constant 0 : i32
      %parallel_loop3A_397 = arith.addi %parallel_loop3A_244, %parallel_loop3A_396 : i32
      %parallel_loop3A_398 = arith.constant 3 : i32
      %parallel_loop3A_399 = arith.index_cast %parallel_loop3A_398 : i32 to index
      %parallel_loop3A_400 = arith.index_cast %parallel_loop3A_397 : i32 to index
      %parallel_loop3A_401 = arith.constant 112 : index
      %parallel_loop3A_402 = tpu.vector_load %arg6[%parallel_loop3A_399, %parallel_loop3A_400, %parallel_loop3A_401] {strides = array<i32>} : memref<4x128x128xf32, #tpu.memory_space<vmem>>, vector<1x1x16xf32>,
      %parallel_loop3A_403 = vector.shape_cast %parallel_loop3A_402 : vector<1x1x16xf32> to vector<16xf32>
      %parallel_loop3A_404 = vector.shape_cast %parallel_loop3A_395 : vector<16xf32> to vector<1x1x16xf32>
      tpu.vector_store %arg6[%parallel_loop3A_399, %parallel_loop3A_400, %parallel_loop3A_401], %parallel_loop3A_404 {strides = array<i32>} : memref<4x128x128xf32, #tpu.memory_space<vmem>>, vector<1x1x16xf32>,
      %parallel_loop3A_405 = arith.constant 1 : i32
      %parallel_loop3A_406 = arith.addi %parallel_loop3A_244, %parallel_loop3A_405 : i32
      %parallel_loop3A_407 = arith.constant 3 : i32
      %parallel_loop3A_408 = arith.index_cast %parallel_loop3A_407 : i32 to index
      %parallel_loop3A_409 = arith.index_cast %parallel_loop3A_406 : i32 to index
      %parallel_loop3A_410 = arith.constant 0 : index
      %parallel_loop3A_411 = tpu.vector_load %arg6[%parallel_loop3A_408, %parallel_loop3A_409, %parallel_loop3A_410] {strides = array<i32>} : memref<4x128x128xf32, #tpu.memory_space<vmem>>, vector<1x1x16xf32>,
      %parallel_loop3A_412 = vector.shape_cast %parallel_loop3A_411 : vector<1x1x16xf32> to vector<16xf32>
      %parallel_loop3A_413 = arith.constant 11.3137083 : f32
      %parallel_loop3A_414 = vector.broadcast %parallel_loop3A_413 : f32 to vector<16xf32>
      %parallel_loop3A_415 = arith.mulf %parallel_loop3A_412, %parallel_loop3A_414 : vector<16xf32>
      %parallel_loop3A_416 = arith.constant 1 : i32
      %parallel_loop3A_417 = arith.addi %parallel_loop3A_244, %parallel_loop3A_416 : i32
      %parallel_loop3A_418 = arith.constant 3 : i32
      %parallel_loop3A_419 = arith.index_cast %parallel_loop3A_418 : i32 to index
      %parallel_loop3A_420 = arith.index_cast %parallel_loop3A_417 : i32 to index
      %parallel_loop3A_421 = arith.constant 0 : index
      %parallel_loop3A_422 = tpu.vector_load %arg6[%parallel_loop3A_419, %parallel_loop3A_420, %parallel_loop3A_421] {strides = array<i32>} : memref<4x128x128xf32, #tpu.memory_space<vmem>>, vector<1x1x16xf32>,
      %parallel_loop3A_423 = vector.shape_cast %parallel_loop3A_422 : vector<1x1x16xf32> to vector<16xf32>
      %parallel_loop3A_424 = vector.shape_cast %parallel_loop3A_415 : vector<16xf32> to vector<1x1x16xf32>
      tpu.vector_store %arg6[%parallel_loop3A_419, %parallel_loop3A_420, %parallel_loop3A_421], %parallel_loop3A_424 {strides = array<i32>} : memref<4x128x128xf32, #tpu.memory_space<vmem>>, vector<1x1x16xf32>,
      %parallel_loop3A_425 = arith.constant 1 : i32
      %parallel_loop3A_426 = arith.addi %parallel_loop3A_244, %parallel_loop3A_425 : i32
      %parallel_loop3A_427 = arith.constant 3 : i32
      %parallel_loop3A_428 = arith.index_cast %parallel_loop3A_427 : i32 to index
      %parallel_loop3A_429 = arith.index_cast %parallel_loop3A_426 : i32 to index
      %parallel_loop3A_430 = arith.constant 16 : index
      %parallel_loop3A_431 = tpu.vector_load %arg6[%parallel_loop3A_428, %parallel_loop3A_429, %parallel_loop3A_430] {strides = array<i32>} : memref<4x128x128xf32, #tpu.memory_space<vmem>>, vector<1x1x16xf32>,
      %parallel_loop3A_432 = vector.shape_cast %parallel_loop3A_431 : vector<1x1x16xf32> to vector<16xf32>
      %parallel_loop3A_433 = arith.constant 11.3137083 : f32
      %parallel_loop3A_434 = vector.broadcast %parallel_loop3A_433 : f32 to vector<16xf32>
      %parallel_loop3A_435 = arith.mulf %parallel_loop3A_432, %parallel_loop3A_434 : vector<16xf32>
      %parallel_loop3A_436 = arith.constant 1 : i32
      %parallel_loop3A_437 = arith.addi %parallel_loop3A_244, %parallel_loop3A_436 : i32
      %parallel_loop3A_438 = arith.constant 3 : i32
      %parallel_loop3A_439 = arith.index_cast %parallel_loop3A_438 : i32 to index
      %parallel_loop3A_440 = arith.index_cast %parallel_loop3A_437 : i32 to index
      %parallel_loop3A_441 = arith.constant 16 : index
      %parallel_loop3A_442 = tpu.vector_load %arg6[%parallel_loop3A_439, %parallel_loop3A_440, %parallel_loop3A_441] {strides = array<i32>} : memref<4x128x128xf32, #tpu.memory_space<vmem>>, vector<1x1x16xf32>,
      %parallel_loop3A_443 = vector.shape_cast %parallel_loop3A_442 : vector<1x1x16xf32> to vector<16xf32>
      %parallel_loop3A_444 = vector.shape_cast %parallel_loop3A_435 : vector<16xf32> to vector<1x1x16xf32>
      tpu.vector_store %arg6[%parallel_loop3A_439, %parallel_loop3A_440, %parallel_loop3A_441], %parallel_loop3A_444 {strides = array<i32>} : memref<4x128x128xf32, #tpu.memory_space<vmem>>, vector<1x1x16xf32>,
      %parallel_loop3A_445 = arith.constant 1 : i32
      %parallel_loop3A_446 = arith.addi %parallel_loop3A_244, %parallel_loop3A_445 : i32
      %parallel_loop3A_447 = arith.constant 3 : i32
      %parallel_loop3A_448 = arith.index_cast %parallel_loop3A_447 : i32 to index
      %parallel_loop3A_449 = arith.index_cast %parallel_loop3A_446 : i32 to index
      %parallel_loop3A_450 = arith.constant 32 : index
      %parallel_loop3A_451 = tpu.vector_load %arg6[%parallel_loop3A_448, %parallel_loop3A_449, %parallel_loop3A_450] {strides = array<i32>} : memref<4x128x128xf32, #tpu.memory_space<vmem>>, vector<1x1x16xf32>,
      %parallel_loop3A_452 = vector.shape_cast %parallel_loop3A_451 : vector<1x1x16xf32> to vector<16xf32>
      %parallel_loop3A_453 = arith.constant 11.3137083 : f32
      %parallel_loop3A_454 = vector.broadcast %parallel_loop3A_453 : f32 to vector<16xf32>
      %parallel_loop3A_455 = arith.mulf %parallel_loop3A_452, %parallel_loop3A_454 : vector<16xf32>
      %parallel_loop3A_456 = arith.constant 1 : i32
      %parallel_loop3A_457 = arith.addi %parallel_loop3A_244, %parallel_loop3A_456 : i32
      %parallel_loop3A_458 = arith.constant 3 : i32
      %parallel_loop3A_459 = arith.index_cast %parallel_loop3A_458 : i32 to index
      %parallel_loop3A_460 = arith.index_cast %parallel_loop3A_457 : i32 to index
      %parallel_loop3A_461 = arith.constant 32 : index
      %parallel_loop3A_462 = tpu.vector_load %arg6[%parallel_loop3A_459, %parallel_loop3A_460, %parallel_loop3A_461] {strides = array<i32>} : memref<4x128x128xf32, #tpu.memory_space<vmem>>, vector<1x1x16xf32>,
      %parallel_loop3A_463 = vector.shape_cast %parallel_loop3A_462 : vector<1x1x16xf32> to vector<16xf32>
      %parallel_loop3A_464 = vector.shape_cast %parallel_loop3A_455 : vector<16xf32> to vector<1x1x16xf32>
      tpu.vector_store %arg6[%parallel_loop3A_459, %parallel_loop3A_460, %parallel_loop3A_461], %parallel_loop3A_464 {strides = array<i32>} : memref<4x128x128xf32, #tpu.memory_space<vmem>>, vector<1x1x16xf32>,
      %parallel_loop3A_465 = arith.constant 1 : i32
      %parallel_loop3A_466 = arith.addi %parallel_loop3A_244, %parallel_loop3A_465 : i32
      %parallel_loop3A_467 = arith.constant 3 : i32
      %parallel_loop3A_468 = arith.index_cast %parallel_loop3A_467 : i32 to index
      %parallel_loop3A_469 = arith.index_cast %parallel_loop3A_466 : i32 to index
      %parallel_loop3A_470 = arith.constant 48 : index
      %parallel_loop3A_471 = tpu.vector_load %arg6[%parallel_loop3A_468, %parallel_loop3A_469, %parallel_loop3A_470] {strides = array<i32>} : memref<4x128x128xf32, #tpu.memory_space<vmem>>, vector<1x1x16xf32>,
      %parallel_loop3A_472 = vector.shape_cast %parallel_loop3A_471 : vector<1x1x16xf32> to vector<16xf32>
      %parallel_loop3A_473 = arith.constant 11.3137083 : f32
      %parallel_loop3A_474 = vector.broadcast %parallel_loop3A_473 : f32 to vector<16xf32>
      %parallel_loop3A_475 = arith.mulf %parallel_loop3A_472, %parallel_loop3A_474 : vector<16xf32>
      %parallel_loop3A_476 = arith.constant 1 : i32
      %parallel_loop3A_477 = arith.addi %parallel_loop3A_244, %parallel_loop3A_476 : i32
      %parallel_loop3A_478 = arith.constant 3 : i32
      %parallel_loop3A_479 = arith.index_cast %parallel_loop3A_478 : i32 to index
      %parallel_loop3A_480 = arith.index_cast %parallel_loop3A_477 : i32 to index
      %parallel_loop3A_481 = arith.constant 48 : index
      %parallel_loop3A_482 = tpu.vector_load %arg6[%parallel_loop3A_479, %parallel_loop3A_480, %parallel_loop3A_481] {strides = array<i32>} : memref<4x128x128xf32, #tpu.memory_space<vmem>>, vector<1x1x16xf32>,
      %parallel_loop3A_483 = vector.shape_cast %parallel_loop3A_482 : vector<1x1x16xf32> to vector<16xf32>
      %parallel_loop3A_484 = vector.shape_cast %parallel_loop3A_475 : vector<16xf32> to vector<1x1x16xf32>
      tpu.vector_store %arg6[%parallel_loop3A_479, %parallel_loop3A_480, %parallel_loop3A_481], %parallel_loop3A_484 {strides = array<i32>} : memref<4x128x128xf32, #tpu.memory_space<vmem>>, vector<1x1x16xf32>,
      %parallel_loop3A_485 = arith.constant 1 : i32
      %parallel_loop3A_486 = arith.addi %parallel_loop3A_244, %parallel_loop3A_485 : i32
      %parallel_loop3A_487 = arith.constant 3 : i32
      %parallel_loop3A_488 = arith.index_cast %parallel_loop3A_487 : i32 to index
      %parallel_loop3A_489 = arith.index_cast %parallel_loop3A_486 : i32 to index
      %parallel_loop3A_490 = arith.constant 64 : index
      %parallel_loop3A_491 = tpu.vector_load %arg6[%parallel_loop3A_488, %parallel_loop3A_489, %parallel_loop3A_490] {strides = array<i32>} : memref<4x128x128xf32, #tpu.memory_space<vmem>>, vector<1x1x16xf32>,
      %parallel_loop3A_492 = vector.shape_cast %parallel_loop3A_491 : vector<1x1x16xf32> to vector<16xf32>
      %parallel_loop3A_493 = arith.constant 11.3137083 : f32
      %parallel_loop3A_494 = vector.broadcast %parallel_loop3A_493 : f32 to vector<16xf32>
      %parallel_loop3A_495 = arith.mulf %parallel_loop3A_492, %parallel_loop3A_494 : vector<16xf32>
      %parallel_loop3A_496 = arith.constant 1 : i32
      %parallel_loop3A_497 = arith.addi %parallel_loop3A_244, %parallel_loop3A_496 : i32
      %parallel_loop3A_498 = arith.constant 3 : i32
      %parallel_loop3A_499 = arith.index_cast %parallel_loop3A_498 : i32 to index
      %parallel_loop3A_500 = arith.index_cast %parallel_loop3A_497 : i32 to index
      %parallel_loop3A_501 = arith.constant 64 : index
      %parallel_loop3A_502 = tpu.vector_load %arg6[%parallel_loop3A_499, %parallel_loop3A_500, %parallel_loop3A_501] {strides = array<i32>} : memref<4x128x128xf32, #tpu.memory_space<vmem>>, vector<1x1x16xf32>,
      %parallel_loop3A_503 = vector.shape_cast %parallel_loop3A_502 : vector<1x1x16xf32> to vector<16xf32>
      %parallel_loop3A_504 = vector.shape_cast %parallel_loop3A_495 : vector<16xf32> to vector<1x1x16xf32>
      tpu.vector_store %arg6[%parallel_loop3A_499, %parallel_loop3A_500, %parallel_loop3A_501], %parallel_loop3A_504 {strides = array<i32>} : memref<4x128x128xf32, #tpu.memory_space<vmem>>, vector<1x1x16xf32>,
      %parallel_loop3A_505 = arith.constant 1 : i32
      %parallel_loop3A_506 = arith.addi %parallel_loop3A_244, %parallel_loop3A_505 : i32
      %parallel_loop3A_507 = arith.constant 3 : i32
      %parallel_loop3A_508 = arith.index_cast %parallel_loop3A_507 : i32 to index
      %parallel_loop3A_509 = arith.index_cast %parallel_loop3A_506 : i32 to index
      %parallel_loop3A_510 = arith.constant 80 : index
      %parallel_loop3A_511 = tpu.vector_load %arg6[%parallel_loop3A_508, %parallel_loop3A_509, %parallel_loop3A_510] {strides = array<i32>} : memref<4x128x128xf32, #tpu.memory_space<vmem>>, vector<1x1x16xf32>,
      %parallel_loop3A_512 = vector.shape_cast %parallel_loop3A_511 : vector<1x1x16xf32> to vector<16xf32>
      %parallel_loop3A_513 = arith.constant 11.3137083 : f32
      %parallel_loop3A_514 = vector.broadcast %parallel_loop3A_513 : f32 to vector<16xf32>
      %parallel_loop3A_515 = arith.mulf %parallel_loop3A_512, %parallel_loop3A_514 : vector<16xf32>
      %parallel_loop3A_516 = arith.constant 1 : i32
      %parallel_loop3A_517 = arith.addi %parallel_loop3A_244, %parallel_loop3A_516 : i32
      %parallel_loop3A_518 = arith.constant 3 : i32
      %parallel_loop3A_519 = arith.index_cast %parallel_loop3A_518 : i32 to index
      %parallel_loop3A_520 = arith.index_cast %parallel_loop3A_517 : i32 to index
      %parallel_loop3A_521 = arith.constant 80 : index
      %parallel_loop3A_522 = tpu.vector_load %arg6[%parallel_loop3A_519, %parallel_loop3A_520, %parallel_loop3A_521] {strides = array<i32>} : memref<4x128x128xf32, #tpu.memory_space<vmem>>, vector<1x1x16xf32>,
      %parallel_loop3A_523 = vector.shape_cast %parallel_loop3A_522 : vector<1x1x16xf32> to vector<16xf32>
      %parallel_loop3A_524 = vector.shape_cast %parallel_loop3A_515 : vector<16xf32> to vector<1x1x16xf32>
      tpu.vector_store %arg6[%parallel_loop3A_519, %parallel_loop3A_520, %parallel_loop3A_521], %parallel_loop3A_524 {strides = array<i32>} : memref<4x128x128xf32, #tpu.memory_space<vmem>>, vector<1x1x16xf32>,
      %parallel_loop3A_525 = arith.constant 1 : i32
      %parallel_loop3A_526 = arith.addi %parallel_loop3A_244, %parallel_loop3A_525 : i32
      %parallel_loop3A_527 = arith.constant 3 : i32
      %parallel_loop3A_528 = arith.index_cast %parallel_loop3A_527 : i32 to index
      %parallel_loop3A_529 = arith.index_cast %parallel_loop3A_526 : i32 to index
      %parallel_loop3A_530 = arith.constant 96 : index
      %parallel_loop3A_531 = tpu.vector_load %arg6[%parallel_loop3A_528, %parallel_loop3A_529, %parallel_loop3A_530] {strides = array<i32>} : memref<4x128x128xf32, #tpu.memory_space<vmem>>, vector<1x1x16xf32>,
      %parallel_loop3A_532 = vector.shape_cast %parallel_loop3A_531 : vector<1x1x16xf32> to vector<16xf32>
      %parallel_loop3A_533 = arith.constant 11.3137083 : f32
      %parallel_loop3A_534 = vector.broadcast %parallel_loop3A_533 : f32 to vector<16xf32>
      %parallel_loop3A_535 = arith.mulf %parallel_loop3A_532, %parallel_loop3A_534 : vector<16xf32>
      %parallel_loop3A_536 = arith.constant 1 : i32
      %parallel_loop3A_537 = arith.addi %parallel_loop3A_244, %parallel_loop3A_536 : i32
      %parallel_loop3A_538 = arith.constant 3 : i32
      %parallel_loop3A_539 = arith.index_cast %parallel_loop3A_538 : i32 to index
      %parallel_loop3A_540 = arith.index_cast %parallel_loop3A_537 : i32 to index
      %parallel_loop3A_541 = arith.constant 96 : index
      %parallel_loop3A_542 = tpu.vector_load %arg6[%parallel_loop3A_539, %parallel_loop3A_540, %parallel_loop3A_541] {strides = array<i32>} : memref<4x128x128xf32, #tpu.memory_space<vmem>>, vector<1x1x16xf32>,
      %parallel_loop3A_543 = vector.shape_cast %parallel_loop3A_542 : vector<1x1x16xf32> to vector<16xf32>
      %parallel_loop3A_544 = vector.shape_cast %parallel_loop3A_535 : vector<16xf32> to vector<1x1x16xf32>
      tpu.vector_store %arg6[%parallel_loop3A_539, %parallel_loop3A_540, %parallel_loop3A_541], %parallel_loop3A_544 {strides = array<i32>} : memref<4x128x128xf32, #tpu.memory_space<vmem>>, vector<1x1x16xf32>,
      %parallel_loop3A_545 = arith.constant 1 : i32
      %parallel_loop3A_546 = arith.addi %parallel_loop3A_244, %parallel_loop3A_545 : i32
      %parallel_loop3A_547 = arith.constant 3 : i32
      %parallel_loop3A_548 = arith.index_cast %parallel_loop3A_547 : i32 to index
      %parallel_loop3A_549 = arith.index_cast %parallel_loop3A_546 : i32 to index
      %parallel_loop3A_550 = arith.constant 112 : index
      %parallel_loop3A_551 = tpu.vector_load %arg6[%parallel_loop3A_548, %parallel_loop3A_549, %parallel_loop3A_550] {strides = array<i32>} : memref<4x128x128xf32, #tpu.memory_space<vmem>>, vector<1x1x16xf32>,
      %parallel_loop3A_552 = vector.shape_cast %parallel_loop3A_551 : vector<1x1x16xf32> to vector<16xf32>
      %parallel_loop3A_553 = arith.constant 11.3137083 : f32
      %parallel_loop3A_554 = vector.broadcast %parallel_loop3A_553 : f32 to vector<16xf32>
      %parallel_loop3A_555 = arith.mulf %parallel_loop3A_552, %parallel_loop3A_554 : vector<16xf32>
      %parallel_loop3A_556 = arith.constant 1 : i32
      %parallel_loop3A_557 = arith.addi %parallel_loop3A_244, %parallel_loop3A_556 : i32
      %parallel_loop3A_558 = arith.constant 3 : i32
      %parallel_loop3A_559 = arith.index_cast %parallel_loop3A_558 : i32 to index
      %parallel_loop3A_560 = arith.index_cast %parallel_loop3A_557 : i32 to index
      %parallel_loop3A_561 = arith.constant 112 : index
      %parallel_loop3A_562 = tpu.vector_load %arg6[%parallel_loop3A_559, %parallel_loop3A_560, %parallel_loop3A_561] {strides = array<i32>} : memref<4x128x128xf32, #tpu.memory_space<vmem>>, vector<1x1x16xf32>,
      %parallel_loop3A_563 = vector.shape_cast %parallel_loop3A_562 : vector<1x1x16xf32> to vector<16xf32>
      %parallel_loop3A_564 = vector.shape_cast %parallel_loop3A_555 : vector<16xf32> to vector<1x1x16xf32>
      tpu.vector_store %arg6[%parallel_loop3A_559, %parallel_loop3A_560, %parallel_loop3A_561], %parallel_loop3A_564 {strides = array<i32>} : memref<4x128x128xf32, #tpu.memory_space<vmem>>, vector<1x1x16xf32>,
    } {sc.loop_unroll_factor = 1 : i64, sc.parallel_access}
    %add3A_168 = arith.constant 25472 : i32
    %add3A_169 = arith.addi %mul3A_2, %add3A_168 : i32
    %multiple_of3A_170 = tpu.assume_multiple %add3A_169, 128 : i32
    %dma_start3A_171 = arith.constant 3 : i32
    %dma_start3A_172 = arith.constant 0 : i32
    %dma_start3A_173 = arith.constant 0 : i32
    %dma_start3A_174 = tpu.memref_slice %arg6[%dma_start3A_171, %dma_start3A_172, %dma_start3A_173] : memref<4x128x128xf32, #tpu.memory_space<vmem>> -> memref<1x128x128xf32, #tpu.memory_space<vmem>>
    %dma_start3A_175 = tpu.memref_squeeze %dma_start3A_174 : memref<1x128x128xf32, #tpu.memory_space<vmem>> -> memref<128x128xf32, #tpu.memory_space<vmem>>
    %dma_start3A_176 = arith.constant 0 : i32
    %dma_start3A_177 = tpu.memref_slice %arg4[%multiple_of3A_170, %dma_start3A_176] : memref<819200x128xf32, #tpu.memory_space<hbm>> -> memref<128x128xf32, #tpu.memory_space<hbm>>
    %dma_start3A_178 = arith.constant 0 : i32
    %dma_start3A_179 = tpu.memref_slice %arg4[%multiple_of3A_170, %dma_start3A_178] : memref<819200x128xf32, #tpu.memory_space<hbm>> -> memref<128x128xf32, #tpu.memory_space<hbm>>
    %dma_start3A_180 = arith.constant 0 : i32
    %dma_start3A_181 = arith.constant 0 : i32
    %dma_start3A_182 = tpu.memref_slice %arg6[%dma_start3A_171, %dma_start3A_180, %dma_start3A_181] : memref<4x128x128xf32, #tpu.memory_space<vmem>> -> memref<1x128x128xf32, #tpu.memory_space<vmem>>
    %dma_start3A_183 = tpu.memref_squeeze %dma_start3A_182 : memref<1x128x128xf32, #tpu.memory_space<vmem>> -> memref<128x128xf32, #tpu.memory_space<vmem>>
    tpu.enqueue_dma source(%dma_start3A_183 : memref<128x128xf32, #tpu.memory_space<vmem>>) target(%dma_start3A_179 : memref<128x128xf32, #tpu.memory_space<hbm>>) target_semaphore(%arg14 : memref<!tpu.dma_semaphore, #tpu.memory_space<semaphore_mem>>)
    %dma_wait3A_184 = arith.constant 0 : i32
    %dma_wait3A_185 = arith.constant 0 : i32
    %dma_wait3A_186 = arith.constant 0 : i32
    %dma_wait3A_187 = tpu.memref_slice %arg6[%dma_wait3A_184, %dma_wait3A_185, %dma_wait3A_186] : memref<4x128x128xf32, #tpu.memory_space<vmem>> -> memref<1x128x128xf32, #tpu.memory_space<vmem>>
    %dma_wait3A_188 = tpu.memref_squeeze %dma_wait3A_187 : memref<1x128x128xf32, #tpu.memory_space<vmem>> -> memref<128x128xf32, #tpu.memory_space<vmem>>
    %dma_wait3A_189 = arith.constant 0 : i32
    %dma_wait3A_190 = arith.constant 0 : i32
    %dma_wait3A_191 = tpu.memref_slice %arg4[%dma_wait3A_189, %dma_wait3A_190] : memref<819200x128xf32, #tpu.memory_space<hbm>> -> memref<128x128xf32, #tpu.memory_space<hbm>>
    %dma_wait3A_192 = arith.constant 0 : i32
    %dma_wait3A_193 = arith.constant 0 : i32
    %dma_wait3A_194 = tpu.memref_slice %arg4[%dma_wait3A_192, %dma_wait3A_193] : memref<819200x128xf32, #tpu.memory_space<hbm>> -> memref<128x128xf32, #tpu.memory_space<hbm>>
    %dma_wait3A_195 = arith.constant 0 : i32
    %dma_wait3A_196 = arith.constant 0 : i32
    %dma_wait3A_197 = tpu.memref_slice %arg6[%dma_wait3A_184, %dma_wait3A_195, %dma_wait3A_196] : memref<4x128x128xf32, #tpu.memory_space<vmem>> -> memref<1x128x128xf32, #tpu.memory_space<vmem>>
    %dma_wait3A_198 = tpu.memref_squeeze %dma_wait3A_197 : memref<1x128x128xf32, #tpu.memory_space<vmem>> -> memref<128x128xf32, #tpu.memory_space<vmem>>
    tpu.wait_dma2 semaphore(%arg11 : memref<!tpu.dma_semaphore, #tpu.memory_space<semaphore_mem>>) src(%dma_wait3A_198 : memref<128x128xf32, #tpu.memory_space<vmem>>) dst(%dma_wait3A_194 : memref<128x128xf32, #tpu.memory_space<hbm>>)
    %dma_wait3A_199 = arith.constant 1 : i32
    %dma_wait3A_200 = arith.constant 0 : i32
    %dma_wait3A_201 = arith.constant 0 : i32
    %dma_wait3A_202 = tpu.memref_slice %arg6[%dma_wait3A_199, %dma_wait3A_200, %dma_wait3A_201] : memref<4x128x128xf32, #tpu.memory_space<vmem>> -> memref<1x128x128xf32, #tpu.memory_space<vmem>>
    %dma_wait3A_203 = tpu.memref_squeeze %dma_wait3A_202 : memref<1x128x128xf32, #tpu.memory_space<vmem>> -> memref<128x128xf32, #tpu.memory_space<vmem>>
    %dma_wait3A_204 = arith.constant 0 : i32
    %dma_wait3A_205 = arith.constant 0 : i32
    %dma_wait3A_206 = tpu.memref_slice %arg4[%dma_wait3A_204, %dma_wait3A_205] : memref<819200x128xf32, #tpu.memory_space<hbm>> -> memref<128x128xf32, #tpu.memory_space<hbm>>
    %dma_wait3A_207 = arith.constant 0 : i32
    %dma_wait3A_208 = arith.constant 0 : i32
    %dma_wait3A_209 = tpu.memref_slice %arg4[%dma_wait3A_207, %dma_wait3A_208] : memref<819200x128xf32, #tpu.memory_space<hbm>> -> memref<128x128xf32, #tpu.memory_space<hbm>>
    %dma_wait3A_210 = arith.constant 0 : i32
    %dma_wait3A_211 = arith.constant 0 : i32
    %dma_wait3A_212 = tpu.memref_slice %arg6[%dma_wait3A_199, %dma_wait3A_210, %dma_wait3A_211] : memref<4x128x128xf32, #tpu.memory_space<vmem>> -> memref<1x128x128xf32, #tpu.memory_space<vmem>>
    %dma_wait3A_213 = tpu.memref_squeeze %dma_wait3A_212 : memref<1x128x128xf32, #tpu.memory_space<vmem>> -> memref<128x128xf32, #tpu.memory_space<vmem>>
    tpu.wait_dma2 semaphore(%arg12 : memref<!tpu.dma_semaphore, #tpu.memory_space<semaphore_mem>>) src(%dma_wait3A_213 : memref<128x128xf32, #tpu.memory_space<vmem>>) dst(%dma_wait3A_209 : memref<128x128xf32, #tpu.memory_space<hbm>>)
    %dma_wait3A_214 = arith.constant 2 : i32
    %dma_wait3A_215 = arith.constant 0 : i32
    %dma_wait3A_216 = arith.constant 0 : i32
    %dma_wait3A_217 = tpu.memref_slice %arg6[%dma_wait3A_214, %dma_wait3A_215, %dma_wait3A_216] : memref<4x128x128xf32, #tpu.memory_space<vmem>> -> memref<1x128x128xf32, #tpu.memory_space<vmem>>
    %dma_wait3A_218 = tpu.memref_squeeze %dma_wait3A_217 : memref<1x128x128xf32, #tpu.memory_space<vmem>> -> memref<128x128xf32, #tpu.memory_space<vmem>>
    %dma_wait3A_219 = arith.constant 0 : i32
    %dma_wait3A_220 = arith.constant 0 : i32
    %dma_wait3A_221 = tpu.memref_slice %arg4[%dma_wait3A_219, %dma_wait3A_220] : memref<819200x128xf32, #tpu.memory_space<hbm>> -> memref<128x128xf32, #tpu.memory_space<hbm>>
    %dma_wait3A_222 = arith.constant 0 : i32
    %dma_wait3A_223 = arith.constant 0 : i32
    %dma_wait3A_224 = tpu.memref_slice %arg4[%dma_wait3A_222, %dma_wait3A_223] : memref<819200x128xf32, #tpu.memory_space<hbm>> -> memref<128x128xf32, #tpu.memory_space<hbm>>
    %dma_wait3A_225 = arith.constant 0 : i32
    %dma_wait3A_226 = arith.constant 0 : i32
    %dma_wait3A_227 = tpu.memref_slice %arg6[%dma_wait3A_214, %dma_wait3A_225, %dma_wait3A_226] : memref<4x128x128xf32, #tpu.memory_space<vmem>> -> memref<1x128x128xf32, #tpu.memory_space<vmem>>
    %dma_wait3A_228 = tpu.memref_squeeze %dma_wait3A_227 : memref<1x128x128xf32, #tpu.memory_space<vmem>> -> memref<128x128xf32, #tpu.memory_space<vmem>>
    tpu.wait_dma2 semaphore(%arg13 : memref<!tpu.dma_semaphore, #tpu.memory_space<semaphore_mem>>) src(%dma_wait3A_228 : memref<128x128xf32, #tpu.memory_space<vmem>>) dst(%dma_wait3A_224 : memref<128x128xf32, #tpu.memory_space<hbm>>)
    %dma_wait3A_229 = arith.constant 3 : i32
    %dma_wait3A_230 = arith.constant 0 : i32
    %dma_wait3A_231 = arith.constant 0 : i32
    %dma_wait3A_232 = tpu.memref_slice %arg6[%dma_wait3A_229, %dma_wait3A_230, %dma_wait3A_231] : memref<4x128x128xf32, #tpu.memory_space<vmem>> -> memref<1x128x128xf32, #tpu.memory_space<vmem>>
    %dma_wait3A_233 = tpu.memref_squeeze %dma_wait3A_232 : memref<1x128x128xf32, #tpu.memory_space<vmem>> -> memref<128x128xf32, #tpu.memory_space<vmem>>
    %dma_wait3A_234 = arith.constant 0 : i32
    %dma_wait3A_235 = arith.constant 0 : i32
    %dma_wait3A_236 = tpu.memref_slice %arg4[%dma_wait3A_234, %dma_wait3A_235] : memref<819200x128xf32, #tpu.memory_space<hbm>> -> memref<128x128xf32, #tpu.memory_space<hbm>>
    %dma_wait3A_237 = arith.constant 0 : i32
    %dma_wait3A_238 = arith.constant 0 : i32
    %dma_wait3A_239 = tpu.memref_slice %arg4[%dma_wait3A_237, %dma_wait3A_238] : memref<819200x128xf32, #tpu.memory_space<hbm>> -> memref<128x128xf32, #tpu.memory_space<hbm>>
    %dma_wait3A_240 = arith.constant 0 : i32
    %dma_wait3A_241 = arith.constant 0 : i32
    %dma_wait3A_242 = tpu.memref_slice %arg6[%dma_wait3A_229, %dma_wait3A_240, %dma_wait3A_241] : memref<4x128x128xf32, #tpu.memory_space<vmem>> -> memref<1x128x128xf32, #tpu.memory_space<vmem>>
    %dma_wait3A_243 = tpu.memref_squeeze %dma_wait3A_242 : memref<1x128x128xf32, #tpu.memory_space<vmem>> -> memref<128x128xf32, #tpu.memory_space<vmem>>
    tpu.wait_dma2 semaphore(%arg14 : memref<!tpu.dma_semaphore, #tpu.memory_space<semaphore_mem>>) src(%dma_wait3A_243 : memref<128x128xf32, #tpu.memory_space<vmem>>) dst(%dma_wait3A_239 : memref<128x128xf32, #tpu.memory_space<hbm>>)
    return
  }
}

</mosaic_0001>

<sc_bundles>
// kernel: kernel.3.cloned.1.call-start
scs
__scs_entry_jumppad:
0x0: {  	(pc) =	sbr.rel $0x88, $3  }
0x1: {  	(tag) =	ssettag $0x0;
	lr =	simm.s32 $0x1  }
0x2: {  	[smem:$0x3F9F] =	sst lr;
	_ =	strace $0xD0000000  }
0x3: {  	_ = 	snop  }
0x4: {  	_ = 	snop  }
0x5: {  	_ = 	snop  }
0x6: {  	_ = 	snop  }
0x7: {  	_ = 	snop  }
__scs_overlays_trampoline_lowered:
0x8: {  	[smem:$0x3FAE] =	sst s0  }
0x9: {  	[smem:$0x3FAF] =	sst s1  }
0xa: {  	[smem:$0x3FB0] =	sst s2  }
0xb: {  	[smem:$0x3FB1] =	sst s3  }
0xc: {  	[smem:$0x3FB2] =	sst s4  }
0xd: {  	[smem:$0x3FB3] =	sst s5  }
0xe: {  	[smem:$0x3FB4] =	sst s6  }
0xf: {  	[smem:$0x3FB5] =	sst s7  }
0x10: {  	[smem:$0x3FB6] =	sst s8  }
0x11: {  	[smem:$0x3FB7] =	sst s9;
	s0 =	simm.s32 @!p0 $0x0  }
0x12: {  	s1 =	sld [smem:$0x3F9D];
	s0 =	simm.s32 @p0 $0x1  }
0x13: {  	[smem:$0x3FB8] =	sst s0;
	s0 =	simm.s32 @!p1 $0x0  }
0x14: {  	s2 =	sld [smem:$0x3F9C];
	s0 =	simm.s32 @p1 $0x1  }
0x15: {  	[smem:$0x3FB9] =	sst s0;
	s0 =	simm.s32 @!p2 $0x0  }
0x16: {  	s3 =	sld [smem:$0x3FDB];
	s0 =	simm.s32 @p2 $0x1  }
0x17: {  	s4 =	simm.s32 $0x1BF5;
	[smem:$0x3FBB] =	sst s0  }
0x18: {  	s0 =	sld [smem:$0x3F9E];
	_ =	swait.ge [sflag:s4], $0x0  }
0x19: {  	s7 =	sld [smem:$0x3F9F]  }
0x1a: {  	s8 =	sadd.s32 $0xFFFFE003, lr  }
0x1b: {  	s9 =	sadd.s32 $0xFFFFFEF7, lr;
	s5 =	simm.s32 $0xFFFFFFFF;
	p2 =	slt.u32 s8, $0xFFFFF086  }
0x1c: {  	p1 =	slt.u32 s9, $0xF7A;
	s5 =	simm.s32 @!p2 $0x0  }
0x1d: {  	s5 =	simm.s32 @p1 $0x1;
	p0 =	seq.s32 s7, s2  }
0x1e: {  	s7 =	smul.u32 @!p0 $0xF7A, s2;
	p2 =	seq.s32 @!p0 s5, $0x0  }
0x1f: {  	s9 =	smul.u32 $0xF7A, s1;
	s8 =	simm.s32 @!p0 $0x1BF5;
	p2 =	por !p2, p0  }
0x20: {  	[sflag:s8] =	ssyncset.s32 @!p0 $0xFFFFF086;
	s6 =	sadd.s32 @!p0 s3, s7;
	s7 =	simm.s32 @!p0 $0x108  }
0x21: {  	s3 =	sadd.s32 s3, s9;
	s6 =	sadd.s32 @!p0 $0x88, s6;
	s7 =	simm.s32 @p2 $0x1082  }
0x22: {  	[simem:s7], [sflag:s8] =	dma.local @!p0 [hbm:s6], $0xF7A  }
0x23: {  	s9 =	sor.u32 $0xD0000000, s2;
	s6 =	simm.s32 $0x108;
	_ =	swait.ge @!p0 [sflag:s8], $0x0  }
0x24: {  	s3 =	sadd.s32 $0x88, s3;
	s6 =	simm.s32 @!p1 $0x1082;
	[sflag:s4] =	ssyncset.s32 $0xFFFFF086  }
0x25: {  	[simem:s6], [sflag:s4] =	dma.local [hbm:s3], $0xF7A  }
0x26: {  	[smem:$0x3F9F] =	sst s1;
	(tag) =	ssettag s2;
	_ =	strace s9  }
0x27: {  	s1 =	sld [smem:$0x3FAF]  }
0x28: {  	s2 =	sld [smem:$0x3FB0]  }
0x29: {  	s4 =	sld [smem:$0x3FB2]  }
0x2a: {  	p0 =	seq.s32 s5, $0x0;
	s5 =	sld [smem:$0x3FB3]  }
0x2b: {  	s6 =	sld [smem:$0x3FB4]  }
0x2c: {  	s7 =	sld [smem:$0x3FB5]  }
0x2d: {  	s3 =	simm.s32 $0x108;
	s8 =	sld [smem:$0x3FB6]  }
0x2e: {  	s3 =	simm.s32 @!p0 $0x1082;
	s9 =	sld [smem:$0x3FB7]  }
0x2f: {  	lr =	sadd.s32 s0, s3;
	s0 =	sld [smem:$0x3FAE]  }
0x30: {  	s3 =	sld [smem:$0x3FB1]  }
0x31: {  	[smem:$0x3FBA] =	sst s10  }
0x32: {  	s10 =	sld [smem:$0x3FB8];
	_ =	sdelay $0x3  }
0x33: {  	p0 =	seq.s32 s10, $0x1;
	s10 =	sld [smem:$0x3FBA];
	_ =	sdelay $0x3  }
0x34: {  	[smem:$0x3FBA] =	sst s10  }
0x35: {  	s10 =	sld [smem:$0x3FB9];
	_ =	sdelay $0x3  }
0x36: {  	p1 =	seq.s32 s10, $0x1;
	s10 =	sld [smem:$0x3FBA];
	_ =	sdelay $0x3  }
0x37: {  	[smem:$0x3FBA] =	sst s10  }
0x38: {  	s10 =	sld [smem:$0x3FBB]  }
0x39: {  	_ = 	snop;
	(pc) =	sbr.ind lr, $3  }
0x3a: {  	_ = 	snop  }
0x3b: {  	_ = 	snop  }
0x3c: {  	p2 =	seq.s32 s10, $0x1;
	s10 =	sld [smem:$0x3FBA]  }
0x3d: {  	_ =	shalt  }
0x3e: {  	_ =	shalt  }
0x3f: {  	_ =	shalt  }
0x40: {  	_ =	shalt  }
0x41: {  	_ =	shalt  }
0x42: {  	_ =	shalt  }
0x43: {  	_ =	shalt  }
0x44: {  	_ =	shalt  }
0x45: {  	_ =	shalt  }
0x46: {  	_ =	shalt  }
0x47: {  	_ =	shalt  }
0x48: {  	_ =	shalt  }
0x49: {  	_ =	shalt  }
0x4a: {  	_ =	shalt  }
0x4b: {  	_ =	shalt  }
0x4c: {  	_ =	shalt  }
0x4d: {  	_ =	shalt  }
0x4e: {  	_ =	shalt  }
0x4f: {  	_ =	shalt  }
0x50: {  	_ =	shalt  }
0x51: {  	_ =	shalt  }
0x52: {  	_ =	shalt  }
0x53: {  	_ =	shalt  }
0x54: {  	_ =	shalt  }
0x55: {  	_ =	shalt  }
0x56: {  	_ =	shalt  }
0x57: {  	_ =	shalt  }
0x58: {  	_ =	shalt  }
0x59: {  	_ =	shalt  }
0x5a: {  	_ =	shalt  }
0x5b: {  	_ =	shalt  }
0x5c: {  	_ =	shalt  }
0x5d: {  	_ =	shalt  }
0x5e: {  	_ =	shalt  }
0x5f: {  	_ =	shalt  }
0x60: {  	_ =	shalt  }
0x61: {  	_ =	shalt  }
0x62: {  	_ =	shalt  }
0x63: {  	_ =	shalt  }
0x64: {  	_ =	shalt  }
0x65: {  	_ =	shalt  }
0x66: {  	_ =	shalt  }
0x67: {  	_ =	shalt  }
0x68: {  	_ =	shalt  }
0x69: {  	_ =	shalt  }
0x6a: {  	_ =	shalt  }
0x6b: {  	_ =	shalt  }
0x6c: {  	_ =	shalt  }
0x6d: {  	_ =	shalt  }
0x6e: {  	_ =	shalt  }
0x6f: {  	_ =	shalt  }
0x70: {  	_ =	shalt  }
0x71: {  	_ =	shalt  }
0x72: {  	_ =	shalt  }
0x73: {  	_ =	shalt  }
0x74: {  	_ =	shalt  }
0x75: {  	_ =	shalt  }
0x76: {  	_ =	shalt  }
0x77: {  	_ =	shalt  }
0x78: {  	_ =	shalt  }
0x79: {  	_ =	shalt  }
0x7a: {  	_ =	shalt  }
0x7b: {  	_ =	shalt  }
0x7c: {  	_ =	shalt  }
0x7d: {  	_ =	shalt  }
0x7e: {  	_ =	shalt  }
0x7f: {  	_ =	shalt  }
0x80: {  	_ =	shalt  }
0x81: {  	_ =	shalt  }
0x82: {  	_ =	shalt  }
0x83: {  	_ =	shalt  }
0x84: {  	_ =	shalt  }
0x85: {  	_ =	shalt  }
0x86: {  	_ =	shalt  }
0x87: {  	_ =	shalt  }
.Lfunc_end0:
.L_simem_size_0:
called_computation_lowered:
.L_overlay_start_0:
0x88: {  	s2 =	sld [smem:$0x3FD9]  }
0x89: {  	s3 =	sld [smem:$0x3FFE];
	_ =	sdelay $0x1  }
0x8a: {  	s1 =	srdreg.scid  }
0x8b: {  	s0 =	sand.u32 $0x1, s1  }
0x8c: {  	s17 =	sshll.u32 s0, $0xA;
	s2 =	sadd.s32 s3, s2  }
0x8d: {  	s2 =	sadd.s32 s2, s17  }
0x8e: {  	[smem:$0x3FC6] =	sst s2  }
0x8f: {  	_ = 	snop  }
0x90: {  	s2 =	sld [smem:$0x3FC8]  }
0x91: {  	s18 =	sld [smem:$0x3FD0];
	(tm) =	ssettm $0x1  }
0x92: {  	s4 =	sld [smem:$0x3FFB];
	_ =	sdelay $0x3  }
0x93: {  	_ =	strace s4  }
0x94: {  	s4 =	sld [smem:$0x3FFC];
	_ =	sdelay $0x3  }
0x95: {  	_ =	strace s4  }
0x96: {  	s4 =	sld [smem:$0x3FFD];
	_ =	sdelay $0x3  }
0x97: {  	_ =	strace s4  }
0x98: {  	_ =	strace $0x8FFFFFFF  }
0x99: {  	s19 =	sld [smem:$0x3FDB];
	_ =	sdelay $0x1  }
0x9a: {  	s5 =	simm.s32 $_scs_section_size  }
0x9b: {  	s6 =	simm.s32 $_size__tile_overlayer_lowered;
	s7 =	simm.s32 $_tile_overlayer_lowered  }
0x9c: {  	s22 =	simm.s32 $0x1BFF;
	s21 =	sshll.u32 s7, $0x1;
	s4 =	sadd.s32 s5, s19  }
0x9d: {  	s8 =	simm.s32 $0x0;
	s20 =	sshll.u32 s6, $0x1;
	s6 =	sadd.s32 s21, s4  }
0x9e: {  	[timem:s8], [sflag:s22] =	dma.local [hbm:s6], s20  }
0x9f: {  	_ =	swait.ge [sflag:s22], s20  }
0xa0: {  	s5 =	ssub.s32 $0x0, s20;
	[sflag:s22] =	ssyncset.done $0x0  }
0xa1: {  	[sflag:s22] =	ssyncadd.s32 s5;
	_ =	sdelay $0x1  }
0xa2: {  	s23 =	simm.s32 $0x1B8B  }
0xa3: {  	_ =	swait.ge [sflag:s23], $0x1  }
0xa4: {  	[sflag:s23] =	ssyncset.done $0x0  }
0xa5: {  	s25 =	simm.s32 $0x1B8E;
	s24 =	sld [smem:$0x3FFE];
	[sflag:s23] =	ssyncadd.s32 $0xFFFFFFFF  }
0xa6: {  	s26 =	simm.s32 $execute0_lowered;
	[smem:$0x3FD2] =	sst s25  }
0xa7: {  	s6 =	sshll.u32 s26, $0x1;
	_ =	strace $0x80000046;
	[dreg:$0x1] =	wrdreg $0xFFFFFFFF  }
0xa8: {  	s28 =	simm.s32 $_size_execute0_lowered;
	s4 =	sadd.s32 s4, s6;
	[dreg:$0x0] =	wrdreg $0x0  }
0xa9: {  	s6 =	sshll.u32 s28, $0x1;
	[dreg:$0x2] =	wrdreg s4  }
0xaa: {  	[dreg:$0x3] =	wrdreg s6  }
0xab: {  	[dreg:$0x4] =	wrdreg $0xC0  }
0xac: {  	_ =	task [dreg:s8], $0x5FFFF  }
0xad: {  	[dreg:$0x1] =	wrdreg $0xFFFFFFFF  }
0xae: {  	[dreg:$0x0] =	wrdreg $0x60  }
0xaf: {  	[dreg:$0x2] =	wrdreg s24  }
0xb0: {  	[dreg:$0x3] =	wrdreg s2  }
0xb1: {  	[dreg:$0x4] =	wrdreg s18  }
0xb2: {  	[dreg:$0x5] =	wrdreg $0x9  }
0xb3: {  	_ =	task.clear_ibuf [dreg:s8], $0x6FFFF;
	_ =	strace $0x90000046  }
0xb4: {  	s29 =	simm.s32 $0x9;
	_ =	strace $0x80000048  }
0xb5: {  	_ =	swait.ge [sflag:s29], $0x1  }
0xb6: {  	[sflag:s29] =	ssyncadd.s32 $0xFFFFFFFF  }
0xb7: {  	_ =	strace $0x90000048  }
0xb8: {  	_ =	sfence  }
0xb9: {  	s30 =	sld [smem:$0x0];
	_ =	sdelay $0x2  }
0xba: {  	s31 =	sshll.u32 s1, $0xD;
	s1 =	sshrl.u32 s1, $0x2  }
0xbb: {  	s3 =	sand.u32 $0x4000, s31;
	s1 =	sadd.s32 s1, s30  }
0xbc: {  	s0 =	sor.u32 s3, s0;
	s1 =	sshll.u32 s1, $0x11  }
0xbd: {  	s0 =	sor.u32 s1, s0  }
0xbe: {  	s0 =	sadd.s32 $0x8F2B, s0  }
0xbf: {  	[sflag:s0] =	ssyncadd.remote.s32 $0x1  }
0xc0: {  	_ =	sfence.sel $0xFFFF  }
0xc1: {  	[dreg:$0x0] =	wrdreg $0xFFFFFFFF;
	(pc) =	sbr.abs _section_cstart, $3  }
0xc2: {  	[dreg:$0x1] =	wrdreg $0xFFFFFFFF  }
0xc3: {  	_ =	task.clear_ibuf [dreg:s8], $0x2FFFF;
	_ =	strace $0x9FFFFFFF  }
0xc4: {  	(tm) =	ssettm $0x7FFFFFFF  }
0xc5: {  	_ =	shalt  }
tec
execute0_lowered:
.L_overlay_start_1:
0x0: {  	(tag) =	ssettag $0x1  }
0x1: {  	s0 =	rddreg [dreg:$0x0];
	s1 =	srdreg.scid  }
0x2: {  	s3 =	stileid.u32;
	s2 =	rddreg [dreg:$0x1];
	s14 =	simm.s32 $0x9  }
0x3: {  	s15 =	simm.s32 $0x80;
	s16 =	simm.s32 $0x6400;
	s17 =	simm.s32 $0xA400  }
0x4: {  	s18 =	simm.s32 $0x1;
	s20 =	simm.s32 $0xE400;
	s21 =	simm.s32 $0x2  }
0x5: {  	s23 =	simm.s32 $0x12400;
	s1 =	sand.u32 $0x1, s1;
	s4 =	sshll.u32 s3, $0x1  }
0x6: {  	s28 =	simm.s32 $0x6;
	s29 =	simm.s32 $0x7;
	s6 =	sor.u32 s1, s4  }
0x7: {  	s30 =	simm.s32 $0x8;
	s31 =	simm.s32 $0x0;
	s5 =	smul.u32 $0x6400, s6  }
0x8: {  	s4 =	simm.s32 $0x0;
	s1 =	ssub.s32 $0x2, s1;
	s7 =	smul.u32 $0x64000, s6  }
0x9: {  	[smem:$0x7FF] =	sst s4;
	s9 =	sshrl.u32 s1, $0x1;
	s6 =	smul.u32 $0x320000, s6  }
0xa: {  	s3 =	rddreg [dreg:$0x2];
	_ =	strace $0x80000047;
	s1 =	ssub.s32 s1, s9  }
0xb: {  	s8 =	sshrl.u32 s5, $0x3;
	s7 =	sadd.s32 s3, s7;
	s24 =	sshrl.u32 s6, $0x3  }
0xc: {  	s9 =	sor.u32 $0x100, s5;
	s0 =	sadd.s32 s8, s0;
	s25 =	sadd.s32 $0x800, s7  }
0xd: {  	s10 =	sor.u32 $0x180, s5;
	s0 =	sadd.s32 $0x400, s0;
	[dreg:$0x5] =	wrdreg s25  }
0xe: {  	s13 =	smax.u32 s1, $0x1;
	[dreg:$0x4] =	wrdreg s0;
	s0 =	sadd.s32 s3, s24  }
0xf: {  	s25 =	simm.s32 $0x5;
	s24 =	simm.s32 $0x3;
	s26 =	sadd.s32 $0x63000, s0  }
0x10: {  	s12 =	sadd.s32 $0x63800, s0;
	[dreg:$0x6] =	wrdreg s26;
	s26 =	simm.s32 $0x4  }
.LBB2_1:
0x11: {  	s0 =	rddreg [dreg:$0x4]  }
0x12: {  	[tilespmem:s4], [sflag:$0x9] =	stream.linear.gather [hbm4b:s0+s4], $0x6400, $0x38;
	[tilespmem:$0x16400] =	vst v63  }
0x13: {  	_ =	swait.ge [sflag:s14], $0x6400  }
0x14: {  	[sflag:s14] =	ssyncset.done $0x0  }
0x15: {  	[sflag:s14] =	ssyncadd.s32 $0xFFFF9C00  }
0x16: {  	[tilespmem:s16], [sflag:$0x1] =	stream.indirect.gather [hbm4b:s2+s15], $0x80, s4, s15, $0xb8;
	[tilespmem:$0x16400] =	vst v63  }
0x17: {  	_ = 	snop  }
0x18: {  	[tilespmem:s17], [sflag:$0x2] =	stream.indirect.gather [hbm4b:s2+s15], $0x80, s15, s15, $0xb8;
	[tilespmem:$0x16400] =	vst v63  }
0x19: {  	_ =	swait.ge [sflag:s18], $0x4000  }
0x1a: {  	[sflag:s18] =	ssyncset.done $0x0  }
0x1b: {  	s0 =	simm.s32 $0x6480;
	[sflag:s18] =	ssyncadd.s32 $0xFFFFC000  }
0x1c: {  	v0 =	vld [tilespmem:s0+$0x70]  }
0x1d: {  	v1 =	vld [tilespmem:s0+$0xFFFFFF90]  }
0x1e: {  	v2 =	vld [tilespmem:s0+$0xFFFFFFA0]  }
0x1f: {  	v3 =	vld [tilespmem:s0+$0xFFFFFFB0]  }
0x20: {  	v4 =	vld [tilespmem:s0+$0xFFFFFFC0]  }
0x21: {  	v5 =	vld [tilespmem:s0+$0xFFFFFFD0];
	v0 =	vmul.f32 $1.131370830e+01, v0  }
0x22: {  	v6 =	vld [tilespmem:s0+$0xFFFFFFE0];
	v1 =	vmul.f32 $1.131370830e+01, v1  }
0x23: {  	v7 =	vld [tilespmem:s0+$0xFFFFFFF0];
	[tilespmem:s0+$0x70] =	vst v0;
	v0 =	vmul.f32 $1.131370830e+01, v2  }
0x24: {  	v8 =	vld [tilespmem:s0+$0x0];
	[tilespmem:s0+$0xFFFFFF90] =	vst v1;
	v1 =	vmul.f32 $1.131370830e+01, v3  }
0x25: {  	v9 =	vld [tilespmem:s0+$0x10];
	[tilespmem:s0+$0xFFFFFFA0] =	vst v0;
	v0 =	vmul.f32 $1.131370830e+01, v4  }
0x26: {  	v10 =	vld [tilespmem:s0+$0x20];
	[tilespmem:s0+$0xFFFFFFB0] =	vst v1;
	v1 =	vmul.f32 $1.131370830e+01, v5  }
0x27: {  	v2 =	vmul.f32 $1.131370830e+01, v6;
	[tilespmem:s0+$0xFFFFFFC0] =	vst v0;
	v0 =	vld [tilespmem:s0+$0x30]  }
0x28: {  	v3 =	vmul.f32 $1.131370830e+01, v7;
	[tilespmem:s0+$0xFFFFFFD0] =	vst v1;
	v1 =	vld [tilespmem:s0+$0x40]  }
0x29: {  	v6 =	vmul.f32 $1.131370830e+01, v8;
	[tilespmem:s0+$0xFFFFFFE0] =	vst v2;
	v2 =	vld [tilespmem:s0+$0x50]  }
0x2a: {  	[tilespmem:s0+$0xFFFFFFF0] =	vst v3;
	v4 =	vld [tilespmem:s0+$0x60];
	v5 =	vmul.f32 $1.131370830e+01, v9  }
0x2b: {  	s1 =	simm.s32 $0x0;
	s6 =	simm.s32 $0x6580;
	v3 =	vld [tilespmem:s0+$0xFFFFFF80];
	[tilespmem:s0+$0x0] =	vst v6;
	v6 =	vmul.f32 $1.131370830e+01, v10  }
.LBB2_2:
0x2c: {  	v7 =	vld [tilespmem:s6+$0x70];
	s1 =	sadd.s32 $0x2, s1;
	[tilespmem:s0+$0x10] =	vst v5;
	v0 =	vmul.f32 $1.131370830e+01, v0  }
0x2d: {  	v5 =	vld [tilespmem:s6+$0xFFFFFF90];
	p0 =	slt.u32 s1, $0x7E;
	[tilespmem:s0+$0x20] =	vst v6;
	v1 =	vmul.f32 $1.131370830e+01, v1  }
0x2e: {  	v6 =	vld [tilespmem:s6+$0xFFFFFFA0];
	[tilespmem:s0+$0x30] =	vst v0;
	v0 =	vmul.f32 $1.131370830e+01, v2  }
0x2f: {  	v2 =	vld [tilespmem:s6+$0xFFFFFFB0];
	[tilespmem:s0+$0x40] =	vst v1;
	v1 =	vmul.f32 $1.131370830e+01, v4  }
0x30: {  	v4 =	vld [tilespmem:s6+$0xFFFFFFC0];
	v3 =	vmul.f32 $1.131370830e+01, v3;
	[tilespmem:s0+$0x50] =	vst v0  }
0x31: {  	v0 =	vld [tilespmem:s6+$0xFFFFFFD0];
	v7 =	vmul.f32 $1.131370830e+01, v7;
	[tilespmem:s0+$0x60] =	vst v1  }
0x32: {  	v1 =	vmul.f32 $1.131370830e+01, v5;
	v5 =	vld [tilespmem:s6+$0xFFFFFFE0];
	[tilespmem:s0+$0xFFFFFF80] =	vst v3;
	s0 =	smov.u32 s6  }
0x33: {  	v3 =	vmul.f32 $1.131370830e+01, v6;
	v6 =	vld [tilespmem:s6+$0xFFFFFFF0];
	[tilespmem:s6+$0x70] =	vst v7  }
0x34: {  	[tilespmem:s6+$0xFFFFFF90] =	vst v1;
	v1 =	vmul.f32 $1.131370830e+01, v2;
	v2 =	vld [tilespmem:s6+$0x0]  }
0x35: {  	[tilespmem:s6+$0xFFFFFFA0] =	vst v3;
	v3 =	vmul.f32 $1.131370830e+01, v4;
	v4 =	vld [tilespmem:s6+$0x10]  }
0x36: {  	[tilespmem:s6+$0xFFFFFFB0] =	vst v1;
	v1 =	vmul.f32 $1.131370830e+01, v0;
	v7 =	vld [tilespmem:s6+$0x20]  }
.Ltmp0:
0x37: {  	[tilespmem:s6+$0xFFFFFFC0] =	vst v3;
	v3 =	vmul.f32 $1.131370830e+01, v5;
	v0 =	vld [tilespmem:s6+$0x30];
	(pc) =	sbr.rel @p0 .LBB2_2-.Ltmp0, $4  }
0x38: {  	[tilespmem:s6+$0xFFFFFFD0] =	vst v1;
	v5 =	vmul.f32 $1.131370830e+01, v6;
	v1 =	vld [tilespmem:s6+$0x40]  }
0x39: {  	[tilespmem:s6+$0xFFFFFFE0] =	vst v3;
	v6 =	vmul.f32 $1.131370830e+01, v2;
	v2 =	vld [tilespmem:s6+$0x50]  }
0x3a: {  	[tilespmem:s6+$0xFFFFFFF0] =	vst v5;
	v5 =	vmul.f32 $1.131370830e+01, v4;
	v4 =	vld [tilespmem:s6+$0x60]  }
0x3b: {  	s6 =	sadd.s32 $0x100, s6;
	v3 =	vld [tilespmem:s0+$0xFFFFFF80];
	[tilespmem:s0+$0x0] =	vst v6;
	v6 =	vmul.f32 $1.131370830e+01, v7  }
0x3c: {  	[tilespmem:s0+$0x10] =	vst v5;
	v0 =	vmul.f32 $1.131370830e+01, v0  }
0x3d: {  	[tilespmem:s0+$0x20] =	vst v6;
	v1 =	vmul.f32 $1.131370830e+01, v1  }
0x3e: {  	[tilespmem:s0+$0x30] =	vst v0;
	v0 =	vmul.f32 $1.131370830e+01, v2  }
0x3f: {  	[tilespmem:s0+$0x40] =	vst v1;
	v1 =	vmul.f32 $1.131370830e+01, v4  }
0x40: {  	v2 =	vmul.f32 $1.131370830e+01, v3;
	[tilespmem:s0+$0x50] =	vst v0  }
0x41: {  	[tilespmem:s0+$0x60] =	vst v1  }
0x42: {  	[tilespmem:s0+$0xFFFFFF80] =	vst v2  }
0x43: {  	[hbm4b:s7+s4] =	stream.linear.scatter [tilespmem:s16], [sflag:$0x5], $0x4000, $0x38;
	[tilespmem:$0x16400] =	vst v63  }
0x44: {  	s22 =	simm.s32 $0x100  }
0x45: {  	[tilespmem:s20], [sflag:$0x3] =	stream.indirect.gather [hbm4b:s2+s15], $0x80, s22, s15, $0xb8;
	[tilespmem:$0x16400] =	vst v63  }
0x46: {  	_ =	swait.ge [sflag:s21], $0x4000  }
0x47: {  	[sflag:s21] =	ssyncset.done $0x0  }
0x48: {  	s0 =	simm.s32 $0xA400;
	[sflag:s21] =	ssyncadd.s32 $0xFFFFC000  }
0x49: {  	v0 =	vld [tilespmem:s0+$0xF0]  }
0x4a: {  	v1 =	vld [tilespmem:s0+$0x10]  }
0x4b: {  	v2 =	vld [tilespmem:s0+$0x20]  }
0x4c: {  	v3 =	vld [tilespmem:s0+$0x30]  }
0x4d: {  	v4 =	vld [tilespmem:s0+$0x40]  }
0x4e: {  	v5 =	vld [tilespmem:s0+$0x50];
	v0 =	vmul.f32 $1.131370830e+01, v0  }
0x4f: {  	v6 =	vld [tilespmem:s0+$0x60];
	v1 =	vmul.f32 $1.131370830e+01, v1  }
0x50: {  	v7 =	vld [tilespmem:s0+$0x70];
	[tilespmem:s0+$0xF0] =	vst v0;
	v0 =	vmul.f32 $1.131370830e+01, v2  }
0x51: {  	v8 =	vld [tilespmem:s0+$0x80];
	[tilespmem:s0+$0x10] =	vst v1;
	v1 =	vmul.f32 $1.131370830e+01, v3  }
0x52: {  	v9 =	vld [tilespmem:s0+$0x90];
	[tilespmem:s0+$0x20] =	vst v0;
	v0 =	vmul.f32 $1.131370830e+01, v4  }
0x53: {  	v10 =	vld [tilespmem:s0+$0xA0];
	[tilespmem:s0+$0x30] =	vst v1;
	v1 =	vmul.f32 $1.131370830e+01, v5  }
0x54: {  	v2 =	vmul.f32 $1.131370830e+01, v6;
	[tilespmem:s0+$0x40] =	vst v0;
	v0 =	vld [tilespmem:s0+$0xB0]  }
0x55: {  	v3 =	vmul.f32 $1.131370830e+01, v7;
	[tilespmem:s0+$0x50] =	vst v1;
	v1 =	vld [tilespmem:s0+$0xC0]  }
0x56: {  	v6 =	vmul.f32 $1.131370830e+01, v8;
	[tilespmem:s0+$0x60] =	vst v2;
	v2 =	vld [tilespmem:s0+$0xD0]  }
0x57: {  	[tilespmem:s0+$0x70] =	vst v3;
	v4 =	vld [tilespmem:s0+$0xE0];
	v5 =	vmul.f32 $1.131370830e+01, v9  }
0x58: {  	s1 =	simm.s32 $0x0;
	s6 =	simm.s32 $0xA500;
	v3 =	vld [tilespmem:s0+$0x0];
	[tilespmem:s0+$0x80] =	vst v6;
	v6 =	vmul.f32 $1.131370830e+01, v10  }
.LBB2_4:
0x59: {  	v7 =	vld [tilespmem:s6+$0xF0];
	s1 =	sadd.s32 $0x2, s1;
	[tilespmem:s0+$0x90] =	vst v5;
	v0 =	vmul.f32 $1.131370830e+01, v0  }
0x5a: {  	v5 =	vld [tilespmem:s6+$0x10];
	p0 =	slt.u32 s1, $0x7E;
	[tilespmem:s0+$0xA0] =	vst v6;
	v1 =	vmul.f32 $1.131370830e+01, v1  }
0x5b: {  	v6 =	vld [tilespmem:s6+$0x20];
	[tilespmem:s0+$0xB0] =	vst v0;
	v0 =	vmul.f32 $1.131370830e+01, v2  }
0x5c: {  	v2 =	vld [tilespmem:s6+$0x30];
	[tilespmem:s0+$0xC0] =	vst v1;
	v1 =	vmul.f32 $1.131370830e+01, v4  }
0x5d: {  	v4 =	vld [tilespmem:s6+$0x40];
	v3 =	vmul.f32 $1.131370830e+01, v3;
	[tilespmem:s0+$0xD0] =	vst v0  }
0x5e: {  	v0 =	vld [tilespmem:s6+$0x50];
	v7 =	vmul.f32 $1.131370830e+01, v7;
	[tilespmem:s0+$0xE0] =	vst v1  }
0x5f: {  	v1 =	vmul.f32 $1.131370830e+01, v5;
	v5 =	vld [tilespmem:s6+$0x60];
	[tilespmem:s0+$0x0] =	vst v3;
	s0 =	smov.u32 s6  }
0x60: {  	v3 =	vmul.f32 $1.131370830e+01, v6;
	v6 =	vld [tilespmem:s6+$0x70];
	[tilespmem:s6+$0xF0] =	vst v7  }
0x61: {  	[tilespmem:s6+$0x10] =	vst v1;
	v1 =	vmul.f32 $1.131370830e+01, v2;
	v2 =	vld [tilespmem:s6+$0x80]  }
0x62: {  	[tilespmem:s6+$0x20] =	vst v3;
	v3 =	vmul.f32 $1.131370830e+01, v4;
	v4 =	vld [tilespmem:s6+$0x90]  }
0x63: {  	[tilespmem:s6+$0x30] =	vst v1;
	v1 =	vmul.f32 $1.131370830e+01, v0;
	v7 =	vld [tilespmem:s6+$0xA0]  }
.Ltmp1:
0x64: {  	[tilespmem:s6+$0x40] =	vst v3;
	v3 =	vmul.f32 $1.131370830e+01, v5;
	v0 =	vld [tilespmem:s6+$0xB0];
	(pc) =	sbr.rel @p0 .LBB2_4-.Ltmp1, $4  }
0x65: {  	[tilespmem:s6+$0x50] =	vst v1;
	v5 =	vmul.f32 $1.131370830e+01, v6;
	v1 =	vld [tilespmem:s6+$0xC0]  }
0x66: {  	[tilespmem:s6+$0x60] =	vst v3;
	v6 =	vmul.f32 $1.131370830e+01, v2;
	v2 =	vld [tilespmem:s6+$0xD0]  }
0x67: {  	[tilespmem:s6+$0x70] =	vst v5;
	v5 =	vmul.f32 $1.131370830e+01, v4;
	v4 =	vld [tilespmem:s6+$0xE0]  }
0x68: {  	s6 =	sadd.s32 $0x100, s6;
	v3 =	vld [tilespmem:s0+$0x0];
	[tilespmem:s0+$0x80] =	vst v6;
	v6 =	vmul.f32 $1.131370830e+01, v7  }
0x69: {  	[tilespmem:s0+$0x90] =	vst v5;
	v0 =	vmul.f32 $1.131370830e+01, v0  }
0x6a: {  	[tilespmem:s0+$0xA0] =	vst v6;
	v1 =	vmul.f32 $1.131370830e+01, v1  }
0x6b: {  	[tilespmem:s0+$0xB0] =	vst v0;
	v61 =	vmul.f32 $1.131370830e+01, v2  }
0x6c: {  	[tilespmem:s0+$0xC0] =	vst v1;
	v62 =	vmul.f32 $1.131370830e+01, v4  }
0x6d: {  	v63 =	vmul.f32 $1.131370830e+01, v3;
	[tilespmem:s0+$0xD0] =	vst v61  }
0x6e: {  	[tilespmem:s0+$0xE0] =	vst v62  }
0x6f: {  	[tilespmem:s0+$0x0] =	vst v63  }
0x70: {  	s1 =	simm.s32 $0x0;
	s0 =	rddreg [dreg:$0x5]  }
0x71: {  	[hbm4b:s0+s1] =	stream.linear.scatter [tilespmem:s17], [sflag:$0x6], $0x4000, $0x38;
	[tilespmem:$0x16400] =	vst v63  }
0x72: {  	s22 =	simm.s32 $0x180  }
0x73: {  	[tilespmem:s23], [sflag:$0x4] =	stream.indirect.gather [hbm4b:s2+s15], $0x80, s22, s15, $0xb8;
	[tilespmem:$0x16400] =	vst v63  }
.LBB2_6:
0x74: {  	_ =	swait.ge [sflag:s24], $0x4000  }
0x75: {  	[sflag:s24] =	ssyncset.done $0x0  }
0x76: {  	s19 =	simm.s32 $0xE400;
	[sflag:s24] =	ssyncadd.s32 $0xFFFFC000  }
0x77: {  	v0 =	vld [tilespmem:s19+$0xF0]  }
0x78: {  	v1 =	vld [tilespmem:s19+$0x10]  }
0x79: {  	v2 =	vld [tilespmem:s19+$0x20]  }
0x7a: {  	v3 =	vld [tilespmem:s19+$0x30]  }
0x7b: {  	v4 =	vld [tilespmem:s19+$0x40]  }
0x7c: {  	v5 =	vld [tilespmem:s19+$0x50];
	v0 =	vmul.f32 $1.131370830e+01, v0  }
0x7d: {  	v6 =	vld [tilespmem:s19+$0x60];
	v1 =	vmul.f32 $1.131370830e+01, v1  }
0x7e: {  	v7 =	vld [tilespmem:s19+$0x70];
	[tilespmem:s19+$0xF0] =	vst v0;
	v0 =	vmul.f32 $1.131370830e+01, v2  }
0x7f: {  	[tilespmem:s19+$0x10] =	vst v1;
	v2 =	vld [tilespmem:s19+$0x80];
	v1 =	vmul.f32 $1.131370830e+01, v3  }
0x80: {  	v8 =	vld [tilespmem:s19+$0x90];
	[tilespmem:s19+$0x20] =	vst v0;
	v0 =	vmul.f32 $1.131370830e+01, v4  }
0x81: {  	v9 =	vld [tilespmem:s19+$0xA0];
	[tilespmem:s19+$0x30] =	vst v1;
	v1 =	vmul.f32 $1.131370830e+01, v5  }
0x82: {  	v3 =	vmul.f32 $1.131370830e+01, v6;
	[tilespmem:s19+$0x40] =	vst v0;
	v0 =	vld [tilespmem:s19+$0xB0]  }
0x83: {  	v4 =	vmul.f32 $1.131370830e+01, v7;
	[tilespmem:s19+$0x50] =	vst v1;
	v1 =	vld [tilespmem:s19+$0xC0]  }
0x84: {  	[tilespmem:s19+$0x60] =	vst v3;
	v3 =	vld [tilespmem:s19+$0xD0];
	v6 =	vmul.f32 $1.131370830e+01, v2  }
0x85: {  	v5 =	vmul.f32 $1.131370830e+01, v8;
	[tilespmem:s19+$0x70] =	vst v4;
	v4 =	vld [tilespmem:s19+$0xE0]  }
0x86: {  	s0 =	simm.s32 $0x0;
	s6 =	simm.s32 $0xE500;
	v2 =	vld [tilespmem:s19+$0x0];
	[tilespmem:s19+$0x80] =	vst v6;
	v6 =	vmul.f32 $1.131370830e+01, v9  }
.LBB2_7:
0x87: {  	v7 =	vld [tilespmem:s6+$0xF0];
	s0 =	sadd.s32 $0x2, s0;
	[tilespmem:s19+$0x90] =	vst v5;
	v0 =	vmul.f32 $1.131370830e+01, v0  }
0x88: {  	v5 =	vld [tilespmem:s6+$0x10];
	p0 =	slt.u32 s0, $0x7E;
	[tilespmem:s19+$0xA0] =	vst v6;
	v1 =	vmul.f32 $1.131370830e+01, v1  }
0x89: {  	v6 =	vld [tilespmem:s6+$0x20];
	[tilespmem:s19+$0xB0] =	vst v0;
	v0 =	vmul.f32 $1.131370830e+01, v3  }
0x8a: {  	v3 =	vld [tilespmem:s6+$0x30];
	[tilespmem:s19+$0xC0] =	vst v1;
	v1 =	vmul.f32 $1.131370830e+01, v4  }
0x8b: {  	v4 =	vld [tilespmem:s6+$0x40];
	v2 =	vmul.f32 $1.131370830e+01, v2;
	[tilespmem:s19+$0xD0] =	vst v0  }
0x8c: {  	v0 =	vld [tilespmem:s6+$0x50];
	v7 =	vmul.f32 $1.131370830e+01, v7;
	[tilespmem:s19+$0xE0] =	vst v1  }
0x8d: {  	v1 =	vmul.f32 $1.131370830e+01, v5;
	v5 =	vld [tilespmem:s6+$0x60];
	[tilespmem:s19+$0x0] =	vst v2;
	s19 =	smov.u32 s6  }
0x8e: {  	v2 =	vmul.f32 $1.131370830e+01, v6;
	v6 =	vld [tilespmem:s6+$0x70];
	[tilespmem:s6+$0xF0] =	vst v7  }
0x8f: {  	[tilespmem:s6+$0x10] =	vst v1;
	v1 =	vmul.f32 $1.131370830e+01, v3;
	v3 =	vld [tilespmem:s6+$0x80]  }
0x90: {  	[tilespmem:s6+$0x20] =	vst v2;
	v2 =	vmul.f32 $1.131370830e+01, v4;
	v4 =	vld [tilespmem:s6+$0x90]  }
0x91: {  	[tilespmem:s6+$0x30] =	vst v1;
	v1 =	vmul.f32 $1.131370830e+01, v0;
	v7 =	vld [tilespmem:s6+$0xA0]  }
.Ltmp2:
0x92: {  	[tilespmem:s6+$0x40] =	vst v2;
	v2 =	vmul.f32 $1.131370830e+01, v5;
	v0 =	vld [tilespmem:s6+$0xB0];
	(pc) =	sbr.rel @p0 .LBB2_7-.Ltmp2, $4  }
0x93: {  	[tilespmem:s6+$0x50] =	vst v1;
	v5 =	vmul.f32 $1.131370830e+01, v6;
	v1 =	vld [tilespmem:s6+$0xC0]  }
0x94: {  	[tilespmem:s6+$0x60] =	vst v2;
	v6 =	vmul.f32 $1.131370830e+01, v3;
	v3 =	vld [tilespmem:s6+$0xD0]  }
0x95: {  	[tilespmem:s6+$0x70] =	vst v5;
	v5 =	vmul.f32 $1.131370830e+01, v4;
	v4 =	vld [tilespmem:s6+$0xE0]  }
0x96: {  	s6 =	sadd.s32 $0x100, s6;
	v2 =	vld [tilespmem:s19+$0x0];
	[tilespmem:s19+$0x80] =	vst v6;
	v6 =	vmul.f32 $1.131370830e+01, v7  }
0x97: {  	[tilespmem:s19+$0x90] =	vst v5;
	v0 =	vmul.f32 $1.131370830e+01, v0  }
0x98: {  	[tilespmem:s19+$0xA0] =	vst v6;
	v1 =	vmul.f32 $1.131370830e+01, v1  }
0x99: {  	[tilespmem:s19+$0xB0] =	vst v0;
	v0 =	vmul.f32 $1.131370830e+01, v3  }
0x9a: {  	s0 =	sshll.u32 s1, $0x9;
	[tilespmem:s19+$0xC0] =	vst v1;
	v1 =	vmul.f32 $1.131370830e+01, v4  }
0x9b: {  	s6 =	sadd.s32 s0, s9;
	v2 =	vmul.f32 $1.131370830e+01, v2;
	[tilespmem:s19+$0xD0] =	vst v0  }
0x9c: {  	s6 =	sshll.u32 s6, $0x4;
	[tilespmem:s19+$0xE0] =	vst v1  }
0x9d: {  	s6 =	sadd.s32 s3, s6;
	[tilespmem:s19+$0x0] =	vst v2  }
0x9e: {  	[hbm4b:s6+s4] =	stream.linear.scatter [tilespmem:s20], [sflag:$0x7], $0x4000, $0x38;
	[tilespmem:$0x16400] =	vst v63  }
0x9f: {  	_ =	swait.ge [sflag:s25], $0x4000  }
0xa0: {  	[sflag:s25] =	ssyncset.done $0x0  }
0xa1: {  	s22 =	sadd.s32 $0x200, s0;
	[sflag:s25] =	ssyncadd.s32 $0xFFFFC000  }
0xa2: {  	[tilespmem:s16], [sflag:$0x1] =	stream.indirect.gather [hbm4b:s2+s15], $0x80, s22, s15, $0xb8;
	[tilespmem:$0x16400] =	vst v63  }
0xa3: {  	_ =	swait.ge [sflag:s26], $0x4000  }
0xa4: {  	[sflag:s26] =	ssyncset.done $0x0  }
0xa5: {  	s19 =	simm.s32 $0x12400;
	[sflag:s26] =	ssyncadd.s32 $0xFFFFC000  }
0xa6: {  	v0 =	vld [tilespmem:s19+$0xF0]  }
0xa7: {  	v1 =	vld [tilespmem:s19+$0x10]  }
0xa8: {  	v2 =	vld [tilespmem:s19+$0x20]  }
0xa9: {  	v3 =	vld [tilespmem:s19+$0x30]  }
0xaa: {  	v4 =	vld [tilespmem:s19+$0x40]  }
0xab: {  	v5 =	vld [tilespmem:s19+$0x50];
	v0 =	vmul.f32 $1.131370830e+01, v0  }
0xac: {  	v6 =	vld [tilespmem:s19+$0x60];
	v1 =	vmul.f32 $1.131370830e+01, v1  }
0xad: {  	v7 =	vld [tilespmem:s19+$0x70];
	[tilespmem:s19+$0xF0] =	vst v0;
	v0 =	vmul.f32 $1.131370830e+01, v2  }
0xae: {  	v8 =	vld [tilespmem:s19+$0x80];
	[tilespmem:s19+$0x10] =	vst v1;
	v1 =	vmul.f32 $1.131370830e+01, v3  }
0xaf: {  	v9 =	vld [tilespmem:s19+$0x90];
	[tilespmem:s19+$0x20] =	vst v0;
	v0 =	vmul.f32 $1.131370830e+01, v4  }
0xb0: {  	v10 =	vld [tilespmem:s19+$0xA0];
	[tilespmem:s19+$0x30] =	vst v1;
	v1 =	vmul.f32 $1.131370830e+01, v5  }
0xb1: {  	v2 =	vmul.f32 $1.131370830e+01, v6;
	[tilespmem:s19+$0x40] =	vst v0;
	v0 =	vld [tilespmem:s19+$0xB0]  }
0xb2: {  	v3 =	vmul.f32 $1.131370830e+01, v7;
	[tilespmem:s19+$0x50] =	vst v1;
	v1 =	vld [tilespmem:s19+$0xC0]  }
0xb3: {  	v6 =	vmul.f32 $1.131370830e+01, v8;
	[tilespmem:s19+$0x60] =	vst v2;
	v2 =	vld [tilespmem:s19+$0xD0]  }
0xb4: {  	[tilespmem:s19+$0x70] =	vst v3;
	v4 =	vld [tilespmem:s19+$0xE0];
	v5 =	vmul.f32 $1.131370830e+01, v9  }
0xb5: {  	s8 =	simm.s32 $0x12500;
	s6 =	simm.s32 $0x0;
	v3 =	vld [tilespmem:s19+$0x0];
	[tilespmem:s19+$0x80] =	vst v6;
	v6 =	vmul.f32 $1.131370830e+01, v10  }
.LBB2_9:
0xb6: {  	v7 =	vld [tilespmem:s8+$0xF0];
	s6 =	sadd.s32 $0x2, s6;
	[tilespmem:s19+$0x90] =	vst v5;
	v0 =	vmul.f32 $1.131370830e+01, v0  }
0xb7: {  	v5 =	vld [tilespmem:s8+$0x10];
	p0 =	slt.u32 s6, $0x7E;
	[tilespmem:s19+$0xA0] =	vst v6;
	v1 =	vmul.f32 $1.131370830e+01, v1  }
0xb8: {  	v6 =	vld [tilespmem:s8+$0x20];
	[tilespmem:s19+$0xB0] =	vst v0;
	v0 =	vmul.f32 $1.131370830e+01, v2  }
0xb9: {  	v2 =	vld [tilespmem:s8+$0x30];
	[tilespmem:s19+$0xC0] =	vst v1;
	v1 =	vmul.f32 $1.131370830e+01, v4  }
0xba: {  	v4 =	vld [tilespmem:s8+$0x40];
	v3 =	vmul.f32 $1.131370830e+01, v3;
	[tilespmem:s19+$0xD0] =	vst v0  }
0xbb: {  	v0 =	vld [tilespmem:s8+$0x50];
	v7 =	vmul.f32 $1.131370830e+01, v7;
	[tilespmem:s19+$0xE0] =	vst v1  }
0xbc: {  	v1 =	vmul.f32 $1.131370830e+01, v5;
	v5 =	vld [tilespmem:s8+$0x60];
	[tilespmem:s19+$0x0] =	vst v3;
	s19 =	smov.u32 s8  }
0xbd: {  	v3 =	vmul.f32 $1.131370830e+01, v6;
	v6 =	vld [tilespmem:s8+$0x70];
	[tilespmem:s8+$0xF0] =	vst v7  }
0xbe: {  	[tilespmem:s8+$0x10] =	vst v1;
	v1 =	vmul.f32 $1.131370830e+01, v2;
	v2 =	vld [tilespmem:s8+$0x80]  }
0xbf: {  	[tilespmem:s8+$0x20] =	vst v3;
	v3 =	vmul.f32 $1.131370830e+01, v4;
	v4 =	vld [tilespmem:s8+$0x90]  }
0xc0: {  	[tilespmem:s8+$0x30] =	vst v1;
	v1 =	vmul.f32 $1.131370830e+01, v0;
	v7 =	vld [tilespmem:s8+$0xA0]  }
.Ltmp3:
0xc1: {  	[tilespmem:s8+$0x40] =	vst v3;
	v3 =	vmul.f32 $1.131370830e+01, v5;
	v0 =	vld [tilespmem:s8+$0xB0];
	(pc) =	sbr.rel @p0 .LBB2_9-.Ltmp3, $4  }
0xc2: {  	[tilespmem:s8+$0x50] =	vst v1;
	v5 =	vmul.f32 $1.131370830e+01, v6;
	v1 =	vld [tilespmem:s8+$0xC0]  }
0xc3: {  	[tilespmem:s8+$0x60] =	vst v3;
	v6 =	vmul.f32 $1.131370830e+01, v2;
	v2 =	vld [tilespmem:s8+$0xD0]  }
0xc4: {  	[tilespmem:s8+$0x70] =	vst v5;
	v5 =	vmul.f32 $1.131370830e+01, v4;
	v4 =	vld [tilespmem:s8+$0xE0]  }
0xc5: {  	s8 =	sadd.s32 $0x100, s8;
	v3 =	vld [tilespmem:s19+$0x0];
	[tilespmem:s19+$0x80] =	vst v6;
	v6 =	vmul.f32 $1.131370830e+01, v7  }
0xc6: {  	[tilespmem:s19+$0x90] =	vst v5;
	v0 =	vmul.f32 $1.131370830e+01, v0  }
0xc7: {  	[tilespmem:s19+$0xA0] =	vst v6;
	v1 =	vmul.f32 $1.131370830e+01, v1  }
0xc8: {  	[tilespmem:s19+$0xB0] =	vst v0;
	v0 =	vmul.f32 $1.131370830e+01, v2  }
0xc9: {  	[tilespmem:s19+$0xC0] =	vst v1;
	v1 =	vmul.f32 $1.131370830e+01, v4  }
0xca: {  	s6 =	sadd.s32 s0, s10;
	v2 =	vmul.f32 $1.131370830e+01, v3;
	[tilespmem:s19+$0xD0] =	vst v0  }
0xcb: {  	s6 =	sshll.u32 s6, $0x4;
	[tilespmem:s19+$0xE0] =	vst v1  }
0xcc: {  	s6 =	sadd.s32 s3, s6;
	[tilespmem:s19+$0x0] =	vst v2  }
0xcd: {  	[hbm4b:s6+s4] =	stream.linear.scatter [tilespmem:s23], [sflag:$0x8], $0x4000, $0x38;
	[tilespmem:$0x16400] =	vst v63  }
0xce: {  	_ =	swait.ge [sflag:s28], $0x4000  }
0xcf: {  	[sflag:s28] =	ssyncset.done $0x0  }
0xd0: {  	s19 =	sadd.s32 $0x280, s0;
	[sflag:s28] =	ssyncadd.s32 $0xFFFFC000  }
0xd1: {  	[tilespmem:s17], [sflag:$0x2] =	stream.indirect.gather [hbm4b:s2+s15], $0x80, s19, s15, $0xb8;
	[tilespmem:$0x16400] =	vst v63  }
0xd2: {  	_ =	swait.ge [sflag:s18], $0x4000  }
0xd3: {  	[sflag:s18] =	ssyncset.done $0x0  }
0xd4: {  	s6 =	simm.s32 $0x6480;
	[sflag:s18] =	ssyncadd.s32 $0xFFFFC000  }
0xd5: {  	v0 =	vld [tilespmem:s6+$0x70]  }
0xd6: {  	v1 =	vld [tilespmem:s6+$0xFFFFFF90]  }
0xd7: {  	v2 =	vld [tilespmem:s6+$0xFFFFFFA0]  }
0xd8: {  	v3 =	vld [tilespmem:s6+$0xFFFFFFB0]  }
0xd9: {  	v4 =	vld [tilespmem:s6+$0xFFFFFFC0]  }
0xda: {  	v5 =	vld [tilespmem:s6+$0xFFFFFFD0];
	v0 =	vmul.f32 $1.131370830e+01, v0  }
0xdb: {  	v6 =	vld [tilespmem:s6+$0xFFFFFFE0];
	v1 =	vmul.f32 $1.131370830e+01, v1  }
0xdc: {  	v7 =	vld [tilespmem:s6+$0xFFFFFFF0];
	[tilespmem:s6+$0x70] =	vst v0;
	v0 =	vmul.f32 $1.131370830e+01, v2  }
0xdd: {  	v8 =	vld [tilespmem:s6+$0x0];
	[tilespmem:s6+$0xFFFFFF90] =	vst v1;
	v1 =	vmul.f32 $1.131370830e+01, v3  }
0xde: {  	v9 =	vld [tilespmem:s6+$0x10];
	[tilespmem:s6+$0xFFFFFFA0] =	vst v0;
	v0 =	vmul.f32 $1.131370830e+01, v4  }
0xdf: {  	v10 =	vld [tilespmem:s6+$0x20];
	[tilespmem:s6+$0xFFFFFFB0] =	vst v1;
	v1 =	vmul.f32 $1.131370830e+01, v5  }
0xe0: {  	v2 =	vmul.f32 $1.131370830e+01, v6;
	[tilespmem:s6+$0xFFFFFFC0] =	vst v0;
	v0 =	vld [tilespmem:s6+$0x30]  }
0xe1: {  	v3 =	vmul.f32 $1.131370830e+01, v7;
	[tilespmem:s6+$0xFFFFFFD0] =	vst v1;
	v1 =	vld [tilespmem:s6+$0x40]  }
0xe2: {  	v6 =	vmul.f32 $1.131370830e+01, v8;
	[tilespmem:s6+$0xFFFFFFE0] =	vst v2;
	v2 =	vld [tilespmem:s6+$0x50]  }
0xe3: {  	[tilespmem:s6+$0xFFFFFFF0] =	vst v3;
	v4 =	vld [tilespmem:s6+$0x60];
	v5 =	vmul.f32 $1.131370830e+01, v9  }
0xe4: {  	s8 =	simm.s32 $0x0;
	s11 =	simm.s32 $0x6580;
	v3 =	vld [tilespmem:s6+$0xFFFFFF80];
	[tilespmem:s6+$0x0] =	vst v6;
	v6 =	vmul.f32 $1.131370830e+01, v10  }
.LBB2_11:
0xe5: {  	v7 =	vld [tilespmem:s11+$0x70];
	s8 =	sadd.s32 $0x2, s8;
	[tilespmem:s6+$0x10] =	vst v5;
	v0 =	vmul.f32 $1.131370830e+01, v0  }
0xe6: {  	v5 =	vld [tilespmem:s11+$0xFFFFFF90];
	p0 =	slt.u32 s8, $0x7E;
	[tilespmem:s6+$0x20] =	vst v6;
	v1 =	vmul.f32 $1.131370830e+01, v1  }
0xe7: {  	v6 =	vld [tilespmem:s11+$0xFFFFFFA0];
	[tilespmem:s6+$0x30] =	vst v0;
	v0 =	vmul.f32 $1.131370830e+01, v2  }
0xe8: {  	v2 =	vld [tilespmem:s11+$0xFFFFFFB0];
	[tilespmem:s6+$0x40] =	vst v1;
	v1 =	vmul.f32 $1.131370830e+01, v4  }
0xe9: {  	v4 =	vld [tilespmem:s11+$0xFFFFFFC0];
	v3 =	vmul.f32 $1.131370830e+01, v3;
	[tilespmem:s6+$0x50] =	vst v0  }
0xea: {  	v0 =	vld [tilespmem:s11+$0xFFFFFFD0];
	v7 =	vmul.f32 $1.131370830e+01, v7;
	[tilespmem:s6+$0x60] =	vst v1  }
0xeb: {  	v1 =	vmul.f32 $1.131370830e+01, v5;
	v5 =	vld [tilespmem:s11+$0xFFFFFFE0];
	[tilespmem:s6+$0xFFFFFF80] =	vst v3;
	s6 =	smov.u32 s11  }
0xec: {  	v3 =	vmul.f32 $1.131370830e+01, v6;
	v6 =	vld [tilespmem:s11+$0xFFFFFFF0];
	[tilespmem:s11+$0x70] =	vst v7  }
0xed: {  	[tilespmem:s11+$0xFFFFFF90] =	vst v1;
	v1 =	vmul.f32 $1.131370830e+01, v2;
	v2 =	vld [tilespmem:s11+$0x0]  }
0xee: {  	[tilespmem:s11+$0xFFFFFFA0] =	vst v3;
	v3 =	vmul.f32 $1.131370830e+01, v4;
	v4 =	vld [tilespmem:s11+$0x10]  }
0xef: {  	[tilespmem:s11+$0xFFFFFFB0] =	vst v1;
	v1 =	vmul.f32 $1.131370830e+01, v0;
	v7 =	vld [tilespmem:s11+$0x20]  }
.Ltmp4:
0xf0: {  	[tilespmem:s11+$0xFFFFFFC0] =	vst v3;
	v3 =	vmul.f32 $1.131370830e+01, v5;
	v0 =	vld [tilespmem:s11+$0x30];
	(pc) =	sbr.rel @p0 .LBB2_11-.Ltmp4, $4  }
0xf1: {  	[tilespmem:s11+$0xFFFFFFD0] =	vst v1;
	v5 =	vmul.f32 $1.131370830e+01, v6;
	v1 =	vld [tilespmem:s11+$0x40]  }
0xf2: {  	[tilespmem:s11+$0xFFFFFFE0] =	vst v3;
	v6 =	vmul.f32 $1.131370830e+01, v2;
	v2 =	vld [tilespmem:s11+$0x50]  }
0xf3: {  	[tilespmem:s11+$0xFFFFFFF0] =	vst v5;
	v5 =	vmul.f32 $1.131370830e+01, v4;
	v4 =	vld [tilespmem:s11+$0x60]  }
0xf4: {  	s11 =	sadd.s32 $0x100, s11;
	v3 =	vld [tilespmem:s6+$0xFFFFFF80];
	[tilespmem:s6+$0x0] =	vst v6;
	v6 =	vmul.f32 $1.131370830e+01, v7  }
0xf5: {  	[tilespmem:s6+$0x10] =	vst v5;
	v0 =	vmul.f32 $1.131370830e+01, v0  }
0xf6: {  	[tilespmem:s6+$0x20] =	vst v6;
	v1 =	vmul.f32 $1.131370830e+01, v1  }
0xf7: {  	[tilespmem:s6+$0x30] =	vst v0;
	v0 =	vmul.f32 $1.131370830e+01, v2  }
0xf8: {  	[tilespmem:s6+$0x40] =	vst v1;
	v1 =	vmul.f32 $1.131370830e+01, v4  }
0xf9: {  	s8 =	sadd.s32 s5, s22;
	v2 =	vmul.f32 $1.131370830e+01, v3;
	[tilespmem:s6+$0x50] =	vst v0  }
0xfa: {  	s8 =	sshll.u32 s8, $0x4;
	[tilespmem:s6+$0x60] =	vst v1  }
0xfb: {  	s11 =	sadd.s32 s3, s8;
	[tilespmem:s6+$0xFFFFFF80] =	vst v2  }
0xfc: {  	[hbm4b:s11+s4] =	stream.linear.scatter [tilespmem:s16], [sflag:$0x5], $0x4000, $0x38;
	[tilespmem:$0x16400] =	vst v63  }
0xfd: {  	_ =	swait.ge [sflag:s29], $0x4000  }
0xfe: {  	s0 =	sand.u32 $0x3FFFFE00, s0;
	[sflag:s29] =	ssyncset.done $0x0  }
0xff: {  	s22 =	sadd.s32 $0x300, s0;
	[sflag:s29] =	ssyncadd.s32 $0xFFFFC000  }
0x100: {  	[tilespmem:s20], [sflag:$0x3] =	stream.indirect.gather [hbm4b:s2+s15], $0x80, s22, s15, $0xb8;
	[tilespmem:$0x16400] =	vst v63  }
0x101: {  	_ =	swait.ge [sflag:s21], $0x4000  }
0x102: {  	[sflag:s21] =	ssyncset.done $0x0  }
0x103: {  	s6 =	simm.s32 $0xA400;
	[sflag:s21] =	ssyncadd.s32 $0xFFFFC000  }
0x104: {  	v0 =	vld [tilespmem:s6+$0xF0]  }
0x105: {  	v1 =	vld [tilespmem:s6+$0x10]  }
0x106: {  	v2 =	vld [tilespmem:s6+$0x20]  }
0x107: {  	v3 =	vld [tilespmem:s6+$0x30]  }
0x108: {  	v4 =	vld [tilespmem:s6+$0x40]  }
0x109: {  	v5 =	vld [tilespmem:s6+$0x50];
	v0 =	vmul.f32 $1.131370830e+01, v0  }
0x10a: {  	v6 =	vld [tilespmem:s6+$0x60];
	v1 =	vmul.f32 $1.131370830e+01, v1  }
0x10b: {  	v7 =	vld [tilespmem:s6+$0x70];
	[tilespmem:s6+$0xF0] =	vst v0;
	v0 =	vmul.f32 $1.131370830e+01, v2  }
0x10c: {  	v8 =	vld [tilespmem:s6+$0x80];
	[tilespmem:s6+$0x10] =	vst v1;
	v1 =	vmul.f32 $1.131370830e+01, v3  }
0x10d: {  	v9 =	vld [tilespmem:s6+$0x90];
	[tilespmem:s6+$0x20] =	vst v0;
	v0 =	vmul.f32 $1.131370830e+01, v4  }
0x10e: {  	v10 =	vld [tilespmem:s6+$0xA0];
	[tilespmem:s6+$0x30] =	vst v1;
	v1 =	vmul.f32 $1.131370830e+01, v5  }
0x10f: {  	v2 =	vmul.f32 $1.131370830e+01, v6;
	[tilespmem:s6+$0x40] =	vst v0;
	v0 =	vld [tilespmem:s6+$0xB0]  }
0x110: {  	v3 =	vmul.f32 $1.131370830e+01, v7;
	[tilespmem:s6+$0x50] =	vst v1;
	v1 =	vld [tilespmem:s6+$0xC0]  }
0x111: {  	v6 =	vmul.f32 $1.131370830e+01, v8;
	[tilespmem:s6+$0x60] =	vst v2;
	v2 =	vld [tilespmem:s6+$0xD0]  }
0x112: {  	[tilespmem:s6+$0x70] =	vst v3;
	v4 =	vld [tilespmem:s6+$0xE0];
	v5 =	vmul.f32 $1.131370830e+01, v9  }
0x113: {  	s8 =	simm.s32 $0x0;
	s11 =	simm.s32 $0xA500;
	v3 =	vld [tilespmem:s6+$0x0];
	[tilespmem:s6+$0x80] =	vst v6;
	v6 =	vmul.f32 $1.131370830e+01, v10  }
.LBB2_13:
0x114: {  	v7 =	vld [tilespmem:s11+$0xF0];
	s8 =	sadd.s32 $0x2, s8;
	[tilespmem:s6+$0x90] =	vst v5;
	v0 =	vmul.f32 $1.131370830e+01, v0  }
0x115: {  	v5 =	vld [tilespmem:s11+$0x10];
	p0 =	slt.u32 s8, $0x7E;
	[tilespmem:s6+$0xA0] =	vst v6;
	v1 =	vmul.f32 $1.131370830e+01, v1  }
0x116: {  	v6 =	vld [tilespmem:s11+$0x20];
	[tilespmem:s6+$0xB0] =	vst v0;
	v0 =	vmul.f32 $1.131370830e+01, v2  }
0x117: {  	v2 =	vld [tilespmem:s11+$0x30];
	[tilespmem:s6+$0xC0] =	vst v1;
	v1 =	vmul.f32 $1.131370830e+01, v4  }
0x118: {  	v4 =	vld [tilespmem:s11+$0x40];
	v3 =	vmul.f32 $1.131370830e+01, v3;
	[tilespmem:s6+$0xD0] =	vst v0  }
0x119: {  	v0 =	vld [tilespmem:s11+$0x50];
	v7 =	vmul.f32 $1.131370830e+01, v7;
	[tilespmem:s6+$0xE0] =	vst v1  }
0x11a: {  	v1 =	vmul.f32 $1.131370830e+01, v5;
	v5 =	vld [tilespmem:s11+$0x60];
	[tilespmem:s6+$0x0] =	vst v3;
	s6 =	smov.u32 s11  }
0x11b: {  	v3 =	vmul.f32 $1.131370830e+01, v6;
	v6 =	vld [tilespmem:s11+$0x70];
	[tilespmem:s11+$0xF0] =	vst v7  }
0x11c: {  	[tilespmem:s11+$0x10] =	vst v1;
	v1 =	vmul.f32 $1.131370830e+01, v2;
	v2 =	vld [tilespmem:s11+$0x80]  }
0x11d: {  	[tilespmem:s11+$0x20] =	vst v3;
	v3 =	vmul.f32 $1.131370830e+01, v4;
	v4 =	vld [tilespmem:s11+$0x90]  }
0x11e: {  	[tilespmem:s11+$0x30] =	vst v1;
	v1 =	vmul.f32 $1.131370830e+01, v0;
	v7 =	vld [tilespmem:s11+$0xA0]  }
.Ltmp5:
0x11f: {  	[tilespmem:s11+$0x40] =	vst v3;
	v3 =	vmul.f32 $1.131370830e+01, v5;
	v0 =	vld [tilespmem:s11+$0xB0];
	(pc) =	sbr.rel @p0 .LBB2_13-.Ltmp5, $4  }
0x120: {  	[tilespmem:s11+$0x50] =	vst v1;
	v5 =	vmul.f32 $1.131370830e+01, v6;
	v1 =	vld [tilespmem:s11+$0xC0]  }
0x121: {  	[tilespmem:s11+$0x60] =	vst v3;
	v6 =	vmul.f32 $1.131370830e+01, v2;
	v2 =	vld [tilespmem:s11+$0xD0]  }
0x122: {  	[tilespmem:s11+$0x70] =	vst v5;
	v5 =	vmul.f32 $1.131370830e+01, v4;
	v4 =	vld [tilespmem:s11+$0xE0]  }
0x123: {  	s11 =	sadd.s32 $0x100, s11;
	v3 =	vld [tilespmem:s6+$0x0];
	[tilespmem:s6+$0x80] =	vst v6;
	v6 =	vmul.f32 $1.131370830e+01, v7  }
0x124: {  	[tilespmem:s6+$0x90] =	vst v5;
	v0 =	vmul.f32 $1.131370830e+01, v0  }
0x125: {  	[tilespmem:s6+$0xA0] =	vst v6;
	v1 =	vmul.f32 $1.131370830e+01, v1  }
0x126: {  	[tilespmem:s6+$0xB0] =	vst v0;
	v61 =	vmul.f32 $1.131370830e+01, v2  }
0x127: {  	[tilespmem:s6+$0xC0] =	vst v1;
	v62 =	vmul.f32 $1.131370830e+01, v4  }
0x128: {  	s8 =	sadd.s32 s5, s19;
	v63 =	vmul.f32 $1.131370830e+01, v3;
	[tilespmem:s6+$0xD0] =	vst v61  }
0x129: {  	s1 =	sadd.s32 $0x1, s1;
	s8 =	sshll.u32 s8, $0x4;
	[tilespmem:s6+$0xE0] =	vst v62  }
0x12a: {  	p0 =	sne.s32 s1, $0x31;
	s22 =	sadd.s32 s3, s8;
	[tilespmem:s6+$0x0] =	vst v63  }
0x12b: {  	[hbm4b:s22+s4] =	stream.linear.scatter [tilespmem:s17], [sflag:$0x6], $0x4000, $0x38;
	[tilespmem:$0x16400] =	vst v63  }
.Ltmp6:
0x12c: {  	_ = 	snop;
	(pc) =	sbr.rel @p0 .LBB2_6-.Ltmp6, $4  }
0x12d: {  	_ =	swait.ge [sflag:s30], $0x4000  }
0x12e: {  	[sflag:s30] =	ssyncset.done $0x0  }
0x12f: {  	s0 =	sadd.s32 $0x380, s0;
	[sflag:s30] =	ssyncadd.s32 $0xFFFFC000  }
0x130: {  	[tilespmem:s23], [sflag:$0x4] =	stream.indirect.gather [hbm4b:s2+s15], $0x80, s0, s15, $0xb8;
	[tilespmem:$0x16400] =	vst v63  }
0x131: {  	_ =	swait.ge [sflag:s24], $0x4000  }
0x132: {  	[sflag:s24] =	ssyncset.done $0x0  }
0x133: {  	s0 =	simm.s32 $0xE400;
	[sflag:s24] =	ssyncadd.s32 $0xFFFFC000  }
0x134: {  	v0 =	vld [tilespmem:s0+$0xF0]  }
0x135: {  	v1 =	vld [tilespmem:s0+$0x10]  }
0x136: {  	v2 =	vld [tilespmem:s0+$0x20]  }
0x137: {  	v3 =	vld [tilespmem:s0+$0x30]  }
0x138: {  	v4 =	vld [tilespmem:s0+$0x40]  }
0x139: {  	v5 =	vld [tilespmem:s0+$0x50];
	v0 =	vmul.f32 $1.131370830e+01, v0  }
0x13a: {  	v6 =	vld [tilespmem:s0+$0x60];
	v1 =	vmul.f32 $1.131370830e+01, v1  }
0x13b: {  	v7 =	vld [tilespmem:s0+$0x70];
	[tilespmem:s0+$0xF0] =	vst v0;
	v0 =	vmul.f32 $1.131370830e+01, v2  }
0x13c: {  	v8 =	vld [tilespmem:s0+$0x80];
	[tilespmem:s0+$0x10] =	vst v1;
	v1 =	vmul.f32 $1.131370830e+01, v3  }
0x13d: {  	v9 =	vld [tilespmem:s0+$0x90];
	[tilespmem:s0+$0x20] =	vst v0;
	v0 =	vmul.f32 $1.131370830e+01, v4  }
0x13e: {  	v10 =	vld [tilespmem:s0+$0xA0];
	[tilespmem:s0+$0x30] =	vst v1;
	v1 =	vmul.f32 $1.131370830e+01, v5  }
0x13f: {  	v2 =	vmul.f32 $1.131370830e+01, v6;
	[tilespmem:s0+$0x40] =	vst v0;
	v0 =	vld [tilespmem:s0+$0xB0]  }
0x140: {  	v3 =	vmul.f32 $1.131370830e+01, v7;
	[tilespmem:s0+$0x50] =	vst v1;
	v1 =	vld [tilespmem:s0+$0xC0]  }
0x141: {  	v6 =	vmul.f32 $1.131370830e+01, v8;
	[tilespmem:s0+$0x60] =	vst v2;
	v2 =	vld [tilespmem:s0+$0xD0]  }
0x142: {  	[tilespmem:s0+$0x70] =	vst v3;
	v4 =	vld [tilespmem:s0+$0xE0];
	v5 =	vmul.f32 $1.131370830e+01, v9  }
0x143: {  	s1 =	simm.s32 $0x0;
	s6 =	simm.s32 $0xE500;
	v3 =	vld [tilespmem:s0+$0x0];
	[tilespmem:s0+$0x80] =	vst v6;
	v6 =	vmul.f32 $1.131370830e+01, v10  }
.LBB2_16:
0x144: {  	v7 =	vld [tilespmem:s6+$0xF0];
	s1 =	sadd.s32 $0x2, s1;
	[tilespmem:s0+$0x90] =	vst v5;
	v0 =	vmul.f32 $1.131370830e+01, v0  }
0x145: {  	v5 =	vld [tilespmem:s6+$0x10];
	p0 =	slt.u32 s1, $0x7E;
	[tilespmem:s0+$0xA0] =	vst v6;
	v1 =	vmul.f32 $1.131370830e+01, v1  }
0x146: {  	v6 =	vld [tilespmem:s6+$0x20];
	[tilespmem:s0+$0xB0] =	vst v0;
	v0 =	vmul.f32 $1.131370830e+01, v2  }
0x147: {  	v2 =	vld [tilespmem:s6+$0x30];
	[tilespmem:s0+$0xC0] =	vst v1;
	v1 =	vmul.f32 $1.131370830e+01, v4  }
0x148: {  	v4 =	vld [tilespmem:s6+$0x40];
	v3 =	vmul.f32 $1.131370830e+01, v3;
	[tilespmem:s0+$0xD0] =	vst v0  }
0x149: {  	v0 =	vld [tilespmem:s6+$0x50];
	v7 =	vmul.f32 $1.131370830e+01, v7;
	[tilespmem:s0+$0xE0] =	vst v1  }
0x14a: {  	v1 =	vmul.f32 $1.131370830e+01, v5;
	v5 =	vld [tilespmem:s6+$0x60];
	[tilespmem:s0+$0x0] =	vst v3;
	s0 =	smov.u32 s6  }
0x14b: {  	v3 =	vmul.f32 $1.131370830e+01, v6;
	v6 =	vld [tilespmem:s6+$0x70];
	[tilespmem:s6+$0xF0] =	vst v7  }
0x14c: {  	[tilespmem:s6+$0x10] =	vst v1;
	v1 =	vmul.f32 $1.131370830e+01, v2;
	v2 =	vld [tilespmem:s6+$0x80]  }
0x14d: {  	[tilespmem:s6+$0x20] =	vst v3;
	v3 =	vmul.f32 $1.131370830e+01, v4;
	v4 =	vld [tilespmem:s6+$0x90]  }
0x14e: {  	[tilespmem:s6+$0x30] =	vst v1;
	v1 =	vmul.f32 $1.131370830e+01, v0;
	v7 =	vld [tilespmem:s6+$0xA0]  }
.Ltmp7:
0x14f: {  	[tilespmem:s6+$0x40] =	vst v3;
	v3 =	vmul.f32 $1.131370830e+01, v5;
	v0 =	vld [tilespmem:s6+$0xB0];
	(pc) =	sbr.rel @p0 .LBB2_16-.Ltmp7, $4  }
0x150: {  	[tilespmem:s6+$0x50] =	vst v1;
	v5 =	vmul.f32 $1.131370830e+01, v6;
	v1 =	vld [tilespmem:s6+$0xC0]  }
0x151: {  	[tilespmem:s6+$0x60] =	vst v3;
	v6 =	vmul.f32 $1.131370830e+01, v2;
	v2 =	vld [tilespmem:s6+$0xD0]  }
0x152: {  	[tilespmem:s6+$0x70] =	vst v5;
	v5 =	vmul.f32 $1.131370830e+01, v4;
	v4 =	vld [tilespmem:s6+$0xE0]  }
0x153: {  	s6 =	sadd.s32 $0x100, s6;
	v3 =	vld [tilespmem:s0+$0x0];
	[tilespmem:s0+$0x80] =	vst v6;
	v6 =	vmul.f32 $1.131370830e+01, v7  }
0x154: {  	[tilespmem:s0+$0x90] =	vst v5;
	v0 =	vmul.f32 $1.131370830e+01, v0  }
0x155: {  	[tilespmem:s0+$0xA0] =	vst v6;
	v1 =	vmul.f32 $1.131370830e+01, v1  }
0x156: {  	[tilespmem:s0+$0xB0] =	vst v0;
	v0 =	vmul.f32 $1.131370830e+01, v2  }
0x157: {  	[tilespmem:s0+$0xC0] =	vst v1;
	v1 =	vmul.f32 $1.131370830e+01, v4  }
0x158: {  	v2 =	vmul.f32 $1.131370830e+01, v3;
	[tilespmem:s0+$0xD0] =	vst v0  }
0x159: {  	[tilespmem:s0+$0xE0] =	vst v1  }
0x15a: {  	[tilespmem:s0+$0x0] =	vst v2  }
0x15b: {  	s0 =	rddreg [dreg:$0x6]  }
0x15c: {  	[hbm4b:s0+s4] =	stream.linear.scatter [tilespmem:s20], [sflag:$0x7], $0x4000, $0x38;
	[tilespmem:$0x16400] =	vst v63  }
0x15d: {  	_ =	swait.ge [sflag:s26], $0x4000  }
0x15e: {  	[sflag:s26] =	ssyncset.done $0x0  }
0x15f: {  	s0 =	simm.s32 $0x12400;
	[sflag:s26] =	ssyncadd.s32 $0xFFFFC000  }
0x160: {  	v0 =	vld [tilespmem:s0+$0xF0]  }
0x161: {  	v1 =	vld [tilespmem:s0+$0x10]  }
0x162: {  	v2 =	vld [tilespmem:s0+$0x20]  }
0x163: {  	v3 =	vld [tilespmem:s0+$0x30]  }
0x164: {  	v4 =	vld [tilespmem:s0+$0x40]  }
0x165: {  	v5 =	vld [tilespmem:s0+$0x50];
	v0 =	vmul.f32 $1.131370830e+01, v0  }
0x166: {  	v6 =	vld [tilespmem:s0+$0x60];
	v1 =	vmul.f32 $1.131370830e+01, v1  }
0x167: {  	v7 =	vld [tilespmem:s0+$0x70];
	[tilespmem:s0+$0xF0] =	vst v0;
	v0 =	vmul.f32 $1.131370830e+01, v2  }
0x168: {  	v8 =	vld [tilespmem:s0+$0x80];
	[tilespmem:s0+$0x10] =	vst v1;
	v1 =	vmul.f32 $1.131370830e+01, v3  }
0x169: {  	v9 =	vld [tilespmem:s0+$0x90];
	[tilespmem:s0+$0x20] =	vst v0;
	v0 =	vmul.f32 $1.131370830e+01, v4  }
0x16a: {  	v10 =	vld [tilespmem:s0+$0xA0];
	[tilespmem:s0+$0x30] =	vst v1;
	v1 =	vmul.f32 $1.131370830e+01, v5  }
0x16b: {  	v2 =	vmul.f32 $1.131370830e+01, v6;
	[tilespmem:s0+$0x40] =	vst v0;
	v0 =	vld [tilespmem:s0+$0xB0]  }
0x16c: {  	v3 =	vmul.f32 $1.131370830e+01, v7;
	[tilespmem:s0+$0x50] =	vst v1;
	v1 =	vld [tilespmem:s0+$0xC0]  }
0x16d: {  	v6 =	vmul.f32 $1.131370830e+01, v8;
	[tilespmem:s0+$0x60] =	vst v2;
	v2 =	vld [tilespmem:s0+$0xD0]  }
0x16e: {  	[tilespmem:s0+$0x70] =	vst v3;
	v4 =	vld [tilespmem:s0+$0xE0];
	v5 =	vmul.f32 $1.131370830e+01, v9  }
0x16f: {  	s1 =	simm.s32 $0x0;
	s6 =	simm.s32 $0x12500;
	v3 =	vld [tilespmem:s0+$0x0];
	[tilespmem:s0+$0x80] =	vst v6;
	v6 =	vmul.f32 $1.131370830e+01, v10  }
.LBB2_18:
0x170: {  	v7 =	vld [tilespmem:s6+$0xF0];
	s1 =	sadd.s32 $0x2, s1;
	[tilespmem:s0+$0x90] =	vst v5;
	v0 =	vmul.f32 $1.131370830e+01, v0  }
0x171: {  	v5 =	vld [tilespmem:s6+$0x10];
	p0 =	slt.u32 s1, $0x7E;
	[tilespmem:s0+$0xA0] =	vst v6;
	v1 =	vmul.f32 $1.131370830e+01, v1  }
0x172: {  	v6 =	vld [tilespmem:s6+$0x20];
	[tilespmem:s0+$0xB0] =	vst v0;
	v0 =	vmul.f32 $1.131370830e+01, v2  }
0x173: {  	v2 =	vld [tilespmem:s6+$0x30];
	[tilespmem:s0+$0xC0] =	vst v1;
	v1 =	vmul.f32 $1.131370830e+01, v4  }
0x174: {  	v4 =	vld [tilespmem:s6+$0x40];
	v3 =	vmul.f32 $1.131370830e+01, v3;
	[tilespmem:s0+$0xD0] =	vst v0  }
0x175: {  	v0 =	vld [tilespmem:s6+$0x50];
	v7 =	vmul.f32 $1.131370830e+01, v7;
	[tilespmem:s0+$0xE0] =	vst v1  }
0x176: {  	v1 =	vmul.f32 $1.131370830e+01, v5;
	v5 =	vld [tilespmem:s6+$0x60];
	[tilespmem:s0+$0x0] =	vst v3;
	s0 =	smov.u32 s6  }
0x177: {  	v3 =	vmul.f32 $1.131370830e+01, v6;
	v6 =	vld [tilespmem:s6+$0x70];
	[tilespmem:s6+$0xF0] =	vst v7  }
0x178: {  	[tilespmem:s6+$0x10] =	vst v1;
	v1 =	vmul.f32 $1.131370830e+01, v2;
	v2 =	vld [tilespmem:s6+$0x80]  }
0x179: {  	[tilespmem:s6+$0x20] =	vst v3;
	v3 =	vmul.f32 $1.131370830e+01, v4;
	v4 =	vld [tilespmem:s6+$0x90]  }
0x17a: {  	[tilespmem:s6+$0x30] =	vst v1;
	v1 =	vmul.f32 $1.131370830e+01, v0;
	v7 =	vld [tilespmem:s6+$0xA0]  }
.Ltmp8:
0x17b: {  	[tilespmem:s6+$0x40] =	vst v3;
	v3 =	vmul.f32 $1.131370830e+01, v5;
	v0 =	vld [tilespmem:s6+$0xB0];
	(pc) =	sbr.rel @p0 .LBB2_18-.Ltmp8, $4  }
0x17c: {  	[tilespmem:s6+$0x50] =	vst v1;
	v5 =	vmul.f32 $1.131370830e+01, v6;
	v1 =	vld [tilespmem:s6+$0xC0]  }
0x17d: {  	[tilespmem:s6+$0x60] =	vst v3;
	v6 =	vmul.f32 $1.131370830e+01, v2;
	v2 =	vld [tilespmem:s6+$0xD0]  }
0x17e: {  	[tilespmem:s6+$0x70] =	vst v5;
	v5 =	vmul.f32 $1.131370830e+01, v4;
	v4 =	vld [tilespmem:s6+$0xE0]  }
0x17f: {  	s6 =	sadd.s32 $0x100, s6;
	v3 =	vld [tilespmem:s0+$0x0];
	[tilespmem:s0+$0x80] =	vst v6;
	v6 =	vmul.f32 $1.131370830e+01, v7  }
0x180: {  	[tilespmem:s0+$0x90] =	vst v5;
	v0 =	vmul.f32 $1.131370830e+01, v0  }
0x181: {  	[tilespmem:s0+$0xA0] =	vst v6;
	v1 =	vmul.f32 $1.131370830e+01, v1  }
0x182: {  	[tilespmem:s0+$0xB0] =	vst v0;
	v61 =	vmul.f32 $1.131370830e+01, v2  }
0x183: {  	[tilespmem:s0+$0xC0] =	vst v1;
	v62 =	vmul.f32 $1.131370830e+01, v4  }
0x184: {  	v63 =	vmul.f32 $1.131370830e+01, v3;
	[tilespmem:s0+$0xD0] =	vst v61  }
0x185: {  	[tilespmem:s0+$0xE0] =	vst v62  }
0x186: {  	[tilespmem:s0+$0x0] =	vst v63  }
0x187: {  	[hbm4b:s12+s4] =	stream.linear.scatter [tilespmem:s23], [sflag:$0x8], $0x4000, $0x38;
	[tilespmem:$0x16400] =	vst v63  }
0x188: {  	_ =	swait.ge [sflag:s25], $0x4000  }
0x189: {  	[sflag:s25] =	ssyncset.done $0x0  }
0x18a: {  	[sflag:s25] =	ssyncadd.s32 $0xFFFFC000  }
0x18b: {  	_ =	swait.ge [sflag:s28], $0x4000  }
0x18c: {  	[sflag:s28] =	ssyncset.done $0x0  }
0x18d: {  	s31 =	sadd.s32 $0x1, s31;
	[sflag:s28] =	ssyncadd.s32 $0xFFFFC000  }
0x18e: {  	p0 =	sne.s32 s31, s13;
	_ =	swait.ge [sflag:s29], $0x4000  }
.Ltmp9:
0x18f: {  	[sflag:s29] =	ssyncset.done $0x0;
	(pc) =	sbr.rel @p0 .LBB2_1-.Ltmp9, $4  }
0x190: {  	[sflag:s29] =	ssyncadd.s32 $0xFFFFC000  }
0x191: {  	_ =	swait.ge [sflag:s30], $0x4000  }
0x192: {  	[sflag:s30] =	ssyncset.done $0x0  }
0x193: {  	[sflag:s30] =	ssyncadd.s32 $0xFFFFC000  }
0x194: {  	_ =	sfence.sel $0x180000  }
0x195: {  	[bflag:$0x0] =	sbarrier.arrive $0xFFFF  }
0x196: {  	_ =	strace $0x90000047  }
0x197: {  	s0 =	stileid.u32;
	[bflag:$0x2] =	sbarrier.arrive $0xFFFF  }
0x198: {  	p0 =	sne.s32 s0, $0x0;
	s0 =	rddreg [dreg:$0x3]  }
0x199: {  	s0 =	sadd.s32 @!p0 $0x100000, s0  }
0x19a: {  	[sflag:s0] =	ssyncadd.tile.s32 @!p0 $0x1;
	_ =	shalt  }
.Lfunc_end2:
_tile_overlayer_lowered:
.L_overlay_start_2:
0x19b: {  	(tag) =	ssettag $0x2  }
0x19c: {  	s0 =	rddreg [dreg:$0x0];
	s2 =	stileid.u32  }
0x19d: {  	s1 =	rddreg [dreg:$0x1];
	p0 =	sne.s32 s2, $0x0  }
0x19e: {  	s3 =	rddreg [dreg:$0x2];
	[bflag:$0x3] =	sbarrier.arrive $0xFFFF;
	s2 =	simm.s32 @!p0 $0x1C09  }
0x19f: {  	[timem:s3], [sflag:s2] =	dma.local @!p0 [hbm:s0], s1  }
0x1a0: {  	s0 =	simm.s32 @!p0 $0x9  }
0x1a1: {  	_ =	swait.ge @!p0 [sflag:s0], s1  }
0x1a2: {  	s1 =	ssub.s32 @!p0 $0x0, s1;
	[sflag:s0] =	ssyncset.done @!p0 $0x0  }
0x1a3: {  	[sflag:s0] =	ssyncadd.s32 @!p0 s1  }
0x1a4: {  	[bflag:$0x3] =	sbarrier.arrive $0xFFFF  }
0x1a5: {  	_ =	shalt  }

</sc_bundles>
